<compile_context>
chip_gen: v7x
topology: tpu7x:2x2x1
jax: 0.10.2.dev20260603
libtpu: 0.0.44.dev20260713+nightly
codegen_flags: <defaults>
</compile_context>

<pallas_src>
import functools
import jax
import jax.numpy as jnp
from jax import lax
from jax.experimental import pallas as pl
from jax.experimental.pallas import tpu as pltpu
from jax.experimental.pallas import tpu_sc as plsc

N = 68
NPAD = 80
VOCAB = 101
VPAD = 112
EMB = 32
L = 16
NCH = NPAD // L
VCH = VPAD // L
NEWTON_ITERS = 16

_SEG_MEAN = ((0, 10), (10, 36), (36, N))
_SEG_STD = ((0, 10), (10, 26), (36, N))


def _splat(val, dtype=jnp.int32):
    return jnp.full((L,), val, dtype)


def _sc_body(table_hbm, chars_hbm, w_hbm, b_hbm, embT_hbm, parts_hbm,
             loss_hbm,
             table_v, chars_v, w_v, b_v, t2_v, col_v, tmp_v, part_v, red_v,
             sem):
    sid = lax.axis_index("s")

    cps = [pltpu.async_copy(table_hbm, table_v, sem),
           pltpu.async_copy(chars_hbm, chars_v.at[pl.ds(0, N)], sem),
           pltpu.async_copy(w_hbm, w_v, sem),
           pltpu.async_copy(b_hbm, b_v, sem)]
    for cp in cps:
        cp.wait()

    lanes = lax.iota(jnp.int32, L)

    def splat_total(vec):
        tmp_v[...] = plsc.cumsum(vec)
        return plsc.load_gather(tmp_v, [_splat(L - 1)])

    def seg_sum(chunks, lo, hi):
        tot = None
        for cc in range(NCH):
            clo, chi = cc * L, (cc + 1) * L
            if chi <= lo or clo >= hi:
                continue
            x = chunks[cc]
            if clo < lo or chi > hi:
                rows = lanes + clo
                x = jnp.where((rows >= lo) & (rows < hi), x, 0.0)
            tot = x if tot is None else tot + x
        return splat_total(tot)

    def seg_var(chunks, lo, hi, mean):
        tot = None
        for cc in range(NCH):
            clo, chi = cc * L, (cc + 1) * L
            if chi <= lo or clo >= hi:
                continue
            d = chunks[cc] - mean
            d = d * d
            if clo < lo or chi > hi:
                rows = lanes + clo
                d = jnp.where((rows >= lo) & (rows < hi), d, 0.0)
            tot = d if tot is None else tot + d
        return splat_total(tot) * (1.0 / (hi - lo - 1))

    cidx = []
    for cc in range(NCH):
        raw = chars_v[pl.ds(cc * L, L)]
        if (cc + 1) * L > N:
            raw = jnp.where(lanes + cc * L < N, raw, 0)
        cidx.append(raw)

    vidx = [jnp.minimum(lanes + c * L, VOCAB - 1) for c in range(VCH)]
    js = [sid, sid + L]
    b0 = plsc.load_gather(b_v, [_splat(js[0])])
    b1 = plsc.load_gather(b_v, [_splat(js[1])])
    accs = [[b0 for _ in range(VCH)], [b1 for _ in range(VCH)]]
    for k in range(EMB):
        w0 = plsc.load_gather(w_v, [_splat(js[0]), _splat(k)])
        w1 = plsc.load_gather(w_v, [_splat(js[1]), _splat(k)])
        for c in range(VCH):
            t = jnp.maximum(
                plsc.load_gather(table_v, [vidx[c], _splat(k)]), 0.0)
            accs[0][c] = accs[0][c] + w0 * t
            accs[1][c] = accs[1][c] + w1 * t

    for jj in range(2):
        j = js[jj]
        for c in range(VCH):
            t2_v[pl.ds(c * L, L)] = accs[jj][c]

        chunks = []
        for cc in range(NCH):
            ch = plsc.load_gather(t2_v, [cidx[cc]])
            col_v[pl.ds(cc * L, L)] = ch
            chunks.append(ch)

        means = [seg_sum(chunks, lo, hi) * (1.0 / (hi - lo))
                 for lo, hi in _SEG_MEAN]
        nr, ar, sr = means
        d1, d2, d3 = nr - ar, sr - ar, nr - sr
        rd = d1 * d1 + d2 * d2 + d3 * d3

        std_means = [nr, seg_sum(chunks, 10, 26) * (1.0 / 16.0), sr]
        vs = [seg_var(chunks, lo, hi, m)
              for (lo, hi), m in zip(_SEG_STD, std_means)]
        v = jnp.where(lanes == 0, vs[0], jnp.where(lanes == 1, vs[1], vs[2]))
        x = (v + 1.0) * 0.5
        for _ in range(NEWTON_ITERS):
            x = 0.5 * (x + v / x)
        stds = jnp.where(lanes <= 2, x, 0.0)
        s_col = splat_total(stds)

        pltpu.sync_copy(col_v, embT_hbm.at[pl.ds(j * NPAD, NPAD)])
        part_v[...] = jnp.where(lanes == 0, s_col,
                                jnp.where(lanes == 1, rd, 0.0))
        pltpu.sync_copy(part_v, parts_hbm.at[pl.ds(j * L, L)])

    plsc.subcore_barrier()

    @pl.when(sid == 0)
    def _():
        pltpu.sync_copy(parts_hbm, red_v)
        s0 = plsc.load_gather(red_v, [lanes * L])
        s1 = plsc.load_gather(red_v, [(lanes + L) * L])
        r0 = plsc.load_gather(red_v, [lanes * L + 1])
        r1 = plsc.load_gather(red_v, [(lanes + L) * L + 1])
        loss = splat_total(s0 + s1) + 1.0 / splat_total(r0 + r1)
        part_v[...] = jnp.where(lanes == 0, loss, 0.0)
        pltpu.sync_copy(part_v, loss_hbm)


@functools.lru_cache(maxsize=1)
def _build_sc_kernel():
  mesh = plsc.VectorSubcoreMesh(core_axis_name="c", subcore_axis_name="s",
                                num_cores=1)
  return functools.partial(
    pl.kernel,
    out_type=(
        jax.ShapeDtypeStruct((EMB * NPAD,), jnp.float32),
        jax.ShapeDtypeStruct((EMB * L,), jnp.float32),
        jax.ShapeDtypeStruct((L,), jnp.float32),
    ),
    mesh=mesh,
    compiler_params=pltpu.CompilerParams(needs_layout_passes=False),
    scratch_types=[
        pltpu.VMEM((VOCAB, EMB), jnp.float32),
        pltpu.VMEM((NPAD,), jnp.int32),
        pltpu.VMEM((EMB, EMB), jnp.float32),
        pltpu.VMEM((EMB,), jnp.float32),
        pltpu.VMEM((VPAD,), jnp.float32),
        pltpu.VMEM((NPAD,), jnp.float32),
        pltpu.VMEM((L,), jnp.float32),
        pltpu.VMEM((L,), jnp.float32),
        pltpu.VMEM((EMB * L,), jnp.float32),
        pltpu.SemaphoreType.DMA,
    ],
  )(_sc_body)


def kernel(chars, table, W, b):
    embT, _parts, lossv = _build_sc_kernel()(table, chars.astype(jnp.int32),
                                             W, b)
    emb = embT.reshape(EMB, NPAD)[:, :N].T
    return (lossv[0], emb)

# --- scband reference (transcript-rebuilt; emitter-appended) ---
"""Pipeline reference for scband-character-feature-57939108823312 (READ-ONLY COPY).

The authoritative reference and input builder live on the scoring server;
editing this copy changes nothing except your own understanding.
"""

import jax, jax.numpy as jnp
import numpy as np

VOCAB_SIZE = 101  # string.printable (100 chars) + <pad> at index 0
EMB = 32
N_CHARS = 68      # len(lookup) = 10 digits + 26 lowercase + 32 punctuation


def setup_inputs(seed: int = 0) -> dict:
    key = jax.random.key(seed)
    k1, k2, k3 = jax.random.split(key, 3)
    # Deterministic vocab ids of the module-level `lookup` string under the
    # vocab built from string.printable with <pad> inserted at index 0:
    #   digits -> ids 1..10, lowercase -> ids 11..36, punctuation -> ids 63..94
    ids = np.concatenate([
        np.arange(1, 11),
        np.arange(11, 37),
        np.arange(63, 95),
    ]).astype(np.int64)
    chars = jnp.asarray(ids)
    table = jax.random.normal(k1, (VOCAB_SIZE, EMB), dtype=jnp.float32)
    table = table.at[0].set(0.0)  # padding_idx=0 row is zeros
    W = jax.random.normal(k2, (EMB, EMB), dtype=jnp.float32) * (1.0 / np.sqrt(EMB))
    b = jax.random.normal(k3, (EMB,), dtype=jnp.float32) * 0.01
    return {"chars": chars, "table": table, "W": W, "b": b}


def reference(chars, table, W, b):
    # nn.Embedding lookup (mode=True path: chars are the ids of `lookup`)
    emb0 = jnp.take(table, chars, axis=0)          # [68, 32]
    h = jax.nn.relu(emb0)                          # activation1
    emb = h @ W.T + b                              # nn.Linear
    number_root = jnp.mean(emb[:10], axis=0)
    alpha_root = jnp.mean(emb[10:36], axis=0)
    symbol_root = jnp.mean(emb[36:], axis=0)
    # torch.std uses unbiased estimator (ddof=1)
    loss = (jnp.std(emb[:10], axis=0, ddof=1).sum()
            + jnp.std(emb[10:26], axis=0, ddof=1).sum()
            + jnp.std(emb[36:], axis=0, ddof=1).sum())
    root_distance = ((number_root - alpha_root) ** 2
                     + (symbol_root - alpha_root) ** 2
                     + (number_root - symbol_root) ** 2)
    loss = loss + 1.0 / root_distance.sum()
    return (loss, emb)

if __name__ == "__main__":
    import jax
    _d = setup_inputs()
    print(jax.jit(kernel)(*tuple(_d.values())))

</pallas_src>

<mosaic_0001>
#map = affine_map<(d0, d1) -> (0, 0)>
#map1 = affine_map<(d0, d1) -> (0)>
module attributes {stable_mosaic.version = 14 : i64} {
  func.func @_sc_body(%arg0: i32, %arg1: i32, %arg2: memref<101x32xf32, #tpu.memory_space<hbm>>, %arg3: memref<68xi32, #tpu.memory_space<hbm>>, %arg4: memref<32x32xf32, #tpu.memory_space<hbm>>, %arg5: memref<32xf32, #tpu.memory_space<hbm>>, %arg6: memref<2560xf32, #tpu.memory_space<hbm>>, %arg7: memref<512xf32, #tpu.memory_space<hbm>>, %arg8: memref<16xf32, #tpu.memory_space<hbm>>, %arg9: memref<101x32xf32, #tpu.memory_space<vmem>>, %arg10: memref<80xi32, #tpu.memory_space<vmem>>, %arg11: memref<32x32xf32, #tpu.memory_space<vmem>>, %arg12: memref<32xf32, #tpu.memory_space<vmem>>, %arg13: memref<112xf32, #tpu.memory_space<vmem>>, %arg14: memref<80xf32, #tpu.memory_space<vmem>>, %arg15: memref<16xf32, #tpu.memory_space<vmem>>, %arg16: memref<16xf32, #tpu.memory_space<vmem>>, %arg17: memref<512xf32, #tpu.memory_space<vmem>>, %arg18: memref<!tpu.dma_semaphore, #tpu.memory_space<semaphore_mem>>) attributes {dimension_semantics = [#tpu.dimension_semantics<core_parallel>, #tpu.dimension_semantics<subcore_parallel>], iteration_bounds = array<i64: 1, 16>, scalar_prefetch = 0 : i64, scratch_operands = 10 : i64, tpu.core_type = #tpu.core_type<sc_vector_subcore>, window_params = [{transform_indices = #map}, {transform_indices = #map1}, {transform_indices = #map}, {transform_indices = #map1}, {transform_indices = #map1}, {transform_indices = #map1}, {transform_indices = #map1}]} {
    tpu.enqueue_dma source(%arg2 : memref<101x32xf32, #tpu.memory_space<hbm>>) target(%arg9 : memref<101x32xf32, #tpu.memory_space<vmem>>) target_semaphore(%arg18 : memref<!tpu.dma_semaphore, #tpu.memory_space<semaphore_mem>>)
    %dma_start3A = arith.constant 0 : i32
    %dma_start3A_0 = tpu.memref_slice %arg10[%dma_start3A] : memref<80xi32, #tpu.memory_space<vmem>> -> memref<68xi32, #tpu.memory_space<vmem>>
    %dma_start3A_1 = arith.constant 0 : i32
    %dma_start3A_2 = tpu.memref_slice %arg10[%dma_start3A_1] : memref<80xi32, #tpu.memory_space<vmem>> -> memref<68xi32, #tpu.memory_space<vmem>>
    tpu.enqueue_dma source(%arg3 : memref<68xi32, #tpu.memory_space<hbm>>) target(%dma_start3A_2 : memref<68xi32, #tpu.memory_space<vmem>>) target_semaphore(%arg18 : memref<!tpu.dma_semaphore, #tpu.memory_space<semaphore_mem>>)
    tpu.enqueue_dma source(%arg4 : memref<32x32xf32, #tpu.memory_space<hbm>>) target(%arg11 : memref<32x32xf32, #tpu.memory_space<vmem>>) target_semaphore(%arg18 : memref<!tpu.dma_semaphore, #tpu.memory_space<semaphore_mem>>)
    tpu.enqueue_dma source(%arg5 : memref<32xf32, #tpu.memory_space<hbm>>) target(%arg12 : memref<32xf32, #tpu.memory_space<vmem>>) target_semaphore(%arg18 : memref<!tpu.dma_semaphore, #tpu.memory_space<semaphore_mem>>)
    tpu.wait_dma2 semaphore(%arg18 : memref<!tpu.dma_semaphore, #tpu.memory_space<semaphore_mem>>) src(%arg2 : memref<101x32xf32, #tpu.memory_space<hbm>>) dst(%arg9 : memref<101x32xf32, #tpu.memory_space<vmem>>)
    %dma_wait3A = arith.constant 0 : i32
    %dma_wait3A_3 = tpu.memref_slice %arg10[%dma_wait3A] : memref<80xi32, #tpu.memory_space<vmem>> -> memref<68xi32, #tpu.memory_space<vmem>>
    %dma_wait3A_4 = arith.constant 0 : i32
    %dma_wait3A_5 = tpu.memref_slice %arg10[%dma_wait3A_4] : memref<80xi32, #tpu.memory_space<vmem>> -> memref<68xi32, #tpu.memory_space<vmem>>
    tpu.wait_dma2 semaphore(%arg18 : memref<!tpu.dma_semaphore, #tpu.memory_space<semaphore_mem>>) src(%arg3 : memref<68xi32, #tpu.memory_space<hbm>>) dst(%dma_wait3A_5 : memref<68xi32, #tpu.memory_space<vmem>>)
    tpu.wait_dma2 semaphore(%arg18 : memref<!tpu.dma_semaphore, #tpu.memory_space<semaphore_mem>>) src(%arg4 : memref<32x32xf32, #tpu.memory_space<hbm>>) dst(%arg11 : memref<32x32xf32, #tpu.memory_space<vmem>>)
    tpu.wait_dma2 semaphore(%arg18 : memref<!tpu.dma_semaphore, #tpu.memory_space<semaphore_mem>>) src(%arg5 : memref<32xf32, #tpu.memory_space<hbm>>) dst(%arg12 : memref<32xf32, #tpu.memory_space<vmem>>)
    %iota3A = tpu.iota {dimensions = array<i32: 0>} : vector<16xi32>
    %get3A = arith.constant 0 : index
    %get3A_6 = tpu.vector_load %arg10[%get3A] {strides = array<i32>} : memref<80xi32, #tpu.memory_space<vmem>>, vector<16xi32>,
    %get3A_7 = arith.constant 16 : index
    %get3A_8 = tpu.vector_load %arg10[%get3A_7] {strides = array<i32>} : memref<80xi32, #tpu.memory_space<vmem>>, vector<16xi32>,
    %get3A_9 = arith.constant 32 : index
    %get3A_10 = tpu.vector_load %arg10[%get3A_9] {strides = array<i32>} : memref<80xi32, #tpu.memory_space<vmem>>, vector<16xi32>,
    %get3A_11 = arith.constant 48 : index
    %get3A_12 = tpu.vector_load %arg10[%get3A_11] {strides = array<i32>} : memref<80xi32, #tpu.memory_space<vmem>>, vector<16xi32>,
    %get3A_13 = arith.constant 64 : index
    %get3A_14 = tpu.vector_load %arg10[%get3A_13] {strides = array<i32>} : memref<80xi32, #tpu.memory_space<vmem>>, vector<16xi32>,
    %add3A = arith.constant 64 : i32
    %add3A_15 = vector.broadcast %add3A : i32 to vector<16xi32>
    %add3A_16 = arith.addi %iota3A, %add3A_15 : vector<16xi32>
    %lt3A = arith.constant 68 : i32
    %lt3A_17 = vector.broadcast %lt3A : i32 to vector<16xi32>
    %lt3A_18 = arith.cmpi slt, %add3A_16, %lt3A_17 : vector<16xi32>
    %jit3A = arith.constant 0 : i32
    %broadcast_in_dim3A = vector.broadcast %jit3A : i32 to vector<16xi32>
    %select_n3A = arith.select %lt3A_18, %get3A_14, %broadcast_in_dim3A : vector<16xi1>, vector<16xi32>
    %add3A_19 = arith.constant 0 : i32
    %add3A_20 = vector.broadcast %add3A_19 : i32 to vector<16xi32>
    %add3A_21 = arith.addi %iota3A, %add3A_20 : vector<16xi32>
    %min3A = arith.constant 100 : i32
    %min3A_22 = vector.broadcast %min3A : i32 to vector<16xi32>
    %min3A_23 = arith.minsi %add3A_21, %min3A_22 : vector<16xi32>
    %add3A_24 = arith.constant 16 : i32
    %add3A_25 = vector.broadcast %add3A_24 : i32 to vector<16xi32>
    %add3A_26 = arith.addi %iota3A, %add3A_25 : vector<16xi32>
    %min3A_27 = arith.constant 100 : i32
    %min3A_28 = vector.broadcast %min3A_27 : i32 to vector<16xi32>
    %min3A_29 = arith.minsi %add3A_26, %min3A_28 : vector<16xi32>
    %add3A_30 = arith.constant 32 : i32
    %add3A_31 = vector.broadcast %add3A_30 : i32 to vector<16xi32>
    %add3A_32 = arith.addi %iota3A, %add3A_31 : vector<16xi32>
    %min3A_33 = arith.constant 100 : i32
    %min3A_34 = vector.broadcast %min3A_33 : i32 to vector<16xi32>
    %min3A_35 = arith.minsi %add3A_32, %min3A_34 : vector<16xi32>
    %add3A_36 = arith.constant 48 : i32
    %add3A_37 = vector.broadcast %add3A_36 : i32 to vector<16xi32>
    %add3A_38 = arith.addi %iota3A, %add3A_37 : vector<16xi32>
    %min3A_39 = arith.constant 100 : i32
    %min3A_40 = vector.broadcast %min3A_39 : i32 to vector<16xi32>
    %min3A_41 = arith.minsi %add3A_38, %min3A_40 : vector<16xi32>
    %add3A_42 = arith.constant 64 : i32
    %add3A_43 = vector.broadcast %add3A_42 : i32 to vector<16xi32>
    %add3A_44 = arith.addi %iota3A, %add3A_43 : vector<16xi32>
    %min3A_45 = arith.constant 100 : i32
    %min3A_46 = vector.broadcast %min3A_45 : i32 to vector<16xi32>
    %min3A_47 = arith.minsi %add3A_44, %min3A_46 : vector<16xi32>
    %add3A_48 = arith.constant 80 : i32
    %add3A_49 = vector.broadcast %add3A_48 : i32 to vector<16xi32>
    %add3A_50 = arith.addi %iota3A, %add3A_49 : vector<16xi32>
    %min3A_51 = arith.constant 100 : i32
    %min3A_52 = vector.broadcast %min3A_51 : i32 to vector<16xi32>
    %min3A_53 = arith.minsi %add3A_50, %min3A_52 : vector<16xi32>
    %add3A_54 = arith.constant 96 : i32
    %add3A_55 = vector.broadcast %add3A_54 : i32 to vector<16xi32>
    %add3A_56 = arith.addi %iota3A, %add3A_55 : vector<16xi32>
    %min3A_57 = arith.constant 100 : i32
    %min3A_58 = vector.broadcast %min3A_57 : i32 to vector<16xi32>
    %min3A_59 = arith.minsi %add3A_56, %min3A_58 : vector<16xi32>
    %add3A_60 = arith.constant 16 : i32
    %add3A_61 = arith.addi %arg1, %add3A_60 : i32
    %broadcast_in_dim3A_62 = vector.broadcast %arg1 : i32 to vector<16xi32>
    %gather3A = tpu.vector_load_idx %arg12[%broadcast_in_dim3A_62] : memref<32xf32, #tpu.memory_space<vmem>>[vector<16xi32>], vector<16xf32>,
    %broadcast_in_dim3A_63 = vector.broadcast %add3A_61 : i32 to vector<16xi32>
    %gather3A_64 = tpu.vector_load_idx %arg12[%broadcast_in_dim3A_63] : memref<32xf32, #tpu.memory_space<vmem>>[vector<16xi32>], vector<16xf32>,
    %broadcast_in_dim3A_65 = vector.broadcast %arg1 : i32 to vector<16xi32>
    %broadcast_in_dim3A_66 = arith.constant 0 : i32
    %broadcast_in_dim3A_67 = vector.broadcast %broadcast_in_dim3A_66 : i32 to vector<16xi32>
    %gather3A_68 = tpu.vector_load_idx %arg11[%broadcast_in_dim3A_65, %broadcast_in_dim3A_67] : memref<32x32xf32, #tpu.memory_space<vmem>>[vector<16xi32>, vector<16xi32>], vector<16xf32>,
    %broadcast_in_dim3A_69 = vector.broadcast %add3A_61 : i32 to vector<16xi32>
    %broadcast_in_dim3A_70 = arith.constant 0 : i32
    %broadcast_in_dim3A_71 = vector.broadcast %broadcast_in_dim3A_70 : i32 to vector<16xi32>
    %gather3A_72 = tpu.vector_load_idx %arg11[%broadcast_in_dim3A_69, %broadcast_in_dim3A_71] : memref<32x32xf32, #tpu.memory_space<vmem>>[vector<16xi32>, vector<16xi32>], vector<16xf32>,
    %broadcast_in_dim3A_73 = arith.constant 0 : i32
    %broadcast_in_dim3A_74 = vector.broadcast %broadcast_in_dim3A_73 : i32 to vector<16xi32>
    %gather3A_75 = tpu.vector_load_idx %arg9[%min3A_23, %broadcast_in_dim3A_74] : memref<101x32xf32, #tpu.memory_space<vmem>>[vector<16xi32>, vector<16xi32>], vector<16xf32>,
    %max3A = arith.constant 0.000000e+00 : f32
    %max3A_76 = vector.broadcast %max3A : f32 to vector<16xf32>
    %max3A_77 = arith.maximumf %gather3A_75, %max3A_76 : vector<16xf32>
    %mul3A = arith.mulf %gather3A_68, %max3A_77 : vector<16xf32>
    %add3A_78 = arith.addf %gather3A, %mul3A : vector<16xf32>
    %mul3A_79 = arith.mulf %gather3A_72, %max3A_77 : vector<16xf32>
    %add3A_80 = arith.addf %gather3A_64, %mul3A_79 : vector<16xf32>
    %broadcast_in_dim3A_81 = arith.constant 0 : i32
    %broadcast_in_dim3A_82 = vector.broadcast %broadcast_in_dim3A_81 : i32 to vector<16xi32>
    %gather3A_83 = tpu.vector_load_idx %arg9[%min3A_29, %broadcast_in_dim3A_82] : memref<101x32xf32, #tpu.memory_space<vmem>>[vector<16xi32>, vector<16xi32>], vector<16xf32>,
    %max3A_84 = arith.constant 0.000000e+00 : f32
    %max3A_85 = vector.broadcast %max3A_84 : f32 to vector<16xf32>
    %max3A_86 = arith.maximumf %gather3A_83, %max3A_85 : vector<16xf32>
    %mul3A_87 = arith.mulf %gather3A_68, %max3A_86 : vector<16xf32>
    %add3A_88 = arith.addf %gather3A, %mul3A_87 : vector<16xf32>
    %mul3A_89 = arith.mulf %gather3A_72, %max3A_86 : vector<16xf32>
    %add3A_90 = arith.addf %gather3A_64, %mul3A_89 : vector<16xf32>
    %broadcast_in_dim3A_91 = arith.constant 0 : i32
    %broadcast_in_dim3A_92 = vector.broadcast %broadcast_in_dim3A_91 : i32 to vector<16xi32>
    %gather3A_93 = tpu.vector_load_idx %arg9[%min3A_35, %broadcast_in_dim3A_92] : memref<101x32xf32, #tpu.memory_space<vmem>>[vector<16xi32>, vector<16xi32>], vector<16xf32>,
    %max3A_94 = arith.constant 0.000000e+00 : f32
    %max3A_95 = vector.broadcast %max3A_94 : f32 to vector<16xf32>
    %max3A_96 = arith.maximumf %gather3A_93, %max3A_95 : vector<16xf32>
    %mul3A_97 = arith.mulf %gather3A_68, %max3A_96 : vector<16xf32>
    %add3A_98 = arith.addf %gather3A, %mul3A_97 : vector<16xf32>
    %mul3A_99 = arith.mulf %gather3A_72, %max3A_96 : vector<16xf32>
    %add3A_100 = arith.addf %gather3A_64, %mul3A_99 : vector<16xf32>
    %broadcast_in_dim3A_101 = arith.constant 0 : i32
    %broadcast_in_dim3A_102 = vector.broadcast %broadcast_in_dim3A_101 : i32 to vector<16xi32>
    %gather3A_103 = tpu.vector_load_idx %arg9[%min3A_41, %broadcast_in_dim3A_102] : memref<101x32xf32, #tpu.memory_space<vmem>>[vector<16xi32>, vector<16xi32>], vector<16xf32>,
    %max3A_104 = arith.constant 0.000000e+00 : f32
    %max3A_105 = vector.broadcast %max3A_104 : f32 to vector<16xf32>
    %max3A_106 = arith.maximumf %gather3A_103, %max3A_105 : vector<16xf32>
    %mul3A_107 = arith.mulf %gather3A_68, %max3A_106 : vector<16xf32>
    %add3A_108 = arith.addf %gather3A, %mul3A_107 : vector<16xf32>
    %mul3A_109 = arith.mulf %gather3A_72, %max3A_106 : vector<16xf32>
    %add3A_110 = arith.addf %gather3A_64, %mul3A_109 : vector<16xf32>
    %broadcast_in_dim3A_111 = arith.constant 0 : i32
    %broadcast_in_dim3A_112 = vector.broadcast %broadcast_in_dim3A_111 : i32 to vector<16xi32>
    %gather3A_113 = tpu.vector_load_idx %arg9[%min3A_47, %broadcast_in_dim3A_112] : memref<101x32xf32, #tpu.memory_space<vmem>>[vector<16xi32>, vector<16xi32>], vector<16xf32>,
    %max3A_114 = arith.constant 0.000000e+00 : f32
    %max3A_115 = vector.broadcast %max3A_114 : f32 to vector<16xf32>
    %max3A_116 = arith.maximumf %gather3A_113, %max3A_115 : vector<16xf32>
    %mul3A_117 = arith.mulf %gather3A_68, %max3A_116 : vector<16xf32>
    %add3A_118 = arith.addf %gather3A, %mul3A_117 : vector<16xf32>
    %mul3A_119 = arith.mulf %gather3A_72, %max3A_116 : vector<16xf32>
    %add3A_120 = arith.addf %gather3A_64, %mul3A_119 : vector<16xf32>
    %broadcast_in_dim3A_121 = arith.constant 0 : i32
    %broadcast_in_dim3A_122 = vector.broadcast %broadcast_in_dim3A_121 : i32 to vector<16xi32>
    %gather3A_123 = tpu.vector_load_idx %arg9[%min3A_53, %broadcast_in_dim3A_122] : memref<101x32xf32, #tpu.memory_space<vmem>>[vector<16xi32>, vector<16xi32>], vector<16xf32>,
    %max3A_124 = arith.constant 0.000000e+00 : f32
    %max3A_125 = vector.broadcast %max3A_124 : f32 to vector<16xf32>
    %max3A_126 = arith.maximumf %gather3A_123, %max3A_125 : vector<16xf32>
    %mul3A_127 = arith.mulf %gather3A_68, %max3A_126 : vector<16xf32>
    %add3A_128 = arith.addf %gather3A, %mul3A_127 : vector<16xf32>
    %mul3A_129 = arith.mulf %gather3A_72, %max3A_126 : vector<16xf32>
    %add3A_130 = arith.addf %gather3A_64, %mul3A_129 : vector<16xf32>
    %broadcast_in_dim3A_131 = arith.constant 0 : i32
    %broadcast_in_dim3A_132 = vector.broadcast %broadcast_in_dim3A_131 : i32 to vector<16xi32>
    %gather3A_133 = tpu.vector_load_idx %arg9[%min3A_59, %broadcast_in_dim3A_132] : memref<101x32xf32, #tpu.memory_space<vmem>>[vector<16xi32>, vector<16xi32>], vector<16xf32>,
    %max3A_134 = arith.constant 0.000000e+00 : f32
    %max3A_135 = vector.broadcast %max3A_134 : f32 to vector<16xf32>
    %max3A_136 = arith.maximumf %gather3A_133, %max3A_135 : vector<16xf32>
    %mul3A_137 = arith.mulf %gather3A_68, %max3A_136 : vector<16xf32>
    %add3A_138 = arith.addf %gather3A, %mul3A_137 : vector<16xf32>
    %mul3A_139 = arith.mulf %gather3A_72, %max3A_136 : vector<16xf32>
    %add3A_140 = arith.addf %gather3A_64, %mul3A_139 : vector<16xf32>
    %broadcast_in_dim3A_141 = vector.broadcast %arg1 : i32 to vector<16xi32>
    %broadcast_in_dim3A_142 = arith.constant 1 : i32
    %broadcast_in_dim3A_143 = vector.broadcast %broadcast_in_dim3A_142 : i32 to vector<16xi32>
    %gather3A_144 = tpu.vector_load_idx %arg11[%broadcast_in_dim3A_141, %broadcast_in_dim3A_143] : memref<32x32xf32, #tpu.memory_space<vmem>>[vector<16xi32>, vector<16xi32>], vector<16xf32>,
    %broadcast_in_dim3A_145 = vector.broadcast %add3A_61 : i32 to vector<16xi32>
    %broadcast_in_dim3A_146 = arith.constant 1 : i32
    %broadcast_in_dim3A_147 = vector.broadcast %broadcast_in_dim3A_146 : i32 to vector<16xi32>
    %gather3A_148 = tpu.vector_load_idx %arg11[%broadcast_in_dim3A_145, %broadcast_in_dim3A_147] : memref<32x32xf32, #tpu.memory_space<vmem>>[vector<16xi32>, vector<16xi32>], vector<16xf32>,
    %broadcast_in_dim3A_149 = arith.constant 1 : i32
    %broadcast_in_dim3A_150 = vector.broadcast %broadcast_in_dim3A_149 : i32 to vector<16xi32>
    %gather3A_151 = tpu.vector_load_idx %arg9[%min3A_23, %broadcast_in_dim3A_150] : memref<101x32xf32, #tpu.memory_space<vmem>>[vector<16xi32>, vector<16xi32>], vector<16xf32>,
    %max3A_152 = arith.constant 0.000000e+00 : f32
    %max3A_153 = vector.broadcast %max3A_152 : f32 to vector<16xf32>
    %max3A_154 = arith.maximumf %gather3A_151, %max3A_153 : vector<16xf32>
    %mul3A_155 = arith.mulf %gather3A_144, %max3A_154 : vector<16xf32>
    %add3A_156 = arith.addf %add3A_78, %mul3A_155 : vector<16xf32>
    %mul3A_157 = arith.mulf %gather3A_148, %max3A_154 : vector<16xf32>
    %add3A_158 = arith.addf %add3A_80, %mul3A_157 : vector<16xf32>
    %broadcast_in_dim3A_159 = arith.constant 1 : i32
    %broadcast_in_dim3A_160 = vector.broadcast %broadcast_in_dim3A_159 : i32 to vector<16xi32>
    %gather3A_161 = tpu.vector_load_idx %arg9[%min3A_29, %broadcast_in_dim3A_160] : memref<101x32xf32, #tpu.memory_space<vmem>>[vector<16xi32>, vector<16xi32>], vector<16xf32>,
    %max3A_162 = arith.constant 0.000000e+00 : f32
    %max3A_163 = vector.broadcast %max3A_162 : f32 to vector<16xf32>
    %max3A_164 = arith.maximumf %gather3A_161, %max3A_163 : vector<16xf32>
    %mul3A_165 = arith.mulf %gather3A_144, %max3A_164 : vector<16xf32>
    %add3A_166 = arith.addf %add3A_88, %mul3A_165 : vector<16xf32>
    %mul3A_167 = arith.mulf %gather3A_148, %max3A_164 : vector<16xf32>
    %add3A_168 = arith.addf %add3A_90, %mul3A_167 : vector<16xf32>
    %broadcast_in_dim3A_169 = arith.constant 1 : i32
    %broadcast_in_dim3A_170 = vector.broadcast %broadcast_in_dim3A_169 : i32 to vector<16xi32>
    %gather3A_171 = tpu.vector_load_idx %arg9[%min3A_35, %broadcast_in_dim3A_170] : memref<101x32xf32, #tpu.memory_space<vmem>>[vector<16xi32>, vector<16xi32>], vector<16xf32>,
    %max3A_172 = arith.constant 0.000000e+00 : f32
    %max3A_173 = vector.broadcast %max3A_172 : f32 to vector<16xf32>
    %max3A_174 = arith.maximumf %gather3A_171, %max3A_173 : vector<16xf32>
    %mul3A_175 = arith.mulf %gather3A_144, %max3A_174 : vector<16xf32>
    %add3A_176 = arith.addf %add3A_98, %mul3A_175 : vector<16xf32>
    %mul3A_177 = arith.mulf %gather3A_148, %max3A_174 : vector<16xf32>
    %add3A_178 = arith.addf %add3A_100, %mul3A_177 : vector<16xf32>
    %broadcast_in_dim3A_179 = arith.constant 1 : i32
    %broadcast_in_dim3A_180 = vector.broadcast %broadcast_in_dim3A_179 : i32 to vector<16xi32>
    %gather3A_181 = tpu.vector_load_idx %arg9[%min3A_41, %broadcast_in_dim3A_180] : memref<101x32xf32, #tpu.memory_space<vmem>>[vector<16xi32>, vector<16xi32>], vector<16xf32>,
    %max3A_182 = arith.constant 0.000000e+00 : f32
    %max3A_183 = vector.broadcast %max3A_182 : f32 to vector<16xf32>
    %max3A_184 = arith.maximumf %gather3A_181, %max3A_183 : vector<16xf32>
    %mul3A_185 = arith.mulf %gather3A_144, %max3A_184 : vector<16xf32>
    %add3A_186 = arith.addf %add3A_108, %mul3A_185 : vector<16xf32>
    %mul3A_187 = arith.mulf %gather3A_148, %max3A_184 : vector<16xf32>
    %add3A_188 = arith.addf %add3A_110, %mul3A_187 : vector<16xf32>
    %broadcast_in_dim3A_189 = arith.constant 1 : i32
    %broadcast_in_dim3A_190 = vector.broadcast %broadcast_in_dim3A_189 : i32 to vector<16xi32>
    %gather3A_191 = tpu.vector_load_idx %arg9[%min3A_47, %broadcast_in_dim3A_190] : memref<101x32xf32, #tpu.memory_space<vmem>>[vector<16xi32>, vector<16xi32>], vector<16xf32>,
    %max3A_192 = arith.constant 0.000000e+00 : f32
    %max3A_193 = vector.broadcast %max3A_192 : f32 to vector<16xf32>
    %max3A_194 = arith.maximumf %gather3A_191, %max3A_193 : vector<16xf32>
    %mul3A_195 = arith.mulf %gather3A_144, %max3A_194 : vector<16xf32>
    %add3A_196 = arith.addf %add3A_118, %mul3A_195 : vector<16xf32>
    %mul3A_197 = arith.mulf %gather3A_148, %max3A_194 : vector<16xf32>
    %add3A_198 = arith.addf %add3A_120, %mul3A_197 : vector<16xf32>
    %broadcast_in_dim3A_199 = arith.constant 1 : i32
    %broadcast_in_dim3A_200 = vector.broadcast %broadcast_in_dim3A_199 : i32 to vector<16xi32>
    %gather3A_201 = tpu.vector_load_idx %arg9[%min3A_53, %broadcast_in_dim3A_200] : memref<101x32xf32, #tpu.memory_space<vmem>>[vector<16xi32>, vector<16xi32>], vector<16xf32>,
    %max3A_202 = arith.constant 0.000000e+00 : f32
    %max3A_203 = vector.broadcast %max3A_202 : f32 to vector<16xf32>
    %max3A_204 = arith.maximumf %gather3A_201, %max3A_203 : vector<16xf32>
    %mul3A_205 = arith.mulf %gather3A_144, %max3A_204 : vector<16xf32>
    %add3A_206 = arith.addf %add3A_128, %mul3A_205 : vector<16xf32>
    %mul3A_207 = arith.mulf %gather3A_148, %max3A_204 : vector<16xf32>
    %add3A_208 = arith.addf %add3A_130, %mul3A_207 : vector<16xf32>
    %broadcast_in_dim3A_209 = arith.constant 1 : i32
    %broadcast_in_dim3A_210 = vector.broadcast %broadcast_in_dim3A_209 : i32 to vector<16xi32>
    %gather3A_211 = tpu.vector_load_idx %arg9[%min3A_59, %broadcast_in_dim3A_210] : memref<101x32xf32, #tpu.memory_space<vmem>>[vector<16xi32>, vector<16xi32>], vector<16xf32>,
    %max3A_212 = arith.constant 0.000000e+00 : f32
    %max3A_213 = vector.broadcast %max3A_212 : f32 to vector<16xf32>
    %max3A_214 = arith.maximumf %gather3A_211, %max3A_213 : vector<16xf32>
    %mul3A_215 = arith.mulf %gather3A_144, %max3A_214 : vector<16xf32>
    %add3A_216 = arith.addf %add3A_138, %mul3A_215 : vector<16xf32>
    %mul3A_217 = arith.mulf %gather3A_148, %max3A_214 : vector<16xf32>
    %add3A_218 = arith.addf %add3A_140, %mul3A_217 : vector<16xf32>
    %broadcast_in_dim3A_219 = vector.broadcast %arg1 : i32 to vector<16xi32>
    %broadcast_in_dim3A_220 = arith.constant 2 : i32
    %broadcast_in_dim3A_221 = vector.broadcast %broadcast_in_dim3A_220 : i32 to vector<16xi32>
    %gather3A_222 = tpu.vector_load_idx %arg11[%broadcast_in_dim3A_219, %broadcast_in_dim3A_221] : memref<32x32xf32, #tpu.memory_space<vmem>>[vector<16xi32>, vector<16xi32>], vector<16xf32>,
    %broadcast_in_dim3A_223 = vector.broadcast %add3A_61 : i32 to vector<16xi32>
    %broadcast_in_dim3A_224 = arith.constant 2 : i32
    %broadcast_in_dim3A_225 = vector.broadcast %broadcast_in_dim3A_224 : i32 to vector<16xi32>
    %gather3A_226 = tpu.vector_load_idx %arg11[%broadcast_in_dim3A_223, %broadcast_in_dim3A_225] : memref<32x32xf32, #tpu.memory_space<vmem>>[vector<16xi32>, vector<16xi32>], vector<16xf32>,
    %broadcast_in_dim3A_227 = arith.constant 2 : i32
    %broadcast_in_dim3A_228 = vector.broadcast %broadcast_in_dim3A_227 : i32 to vector<16xi32>
    %gather3A_229 = tpu.vector_load_idx %arg9[%min3A_23, %broadcast_in_dim3A_228] : memref<101x32xf32, #tpu.memory_space<vmem>>[vector<16xi32>, vector<16xi32>], vector<16xf32>,
    %max3A_230 = arith.constant 0.000000e+00 : f32
    %max3A_231 = vector.broadcast %max3A_230 : f32 to vector<16xf32>
    %max3A_232 = arith.maximumf %gather3A_229, %max3A_231 : vector<16xf32>
    %mul3A_233 = arith.mulf %gather3A_222, %max3A_232 : vector<16xf32>
    %add3A_234 = arith.addf %add3A_156, %mul3A_233 : vector<16xf32>
    %mul3A_235 = arith.mulf %gather3A_226, %max3A_232 : vector<16xf32>
    %add3A_236 = arith.addf %add3A_158, %mul3A_235 : vector<16xf32>
    %broadcast_in_dim3A_237 = arith.constant 2 : i32
    %broadcast_in_dim3A_238 = vector.broadcast %broadcast_in_dim3A_237 : i32 to vector<16xi32>
    %gather3A_239 = tpu.vector_load_idx %arg9[%min3A_29, %broadcast_in_dim3A_238] : memref<101x32xf32, #tpu.memory_space<vmem>>[vector<16xi32>, vector<16xi32>], vector<16xf32>,
    %max3A_240 = arith.constant 0.000000e+00 : f32
    %max3A_241 = vector.broadcast %max3A_240 : f32 to vector<16xf32>
    %max3A_242 = arith.maximumf %gather3A_239, %max3A_241 : vector<16xf32>
    %mul3A_243 = arith.mulf %gather3A_222, %max3A_242 : vector<16xf32>
    %add3A_244 = arith.addf %add3A_166, %mul3A_243 : vector<16xf32>
    %mul3A_245 = arith.mulf %gather3A_226, %max3A_242 : vector<16xf32>
    %add3A_246 = arith.addf %add3A_168, %mul3A_245 : vector<16xf32>
    %broadcast_in_dim3A_247 = arith.constant 2 : i32
    %broadcast_in_dim3A_248 = vector.broadcast %broadcast_in_dim3A_247 : i32 to vector<16xi32>
    %gather3A_249 = tpu.vector_load_idx %arg9[%min3A_35, %broadcast_in_dim3A_248] : memref<101x32xf32, #tpu.memory_space<vmem>>[vector<16xi32>, vector<16xi32>], vector<16xf32>,
    %max3A_250 = arith.constant 0.000000e+00 : f32
    %max3A_251 = vector.broadcast %max3A_250 : f32 to vector<16xf32>
    %max3A_252 = arith.maximumf %gather3A_249, %max3A_251 : vector<16xf32>
    %mul3A_253 = arith.mulf %gather3A_222, %max3A_252 : vector<16xf32>
    %add3A_254 = arith.addf %add3A_176, %mul3A_253 : vector<16xf32>
    %mul3A_255 = arith.mulf %gather3A_226, %max3A_252 : vector<16xf32>
    %add3A_256 = arith.addf %add3A_178, %mul3A_255 : vector<16xf32>
    %broadcast_in_dim3A_257 = arith.constant 2 : i32
    %broadcast_in_dim3A_258 = vector.broadcast %broadcast_in_dim3A_257 : i32 to vector<16xi32>
    %gather3A_259 = tpu.vector_load_idx %arg9[%min3A_41, %broadcast_in_dim3A_258] : memref<101x32xf32, #tpu.memory_space<vmem>>[vector<16xi32>, vector<16xi32>], vector<16xf32>,
    %max3A_260 = arith.constant 0.000000e+00 : f32
    %max3A_261 = vector.broadcast %max3A_260 : f32 to vector<16xf32>
    %max3A_262 = arith.maximumf %gather3A_259, %max3A_261 : vector<16xf32>
    %mul3A_263 = arith.mulf %gather3A_222, %max3A_262 : vector<16xf32>
    %add3A_264 = arith.addf %add3A_186, %mul3A_263 : vector<16xf32>
    %mul3A_265 = arith.mulf %gather3A_226, %max3A_262 : vector<16xf32>
    %add3A_266 = arith.addf %add3A_188, %mul3A_265 : vector<16xf32>
    %broadcast_in_dim3A_267 = arith.constant 2 : i32
    %broadcast_in_dim3A_268 = vector.broadcast %broadcast_in_dim3A_267 : i32 to vector<16xi32>
    %gather3A_269 = tpu.vector_load_idx %arg9[%min3A_47, %broadcast_in_dim3A_268] : memref<101x32xf32, #tpu.memory_space<vmem>>[vector<16xi32>, vector<16xi32>], vector<16xf32>,
    %max3A_270 = arith.constant 0.000000e+00 : f32
    %max3A_271 = vector.broadcast %max3A_270 : f32 to vector<16xf32>
    %max3A_272 = arith.maximumf %gather3A_269, %max3A_271 : vector<16xf32>
    %mul3A_273 = arith.mulf %gather3A_222, %max3A_272 : vector<16xf32>
    %add3A_274 = arith.addf %add3A_196, %mul3A_273 : vector<16xf32>
    %mul3A_275 = arith.mulf %gather3A_226, %max3A_272 : vector<16xf32>
    %add3A_276 = arith.addf %add3A_198, %mul3A_275 : vector<16xf32>
    %broadcast_in_dim3A_277 = arith.constant 2 : i32
    %broadcast_in_dim3A_278 = vector.broadcast %broadcast_in_dim3A_277 : i32 to vector<16xi32>
    %gather3A_279 = tpu.vector_load_idx %arg9[%min3A_53, %broadcast_in_dim3A_278] : memref<101x32xf32, #tpu.memory_space<vmem>>[vector<16xi32>, vector<16xi32>], vector<16xf32>,
    %max3A_280 = arith.constant 0.000000e+00 : f32
    %max3A_281 = vector.broadcast %max3A_280 : f32 to vector<16xf32>
    %max3A_282 = arith.maximumf %gather3A_279, %max3A_281 : vector<16xf32>
    %mul3A_283 = arith.mulf %gather3A_222, %max3A_282 : vector<16xf32>
    %add3A_284 = arith.addf %add3A_206, %mul3A_283 : vector<16xf32>
    %mul3A_285 = arith.mulf %gather3A_226, %max3A_282 : vector<16xf32>
    %add3A_286 = arith.addf %add3A_208, %mul3A_285 : vector<16xf32>
    %broadcast_in_dim3A_287 = arith.constant 2 : i32
    %broadcast_in_dim3A_288 = vector.broadcast %broadcast_in_dim3A_287 : i32 to vector<16xi32>
    %gather3A_289 = tpu.vector_load_idx %arg9[%min3A_59, %broadcast_in_dim3A_288] : memref<101x32xf32, #tpu.memory_space<vmem>>[vector<16xi32>, vector<16xi32>], vector<16xf32>,
    %max3A_290 = arith.constant 0.000000e+00 : f32
    %max3A_291 = vector.broadcast %max3A_290 : f32 to vector<16xf32>
    %max3A_292 = arith.maximumf %gather3A_289, %max3A_291 : vector<16xf32>
    %mul3A_293 = arith.mulf %gather3A_222, %max3A_292 : vector<16xf32>
    %add3A_294 = arith.addf %add3A_216, %mul3A_293 : vector<16xf32>
    %mul3A_295 = arith.mulf %gather3A_226, %max3A_292 : vector<16xf32>
    %add3A_296 = arith.addf %add3A_218, %mul3A_295 : vector<16xf32>
    %broadcast_in_dim3A_297 = vector.broadcast %arg1 : i32 to vector<16xi32>
    %broadcast_in_dim3A_298 = arith.constant 3 : i32
    %broadcast_in_dim3A_299 = vector.broadcast %broadcast_in_dim3A_298 : i32 to vector<16xi32>
    %gather3A_300 = tpu.vector_load_idx %arg11[%broadcast_in_dim3A_297, %broadcast_in_dim3A_299] : memref<32x32xf32, #tpu.memory_space<vmem>>[vector<16xi32>, vector<16xi32>], vector<16xf32>,
    %broadcast_in_dim3A_301 = vector.broadcast %add3A_61 : i32 to vector<16xi32>
    %broadcast_in_dim3A_302 = arith.constant 3 : i32
    %broadcast_in_dim3A_303 = vector.broadcast %broadcast_in_dim3A_302 : i32 to vector<16xi32>
    %gather3A_304 = tpu.vector_load_idx %arg11[%broadcast_in_dim3A_301, %broadcast_in_dim3A_303] : memref<32x32xf32, #tpu.memory_space<vmem>>[vector<16xi32>, vector<16xi32>], vector<16xf32>,
    %broadcast_in_dim3A_305 = arith.constant 3 : i32
    %broadcast_in_dim3A_306 = vector.broadcast %broadcast_in_dim3A_305 : i32 to vector<16xi32>
    %gather3A_307 = tpu.vector_load_idx %arg9[%min3A_23, %broadcast_in_dim3A_306] : memref<101x32xf32, #tpu.memory_space<vmem>>[vector<16xi32>, vector<16xi32>], vector<16xf32>,
    %max3A_308 = arith.constant 0.000000e+00 : f32
    %max3A_309 = vector.broadcast %max3A_308 : f32 to vector<16xf32>
    %max3A_310 = arith.maximumf %gather3A_307, %max3A_309 : vector<16xf32>
    %mul3A_311 = arith.mulf %gather3A_300, %max3A_310 : vector<16xf32>
    %add3A_312 = arith.addf %add3A_234, %mul3A_311 : vector<16xf32>
    %mul3A_313 = arith.mulf %gather3A_304, %max3A_310 : vector<16xf32>
    %add3A_314 = arith.addf %add3A_236, %mul3A_313 : vector<16xf32>
    %broadcast_in_dim3A_315 = arith.constant 3 : i32
    %broadcast_in_dim3A_316 = vector.broadcast %broadcast_in_dim3A_315 : i32 to vector<16xi32>
    %gather3A_317 = tpu.vector_load_idx %arg9[%min3A_29, %broadcast_in_dim3A_316] : memref<101x32xf32, #tpu.memory_space<vmem>>[vector<16xi32>, vector<16xi32>], vector<16xf32>,
    %max3A_318 = arith.constant 0.000000e+00 : f32
    %max3A_319 = vector.broadcast %max3A_318 : f32 to vector<16xf32>
    %max3A_320 = arith.maximumf %gather3A_317, %max3A_319 : vector<16xf32>
    %mul3A_321 = arith.mulf %gather3A_300, %max3A_320 : vector<16xf32>
    %add3A_322 = arith.addf %add3A_244, %mul3A_321 : vector<16xf32>
    %mul3A_323 = arith.mulf %gather3A_304, %max3A_320 : vector<16xf32>
    %add3A_324 = arith.addf %add3A_246, %mul3A_323 : vector<16xf32>
    %broadcast_in_dim3A_325 = arith.constant 3 : i32
    %broadcast_in_dim3A_326 = vector.broadcast %broadcast_in_dim3A_325 : i32 to vector<16xi32>
    %gather3A_327 = tpu.vector_load_idx %arg9[%min3A_35, %broadcast_in_dim3A_326] : memref<101x32xf32, #tpu.memory_space<vmem>>[vector<16xi32>, vector<16xi32>], vector<16xf32>,
    %max3A_328 = arith.constant 0.000000e+00 : f32
    %max3A_329 = vector.broadcast %max3A_328 : f32 to vector<16xf32>
    %max3A_330 = arith.maximumf %gather3A_327, %max3A_329 : vector<16xf32>
    %mul3A_331 = arith.mulf %gather3A_300, %max3A_330 : vector<16xf32>
    %add3A_332 = arith.addf %add3A_254, %mul3A_331 : vector<16xf32>
    %mul3A_333 = arith.mulf %gather3A_304, %max3A_330 : vector<16xf32>
    %add3A_334 = arith.addf %add3A_256, %mul3A_333 : vector<16xf32>
    %broadcast_in_dim3A_335 = arith.constant 3 : i32
    %broadcast_in_dim3A_336 = vector.broadcast %broadcast_in_dim3A_335 : i32 to vector<16xi32>
    %gather3A_337 = tpu.vector_load_idx %arg9[%min3A_41, %broadcast_in_dim3A_336] : memref<101x32xf32, #tpu.memory_space<vmem>>[vector<16xi32>, vector<16xi32>], vector<16xf32>,
    %max3A_338 = arith.constant 0.000000e+00 : f32
    %max3A_339 = vector.broadcast %max3A_338 : f32 to vector<16xf32>
    %max3A_340 = arith.maximumf %gather3A_337, %max3A_339 : vector<16xf32>
    %mul3A_341 = arith.mulf %gather3A_300, %max3A_340 : vector<16xf32>
    %add3A_342 = arith.addf %add3A_264, %mul3A_341 : vector<16xf32>
    %mul3A_343 = arith.mulf %gather3A_304, %max3A_340 : vector<16xf32>
    %add3A_344 = arith.addf %add3A_266, %mul3A_343 : vector<16xf32>
    %broadcast_in_dim3A_345 = arith.constant 3 : i32
    %broadcast_in_dim3A_346 = vector.broadcast %broadcast_in_dim3A_345 : i32 to vector<16xi32>
    %gather3A_347 = tpu.vector_load_idx %arg9[%min3A_47, %broadcast_in_dim3A_346] : memref<101x32xf32, #tpu.memory_space<vmem>>[vector<16xi32>, vector<16xi32>], vector<16xf32>,
    %max3A_348 = arith.constant 0.000000e+00 : f32
    %max3A_349 = vector.broadcast %max3A_348 : f32 to vector<16xf32>
    %max3A_350 = arith.maximumf %gather3A_347, %max3A_349 : vector<16xf32>
    %mul3A_351 = arith.mulf %gather3A_300, %max3A_350 : vector<16xf32>
    %add3A_352 = arith.addf %add3A_274, %mul3A_351 : vector<16xf32>
    %mul3A_353 = arith.mulf %gather3A_304, %max3A_350 : vector<16xf32>
    %add3A_354 = arith.addf %add3A_276, %mul3A_353 : vector<16xf32>
    %broadcast_in_dim3A_355 = arith.constant 3 : i32
    %broadcast_in_dim3A_356 = vector.broadcast %broadcast_in_dim3A_355 : i32 to vector<16xi32>
    %gather3A_357 = tpu.vector_load_idx %arg9[%min3A_53, %broadcast_in_dim3A_356] : memref<101x32xf32, #tpu.memory_space<vmem>>[vector<16xi32>, vector<16xi32>], vector<16xf32>,
    %max3A_358 = arith.constant 0.000000e+00 : f32
    %max3A_359 = vector.broadcast %max3A_358 : f32 to vector<16xf32>
    %max3A_360 = arith.maximumf %gather3A_357, %max3A_359 : vector<16xf32>
    %mul3A_361 = arith.mulf %gather3A_300, %max3A_360 : vector<16xf32>
    %add3A_362 = arith.addf %add3A_284, %mul3A_361 : vector<16xf32>
    %mul3A_363 = arith.mulf %gather3A_304, %max3A_360 : vector<16xf32>
    %add3A_364 = arith.addf %add3A_286, %mul3A_363 : vector<16xf32>
    %broadcast_in_dim3A_365 = arith.constant 3 : i32
    %broadcast_in_dim3A_366 = vector.broadcast %broadcast_in_dim3A_365 : i32 to vector<16xi32>
    %gather3A_367 = tpu.vector_load_idx %arg9[%min3A_59, %broadcast_in_dim3A_366] : memref<101x32xf32, #tpu.memory_space<vmem>>[vector<16xi32>, vector<16xi32>], vector<16xf32>,
    %max3A_368 = arith.constant 0.000000e+00 : f32
    %max3A_369 = vector.broadcast %max3A_368 : f32 to vector<16xf32>
    %max3A_370 = arith.maximumf %gather3A_367, %max3A_369 : vector<16xf32>
    %mul3A_371 = arith.mulf %gather3A_300, %max3A_370 : vector<16xf32>
    %add3A_372 = arith.addf %add3A_294, %mul3A_371 : vector<16xf32>
    %mul3A_373 = arith.mulf %gather3A_304, %max3A_370 : vector<16xf32>
    %add3A_374 = arith.addf %add3A_296, %mul3A_373 : vector<16xf32>
    %broadcast_in_dim3A_375 = vector.broadcast %arg1 : i32 to vector<16xi32>
    %broadcast_in_dim3A_376 = arith.constant 4 : i32
    %broadcast_in_dim3A_377 = vector.broadcast %broadcast_in_dim3A_376 : i32 to vector<16xi32>
    %gather3A_378 = tpu.vector_load_idx %arg11[%broadcast_in_dim3A_375, %broadcast_in_dim3A_377] : memref<32x32xf32, #tpu.memory_space<vmem>>[vector<16xi32>, vector<16xi32>], vector<16xf32>,
    %broadcast_in_dim3A_379 = vector.broadcast %add3A_61 : i32 to vector<16xi32>
    %broadcast_in_dim3A_380 = arith.constant 4 : i32
    %broadcast_in_dim3A_381 = vector.broadcast %broadcast_in_dim3A_380 : i32 to vector<16xi32>
    %gather3A_382 = tpu.vector_load_idx %arg11[%broadcast_in_dim3A_379, %broadcast_in_dim3A_381] : memref<32x32xf32, #tpu.memory_space<vmem>>[vector<16xi32>, vector<16xi32>], vector<16xf32>,
    %broadcast_in_dim3A_383 = arith.constant 4 : i32
    %broadcast_in_dim3A_384 = vector.broadcast %broadcast_in_dim3A_383 : i32 to vector<16xi32>
    %gather3A_385 = tpu.vector_load_idx %arg9[%min3A_23, %broadcast_in_dim3A_384] : memref<101x32xf32, #tpu.memory_space<vmem>>[vector<16xi32>, vector<16xi32>], vector<16xf32>,
    %max3A_386 = arith.constant 0.000000e+00 : f32
    %max3A_387 = vector.broadcast %max3A_386 : f32 to vector<16xf32>
    %max3A_388 = arith.maximumf %gather3A_385, %max3A_387 : vector<16xf32>
    %mul3A_389 = arith.mulf %gather3A_378, %max3A_388 : vector<16xf32>
    %add3A_390 = arith.addf %add3A_312, %mul3A_389 : vector<16xf32>
    %mul3A_391 = arith.mulf %gather3A_382, %max3A_388 : vector<16xf32>
    %add3A_392 = arith.addf %add3A_314, %mul3A_391 : vector<16xf32>
    %broadcast_in_dim3A_393 = arith.constant 4 : i32
    %broadcast_in_dim3A_394 = vector.broadcast %broadcast_in_dim3A_393 : i32 to vector<16xi32>
    %gather3A_395 = tpu.vector_load_idx %arg9[%min3A_29, %broadcast_in_dim3A_394] : memref<101x32xf32, #tpu.memory_space<vmem>>[vector<16xi32>, vector<16xi32>], vector<16xf32>,
    %max3A_396 = arith.constant 0.000000e+00 : f32
    %max3A_397 = vector.broadcast %max3A_396 : f32 to vector<16xf32>
    %max3A_398 = arith.maximumf %gather3A_395, %max3A_397 : vector<16xf32>
    %mul3A_399 = arith.mulf %gather3A_378, %max3A_398 : vector<16xf32>
    %add3A_400 = arith.addf %add3A_322, %mul3A_399 : vector<16xf32>
    %mul3A_401 = arith.mulf %gather3A_382, %max3A_398 : vector<16xf32>
    %add3A_402 = arith.addf %add3A_324, %mul3A_401 : vector<16xf32>
    %broadcast_in_dim3A_403 = arith.constant 4 : i32
    %broadcast_in_dim3A_404 = vector.broadcast %broadcast_in_dim3A_403 : i32 to vector<16xi32>
    %gather3A_405 = tpu.vector_load_idx %arg9[%min3A_35, %broadcast_in_dim3A_404] : memref<101x32xf32, #tpu.memory_space<vmem>>[vector<16xi32>, vector<16xi32>], vector<16xf32>,
    %max3A_406 = arith.constant 0.000000e+00 : f32
    %max3A_407 = vector.broadcast %max3A_406 : f32 to vector<16xf32>
    %max3A_408 = arith.maximumf %gather3A_405, %max3A_407 : vector<16xf32>
    %mul3A_409 = arith.mulf %gather3A_378, %max3A_408 : vector<16xf32>
    %add3A_410 = arith.addf %add3A_332, %mul3A_409 : vector<16xf32>
    %mul3A_411 = arith.mulf %gather3A_382, %max3A_408 : vector<16xf32>
    %add3A_412 = arith.addf %add3A_334, %mul3A_411 : vector<16xf32>
    %broadcast_in_dim3A_413 = arith.constant 4 : i32
    %broadcast_in_dim3A_414 = vector.broadcast %broadcast_in_dim3A_413 : i32 to vector<16xi32>
    %gather3A_415 = tpu.vector_load_idx %arg9[%min3A_41, %broadcast_in_dim3A_414] : memref<101x32xf32, #tpu.memory_space<vmem>>[vector<16xi32>, vector<16xi32>], vector<16xf32>,
    %max3A_416 = arith.constant 0.000000e+00 : f32
    %max3A_417 = vector.broadcast %max3A_416 : f32 to vector<16xf32>
    %max3A_418 = arith.maximumf %gather3A_415, %max3A_417 : vector<16xf32>
    %mul3A_419 = arith.mulf %gather3A_378, %max3A_418 : vector<16xf32>
    %add3A_420 = arith.addf %add3A_342, %mul3A_419 : vector<16xf32>
    %mul3A_421 = arith.mulf %gather3A_382, %max3A_418 : vector<16xf32>
    %add3A_422 = arith.addf %add3A_344, %mul3A_421 : vector<16xf32>
    %broadcast_in_dim3A_423 = arith.constant 4 : i32
    %broadcast_in_dim3A_424 = vector.broadcast %broadcast_in_dim3A_423 : i32 to vector<16xi32>
    %gather3A_425 = tpu.vector_load_idx %arg9[%min3A_47, %broadcast_in_dim3A_424] : memref<101x32xf32, #tpu.memory_space<vmem>>[vector<16xi32>, vector<16xi32>], vector<16xf32>,
    %max3A_426 = arith.constant 0.000000e+00 : f32
    %max3A_427 = vector.broadcast %max3A_426 : f32 to vector<16xf32>
    %max3A_428 = arith.maximumf %gather3A_425, %max3A_427 : vector<16xf32>
    %mul3A_429 = arith.mulf %gather3A_378, %max3A_428 : vector<16xf32>
    %add3A_430 = arith.addf %add3A_352, %mul3A_429 : vector<16xf32>
    %mul3A_431 = arith.mulf %gather3A_382, %max3A_428 : vector<16xf32>
    %add3A_432 = arith.addf %add3A_354, %mul3A_431 : vector<16xf32>
    %broadcast_in_dim3A_433 = arith.constant 4 : i32
    %broadcast_in_dim3A_434 = vector.broadcast %broadcast_in_dim3A_433 : i32 to vector<16xi32>
    %gather3A_435 = tpu.vector_load_idx %arg9[%min3A_53, %broadcast_in_dim3A_434] : memref<101x32xf32, #tpu.memory_space<vmem>>[vector<16xi32>, vector<16xi32>], vector<16xf32>,
    %max3A_436 = arith.constant 0.000000e+00 : f32
    %max3A_437 = vector.broadcast %max3A_436 : f32 to vector<16xf32>
    %max3A_438 = arith.maximumf %gather3A_435, %max3A_437 : vector<16xf32>
    %mul3A_439 = arith.mulf %gather3A_378, %max3A_438 : vector<16xf32>
    %add3A_440 = arith.addf %add3A_362, %mul3A_439 : vector<16xf32>
    %mul3A_441 = arith.mulf %gather3A_382, %max3A_438 : vector<16xf32>
    %add3A_442 = arith.addf %add3A_364, %mul3A_441 : vector<16xf32>
    %broadcast_in_dim3A_443 = arith.constant 4 : i32
    %broadcast_in_dim3A_444 = vector.broadcast %broadcast_in_dim3A_443 : i32 to vector<16xi32>
    %gather3A_445 = tpu.vector_load_idx %arg9[%min3A_59, %broadcast_in_dim3A_444] : memref<101x32xf32, #tpu.memory_space<vmem>>[vector<16xi32>, vector<16xi32>], vector<16xf32>,
    %max3A_446 = arith.constant 0.000000e+00 : f32
    %max3A_447 = vector.broadcast %max3A_446 : f32 to vector<16xf32>
    %max3A_448 = arith.maximumf %gather3A_445, %max3A_447 : vector<16xf32>
    %mul3A_449 = arith.mulf %gather3A_378, %max3A_448 : vector<16xf32>
    %add3A_450 = arith.addf %add3A_372, %mul3A_449 : vector<16xf32>
    %mul3A_451 = arith.mulf %gather3A_382, %max3A_448 : vector<16xf32>
    %add3A_452 = arith.addf %add3A_374, %mul3A_451 : vector<16xf32>
    %broadcast_in_dim3A_453 = vector.broadcast %arg1 : i32 to vector<16xi32>
    %broadcast_in_dim3A_454 = arith.constant 5 : i32
    %broadcast_in_dim3A_455 = vector.broadcast %broadcast_in_dim3A_454 : i32 to vector<16xi32>
    %gather3A_456 = tpu.vector_load_idx %arg11[%broadcast_in_dim3A_453, %broadcast_in_dim3A_455] : memref<32x32xf32, #tpu.memory_space<vmem>>[vector<16xi32>, vector<16xi32>], vector<16xf32>,
    %broadcast_in_dim3A_457 = vector.broadcast %add3A_61 : i32 to vector<16xi32>
    %broadcast_in_dim3A_458 = arith.constant 5 : i32
    %broadcast_in_dim3A_459 = vector.broadcast %broadcast_in_dim3A_458 : i32 to vector<16xi32>
    %gather3A_460 = tpu.vector_load_idx %arg11[%broadcast_in_dim3A_457, %broadcast_in_dim3A_459] : memref<32x32xf32, #tpu.memory_space<vmem>>[vector<16xi32>, vector<16xi32>], vector<16xf32>,
    %broadcast_in_dim3A_461 = arith.constant 5 : i32
    %broadcast_in_dim3A_462 = vector.broadcast %broadcast_in_dim3A_461 : i32 to vector<16xi32>
    %gather3A_463 = tpu.vector_load_idx %arg9[%min3A_23, %broadcast_in_dim3A_462] : memref<101x32xf32, #tpu.memory_space<vmem>>[vector<16xi32>, vector<16xi32>], vector<16xf32>,
    %max3A_464 = arith.constant 0.000000e+00 : f32
    %max3A_465 = vector.broadcast %max3A_464 : f32 to vector<16xf32>
    %max3A_466 = arith.maximumf %gather3A_463, %max3A_465 : vector<16xf32>
    %mul3A_467 = arith.mulf %gather3A_456, %max3A_466 : vector<16xf32>
    %add3A_468 = arith.addf %add3A_390, %mul3A_467 : vector<16xf32>
    %mul3A_469 = arith.mulf %gather3A_460, %max3A_466 : vector<16xf32>
    %add3A_470 = arith.addf %add3A_392, %mul3A_469 : vector<16xf32>
    %broadcast_in_dim3A_471 = arith.constant 5 : i32
    %broadcast_in_dim3A_472 = vector.broadcast %broadcast_in_dim3A_471 : i32 to vector<16xi32>
    %gather3A_473 = tpu.vector_load_idx %arg9[%min3A_29, %broadcast_in_dim3A_472] : memref<101x32xf32, #tpu.memory_space<vmem>>[vector<16xi32>, vector<16xi32>], vector<16xf32>,
    %max3A_474 = arith.constant 0.000000e+00 : f32
    %max3A_475 = vector.broadcast %max3A_474 : f32 to vector<16xf32>
    %max3A_476 = arith.maximumf %gather3A_473, %max3A_475 : vector<16xf32>
    %mul3A_477 = arith.mulf %gather3A_456, %max3A_476 : vector<16xf32>
    %add3A_478 = arith.addf %add3A_400, %mul3A_477 : vector<16xf32>
    %mul3A_479 = arith.mulf %gather3A_460, %max3A_476 : vector<16xf32>
    %add3A_480 = arith.addf %add3A_402, %mul3A_479 : vector<16xf32>
    %broadcast_in_dim3A_481 = arith.constant 5 : i32
    %broadcast_in_dim3A_482 = vector.broadcast %broadcast_in_dim3A_481 : i32 to vector<16xi32>
    %gather3A_483 = tpu.vector_load_idx %arg9[%min3A_35, %broadcast_in_dim3A_482] : memref<101x32xf32, #tpu.memory_space<vmem>>[vector<16xi32>, vector<16xi32>], vector<16xf32>,
    %max3A_484 = arith.constant 0.000000e+00 : f32
    %max3A_485 = vector.broadcast %max3A_484 : f32 to vector<16xf32>
    %max3A_486 = arith.maximumf %gather3A_483, %max3A_485 : vector<16xf32>
    %mul3A_487 = arith.mulf %gather3A_456, %max3A_486 : vector<16xf32>
    %add3A_488 = arith.addf %add3A_410, %mul3A_487 : vector<16xf32>
    %mul3A_489 = arith.mulf %gather3A_460, %max3A_486 : vector<16xf32>
    %add3A_490 = arith.addf %add3A_412, %mul3A_489 : vector<16xf32>
    %broadcast_in_dim3A_491 = arith.constant 5 : i32
    %broadcast_in_dim3A_492 = vector.broadcast %broadcast_in_dim3A_491 : i32 to vector<16xi32>
    %gather3A_493 = tpu.vector_load_idx %arg9[%min3A_41, %broadcast_in_dim3A_492] : memref<101x32xf32, #tpu.memory_space<vmem>>[vector<16xi32>, vector<16xi32>], vector<16xf32>,
    %max3A_494 = arith.constant 0.000000e+00 : f32
    %max3A_495 = vector.broadcast %max3A_494 : f32 to vector<16xf32>
    %max3A_496 = arith.maximumf %gather3A_493, %max3A_495 : vector<16xf32>
    %mul3A_497 = arith.mulf %gather3A_456, %max3A_496 : vector<16xf32>
    %add3A_498 = arith.addf %add3A_420, %mul3A_497 : vector<16xf32>
    %mul3A_499 = arith.mulf %gather3A_460, %max3A_496 : vector<16xf32>
    %add3A_500 = arith.addf %add3A_422, %mul3A_499 : vector<16xf32>
    %broadcast_in_dim3A_501 = arith.constant 5 : i32
    %broadcast_in_dim3A_502 = vector.broadcast %broadcast_in_dim3A_501 : i32 to vector<16xi32>
    %gather3A_503 = tpu.vector_load_idx %arg9[%min3A_47, %broadcast_in_dim3A_502] : memref<101x32xf32, #tpu.memory_space<vmem>>[vector<16xi32>, vector<16xi32>], vector<16xf32>,
    %max3A_504 = arith.constant 0.000000e+00 : f32
    %max3A_505 = vector.broadcast %max3A_504 : f32 to vector<16xf32>
    %max3A_506 = arith.maximumf %gather3A_503, %max3A_505 : vector<16xf32>
    %mul3A_507 = arith.mulf %gather3A_456, %max3A_506 : vector<16xf32>
    %add3A_508 = arith.addf %add3A_430, %mul3A_507 : vector<16xf32>
    %mul3A_509 = arith.mulf %gather3A_460, %max3A_506 : vector<16xf32>
    %add3A_510 = arith.addf %add3A_432, %mul3A_509 : vector<16xf32>
    %broadcast_in_dim3A_511 = arith.constant 5 : i32
    %broadcast_in_dim3A_512 = vector.broadcast %broadcast_in_dim3A_511 : i32 to vector<16xi32>
    %gather3A_513 = tpu.vector_load_idx %arg9[%min3A_53, %broadcast_in_dim3A_512] : memref<101x32xf32, #tpu.memory_space<vmem>>[vector<16xi32>, vector<16xi32>], vector<16xf32>,
    %max3A_514 = arith.constant 0.000000e+00 : f32
    %max3A_515 = vector.broadcast %max3A_514 : f32 to vector<16xf32>
    %max3A_516 = arith.maximumf %gather3A_513, %max3A_515 : vector<16xf32>
    %mul3A_517 = arith.mulf %gather3A_456, %max3A_516 : vector<16xf32>
    %add3A_518 = arith.addf %add3A_440, %mul3A_517 : vector<16xf32>
    %mul3A_519 = arith.mulf %gather3A_460, %max3A_516 : vector<16xf32>
    %add3A_520 = arith.addf %add3A_442, %mul3A_519 : vector<16xf32>
    %broadcast_in_dim3A_521 = arith.constant 5 : i32
    %broadcast_in_dim3A_522 = vector.broadcast %broadcast_in_dim3A_521 : i32 to vector<16xi32>
    %gather3A_523 = tpu.vector_load_idx %arg9[%min3A_59, %broadcast_in_dim3A_522] : memref<101x32xf32, #tpu.memory_space<vmem>>[vector<16xi32>, vector<16xi32>], vector<16xf32>,
    %max3A_524 = arith.constant 0.000000e+00 : f32
    %max3A_525 = vector.broadcast %max3A_524 : f32 to vector<16xf32>
    %max3A_526 = arith.maximumf %gather3A_523, %max3A_525 : vector<16xf32>
    %mul3A_527 = arith.mulf %gather3A_456, %max3A_526 : vector<16xf32>
    %add3A_528 = arith.addf %add3A_450, %mul3A_527 : vector<16xf32>
    %mul3A_529 = arith.mulf %gather3A_460, %max3A_526 : vector<16xf32>
    %add3A_530 = arith.addf %add3A_452, %mul3A_529 : vector<16xf32>
    %broadcast_in_dim3A_531 = vector.broadcast %arg1 : i32 to vector<16xi32>
    %broadcast_in_dim3A_532 = arith.constant 6 : i32
    %broadcast_in_dim3A_533 = vector.broadcast %broadcast_in_dim3A_532 : i32 to vector<16xi32>
    %gather3A_534 = tpu.vector_load_idx %arg11[%broadcast_in_dim3A_531, %broadcast_in_dim3A_533] : memref<32x32xf32, #tpu.memory_space<vmem>>[vector<16xi32>, vector<16xi32>], vector<16xf32>,
    %broadcast_in_dim3A_535 = vector.broadcast %add3A_61 : i32 to vector<16xi32>
    %broadcast_in_dim3A_536 = arith.constant 6 : i32
    %broadcast_in_dim3A_537 = vector.broadcast %broadcast_in_dim3A_536 : i32 to vector<16xi32>
    %gather3A_538 = tpu.vector_load_idx %arg11[%broadcast_in_dim3A_535, %broadcast_in_dim3A_537] : memref<32x32xf32, #tpu.memory_space<vmem>>[vector<16xi32>, vector<16xi32>], vector<16xf32>,
    %broadcast_in_dim3A_539 = arith.constant 6 : i32
    %broadcast_in_dim3A_540 = vector.broadcast %broadcast_in_dim3A_539 : i32 to vector<16xi32>
    %gather3A_541 = tpu.vector_load_idx %arg9[%min3A_23, %broadcast_in_dim3A_540] : memref<101x32xf32, #tpu.memory_space<vmem>>[vector<16xi32>, vector<16xi32>], vector<16xf32>,
    %max3A_542 = arith.constant 0.000000e+00 : f32
    %max3A_543 = vector.broadcast %max3A_542 : f32 to vector<16xf32>
    %max3A_544 = arith.maximumf %gather3A_541, %max3A_543 : vector<16xf32>
    %mul3A_545 = arith.mulf %gather3A_534, %max3A_544 : vector<16xf32>
    %add3A_546 = arith.addf %add3A_468, %mul3A_545 : vector<16xf32>
    %mul3A_547 = arith.mulf %gather3A_538, %max3A_544 : vector<16xf32>
    %add3A_548 = arith.addf %add3A_470, %mul3A_547 : vector<16xf32>
    %broadcast_in_dim3A_549 = arith.constant 6 : i32
    %broadcast_in_dim3A_550 = vector.broadcast %broadcast_in_dim3A_549 : i32 to vector<16xi32>
    %gather3A_551 = tpu.vector_load_idx %arg9[%min3A_29, %broadcast_in_dim3A_550] : memref<101x32xf32, #tpu.memory_space<vmem>>[vector<16xi32>, vector<16xi32>], vector<16xf32>,
    %max3A_552 = arith.constant 0.000000e+00 : f32
    %max3A_553 = vector.broadcast %max3A_552 : f32 to vector<16xf32>
    %max3A_554 = arith.maximumf %gather3A_551, %max3A_553 : vector<16xf32>
    %mul3A_555 = arith.mulf %gather3A_534, %max3A_554 : vector<16xf32>
    %add3A_556 = arith.addf %add3A_478, %mul3A_555 : vector<16xf32>
    %mul3A_557 = arith.mulf %gather3A_538, %max3A_554 : vector<16xf32>
    %add3A_558 = arith.addf %add3A_480, %mul3A_557 : vector<16xf32>
    %broadcast_in_dim3A_559 = arith.constant 6 : i32
    %broadcast_in_dim3A_560 = vector.broadcast %broadcast_in_dim3A_559 : i32 to vector<16xi32>
    %gather3A_561 = tpu.vector_load_idx %arg9[%min3A_35, %broadcast_in_dim3A_560] : memref<101x32xf32, #tpu.memory_space<vmem>>[vector<16xi32>, vector<16xi32>], vector<16xf32>,
    %max3A_562 = arith.constant 0.000000e+00 : f32
    %max3A_563 = vector.broadcast %max3A_562 : f32 to vector<16xf32>
    %max3A_564 = arith.maximumf %gather3A_561, %max3A_563 : vector<16xf32>
    %mul3A_565 = arith.mulf %gather3A_534, %max3A_564 : vector<16xf32>
    %add3A_566 = arith.addf %add3A_488, %mul3A_565 : vector<16xf32>
    %mul3A_567 = arith.mulf %gather3A_538, %max3A_564 : vector<16xf32>
    %add3A_568 = arith.addf %add3A_490, %mul3A_567 : vector<16xf32>
    %broadcast_in_dim3A_569 = arith.constant 6 : i32
    %broadcast_in_dim3A_570 = vector.broadcast %broadcast_in_dim3A_569 : i32 to vector<16xi32>
    %gather3A_571 = tpu.vector_load_idx %arg9[%min3A_41, %broadcast_in_dim3A_570] : memref<101x32xf32, #tpu.memory_space<vmem>>[vector<16xi32>, vector<16xi32>], vector<16xf32>,
    %max3A_572 = arith.constant 0.000000e+00 : f32
    %max3A_573 = vector.broadcast %max3A_572 : f32 to vector<16xf32>
    %max3A_574 = arith.maximumf %gather3A_571, %max3A_573 : vector<16xf32>
    %mul3A_575 = arith.mulf %gather3A_534, %max3A_574 : vector<16xf32>
    %add3A_576 = arith.addf %add3A_498, %mul3A_575 : vector<16xf32>
    %mul3A_577 = arith.mulf %gather3A_538, %max3A_574 : vector<16xf32>
    %add3A_578 = arith.addf %add3A_500, %mul3A_577 : vector<16xf32>
    %broadcast_in_dim3A_579 = arith.constant 6 : i32
    %broadcast_in_dim3A_580 = vector.broadcast %broadcast_in_dim3A_579 : i32 to vector<16xi32>
    %gather3A_581 = tpu.vector_load_idx %arg9[%min3A_47, %broadcast_in_dim3A_580] : memref<101x32xf32, #tpu.memory_space<vmem>>[vector<16xi32>, vector<16xi32>], vector<16xf32>,
    %max3A_582 = arith.constant 0.000000e+00 : f32
    %max3A_583 = vector.broadcast %max3A_582 : f32 to vector<16xf32>
    %max3A_584 = arith.maximumf %gather3A_581, %max3A_583 : vector<16xf32>
    %mul3A_585 = arith.mulf %gather3A_534, %max3A_584 : vector<16xf32>
    %add3A_586 = arith.addf %add3A_508, %mul3A_585 : vector<16xf32>
    %mul3A_587 = arith.mulf %gather3A_538, %max3A_584 : vector<16xf32>
    %add3A_588 = arith.addf %add3A_510, %mul3A_587 : vector<16xf32>
    %broadcast_in_dim3A_589 = arith.constant 6 : i32
    %broadcast_in_dim3A_590 = vector.broadcast %broadcast_in_dim3A_589 : i32 to vector<16xi32>
    %gather3A_591 = tpu.vector_load_idx %arg9[%min3A_53, %broadcast_in_dim3A_590] : memref<101x32xf32, #tpu.memory_space<vmem>>[vector<16xi32>, vector<16xi32>], vector<16xf32>,
    %max3A_592 = arith.constant 0.000000e+00 : f32
    %max3A_593 = vector.broadcast %max3A_592 : f32 to vector<16xf32>
    %max3A_594 = arith.maximumf %gather3A_591, %max3A_593 : vector<16xf32>
    %mul3A_595 = arith.mulf %gather3A_534, %max3A_594 : vector<16xf32>
    %add3A_596 = arith.addf %add3A_518, %mul3A_595 : vector<16xf32>
    %mul3A_597 = arith.mulf %gather3A_538, %max3A_594 : vector<16xf32>
    %add3A_598 = arith.addf %add3A_520, %mul3A_597 : vector<16xf32>
    %broadcast_in_dim3A_599 = arith.constant 6 : i32
    %broadcast_in_dim3A_600 = vector.broadcast %broadcast_in_dim3A_599 : i32 to vector<16xi32>
    %gather3A_601 = tpu.vector_load_idx %arg9[%min3A_59, %broadcast_in_dim3A_600] : memref<101x32xf32, #tpu.memory_space<vmem>>[vector<16xi32>, vector<16xi32>], vector<16xf32>,
    %max3A_602 = arith.constant 0.000000e+00 : f32
    %max3A_603 = vector.broadcast %max3A_602 : f32 to vector<16xf32>
    %max3A_604 = arith.maximumf %gather3A_601, %max3A_603 : vector<16xf32>
    %mul3A_605 = arith.mulf %gather3A_534, %max3A_604 : vector<16xf32>
    %add3A_606 = arith.addf %add3A_528, %mul3A_605 : vector<16xf32>
    %mul3A_607 = arith.mulf %gather3A_538, %max3A_604 : vector<16xf32>
    %add3A_608 = arith.addf %add3A_530, %mul3A_607 : vector<16xf32>
    %broadcast_in_dim3A_609 = vector.broadcast %arg1 : i32 to vector<16xi32>
    %broadcast_in_dim3A_610 = arith.constant 7 : i32
    %broadcast_in_dim3A_611 = vector.broadcast %broadcast_in_dim3A_610 : i32 to vector<16xi32>
    %gather3A_612 = tpu.vector_load_idx %arg11[%broadcast_in_dim3A_609, %broadcast_in_dim3A_611] : memref<32x32xf32, #tpu.memory_space<vmem>>[vector<16xi32>, vector<16xi32>], vector<16xf32>,
    %broadcast_in_dim3A_613 = vector.broadcast %add3A_61 : i32 to vector<16xi32>
    %broadcast_in_dim3A_614 = arith.constant 7 : i32
    %broadcast_in_dim3A_615 = vector.broadcast %broadcast_in_dim3A_614 : i32 to vector<16xi32>
    %gather3A_616 = tpu.vector_load_idx %arg11[%broadcast_in_dim3A_613, %broadcast_in_dim3A_615] : memref<32x32xf32, #tpu.memory_space<vmem>>[vector<16xi32>, vector<16xi32>], vector<16xf32>,
    %broadcast_in_dim3A_617 = arith.constant 7 : i32
    %broadcast_in_dim3A_618 = vector.broadcast %broadcast_in_dim3A_617 : i32 to vector<16xi32>
    %gather3A_619 = tpu.vector_load_idx %arg9[%min3A_23, %broadcast_in_dim3A_618] : memref<101x32xf32, #tpu.memory_space<vmem>>[vector<16xi32>, vector<16xi32>], vector<16xf32>,
    %max3A_620 = arith.constant 0.000000e+00 : f32
    %max3A_621 = vector.broadcast %max3A_620 : f32 to vector<16xf32>
    %max3A_622 = arith.maximumf %gather3A_619, %max3A_621 : vector<16xf32>
    %mul3A_623 = arith.mulf %gather3A_612, %max3A_622 : vector<16xf32>
    %add3A_624 = arith.addf %add3A_546, %mul3A_623 : vector<16xf32>
    %mul3A_625 = arith.mulf %gather3A_616, %max3A_622 : vector<16xf32>
    %add3A_626 = arith.addf %add3A_548, %mul3A_625 : vector<16xf32>
    %broadcast_in_dim3A_627 = arith.constant 7 : i32
    %broadcast_in_dim3A_628 = vector.broadcast %broadcast_in_dim3A_627 : i32 to vector<16xi32>
    %gather3A_629 = tpu.vector_load_idx %arg9[%min3A_29, %broadcast_in_dim3A_628] : memref<101x32xf32, #tpu.memory_space<vmem>>[vector<16xi32>, vector<16xi32>], vector<16xf32>,
    %max3A_630 = arith.constant 0.000000e+00 : f32
    %max3A_631 = vector.broadcast %max3A_630 : f32 to vector<16xf32>
    %max3A_632 = arith.maximumf %gather3A_629, %max3A_631 : vector<16xf32>
    %mul3A_633 = arith.mulf %gather3A_612, %max3A_632 : vector<16xf32>
    %add3A_634 = arith.addf %add3A_556, %mul3A_633 : vector<16xf32>
    %mul3A_635 = arith.mulf %gather3A_616, %max3A_632 : vector<16xf32>
    %add3A_636 = arith.addf %add3A_558, %mul3A_635 : vector<16xf32>
    %broadcast_in_dim3A_637 = arith.constant 7 : i32
    %broadcast_in_dim3A_638 = vector.broadcast %broadcast_in_dim3A_637 : i32 to vector<16xi32>
    %gather3A_639 = tpu.vector_load_idx %arg9[%min3A_35, %broadcast_in_dim3A_638] : memref<101x32xf32, #tpu.memory_space<vmem>>[vector<16xi32>, vector<16xi32>], vector<16xf32>,
    %max3A_640 = arith.constant 0.000000e+00 : f32
    %max3A_641 = vector.broadcast %max3A_640 : f32 to vector<16xf32>
    %max3A_642 = arith.maximumf %gather3A_639, %max3A_641 : vector<16xf32>
    %mul3A_643 = arith.mulf %gather3A_612, %max3A_642 : vector<16xf32>
    %add3A_644 = arith.addf %add3A_566, %mul3A_643 : vector<16xf32>
    %mul3A_645 = arith.mulf %gather3A_616, %max3A_642 : vector<16xf32>
    %add3A_646 = arith.addf %add3A_568, %mul3A_645 : vector<16xf32>
    %broadcast_in_dim3A_647 = arith.constant 7 : i32
    %broadcast_in_dim3A_648 = vector.broadcast %broadcast_in_dim3A_647 : i32 to vector<16xi32>
    %gather3A_649 = tpu.vector_load_idx %arg9[%min3A_41, %broadcast_in_dim3A_648] : memref<101x32xf32, #tpu.memory_space<vmem>>[vector<16xi32>, vector<16xi32>], vector<16xf32>,
    %max3A_650 = arith.constant 0.000000e+00 : f32
    %max3A_651 = vector.broadcast %max3A_650 : f32 to vector<16xf32>
    %max3A_652 = arith.maximumf %gather3A_649, %max3A_651 : vector<16xf32>
    %mul3A_653 = arith.mulf %gather3A_612, %max3A_652 : vector<16xf32>
    %add3A_654 = arith.addf %add3A_576, %mul3A_653 : vector<16xf32>
    %mul3A_655 = arith.mulf %gather3A_616, %max3A_652 : vector<16xf32>
    %add3A_656 = arith.addf %add3A_578, %mul3A_655 : vector<16xf32>
    %broadcast_in_dim3A_657 = arith.constant 7 : i32
    %broadcast_in_dim3A_658 = vector.broadcast %broadcast_in_dim3A_657 : i32 to vector<16xi32>
    %gather3A_659 = tpu.vector_load_idx %arg9[%min3A_47, %broadcast_in_dim3A_658] : memref<101x32xf32, #tpu.memory_space<vmem>>[vector<16xi32>, vector<16xi32>], vector<16xf32>,
    %max3A_660 = arith.constant 0.000000e+00 : f32
    %max3A_661 = vector.broadcast %max3A_660 : f32 to vector<16xf32>
    %max3A_662 = arith.maximumf %gather3A_659, %max3A_661 : vector<16xf32>
    %mul3A_663 = arith.mulf %gather3A_612, %max3A_662 : vector<16xf32>
    %add3A_664 = arith.addf %add3A_586, %mul3A_663 : vector<16xf32>
    %mul3A_665 = arith.mulf %gather3A_616, %max3A_662 : vector<16xf32>
    %add3A_666 = arith.addf %add3A_588, %mul3A_665 : vector<16xf32>
    %broadcast_in_dim3A_667 = arith.constant 7 : i32
    %broadcast_in_dim3A_668 = vector.broadcast %broadcast_in_dim3A_667 : i32 to vector<16xi32>
    %gather3A_669 = tpu.vector_load_idx %arg9[%min3A_53, %broadcast_in_dim3A_668] : memref<101x32xf32, #tpu.memory_space<vmem>>[vector<16xi32>, vector<16xi32>], vector<16xf32>,
    %max3A_670 = arith.constant 0.000000e+00 : f32
    %max3A_671 = vector.broadcast %max3A_670 : f32 to vector<16xf32>
    %max3A_672 = arith.maximumf %gather3A_669, %max3A_671 : vector<16xf32>
    %mul3A_673 = arith.mulf %gather3A_612, %max3A_672 : vector<16xf32>
    %add3A_674 = arith.addf %add3A_596, %mul3A_673 : vector<16xf32>
    %mul3A_675 = arith.mulf %gather3A_616, %max3A_672 : vector<16xf32>
    %add3A_676 = arith.addf %add3A_598, %mul3A_675 : vector<16xf32>
    %broadcast_in_dim3A_677 = arith.constant 7 : i32
    %broadcast_in_dim3A_678 = vector.broadcast %broadcast_in_dim3A_677 : i32 to vector<16xi32>
    %gather3A_679 = tpu.vector_load_idx %arg9[%min3A_59, %broadcast_in_dim3A_678] : memref<101x32xf32, #tpu.memory_space<vmem>>[vector<16xi32>, vector<16xi32>], vector<16xf32>,
    %max3A_680 = arith.constant 0.000000e+00 : f32
    %max3A_681 = vector.broadcast %max3A_680 : f32 to vector<16xf32>
    %max3A_682 = arith.maximumf %gather3A_679, %max3A_681 : vector<16xf32>
    %mul3A_683 = arith.mulf %gather3A_612, %max3A_682 : vector<16xf32>
    %add3A_684 = arith.addf %add3A_606, %mul3A_683 : vector<16xf32>
    %mul3A_685 = arith.mulf %gather3A_616, %max3A_682 : vector<16xf32>
    %add3A_686 = arith.addf %add3A_608, %mul3A_685 : vector<16xf32>
    %broadcast_in_dim3A_687 = vector.broadcast %arg1 : i32 to vector<16xi32>
    %broadcast_in_dim3A_688 = arith.constant 8 : i32
    %broadcast_in_dim3A_689 = vector.broadcast %broadcast_in_dim3A_688 : i32 to vector<16xi32>
    %gather3A_690 = tpu.vector_load_idx %arg11[%broadcast_in_dim3A_687, %broadcast_in_dim3A_689] : memref<32x32xf32, #tpu.memory_space<vmem>>[vector<16xi32>, vector<16xi32>], vector<16xf32>,
    %broadcast_in_dim3A_691 = vector.broadcast %add3A_61 : i32 to vector<16xi32>
    %broadcast_in_dim3A_692 = arith.constant 8 : i32
    %broadcast_in_dim3A_693 = vector.broadcast %broadcast_in_dim3A_692 : i32 to vector<16xi32>
    %gather3A_694 = tpu.vector_load_idx %arg11[%broadcast_in_dim3A_691, %broadcast_in_dim3A_693] : memref<32x32xf32, #tpu.memory_space<vmem>>[vector<16xi32>, vector<16xi32>], vector<16xf32>,
    %broadcast_in_dim3A_695 = arith.constant 8 : i32
    %broadcast_in_dim3A_696 = vector.broadcast %broadcast_in_dim3A_695 : i32 to vector<16xi32>
    %gather3A_697 = tpu.vector_load_idx %arg9[%min3A_23, %broadcast_in_dim3A_696] : memref<101x32xf32, #tpu.memory_space<vmem>>[vector<16xi32>, vector<16xi32>], vector<16xf32>,
    %max3A_698 = arith.constant 0.000000e+00 : f32
    %max3A_699 = vector.broadcast %max3A_698 : f32 to vector<16xf32>
    %max3A_700 = arith.maximumf %gather3A_697, %max3A_699 : vector<16xf32>
    %mul3A_701 = arith.mulf %gather3A_690, %max3A_700 : vector<16xf32>
    %add3A_702 = arith.addf %add3A_624, %mul3A_701 : vector<16xf32>
    %mul3A_703 = arith.mulf %gather3A_694, %max3A_700 : vector<16xf32>
    %add3A_704 = arith.addf %add3A_626, %mul3A_703 : vector<16xf32>
    %broadcast_in_dim3A_705 = arith.constant 8 : i32
    %broadcast_in_dim3A_706 = vector.broadcast %broadcast_in_dim3A_705 : i32 to vector<16xi32>
    %gather3A_707 = tpu.vector_load_idx %arg9[%min3A_29, %broadcast_in_dim3A_706] : memref<101x32xf32, #tpu.memory_space<vmem>>[vector<16xi32>, vector<16xi32>], vector<16xf32>,
    %max3A_708 = arith.constant 0.000000e+00 : f32
    %max3A_709 = vector.broadcast %max3A_708 : f32 to vector<16xf32>
    %max3A_710 = arith.maximumf %gather3A_707, %max3A_709 : vector<16xf32>
    %mul3A_711 = arith.mulf %gather3A_690, %max3A_710 : vector<16xf32>
    %add3A_712 = arith.addf %add3A_634, %mul3A_711 : vector<16xf32>
    %mul3A_713 = arith.mulf %gather3A_694, %max3A_710 : vector<16xf32>
    %add3A_714 = arith.addf %add3A_636, %mul3A_713 : vector<16xf32>
    %broadcast_in_dim3A_715 = arith.constant 8 : i32
    %broadcast_in_dim3A_716 = vector.broadcast %broadcast_in_dim3A_715 : i32 to vector<16xi32>
    %gather3A_717 = tpu.vector_load_idx %arg9[%min3A_35, %broadcast_in_dim3A_716] : memref<101x32xf32, #tpu.memory_space<vmem>>[vector<16xi32>, vector<16xi32>], vector<16xf32>,
    %max3A_718 = arith.constant 0.000000e+00 : f32
    %max3A_719 = vector.broadcast %max3A_718 : f32 to vector<16xf32>
    %max3A_720 = arith.maximumf %gather3A_717, %max3A_719 : vector<16xf32>
    %mul3A_721 = arith.mulf %gather3A_690, %max3A_720 : vector<16xf32>
    %add3A_722 = arith.addf %add3A_644, %mul3A_721 : vector<16xf32>
    %mul3A_723 = arith.mulf %gather3A_694, %max3A_720 : vector<16xf32>
    %add3A_724 = arith.addf %add3A_646, %mul3A_723 : vector<16xf32>
    %broadcast_in_dim3A_725 = arith.constant 8 : i32
    %broadcast_in_dim3A_726 = vector.broadcast %broadcast_in_dim3A_725 : i32 to vector<16xi32>
    %gather3A_727 = tpu.vector_load_idx %arg9[%min3A_41, %broadcast_in_dim3A_726] : memref<101x32xf32, #tpu.memory_space<vmem>>[vector<16xi32>, vector<16xi32>], vector<16xf32>,
    %max3A_728 = arith.constant 0.000000e+00 : f32
    %max3A_729 = vector.broadcast %max3A_728 : f32 to vector<16xf32>
    %max3A_730 = arith.maximumf %gather3A_727, %max3A_729 : vector<16xf32>
    %mul3A_731 = arith.mulf %gather3A_690, %max3A_730 : vector<16xf32>
    %add3A_732 = arith.addf %add3A_654, %mul3A_731 : vector<16xf32>
    %mul3A_733 = arith.mulf %gather3A_694, %max3A_730 : vector<16xf32>
    %add3A_734 = arith.addf %add3A_656, %mul3A_733 : vector<16xf32>
    %broadcast_in_dim3A_735 = arith.constant 8 : i32
    %broadcast_in_dim3A_736 = vector.broadcast %broadcast_in_dim3A_735 : i32 to vector<16xi32>
    %gather3A_737 = tpu.vector_load_idx %arg9[%min3A_47, %broadcast_in_dim3A_736] : memref<101x32xf32, #tpu.memory_space<vmem>>[vector<16xi32>, vector<16xi32>], vector<16xf32>,
    %max3A_738 = arith.constant 0.000000e+00 : f32
    %max3A_739 = vector.broadcast %max3A_738 : f32 to vector<16xf32>
    %max3A_740 = arith.maximumf %gather3A_737, %max3A_739 : vector<16xf32>
    %mul3A_741 = arith.mulf %gather3A_690, %max3A_740 : vector<16xf32>
    %add3A_742 = arith.addf %add3A_664, %mul3A_741 : vector<16xf32>
    %mul3A_743 = arith.mulf %gather3A_694, %max3A_740 : vector<16xf32>
    %add3A_744 = arith.addf %add3A_666, %mul3A_743 : vector<16xf32>
    %broadcast_in_dim3A_745 = arith.constant 8 : i32
    %broadcast_in_dim3A_746 = vector.broadcast %broadcast_in_dim3A_745 : i32 to vector<16xi32>
    %gather3A_747 = tpu.vector_load_idx %arg9[%min3A_53, %broadcast_in_dim3A_746] : memref<101x32xf32, #tpu.memory_space<vmem>>[vector<16xi32>, vector<16xi32>], vector<16xf32>,
    %max3A_748 = arith.constant 0.000000e+00 : f32
    %max3A_749 = vector.broadcast %max3A_748 : f32 to vector<16xf32>
    %max3A_750 = arith.maximumf %gather3A_747, %max3A_749 : vector<16xf32>
    %mul3A_751 = arith.mulf %gather3A_690, %max3A_750 : vector<16xf32>
    %add3A_752 = arith.addf %add3A_674, %mul3A_751 : vector<16xf32>
    %mul3A_753 = arith.mulf %gather3A_694, %max3A_750 : vector<16xf32>
    %add3A_754 = arith.addf %add3A_676, %mul3A_753 : vector<16xf32>
    %broadcast_in_dim3A_755 = arith.constant 8 : i32
    %broadcast_in_dim3A_756 = vector.broadcast %broadcast_in_dim3A_755 : i32 to vector<16xi32>
    %gather3A_757 = tpu.vector_load_idx %arg9[%min3A_59, %broadcast_in_dim3A_756] : memref<101x32xf32, #tpu.memory_space<vmem>>[vector<16xi32>, vector<16xi32>], vector<16xf32>,
    %max3A_758 = arith.constant 0.000000e+00 : f32
    %max3A_759 = vector.broadcast %max3A_758 : f32 to vector<16xf32>
    %max3A_760 = arith.maximumf %gather3A_757, %max3A_759 : vector<16xf32>
    %mul3A_761 = arith.mulf %gather3A_690, %max3A_760 : vector<16xf32>
    %add3A_762 = arith.addf %add3A_684, %mul3A_761 : vector<16xf32>
    %mul3A_763 = arith.mulf %gather3A_694, %max3A_760 : vector<16xf32>
    %add3A_764 = arith.addf %add3A_686, %mul3A_763 : vector<16xf32>
    %broadcast_in_dim3A_765 = vector.broadcast %arg1 : i32 to vector<16xi32>
    %broadcast_in_dim3A_766 = arith.constant 9 : i32
    %broadcast_in_dim3A_767 = vector.broadcast %broadcast_in_dim3A_766 : i32 to vector<16xi32>
    %gather3A_768 = tpu.vector_load_idx %arg11[%broadcast_in_dim3A_765, %broadcast_in_dim3A_767] : memref<32x32xf32, #tpu.memory_space<vmem>>[vector<16xi32>, vector<16xi32>], vector<16xf32>,
    %broadcast_in_dim3A_769 = vector.broadcast %add3A_61 : i32 to vector<16xi32>
    %broadcast_in_dim3A_770 = arith.constant 9 : i32
    %broadcast_in_dim3A_771 = vector.broadcast %broadcast_in_dim3A_770 : i32 to vector<16xi32>
    %gather3A_772 = tpu.vector_load_idx %arg11[%broadcast_in_dim3A_769, %broadcast_in_dim3A_771] : memref<32x32xf32, #tpu.memory_space<vmem>>[vector<16xi32>, vector<16xi32>], vector<16xf32>,
    %broadcast_in_dim3A_773 = arith.constant 9 : i32
    %broadcast_in_dim3A_774 = vector.broadcast %broadcast_in_dim3A_773 : i32 to vector<16xi32>
    %gather3A_775 = tpu.vector_load_idx %arg9[%min3A_23, %broadcast_in_dim3A_774] : memref<101x32xf32, #tpu.memory_space<vmem>>[vector<16xi32>, vector<16xi32>], vector<16xf32>,
    %max3A_776 = arith.constant 0.000000e+00 : f32
    %max3A_777 = vector.broadcast %max3A_776 : f32 to vector<16xf32>
    %max3A_778 = arith.maximumf %gather3A_775, %max3A_777 : vector<16xf32>
    %mul3A_779 = arith.mulf %gather3A_768, %max3A_778 : vector<16xf32>
    %add3A_780 = arith.addf %add3A_702, %mul3A_779 : vector<16xf32>
    %mul3A_781 = arith.mulf %gather3A_772, %max3A_778 : vector<16xf32>
    %add3A_782 = arith.addf %add3A_704, %mul3A_781 : vector<16xf32>
    %broadcast_in_dim3A_783 = arith.constant 9 : i32
    %broadcast_in_dim3A_784 = vector.broadcast %broadcast_in_dim3A_783 : i32 to vector<16xi32>
    %gather3A_785 = tpu.vector_load_idx %arg9[%min3A_29, %broadcast_in_dim3A_784] : memref<101x32xf32, #tpu.memory_space<vmem>>[vector<16xi32>, vector<16xi32>], vector<16xf32>,
    %max3A_786 = arith.constant 0.000000e+00 : f32
    %max3A_787 = vector.broadcast %max3A_786 : f32 to vector<16xf32>
    %max3A_788 = arith.maximumf %gather3A_785, %max3A_787 : vector<16xf32>
    %mul3A_789 = arith.mulf %gather3A_768, %max3A_788 : vector<16xf32>
    %add3A_790 = arith.addf %add3A_712, %mul3A_789 : vector<16xf32>
    %mul3A_791 = arith.mulf %gather3A_772, %max3A_788 : vector<16xf32>
    %add3A_792 = arith.addf %add3A_714, %mul3A_791 : vector<16xf32>
    %broadcast_in_dim3A_793 = arith.constant 9 : i32
    %broadcast_in_dim3A_794 = vector.broadcast %broadcast_in_dim3A_793 : i32 to vector<16xi32>
    %gather3A_795 = tpu.vector_load_idx %arg9[%min3A_35, %broadcast_in_dim3A_794] : memref<101x32xf32, #tpu.memory_space<vmem>>[vector<16xi32>, vector<16xi32>], vector<16xf32>,
    %max3A_796 = arith.constant 0.000000e+00 : f32
    %max3A_797 = vector.broadcast %max3A_796 : f32 to vector<16xf32>
    %max3A_798 = arith.maximumf %gather3A_795, %max3A_797 : vector<16xf32>
    %mul3A_799 = arith.mulf %gather3A_768, %max3A_798 : vector<16xf32>
    %add3A_800 = arith.addf %add3A_722, %mul3A_799 : vector<16xf32>
    %mul3A_801 = arith.mulf %gather3A_772, %max3A_798 : vector<16xf32>
    %add3A_802 = arith.addf %add3A_724, %mul3A_801 : vector<16xf32>
    %broadcast_in_dim3A_803 = arith.constant 9 : i32
    %broadcast_in_dim3A_804 = vector.broadcast %broadcast_in_dim3A_803 : i32 to vector<16xi32>
    %gather3A_805 = tpu.vector_load_idx %arg9[%min3A_41, %broadcast_in_dim3A_804] : memref<101x32xf32, #tpu.memory_space<vmem>>[vector<16xi32>, vector<16xi32>], vector<16xf32>,
    %max3A_806 = arith.constant 0.000000e+00 : f32
    %max3A_807 = vector.broadcast %max3A_806 : f32 to vector<16xf32>
    %max3A_808 = arith.maximumf %gather3A_805, %max3A_807 : vector<16xf32>
    %mul3A_809 = arith.mulf %gather3A_768, %max3A_808 : vector<16xf32>
    %add3A_810 = arith.addf %add3A_732, %mul3A_809 : vector<16xf32>
    %mul3A_811 = arith.mulf %gather3A_772, %max3A_808 : vector<16xf32>
    %add3A_812 = arith.addf %add3A_734, %mul3A_811 : vector<16xf32>
    %broadcast_in_dim3A_813 = arith.constant 9 : i32
    %broadcast_in_dim3A_814 = vector.broadcast %broadcast_in_dim3A_813 : i32 to vector<16xi32>
    %gather3A_815 = tpu.vector_load_idx %arg9[%min3A_47, %broadcast_in_dim3A_814] : memref<101x32xf32, #tpu.memory_space<vmem>>[vector<16xi32>, vector<16xi32>], vector<16xf32>,
    %max3A_816 = arith.constant 0.000000e+00 : f32
    %max3A_817 = vector.broadcast %max3A_816 : f32 to vector<16xf32>
    %max3A_818 = arith.maximumf %gather3A_815, %max3A_817 : vector<16xf32>
    %mul3A_819 = arith.mulf %gather3A_768, %max3A_818 : vector<16xf32>
    %add3A_820 = arith.addf %add3A_742, %mul3A_819 : vector<16xf32>
    %mul3A_821 = arith.mulf %gather3A_772, %max3A_818 : vector<16xf32>
    %add3A_822 = arith.addf %add3A_744, %mul3A_821 : vector<16xf32>
    %broadcast_in_dim3A_823 = arith.constant 9 : i32
    %broadcast_in_dim3A_824 = vector.broadcast %broadcast_in_dim3A_823 : i32 to vector<16xi32>
    %gather3A_825 = tpu.vector_load_idx %arg9[%min3A_53, %broadcast_in_dim3A_824] : memref<101x32xf32, #tpu.memory_space<vmem>>[vector<16xi32>, vector<16xi32>], vector<16xf32>,
    %max3A_826 = arith.constant 0.000000e+00 : f32
    %max3A_827 = vector.broadcast %max3A_826 : f32 to vector<16xf32>
    %max3A_828 = arith.maximumf %gather3A_825, %max3A_827 : vector<16xf32>
    %mul3A_829 = arith.mulf %gather3A_768, %max3A_828 : vector<16xf32>
    %add3A_830 = arith.addf %add3A_752, %mul3A_829 : vector<16xf32>
    %mul3A_831 = arith.mulf %gather3A_772, %max3A_828 : vector<16xf32>
    %add3A_832 = arith.addf %add3A_754, %mul3A_831 : vector<16xf32>
    %broadcast_in_dim3A_833 = arith.constant 9 : i32
    %broadcast_in_dim3A_834 = vector.broadcast %broadcast_in_dim3A_833 : i32 to vector<16xi32>
    %gather3A_835 = tpu.vector_load_idx %arg9[%min3A_59, %broadcast_in_dim3A_834] : memref<101x32xf32, #tpu.memory_space<vmem>>[vector<16xi32>, vector<16xi32>], vector<16xf32>,
    %max3A_836 = arith.constant 0.000000e+00 : f32
    %max3A_837 = vector.broadcast %max3A_836 : f32 to vector<16xf32>
    %max3A_838 = arith.maximumf %gather3A_835, %max3A_837 : vector<16xf32>
    %mul3A_839 = arith.mulf %gather3A_768, %max3A_838 : vector<16xf32>
    %add3A_840 = arith.addf %add3A_762, %mul3A_839 : vector<16xf32>
    %mul3A_841 = arith.mulf %gather3A_772, %max3A_838 : vector<16xf32>
    %add3A_842 = arith.addf %add3A_764, %mul3A_841 : vector<16xf32>
    %broadcast_in_dim3A_843 = vector.broadcast %arg1 : i32 to vector<16xi32>
    %broadcast_in_dim3A_844 = arith.constant 10 : i32
    %broadcast_in_dim3A_845 = vector.broadcast %broadcast_in_dim3A_844 : i32 to vector<16xi32>
    %gather3A_846 = tpu.vector_load_idx %arg11[%broadcast_in_dim3A_843, %broadcast_in_dim3A_845] : memref<32x32xf32, #tpu.memory_space<vmem>>[vector<16xi32>, vector<16xi32>], vector<16xf32>,
    %broadcast_in_dim3A_847 = vector.broadcast %add3A_61 : i32 to vector<16xi32>
    %broadcast_in_dim3A_848 = arith.constant 10 : i32
    %broadcast_in_dim3A_849 = vector.broadcast %broadcast_in_dim3A_848 : i32 to vector<16xi32>
    %gather3A_850 = tpu.vector_load_idx %arg11[%broadcast_in_dim3A_847, %broadcast_in_dim3A_849] : memref<32x32xf32, #tpu.memory_space<vmem>>[vector<16xi32>, vector<16xi32>], vector<16xf32>,
    %broadcast_in_dim3A_851 = arith.constant 10 : i32
    %broadcast_in_dim3A_852 = vector.broadcast %broadcast_in_dim3A_851 : i32 to vector<16xi32>
    %gather3A_853 = tpu.vector_load_idx %arg9[%min3A_23, %broadcast_in_dim3A_852] : memref<101x32xf32, #tpu.memory_space<vmem>>[vector<16xi32>, vector<16xi32>], vector<16xf32>,
    %max3A_854 = arith.constant 0.000000e+00 : f32
    %max3A_855 = vector.broadcast %max3A_854 : f32 to vector<16xf32>
    %max3A_856 = arith.maximumf %gather3A_853, %max3A_855 : vector<16xf32>
    %mul3A_857 = arith.mulf %gather3A_846, %max3A_856 : vector<16xf32>
    %add3A_858 = arith.addf %add3A_780, %mul3A_857 : vector<16xf32>
    %mul3A_859 = arith.mulf %gather3A_850, %max3A_856 : vector<16xf32>
    %add3A_860 = arith.addf %add3A_782, %mul3A_859 : vector<16xf32>
    %broadcast_in_dim3A_861 = arith.constant 10 : i32
    %broadcast_in_dim3A_862 = vector.broadcast %broadcast_in_dim3A_861 : i32 to vector<16xi32>
    %gather3A_863 = tpu.vector_load_idx %arg9[%min3A_29, %broadcast_in_dim3A_862] : memref<101x32xf32, #tpu.memory_space<vmem>>[vector<16xi32>, vector<16xi32>], vector<16xf32>,
    %max3A_864 = arith.constant 0.000000e+00 : f32
    %max3A_865 = vector.broadcast %max3A_864 : f32 to vector<16xf32>
    %max3A_866 = arith.maximumf %gather3A_863, %max3A_865 : vector<16xf32>
    %mul3A_867 = arith.mulf %gather3A_846, %max3A_866 : vector<16xf32>
    %add3A_868 = arith.addf %add3A_790, %mul3A_867 : vector<16xf32>
    %mul3A_869 = arith.mulf %gather3A_850, %max3A_866 : vector<16xf32>
    %add3A_870 = arith.addf %add3A_792, %mul3A_869 : vector<16xf32>
    %broadcast_in_dim3A_871 = arith.constant 10 : i32
    %broadcast_in_dim3A_872 = vector.broadcast %broadcast_in_dim3A_871 : i32 to vector<16xi32>
    %gather3A_873 = tpu.vector_load_idx %arg9[%min3A_35, %broadcast_in_dim3A_872] : memref<101x32xf32, #tpu.memory_space<vmem>>[vector<16xi32>, vector<16xi32>], vector<16xf32>,
    %max3A_874 = arith.constant 0.000000e+00 : f32
    %max3A_875 = vector.broadcast %max3A_874 : f32 to vector<16xf32>
    %max3A_876 = arith.maximumf %gather3A_873, %max3A_875 : vector<16xf32>
    %mul3A_877 = arith.mulf %gather3A_846, %max3A_876 : vector<16xf32>
    %add3A_878 = arith.addf %add3A_800, %mul3A_877 : vector<16xf32>
    %mul3A_879 = arith.mulf %gather3A_850, %max3A_876 : vector<16xf32>
    %add3A_880 = arith.addf %add3A_802, %mul3A_879 : vector<16xf32>
    %broadcast_in_dim3A_881 = arith.constant 10 : i32
    %broadcast_in_dim3A_882 = vector.broadcast %broadcast_in_dim3A_881 : i32 to vector<16xi32>
    %gather3A_883 = tpu.vector_load_idx %arg9[%min3A_41, %broadcast_in_dim3A_882] : memref<101x32xf32, #tpu.memory_space<vmem>>[vector<16xi32>, vector<16xi32>], vector<16xf32>,
    %max3A_884 = arith.constant 0.000000e+00 : f32
    %max3A_885 = vector.broadcast %max3A_884 : f32 to vector<16xf32>
    %max3A_886 = arith.maximumf %gather3A_883, %max3A_885 : vector<16xf32>
    %mul3A_887 = arith.mulf %gather3A_846, %max3A_886 : vector<16xf32>
    %add3A_888 = arith.addf %add3A_810, %mul3A_887 : vector<16xf32>
    %mul3A_889 = arith.mulf %gather3A_850, %max3A_886 : vector<16xf32>
    %add3A_890 = arith.addf %add3A_812, %mul3A_889 : vector<16xf32>
    %broadcast_in_dim3A_891 = arith.constant 10 : i32
    %broadcast_in_dim3A_892 = vector.broadcast %broadcast_in_dim3A_891 : i32 to vector<16xi32>
    %gather3A_893 = tpu.vector_load_idx %arg9[%min3A_47, %broadcast_in_dim3A_892] : memref<101x32xf32, #tpu.memory_space<vmem>>[vector<16xi32>, vector<16xi32>], vector<16xf32>,
    %max3A_894 = arith.constant 0.000000e+00 : f32
    %max3A_895 = vector.broadcast %max3A_894 : f32 to vector<16xf32>
    %max3A_896 = arith.maximumf %gather3A_893, %max3A_895 : vector<16xf32>
    %mul3A_897 = arith.mulf %gather3A_846, %max3A_896 : vector<16xf32>
    %add3A_898 = arith.addf %add3A_820, %mul3A_897 : vector<16xf32>
    %mul3A_899 = arith.mulf %gather3A_850, %max3A_896 : vector<16xf32>
    %add3A_900 = arith.addf %add3A_822, %mul3A_899 : vector<16xf32>
    %broadcast_in_dim3A_901 = arith.constant 10 : i32
    %broadcast_in_dim3A_902 = vector.broadcast %broadcast_in_dim3A_901 : i32 to vector<16xi32>
    %gather3A_903 = tpu.vector_load_idx %arg9[%min3A_53, %broadcast_in_dim3A_902] : memref<101x32xf32, #tpu.memory_space<vmem>>[vector<16xi32>, vector<16xi32>], vector<16xf32>,
    %max3A_904 = arith.constant 0.000000e+00 : f32
    %max3A_905 = vector.broadcast %max3A_904 : f32 to vector<16xf32>
    %max3A_906 = arith.maximumf %gather3A_903, %max3A_905 : vector<16xf32>
    %mul3A_907 = arith.mulf %gather3A_846, %max3A_906 : vector<16xf32>
    %add3A_908 = arith.addf %add3A_830, %mul3A_907 : vector<16xf32>
    %mul3A_909 = arith.mulf %gather3A_850, %max3A_906 : vector<16xf32>
    %add3A_910 = arith.addf %add3A_832, %mul3A_909 : vector<16xf32>
    %broadcast_in_dim3A_911 = arith.constant 10 : i32
    %broadcast_in_dim3A_912 = vector.broadcast %broadcast_in_dim3A_911 : i32 to vector<16xi32>
    %gather3A_913 = tpu.vector_load_idx %arg9[%min3A_59, %broadcast_in_dim3A_912] : memref<101x32xf32, #tpu.memory_space<vmem>>[vector<16xi32>, vector<16xi32>], vector<16xf32>,
    %max3A_914 = arith.constant 0.000000e+00 : f32
    %max3A_915 = vector.broadcast %max3A_914 : f32 to vector<16xf32>
    %max3A_916 = arith.maximumf %gather3A_913, %max3A_915 : vector<16xf32>
    %mul3A_917 = arith.mulf %gather3A_846, %max3A_916 : vector<16xf32>
    %add3A_918 = arith.addf %add3A_840, %mul3A_917 : vector<16xf32>
    %mul3A_919 = arith.mulf %gather3A_850, %max3A_916 : vector<16xf32>
    %add3A_920 = arith.addf %add3A_842, %mul3A_919 : vector<16xf32>
    %broadcast_in_dim3A_921 = vector.broadcast %arg1 : i32 to vector<16xi32>
    %broadcast_in_dim3A_922 = arith.constant 11 : i32
    %broadcast_in_dim3A_923 = vector.broadcast %broadcast_in_dim3A_922 : i32 to vector<16xi32>
    %gather3A_924 = tpu.vector_load_idx %arg11[%broadcast_in_dim3A_921, %broadcast_in_dim3A_923] : memref<32x32xf32, #tpu.memory_space<vmem>>[vector<16xi32>, vector<16xi32>], vector<16xf32>,
    %broadcast_in_dim3A_925 = vector.broadcast %add3A_61 : i32 to vector<16xi32>
    %broadcast_in_dim3A_926 = arith.constant 11 : i32
    %broadcast_in_dim3A_927 = vector.broadcast %broadcast_in_dim3A_926 : i32 to vector<16xi32>
    %gather3A_928 = tpu.vector_load_idx %arg11[%broadcast_in_dim3A_925, %broadcast_in_dim3A_927] : memref<32x32xf32, #tpu.memory_space<vmem>>[vector<16xi32>, vector<16xi32>], vector<16xf32>,
    %broadcast_in_dim3A_929 = arith.constant 11 : i32
    %broadcast_in_dim3A_930 = vector.broadcast %broadcast_in_dim3A_929 : i32 to vector<16xi32>
    %gather3A_931 = tpu.vector_load_idx %arg9[%min3A_23, %broadcast_in_dim3A_930] : memref<101x32xf32, #tpu.memory_space<vmem>>[vector<16xi32>, vector<16xi32>], vector<16xf32>,
    %max3A_932 = arith.constant 0.000000e+00 : f32
    %max3A_933 = vector.broadcast %max3A_932 : f32 to vector<16xf32>
    %max3A_934 = arith.maximumf %gather3A_931, %max3A_933 : vector<16xf32>
    %mul3A_935 = arith.mulf %gather3A_924, %max3A_934 : vector<16xf32>
    %add3A_936 = arith.addf %add3A_858, %mul3A_935 : vector<16xf32>
    %mul3A_937 = arith.mulf %gather3A_928, %max3A_934 : vector<16xf32>
    %add3A_938 = arith.addf %add3A_860, %mul3A_937 : vector<16xf32>
    %broadcast_in_dim3A_939 = arith.constant 11 : i32
    %broadcast_in_dim3A_940 = vector.broadcast %broadcast_in_dim3A_939 : i32 to vector<16xi32>
    %gather3A_941 = tpu.vector_load_idx %arg9[%min3A_29, %broadcast_in_dim3A_940] : memref<101x32xf32, #tpu.memory_space<vmem>>[vector<16xi32>, vector<16xi32>], vector<16xf32>,
    %max3A_942 = arith.constant 0.000000e+00 : f32
    %max3A_943 = vector.broadcast %max3A_942 : f32 to vector<16xf32>
    %max3A_944 = arith.maximumf %gather3A_941, %max3A_943 : vector<16xf32>
    %mul3A_945 = arith.mulf %gather3A_924, %max3A_944 : vector<16xf32>
    %add3A_946 = arith.addf %add3A_868, %mul3A_945 : vector<16xf32>
    %mul3A_947 = arith.mulf %gather3A_928, %max3A_944 : vector<16xf32>
    %add3A_948 = arith.addf %add3A_870, %mul3A_947 : vector<16xf32>
    %broadcast_in_dim3A_949 = arith.constant 11 : i32
    %broadcast_in_dim3A_950 = vector.broadcast %broadcast_in_dim3A_949 : i32 to vector<16xi32>
    %gather3A_951 = tpu.vector_load_idx %arg9[%min3A_35, %broadcast_in_dim3A_950] : memref<101x32xf32, #tpu.memory_space<vmem>>[vector<16xi32>, vector<16xi32>], vector<16xf32>,
    %max3A_952 = arith.constant 0.000000e+00 : f32
    %max3A_953 = vector.broadcast %max3A_952 : f32 to vector<16xf32>
    %max3A_954 = arith.maximumf %gather3A_951, %max3A_953 : vector<16xf32>
    %mul3A_955 = arith.mulf %gather3A_924, %max3A_954 : vector<16xf32>
    %add3A_956 = arith.addf %add3A_878, %mul3A_955 : vector<16xf32>
    %mul3A_957 = arith.mulf %gather3A_928, %max3A_954 : vector<16xf32>
    %add3A_958 = arith.addf %add3A_880, %mul3A_957 : vector<16xf32>
    %broadcast_in_dim3A_959 = arith.constant 11 : i32
    %broadcast_in_dim3A_960 = vector.broadcast %broadcast_in_dim3A_959 : i32 to vector<16xi32>
    %gather3A_961 = tpu.vector_load_idx %arg9[%min3A_41, %broadcast_in_dim3A_960] : memref<101x32xf32, #tpu.memory_space<vmem>>[vector<16xi32>, vector<16xi32>], vector<16xf32>,
    %max3A_962 = arith.constant 0.000000e+00 : f32
    %max3A_963 = vector.broadcast %max3A_962 : f32 to vector<16xf32>
    %max3A_964 = arith.maximumf %gather3A_961, %max3A_963 : vector<16xf32>
    %mul3A_965 = arith.mulf %gather3A_924, %max3A_964 : vector<16xf32>
    %add3A_966 = arith.addf %add3A_888, %mul3A_965 : vector<16xf32>
    %mul3A_967 = arith.mulf %gather3A_928, %max3A_964 : vector<16xf32>
    %add3A_968 = arith.addf %add3A_890, %mul3A_967 : vector<16xf32>
    %broadcast_in_dim3A_969 = arith.constant 11 : i32
    %broadcast_in_dim3A_970 = vector.broadcast %broadcast_in_dim3A_969 : i32 to vector<16xi32>
    %gather3A_971 = tpu.vector_load_idx %arg9[%min3A_47, %broadcast_in_dim3A_970] : memref<101x32xf32, #tpu.memory_space<vmem>>[vector<16xi32>, vector<16xi32>], vector<16xf32>,
    %max3A_972 = arith.constant 0.000000e+00 : f32
    %max3A_973 = vector.broadcast %max3A_972 : f32 to vector<16xf32>
    %max3A_974 = arith.maximumf %gather3A_971, %max3A_973 : vector<16xf32>
    %mul3A_975 = arith.mulf %gather3A_924, %max3A_974 : vector<16xf32>
    %add3A_976 = arith.addf %add3A_898, %mul3A_975 : vector<16xf32>
    %mul3A_977 = arith.mulf %gather3A_928, %max3A_974 : vector<16xf32>
    %add3A_978 = arith.addf %add3A_900, %mul3A_977 : vector<16xf32>
    %broadcast_in_dim3A_979 = arith.constant 11 : i32
    %broadcast_in_dim3A_980 = vector.broadcast %broadcast_in_dim3A_979 : i32 to vector<16xi32>
    %gather3A_981 = tpu.vector_load_idx %arg9[%min3A_53, %broadcast_in_dim3A_980] : memref<101x32xf32, #tpu.memory_space<vmem>>[vector<16xi32>, vector<16xi32>], vector<16xf32>,
    %max3A_982 = arith.constant 0.000000e+00 : f32
    %max3A_983 = vector.broadcast %max3A_982 : f32 to vector<16xf32>
    %max3A_984 = arith.maximumf %gather3A_981, %max3A_983 : vector<16xf32>
    %mul3A_985 = arith.mulf %gather3A_924, %max3A_984 : vector<16xf32>
    %add3A_986 = arith.addf %add3A_908, %mul3A_985 : vector<16xf32>
    %mul3A_987 = arith.mulf %gather3A_928, %max3A_984 : vector<16xf32>
    %add3A_988 = arith.addf %add3A_910, %mul3A_987 : vector<16xf32>
    %broadcast_in_dim3A_989 = arith.constant 11 : i32
    %broadcast_in_dim3A_990 = vector.broadcast %broadcast_in_dim3A_989 : i32 to vector<16xi32>
    %gather3A_991 = tpu.vector_load_idx %arg9[%min3A_59, %broadcast_in_dim3A_990] : memref<101x32xf32, #tpu.memory_space<vmem>>[vector<16xi32>, vector<16xi32>], vector<16xf32>,
    %max3A_992 = arith.constant 0.000000e+00 : f32
    %max3A_993 = vector.broadcast %max3A_992 : f32 to vector<16xf32>
    %max3A_994 = arith.maximumf %gather3A_991, %max3A_993 : vector<16xf32>
    %mul3A_995 = arith.mulf %gather3A_924, %max3A_994 : vector<16xf32>
    %add3A_996 = arith.addf %add3A_918, %mul3A_995 : vector<16xf32>
    %mul3A_997 = arith.mulf %gather3A_928, %max3A_994 : vector<16xf32>
    %add3A_998 = arith.addf %add3A_920, %mul3A_997 : vector<16xf32>
    %broadcast_in_dim3A_999 = vector.broadcast %arg1 : i32 to vector<16xi32>
    %broadcast_in_dim3A_1000 = arith.constant 12 : i32
    %broadcast_in_dim3A_1001 = vector.broadcast %broadcast_in_dim3A_1000 : i32 to vector<16xi32>
    %gather3A_1002 = tpu.vector_load_idx %arg11[%broadcast_in_dim3A_999, %broadcast_in_dim3A_1001] : memref<32x32xf32, #tpu.memory_space<vmem>>[vector<16xi32>, vector<16xi32>], vector<16xf32>,
    %broadcast_in_dim3A_1003 = vector.broadcast %add3A_61 : i32 to vector<16xi32>
    %broadcast_in_dim3A_1004 = arith.constant 12 : i32
    %broadcast_in_dim3A_1005 = vector.broadcast %broadcast_in_dim3A_1004 : i32 to vector<16xi32>
    %gather3A_1006 = tpu.vector_load_idx %arg11[%broadcast_in_dim3A_1003, %broadcast_in_dim3A_1005] : memref<32x32xf32, #tpu.memory_space<vmem>>[vector<16xi32>, vector<16xi32>], vector<16xf32>,
    %broadcast_in_dim3A_1007 = arith.constant 12 : i32
    %broadcast_in_dim3A_1008 = vector.broadcast %broadcast_in_dim3A_1007 : i32 to vector<16xi32>
    %gather3A_1009 = tpu.vector_load_idx %arg9[%min3A_23, %broadcast_in_dim3A_1008] : memref<101x32xf32, #tpu.memory_space<vmem>>[vector<16xi32>, vector<16xi32>], vector<16xf32>,
    %max3A_1010 = arith.constant 0.000000e+00 : f32
    %max3A_1011 = vector.broadcast %max3A_1010 : f32 to vector<16xf32>
    %max3A_1012 = arith.maximumf %gather3A_1009, %max3A_1011 : vector<16xf32>
    %mul3A_1013 = arith.mulf %gather3A_1002, %max3A_1012 : vector<16xf32>
    %add3A_1014 = arith.addf %add3A_936, %mul3A_1013 : vector<16xf32>
    %mul3A_1015 = arith.mulf %gather3A_1006, %max3A_1012 : vector<16xf32>
    %add3A_1016 = arith.addf %add3A_938, %mul3A_1015 : vector<16xf32>
    %broadcast_in_dim3A_1017 = arith.constant 12 : i32
    %broadcast_in_dim3A_1018 = vector.broadcast %broadcast_in_dim3A_1017 : i32 to vector<16xi32>
    %gather3A_1019 = tpu.vector_load_idx %arg9[%min3A_29, %broadcast_in_dim3A_1018] : memref<101x32xf32, #tpu.memory_space<vmem>>[vector<16xi32>, vector<16xi32>], vector<16xf32>,
    %max3A_1020 = arith.constant 0.000000e+00 : f32
    %max3A_1021 = vector.broadcast %max3A_1020 : f32 to vector<16xf32>
    %max3A_1022 = arith.maximumf %gather3A_1019, %max3A_1021 : vector<16xf32>
    %mul3A_1023 = arith.mulf %gather3A_1002, %max3A_1022 : vector<16xf32>
    %add3A_1024 = arith.addf %add3A_946, %mul3A_1023 : vector<16xf32>
    %mul3A_1025 = arith.mulf %gather3A_1006, %max3A_1022 : vector<16xf32>
    %add3A_1026 = arith.addf %add3A_948, %mul3A_1025 : vector<16xf32>
    %broadcast_in_dim3A_1027 = arith.constant 12 : i32
    %broadcast_in_dim3A_1028 = vector.broadcast %broadcast_in_dim3A_1027 : i32 to vector<16xi32>
    %gather3A_1029 = tpu.vector_load_idx %arg9[%min3A_35, %broadcast_in_dim3A_1028] : memref<101x32xf32, #tpu.memory_space<vmem>>[vector<16xi32>, vector<16xi32>], vector<16xf32>,
    %max3A_1030 = arith.constant 0.000000e+00 : f32
    %max3A_1031 = vector.broadcast %max3A_1030 : f32 to vector<16xf32>
    %max3A_1032 = arith.maximumf %gather3A_1029, %max3A_1031 : vector<16xf32>
    %mul3A_1033 = arith.mulf %gather3A_1002, %max3A_1032 : vector<16xf32>
    %add3A_1034 = arith.addf %add3A_956, %mul3A_1033 : vector<16xf32>
    %mul3A_1035 = arith.mulf %gather3A_1006, %max3A_1032 : vector<16xf32>
    %add3A_1036 = arith.addf %add3A_958, %mul3A_1035 : vector<16xf32>
    %broadcast_in_dim3A_1037 = arith.constant 12 : i32
    %broadcast_in_dim3A_1038 = vector.broadcast %broadcast_in_dim3A_1037 : i32 to vector<16xi32>
    %gather3A_1039 = tpu.vector_load_idx %arg9[%min3A_41, %broadcast_in_dim3A_1038] : memref<101x32xf32, #tpu.memory_space<vmem>>[vector<16xi32>, vector<16xi32>], vector<16xf32>,
    %max3A_1040 = arith.constant 0.000000e+00 : f32
    %max3A_1041 = vector.broadcast %max3A_1040 : f32 to vector<16xf32>
    %max3A_1042 = arith.maximumf %gather3A_1039, %max3A_1041 : vector<16xf32>
    %mul3A_1043 = arith.mulf %gather3A_1002, %max3A_1042 : vector<16xf32>
    %add3A_1044 = arith.addf %add3A_966, %mul3A_1043 : vector<16xf32>
    %mul3A_1045 = arith.mulf %gather3A_1006, %max3A_1042 : vector<16xf32>
    %add3A_1046 = arith.addf %add3A_968, %mul3A_1045 : vector<16xf32>
    %broadcast_in_dim3A_1047 = arith.constant 12 : i32
    %broadcast_in_dim3A_1048 = vector.broadcast %broadcast_in_dim3A_1047 : i32 to vector<16xi32>
    %gather3A_1049 = tpu.vector_load_idx %arg9[%min3A_47, %broadcast_in_dim3A_1048] : memref<101x32xf32, #tpu.memory_space<vmem>>[vector<16xi32>, vector<16xi32>], vector<16xf32>,
    %max3A_1050 = arith.constant 0.000000e+00 : f32
    %max3A_1051 = vector.broadcast %max3A_1050 : f32 to vector<16xf32>
    %max3A_1052 = arith.maximumf %gather3A_1049, %max3A_1051 : vector<16xf32>
    %mul3A_1053 = arith.mulf %gather3A_1002, %max3A_1052 : vector<16xf32>
    %add3A_1054 = arith.addf %add3A_976, %mul3A_1053 : vector<16xf32>
    %mul3A_1055 = arith.mulf %gather3A_1006, %max3A_1052 : vector<16xf32>
    %add3A_1056 = arith.addf %add3A_978, %mul3A_1055 : vector<16xf32>
    %broadcast_in_dim3A_1057 = arith.constant 12 : i32
    %broadcast_in_dim3A_1058 = vector.broadcast %broadcast_in_dim3A_1057 : i32 to vector<16xi32>
    %gather3A_1059 = tpu.vector_load_idx %arg9[%min3A_53, %broadcast_in_dim3A_1058] : memref<101x32xf32, #tpu.memory_space<vmem>>[vector<16xi32>, vector<16xi32>], vector<16xf32>,
    %max3A_1060 = arith.constant 0.000000e+00 : f32
    %max3A_1061 = vector.broadcast %max3A_1060 : f32 to vector<16xf32>
    %max3A_1062 = arith.maximumf %gather3A_1059, %max3A_1061 : vector<16xf32>
    %mul3A_1063 = arith.mulf %gather3A_1002, %max3A_1062 : vector<16xf32>
    %add3A_1064 = arith.addf %add3A_986, %mul3A_1063 : vector<16xf32>
    %mul3A_1065 = arith.mulf %gather3A_1006, %max3A_1062 : vector<16xf32>
    %add3A_1066 = arith.addf %add3A_988, %mul3A_1065 : vector<16xf32>
    %broadcast_in_dim3A_1067 = arith.constant 12 : i32
    %broadcast_in_dim3A_1068 = vector.broadcast %broadcast_in_dim3A_1067 : i32 to vector<16xi32>
    %gather3A_1069 = tpu.vector_load_idx %arg9[%min3A_59, %broadcast_in_dim3A_1068] : memref<101x32xf32, #tpu.memory_space<vmem>>[vector<16xi32>, vector<16xi32>], vector<16xf32>,
    %max3A_1070 = arith.constant 0.000000e+00 : f32
    %max3A_1071 = vector.broadcast %max3A_1070 : f32 to vector<16xf32>
    %max3A_1072 = arith.maximumf %gather3A_1069, %max3A_1071 : vector<16xf32>
    %mul3A_1073 = arith.mulf %gather3A_1002, %max3A_1072 : vector<16xf32>
    %add3A_1074 = arith.addf %add3A_996, %mul3A_1073 : vector<16xf32>
    %mul3A_1075 = arith.mulf %gather3A_1006, %max3A_1072 : vector<16xf32>
    %add3A_1076 = arith.addf %add3A_998, %mul3A_1075 : vector<16xf32>
    %broadcast_in_dim3A_1077 = vector.broadcast %arg1 : i32 to vector<16xi32>
    %broadcast_in_dim3A_1078 = arith.constant 13 : i32
    %broadcast_in_dim3A_1079 = vector.broadcast %broadcast_in_dim3A_1078 : i32 to vector<16xi32>
    %gather3A_1080 = tpu.vector_load_idx %arg11[%broadcast_in_dim3A_1077, %broadcast_in_dim3A_1079] : memref<32x32xf32, #tpu.memory_space<vmem>>[vector<16xi32>, vector<16xi32>], vector<16xf32>,
    %broadcast_in_dim3A_1081 = vector.broadcast %add3A_61 : i32 to vector<16xi32>
    %broadcast_in_dim3A_1082 = arith.constant 13 : i32
    %broadcast_in_dim3A_1083 = vector.broadcast %broadcast_in_dim3A_1082 : i32 to vector<16xi32>
    %gather3A_1084 = tpu.vector_load_idx %arg11[%broadcast_in_dim3A_1081, %broadcast_in_dim3A_1083] : memref<32x32xf32, #tpu.memory_space<vmem>>[vector<16xi32>, vector<16xi32>], vector<16xf32>,
    %broadcast_in_dim3A_1085 = arith.constant 13 : i32
    %broadcast_in_dim3A_1086 = vector.broadcast %broadcast_in_dim3A_1085 : i32 to vector<16xi32>
    %gather3A_1087 = tpu.vector_load_idx %arg9[%min3A_23, %broadcast_in_dim3A_1086] : memref<101x32xf32, #tpu.memory_space<vmem>>[vector<16xi32>, vector<16xi32>], vector<16xf32>,
    %max3A_1088 = arith.constant 0.000000e+00 : f32
    %max3A_1089 = vector.broadcast %max3A_1088 : f32 to vector<16xf32>
    %max3A_1090 = arith.maximumf %gather3A_1087, %max3A_1089 : vector<16xf32>
    %mul3A_1091 = arith.mulf %gather3A_1080, %max3A_1090 : vector<16xf32>
    %add3A_1092 = arith.addf %add3A_1014, %mul3A_1091 : vector<16xf32>
    %mul3A_1093 = arith.mulf %gather3A_1084, %max3A_1090 : vector<16xf32>
    %add3A_1094 = arith.addf %add3A_1016, %mul3A_1093 : vector<16xf32>
    %broadcast_in_dim3A_1095 = arith.constant 13 : i32
    %broadcast_in_dim3A_1096 = vector.broadcast %broadcast_in_dim3A_1095 : i32 to vector<16xi32>
    %gather3A_1097 = tpu.vector_load_idx %arg9[%min3A_29, %broadcast_in_dim3A_1096] : memref<101x32xf32, #tpu.memory_space<vmem>>[vector<16xi32>, vector<16xi32>], vector<16xf32>,
    %max3A_1098 = arith.constant 0.000000e+00 : f32
    %max3A_1099 = vector.broadcast %max3A_1098 : f32 to vector<16xf32>
    %max3A_1100 = arith.maximumf %gather3A_1097, %max3A_1099 : vector<16xf32>
    %mul3A_1101 = arith.mulf %gather3A_1080, %max3A_1100 : vector<16xf32>
    %add3A_1102 = arith.addf %add3A_1024, %mul3A_1101 : vector<16xf32>
    %mul3A_1103 = arith.mulf %gather3A_1084, %max3A_1100 : vector<16xf32>
    %add3A_1104 = arith.addf %add3A_1026, %mul3A_1103 : vector<16xf32>
    %broadcast_in_dim3A_1105 = arith.constant 13 : i32
    %broadcast_in_dim3A_1106 = vector.broadcast %broadcast_in_dim3A_1105 : i32 to vector<16xi32>
    %gather3A_1107 = tpu.vector_load_idx %arg9[%min3A_35, %broadcast_in_dim3A_1106] : memref<101x32xf32, #tpu.memory_space<vmem>>[vector<16xi32>, vector<16xi32>], vector<16xf32>,
    %max3A_1108 = arith.constant 0.000000e+00 : f32
    %max3A_1109 = vector.broadcast %max3A_1108 : f32 to vector<16xf32>
    %max3A_1110 = arith.maximumf %gather3A_1107, %max3A_1109 : vector<16xf32>
    %mul3A_1111 = arith.mulf %gather3A_1080, %max3A_1110 : vector<16xf32>
    %add3A_1112 = arith.addf %add3A_1034, %mul3A_1111 : vector<16xf32>
    %mul3A_1113 = arith.mulf %gather3A_1084, %max3A_1110 : vector<16xf32>
    %add3A_1114 = arith.addf %add3A_1036, %mul3A_1113 : vector<16xf32>
    %broadcast_in_dim3A_1115 = arith.constant 13 : i32
    %broadcast_in_dim3A_1116 = vector.broadcast %broadcast_in_dim3A_1115 : i32 to vector<16xi32>
    %gather3A_1117 = tpu.vector_load_idx %arg9[%min3A_41, %broadcast_in_dim3A_1116] : memref<101x32xf32, #tpu.memory_space<vmem>>[vector<16xi32>, vector<16xi32>], vector<16xf32>,
    %max3A_1118 = arith.constant 0.000000e+00 : f32
    %max3A_1119 = vector.broadcast %max3A_1118 : f32 to vector<16xf32>
    %max3A_1120 = arith.maximumf %gather3A_1117, %max3A_1119 : vector<16xf32>
    %mul3A_1121 = arith.mulf %gather3A_1080, %max3A_1120 : vector<16xf32>
    %add3A_1122 = arith.addf %add3A_1044, %mul3A_1121 : vector<16xf32>
    %mul3A_1123 = arith.mulf %gather3A_1084, %max3A_1120 : vector<16xf32>
    %add3A_1124 = arith.addf %add3A_1046, %mul3A_1123 : vector<16xf32>
    %broadcast_in_dim3A_1125 = arith.constant 13 : i32
    %broadcast_in_dim3A_1126 = vector.broadcast %broadcast_in_dim3A_1125 : i32 to vector<16xi32>
    %gather3A_1127 = tpu.vector_load_idx %arg9[%min3A_47, %broadcast_in_dim3A_1126] : memref<101x32xf32, #tpu.memory_space<vmem>>[vector<16xi32>, vector<16xi32>], vector<16xf32>,
    %max3A_1128 = arith.constant 0.000000e+00 : f32
    %max3A_1129 = vector.broadcast %max3A_1128 : f32 to vector<16xf32>
    %max3A_1130 = arith.maximumf %gather3A_1127, %max3A_1129 : vector<16xf32>
    %mul3A_1131 = arith.mulf %gather3A_1080, %max3A_1130 : vector<16xf32>
    %add3A_1132 = arith.addf %add3A_1054, %mul3A_1131 : vector<16xf32>
    %mul3A_1133 = arith.mulf %gather3A_1084, %max3A_1130 : vector<16xf32>
    %add3A_1134 = arith.addf %add3A_1056, %mul3A_1133 : vector<16xf32>
    %broadcast_in_dim3A_1135 = arith.constant 13 : i32
    %broadcast_in_dim3A_1136 = vector.broadcast %broadcast_in_dim3A_1135 : i32 to vector<16xi32>
    %gather3A_1137 = tpu.vector_load_idx %arg9[%min3A_53, %broadcast_in_dim3A_1136] : memref<101x32xf32, #tpu.memory_space<vmem>>[vector<16xi32>, vector<16xi32>], vector<16xf32>,
    %max3A_1138 = arith.constant 0.000000e+00 : f32
    %max3A_1139 = vector.broadcast %max3A_1138 : f32 to vector<16xf32>
    %max3A_1140 = arith.maximumf %gather3A_1137, %max3A_1139 : vector<16xf32>
    %mul3A_1141 = arith.mulf %gather3A_1080, %max3A_1140 : vector<16xf32>
    %add3A_1142 = arith.addf %add3A_1064, %mul3A_1141 : vector<16xf32>
    %mul3A_1143 = arith.mulf %gather3A_1084, %max3A_1140 : vector<16xf32>
    %add3A_1144 = arith.addf %add3A_1066, %mul3A_1143 : vector<16xf32>
    %broadcast_in_dim3A_1145 = arith.constant 13 : i32
    %broadcast_in_dim3A_1146 = vector.broadcast %broadcast_in_dim3A_1145 : i32 to vector<16xi32>
    %gather3A_1147 = tpu.vector_load_idx %arg9[%min3A_59, %broadcast_in_dim3A_1146] : memref<101x32xf32, #tpu.memory_space<vmem>>[vector<16xi32>, vector<16xi32>], vector<16xf32>,
    %max3A_1148 = arith.constant 0.000000e+00 : f32
    %max3A_1149 = vector.broadcast %max3A_1148 : f32 to vector<16xf32>
    %max3A_1150 = arith.maximumf %gather3A_1147, %max3A_1149 : vector<16xf32>
    %mul3A_1151 = arith.mulf %gather3A_1080, %max3A_1150 : vector<16xf32>
    %add3A_1152 = arith.addf %add3A_1074, %mul3A_1151 : vector<16xf32>
    %mul3A_1153 = arith.mulf %gather3A_1084, %max3A_1150 : vector<16xf32>
    %add3A_1154 = arith.addf %add3A_1076, %mul3A_1153 : vector<16xf32>
    %broadcast_in_dim3A_1155 = vector.broadcast %arg1 : i32 to vector<16xi32>
    %broadcast_in_dim3A_1156 = arith.constant 14 : i32
    %broadcast_in_dim3A_1157 = vector.broadcast %broadcast_in_dim3A_1156 : i32 to vector<16xi32>
    %gather3A_1158 = tpu.vector_load_idx %arg11[%broadcast_in_dim3A_1155, %broadcast_in_dim3A_1157] : memref<32x32xf32, #tpu.memory_space<vmem>>[vector<16xi32>, vector<16xi32>], vector<16xf32>,
    %broadcast_in_dim3A_1159 = vector.broadcast %add3A_61 : i32 to vector<16xi32>
    %broadcast_in_dim3A_1160 = arith.constant 14 : i32
    %broadcast_in_dim3A_1161 = vector.broadcast %broadcast_in_dim3A_1160 : i32 to vector<16xi32>
    %gather3A_1162 = tpu.vector_load_idx %arg11[%broadcast_in_dim3A_1159, %broadcast_in_dim3A_1161] : memref<32x32xf32, #tpu.memory_space<vmem>>[vector<16xi32>, vector<16xi32>], vector<16xf32>,
    %broadcast_in_dim3A_1163 = arith.constant 14 : i32
    %broadcast_in_dim3A_1164 = vector.broadcast %broadcast_in_dim3A_1163 : i32 to vector<16xi32>
    %gather3A_1165 = tpu.vector_load_idx %arg9[%min3A_23, %broadcast_in_dim3A_1164] : memref<101x32xf32, #tpu.memory_space<vmem>>[vector<16xi32>, vector<16xi32>], vector<16xf32>,
    %max3A_1166 = arith.constant 0.000000e+00 : f32
    %max3A_1167 = vector.broadcast %max3A_1166 : f32 to vector<16xf32>
    %max3A_1168 = arith.maximumf %gather3A_1165, %max3A_1167 : vector<16xf32>
    %mul3A_1169 = arith.mulf %gather3A_1158, %max3A_1168 : vector<16xf32>
    %add3A_1170 = arith.addf %add3A_1092, %mul3A_1169 : vector<16xf32>
    %mul3A_1171 = arith.mulf %gather3A_1162, %max3A_1168 : vector<16xf32>
    %add3A_1172 = arith.addf %add3A_1094, %mul3A_1171 : vector<16xf32>
    %broadcast_in_dim3A_1173 = arith.constant 14 : i32
    %broadcast_in_dim3A_1174 = vector.broadcast %broadcast_in_dim3A_1173 : i32 to vector<16xi32>
    %gather3A_1175 = tpu.vector_load_idx %arg9[%min3A_29, %broadcast_in_dim3A_1174] : memref<101x32xf32, #tpu.memory_space<vmem>>[vector<16xi32>, vector<16xi32>], vector<16xf32>,
    %max3A_1176 = arith.constant 0.000000e+00 : f32
    %max3A_1177 = vector.broadcast %max3A_1176 : f32 to vector<16xf32>
    %max3A_1178 = arith.maximumf %gather3A_1175, %max3A_1177 : vector<16xf32>
    %mul3A_1179 = arith.mulf %gather3A_1158, %max3A_1178 : vector<16xf32>
    %add3A_1180 = arith.addf %add3A_1102, %mul3A_1179 : vector<16xf32>
    %mul3A_1181 = arith.mulf %gather3A_1162, %max3A_1178 : vector<16xf32>
    %add3A_1182 = arith.addf %add3A_1104, %mul3A_1181 : vector<16xf32>
    %broadcast_in_dim3A_1183 = arith.constant 14 : i32
    %broadcast_in_dim3A_1184 = vector.broadcast %broadcast_in_dim3A_1183 : i32 to vector<16xi32>
    %gather3A_1185 = tpu.vector_load_idx %arg9[%min3A_35, %broadcast_in_dim3A_1184] : memref<101x32xf32, #tpu.memory_space<vmem>>[vector<16xi32>, vector<16xi32>], vector<16xf32>,
    %max3A_1186 = arith.constant 0.000000e+00 : f32
    %max3A_1187 = vector.broadcast %max3A_1186 : f32 to vector<16xf32>
    %max3A_1188 = arith.maximumf %gather3A_1185, %max3A_1187 : vector<16xf32>
    %mul3A_1189 = arith.mulf %gather3A_1158, %max3A_1188 : vector<16xf32>
    %add3A_1190 = arith.addf %add3A_1112, %mul3A_1189 : vector<16xf32>
    %mul3A_1191 = arith.mulf %gather3A_1162, %max3A_1188 : vector<16xf32>
    %add3A_1192 = arith.addf %add3A_1114, %mul3A_1191 : vector<16xf32>
    %broadcast_in_dim3A_1193 = arith.constant 14 : i32
    %broadcast_in_dim3A_1194 = vector.broadcast %broadcast_in_dim3A_1193 : i32 to vector<16xi32>
    %gather3A_1195 = tpu.vector_load_idx %arg9[%min3A_41, %broadcast_in_dim3A_1194] : memref<101x32xf32, #tpu.memory_space<vmem>>[vector<16xi32>, vector<16xi32>], vector<16xf32>,
    %max3A_1196 = arith.constant 0.000000e+00 : f32
    %max3A_1197 = vector.broadcast %max3A_1196 : f32 to vector<16xf32>
    %max3A_1198 = arith.maximumf %gather3A_1195, %max3A_1197 : vector<16xf32>
    %mul3A_1199 = arith.mulf %gather3A_1158, %max3A_1198 : vector<16xf32>
    %add3A_1200 = arith.addf %add3A_1122, %mul3A_1199 : vector<16xf32>
    %mul3A_1201 = arith.mulf %gather3A_1162, %max3A_1198 : vector<16xf32>
    %add3A_1202 = arith.addf %add3A_1124, %mul3A_1201 : vector<16xf32>
    %broadcast_in_dim3A_1203 = arith.constant 14 : i32
    %broadcast_in_dim3A_1204 = vector.broadcast %broadcast_in_dim3A_1203 : i32 to vector<16xi32>
    %gather3A_1205 = tpu.vector_load_idx %arg9[%min3A_47, %broadcast_in_dim3A_1204] : memref<101x32xf32, #tpu.memory_space<vmem>>[vector<16xi32>, vector<16xi32>], vector<16xf32>,
    %max3A_1206 = arith.constant 0.000000e+00 : f32
    %max3A_1207 = vector.broadcast %max3A_1206 : f32 to vector<16xf32>
    %max3A_1208 = arith.maximumf %gather3A_1205, %max3A_1207 : vector<16xf32>
    %mul3A_1209 = arith.mulf %gather3A_1158, %max3A_1208 : vector<16xf32>
    %add3A_1210 = arith.addf %add3A_1132, %mul3A_1209 : vector<16xf32>
    %mul3A_1211 = arith.mulf %gather3A_1162, %max3A_1208 : vector<16xf32>
    %add3A_1212 = arith.addf %add3A_1134, %mul3A_1211 : vector<16xf32>
    %broadcast_in_dim3A_1213 = arith.constant 14 : i32
    %broadcast_in_dim3A_1214 = vector.broadcast %broadcast_in_dim3A_1213 : i32 to vector<16xi32>
    %gather3A_1215 = tpu.vector_load_idx %arg9[%min3A_53, %broadcast_in_dim3A_1214] : memref<101x32xf32, #tpu.memory_space<vmem>>[vector<16xi32>, vector<16xi32>], vector<16xf32>,
    %max3A_1216 = arith.constant 0.000000e+00 : f32
    %max3A_1217 = vector.broadcast %max3A_1216 : f32 to vector<16xf32>
    %max3A_1218 = arith.maximumf %gather3A_1215, %max3A_1217 : vector<16xf32>
    %mul3A_1219 = arith.mulf %gather3A_1158, %max3A_1218 : vector<16xf32>
    %add3A_1220 = arith.addf %add3A_1142, %mul3A_1219 : vector<16xf32>
    %mul3A_1221 = arith.mulf %gather3A_1162, %max3A_1218 : vector<16xf32>
    %add3A_1222 = arith.addf %add3A_1144, %mul3A_1221 : vector<16xf32>
    %broadcast_in_dim3A_1223 = arith.constant 14 : i32
    %broadcast_in_dim3A_1224 = vector.broadcast %broadcast_in_dim3A_1223 : i32 to vector<16xi32>
    %gather3A_1225 = tpu.vector_load_idx %arg9[%min3A_59, %broadcast_in_dim3A_1224] : memref<101x32xf32, #tpu.memory_space<vmem>>[vector<16xi32>, vector<16xi32>], vector<16xf32>,
    %max3A_1226 = arith.constant 0.000000e+00 : f32
    %max3A_1227 = vector.broadcast %max3A_1226 : f32 to vector<16xf32>
    %max3A_1228 = arith.maximumf %gather3A_1225, %max3A_1227 : vector<16xf32>
    %mul3A_1229 = arith.mulf %gather3A_1158, %max3A_1228 : vector<16xf32>
    %add3A_1230 = arith.addf %add3A_1152, %mul3A_1229 : vector<16xf32>
    %mul3A_1231 = arith.mulf %gather3A_1162, %max3A_1228 : vector<16xf32>
    %add3A_1232 = arith.addf %add3A_1154, %mul3A_1231 : vector<16xf32>
    %broadcast_in_dim3A_1233 = vector.broadcast %arg1 : i32 to vector<16xi32>
    %broadcast_in_dim3A_1234 = arith.constant 15 : i32
    %broadcast_in_dim3A_1235 = vector.broadcast %broadcast_in_dim3A_1234 : i32 to vector<16xi32>
    %gather3A_1236 = tpu.vector_load_idx %arg11[%broadcast_in_dim3A_1233, %broadcast_in_dim3A_1235] : memref<32x32xf32, #tpu.memory_space<vmem>>[vector<16xi32>, vector<16xi32>], vector<16xf32>,
    %broadcast_in_dim3A_1237 = vector.broadcast %add3A_61 : i32 to vector<16xi32>
    %broadcast_in_dim3A_1238 = arith.constant 15 : i32
    %broadcast_in_dim3A_1239 = vector.broadcast %broadcast_in_dim3A_1238 : i32 to vector<16xi32>
    %gather3A_1240 = tpu.vector_load_idx %arg11[%broadcast_in_dim3A_1237, %broadcast_in_dim3A_1239] : memref<32x32xf32, #tpu.memory_space<vmem>>[vector<16xi32>, vector<16xi32>], vector<16xf32>,
    %broadcast_in_dim3A_1241 = arith.constant 15 : i32
    %broadcast_in_dim3A_1242 = vector.broadcast %broadcast_in_dim3A_1241 : i32 to vector<16xi32>
    %gather3A_1243 = tpu.vector_load_idx %arg9[%min3A_23, %broadcast_in_dim3A_1242] : memref<101x32xf32, #tpu.memory_space<vmem>>[vector<16xi32>, vector<16xi32>], vector<16xf32>,
    %max3A_1244 = arith.constant 0.000000e+00 : f32
    %max3A_1245 = vector.broadcast %max3A_1244 : f32 to vector<16xf32>
    %max3A_1246 = arith.maximumf %gather3A_1243, %max3A_1245 : vector<16xf32>
    %mul3A_1247 = arith.mulf %gather3A_1236, %max3A_1246 : vector<16xf32>
    %add3A_1248 = arith.addf %add3A_1170, %mul3A_1247 : vector<16xf32>
    %mul3A_1249 = arith.mulf %gather3A_1240, %max3A_1246 : vector<16xf32>
    %add3A_1250 = arith.addf %add3A_1172, %mul3A_1249 : vector<16xf32>
    %broadcast_in_dim3A_1251 = arith.constant 15 : i32
    %broadcast_in_dim3A_1252 = vector.broadcast %broadcast_in_dim3A_1251 : i32 to vector<16xi32>
    %gather3A_1253 = tpu.vector_load_idx %arg9[%min3A_29, %broadcast_in_dim3A_1252] : memref<101x32xf32, #tpu.memory_space<vmem>>[vector<16xi32>, vector<16xi32>], vector<16xf32>,
    %max3A_1254 = arith.constant 0.000000e+00 : f32
    %max3A_1255 = vector.broadcast %max3A_1254 : f32 to vector<16xf32>
    %max3A_1256 = arith.maximumf %gather3A_1253, %max3A_1255 : vector<16xf32>
    %mul3A_1257 = arith.mulf %gather3A_1236, %max3A_1256 : vector<16xf32>
    %add3A_1258 = arith.addf %add3A_1180, %mul3A_1257 : vector<16xf32>
    %mul3A_1259 = arith.mulf %gather3A_1240, %max3A_1256 : vector<16xf32>
    %add3A_1260 = arith.addf %add3A_1182, %mul3A_1259 : vector<16xf32>
    %broadcast_in_dim3A_1261 = arith.constant 15 : i32
    %broadcast_in_dim3A_1262 = vector.broadcast %broadcast_in_dim3A_1261 : i32 to vector<16xi32>
    %gather3A_1263 = tpu.vector_load_idx %arg9[%min3A_35, %broadcast_in_dim3A_1262] : memref<101x32xf32, #tpu.memory_space<vmem>>[vector<16xi32>, vector<16xi32>], vector<16xf32>,
    %max3A_1264 = arith.constant 0.000000e+00 : f32
    %max3A_1265 = vector.broadcast %max3A_1264 : f32 to vector<16xf32>
    %max3A_1266 = arith.maximumf %gather3A_1263, %max3A_1265 : vector<16xf32>
    %mul3A_1267 = arith.mulf %gather3A_1236, %max3A_1266 : vector<16xf32>
    %add3A_1268 = arith.addf %add3A_1190, %mul3A_1267 : vector<16xf32>
    %mul3A_1269 = arith.mulf %gather3A_1240, %max3A_1266 : vector<16xf32>
    %add3A_1270 = arith.addf %add3A_1192, %mul3A_1269 : vector<16xf32>
    %broadcast_in_dim3A_1271 = arith.constant 15 : i32
    %broadcast_in_dim3A_1272 = vector.broadcast %broadcast_in_dim3A_1271 : i32 to vector<16xi32>
    %gather3A_1273 = tpu.vector_load_idx %arg9[%min3A_41, %broadcast_in_dim3A_1272] : memref<101x32xf32, #tpu.memory_space<vmem>>[vector<16xi32>, vector<16xi32>], vector<16xf32>,
    %max3A_1274 = arith.constant 0.000000e+00 : f32
    %max3A_1275 = vector.broadcast %max3A_1274 : f32 to vector<16xf32>
    %max3A_1276 = arith.maximumf %gather3A_1273, %max3A_1275 : vector<16xf32>
    %mul3A_1277 = arith.mulf %gather3A_1236, %max3A_1276 : vector<16xf32>
    %add3A_1278 = arith.addf %add3A_1200, %mul3A_1277 : vector<16xf32>
    %mul3A_1279 = arith.mulf %gather3A_1240, %max3A_1276 : vector<16xf32>
    %add3A_1280 = arith.addf %add3A_1202, %mul3A_1279 : vector<16xf32>
    %broadcast_in_dim3A_1281 = arith.constant 15 : i32
    %broadcast_in_dim3A_1282 = vector.broadcast %broadcast_in_dim3A_1281 : i32 to vector<16xi32>
    %gather3A_1283 = tpu.vector_load_idx %arg9[%min3A_47, %broadcast_in_dim3A_1282] : memref<101x32xf32, #tpu.memory_space<vmem>>[vector<16xi32>, vector<16xi32>], vector<16xf32>,
    %max3A_1284 = arith.constant 0.000000e+00 : f32
    %max3A_1285 = vector.broadcast %max3A_1284 : f32 to vector<16xf32>
    %max3A_1286 = arith.maximumf %gather3A_1283, %max3A_1285 : vector<16xf32>
    %mul3A_1287 = arith.mulf %gather3A_1236, %max3A_1286 : vector<16xf32>
    %add3A_1288 = arith.addf %add3A_1210, %mul3A_1287 : vector<16xf32>
    %mul3A_1289 = arith.mulf %gather3A_1240, %max3A_1286 : vector<16xf32>
    %add3A_1290 = arith.addf %add3A_1212, %mul3A_1289 : vector<16xf32>
    %broadcast_in_dim3A_1291 = arith.constant 15 : i32
    %broadcast_in_dim3A_1292 = vector.broadcast %broadcast_in_dim3A_1291 : i32 to vector<16xi32>
    %gather3A_1293 = tpu.vector_load_idx %arg9[%min3A_53, %broadcast_in_dim3A_1292] : memref<101x32xf32, #tpu.memory_space<vmem>>[vector<16xi32>, vector<16xi32>], vector<16xf32>,
    %max3A_1294 = arith.constant 0.000000e+00 : f32
    %max3A_1295 = vector.broadcast %max3A_1294 : f32 to vector<16xf32>
    %max3A_1296 = arith.maximumf %gather3A_1293, %max3A_1295 : vector<16xf32>
    %mul3A_1297 = arith.mulf %gather3A_1236, %max3A_1296 : vector<16xf32>
    %add3A_1298 = arith.addf %add3A_1220, %mul3A_1297 : vector<16xf32>
    %mul3A_1299 = arith.mulf %gather3A_1240, %max3A_1296 : vector<16xf32>
    %add3A_1300 = arith.addf %add3A_1222, %mul3A_1299 : vector<16xf32>
    %broadcast_in_dim3A_1301 = arith.constant 15 : i32
    %broadcast_in_dim3A_1302 = vector.broadcast %broadcast_in_dim3A_1301 : i32 to vector<16xi32>
    %gather3A_1303 = tpu.vector_load_idx %arg9[%min3A_59, %broadcast_in_dim3A_1302] : memref<101x32xf32, #tpu.memory_space<vmem>>[vector<16xi32>, vector<16xi32>], vector<16xf32>,
    %max3A_1304 = arith.constant 0.000000e+00 : f32
    %max3A_1305 = vector.broadcast %max3A_1304 : f32 to vector<16xf32>
    %max3A_1306 = arith.maximumf %gather3A_1303, %max3A_1305 : vector<16xf32>
    %mul3A_1307 = arith.mulf %gather3A_1236, %max3A_1306 : vector<16xf32>
    %add3A_1308 = arith.addf %add3A_1230, %mul3A_1307 : vector<16xf32>
    %mul3A_1309 = arith.mulf %gather3A_1240, %max3A_1306 : vector<16xf32>
    %add3A_1310 = arith.addf %add3A_1232, %mul3A_1309 : vector<16xf32>
    %broadcast_in_dim3A_1311 = vector.broadcast %arg1 : i32 to vector<16xi32>
    %broadcast_in_dim3A_1312 = arith.constant 16 : i32
    %broadcast_in_dim3A_1313 = vector.broadcast %broadcast_in_dim3A_1312 : i32 to vector<16xi32>
    %gather3A_1314 = tpu.vector_load_idx %arg11[%broadcast_in_dim3A_1311, %broadcast_in_dim3A_1313] : memref<32x32xf32, #tpu.memory_space<vmem>>[vector<16xi32>, vector<16xi32>], vector<16xf32>,
    %broadcast_in_dim3A_1315 = vector.broadcast %add3A_61 : i32 to vector<16xi32>
    %broadcast_in_dim3A_1316 = arith.constant 16 : i32
    %broadcast_in_dim3A_1317 = vector.broadcast %broadcast_in_dim3A_1316 : i32 to vector<16xi32>
    %gather3A_1318 = tpu.vector_load_idx %arg11[%broadcast_in_dim3A_1315, %broadcast_in_dim3A_1317] : memref<32x32xf32, #tpu.memory_space<vmem>>[vector<16xi32>, vector<16xi32>], vector<16xf32>,
    %broadcast_in_dim3A_1319 = arith.constant 16 : i32
    %broadcast_in_dim3A_1320 = vector.broadcast %broadcast_in_dim3A_1319 : i32 to vector<16xi32>
    %gather3A_1321 = tpu.vector_load_idx %arg9[%min3A_23, %broadcast_in_dim3A_1320] : memref<101x32xf32, #tpu.memory_space<vmem>>[vector<16xi32>, vector<16xi32>], vector<16xf32>,
    %max3A_1322 = arith.constant 0.000000e+00 : f32
    %max3A_1323 = vector.broadcast %max3A_1322 : f32 to vector<16xf32>
    %max3A_1324 = arith.maximumf %gather3A_1321, %max3A_1323 : vector<16xf32>
    %mul3A_1325 = arith.mulf %gather3A_1314, %max3A_1324 : vector<16xf32>
    %add3A_1326 = arith.addf %add3A_1248, %mul3A_1325 : vector<16xf32>
    %mul3A_1327 = arith.mulf %gather3A_1318, %max3A_1324 : vector<16xf32>
    %add3A_1328 = arith.addf %add3A_1250, %mul3A_1327 : vector<16xf32>
    %broadcast_in_dim3A_1329 = arith.constant 16 : i32
    %broadcast_in_dim3A_1330 = vector.broadcast %broadcast_in_dim3A_1329 : i32 to vector<16xi32>
    %gather3A_1331 = tpu.vector_load_idx %arg9[%min3A_29, %broadcast_in_dim3A_1330] : memref<101x32xf32, #tpu.memory_space<vmem>>[vector<16xi32>, vector<16xi32>], vector<16xf32>,
    %max3A_1332 = arith.constant 0.000000e+00 : f32
    %max3A_1333 = vector.broadcast %max3A_1332 : f32 to vector<16xf32>
    %max3A_1334 = arith.maximumf %gather3A_1331, %max3A_1333 : vector<16xf32>
    %mul3A_1335 = arith.mulf %gather3A_1314, %max3A_1334 : vector<16xf32>
    %add3A_1336 = arith.addf %add3A_1258, %mul3A_1335 : vector<16xf32>
    %mul3A_1337 = arith.mulf %gather3A_1318, %max3A_1334 : vector<16xf32>
    %add3A_1338 = arith.addf %add3A_1260, %mul3A_1337 : vector<16xf32>
    %broadcast_in_dim3A_1339 = arith.constant 16 : i32
    %broadcast_in_dim3A_1340 = vector.broadcast %broadcast_in_dim3A_1339 : i32 to vector<16xi32>
    %gather3A_1341 = tpu.vector_load_idx %arg9[%min3A_35, %broadcast_in_dim3A_1340] : memref<101x32xf32, #tpu.memory_space<vmem>>[vector<16xi32>, vector<16xi32>], vector<16xf32>,
    %max3A_1342 = arith.constant 0.000000e+00 : f32
    %max3A_1343 = vector.broadcast %max3A_1342 : f32 to vector<16xf32>
    %max3A_1344 = arith.maximumf %gather3A_1341, %max3A_1343 : vector<16xf32>
    %mul3A_1345 = arith.mulf %gather3A_1314, %max3A_1344 : vector<16xf32>
    %add3A_1346 = arith.addf %add3A_1268, %mul3A_1345 : vector<16xf32>
    %mul3A_1347 = arith.mulf %gather3A_1318, %max3A_1344 : vector<16xf32>
    %add3A_1348 = arith.addf %add3A_1270, %mul3A_1347 : vector<16xf32>
    %broadcast_in_dim3A_1349 = arith.constant 16 : i32
    %broadcast_in_dim3A_1350 = vector.broadcast %broadcast_in_dim3A_1349 : i32 to vector<16xi32>
    %gather3A_1351 = tpu.vector_load_idx %arg9[%min3A_41, %broadcast_in_dim3A_1350] : memref<101x32xf32, #tpu.memory_space<vmem>>[vector<16xi32>, vector<16xi32>], vector<16xf32>,
    %max3A_1352 = arith.constant 0.000000e+00 : f32
    %max3A_1353 = vector.broadcast %max3A_1352 : f32 to vector<16xf32>
    %max3A_1354 = arith.maximumf %gather3A_1351, %max3A_1353 : vector<16xf32>
    %mul3A_1355 = arith.mulf %gather3A_1314, %max3A_1354 : vector<16xf32>
    %add3A_1356 = arith.addf %add3A_1278, %mul3A_1355 : vector<16xf32>
    %mul3A_1357 = arith.mulf %gather3A_1318, %max3A_1354 : vector<16xf32>
    %add3A_1358 = arith.addf %add3A_1280, %mul3A_1357 : vector<16xf32>
    %broadcast_in_dim3A_1359 = arith.constant 16 : i32
    %broadcast_in_dim3A_1360 = vector.broadcast %broadcast_in_dim3A_1359 : i32 to vector<16xi32>
    %gather3A_1361 = tpu.vector_load_idx %arg9[%min3A_47, %broadcast_in_dim3A_1360] : memref<101x32xf32, #tpu.memory_space<vmem>>[vector<16xi32>, vector<16xi32>], vector<16xf32>,
    %max3A_1362 = arith.constant 0.000000e+00 : f32
    %max3A_1363 = vector.broadcast %max3A_1362 : f32 to vector<16xf32>
    %max3A_1364 = arith.maximumf %gather3A_1361, %max3A_1363 : vector<16xf32>
    %mul3A_1365 = arith.mulf %gather3A_1314, %max3A_1364 : vector<16xf32>
    %add3A_1366 = arith.addf %add3A_1288, %mul3A_1365 : vector<16xf32>
    %mul3A_1367 = arith.mulf %gather3A_1318, %max3A_1364 : vector<16xf32>
    %add3A_1368 = arith.addf %add3A_1290, %mul3A_1367 : vector<16xf32>
    %broadcast_in_dim3A_1369 = arith.constant 16 : i32
    %broadcast_in_dim3A_1370 = vector.broadcast %broadcast_in_dim3A_1369 : i32 to vector<16xi32>
    %gather3A_1371 = tpu.vector_load_idx %arg9[%min3A_53, %broadcast_in_dim3A_1370] : memref<101x32xf32, #tpu.memory_space<vmem>>[vector<16xi32>, vector<16xi32>], vector<16xf32>,
    %max3A_1372 = arith.constant 0.000000e+00 : f32
    %max3A_1373 = vector.broadcast %max3A_1372 : f32 to vector<16xf32>
    %max3A_1374 = arith.maximumf %gather3A_1371, %max3A_1373 : vector<16xf32>
    %mul3A_1375 = arith.mulf %gather3A_1314, %max3A_1374 : vector<16xf32>
    %add3A_1376 = arith.addf %add3A_1298, %mul3A_1375 : vector<16xf32>
    %mul3A_1377 = arith.mulf %gather3A_1318, %max3A_1374 : vector<16xf32>
    %add3A_1378 = arith.addf %add3A_1300, %mul3A_1377 : vector<16xf32>
    %broadcast_in_dim3A_1379 = arith.constant 16 : i32
    %broadcast_in_dim3A_1380 = vector.broadcast %broadcast_in_dim3A_1379 : i32 to vector<16xi32>
    %gather3A_1381 = tpu.vector_load_idx %arg9[%min3A_59, %broadcast_in_dim3A_1380] : memref<101x32xf32, #tpu.memory_space<vmem>>[vector<16xi32>, vector<16xi32>], vector<16xf32>,
    %max3A_1382 = arith.constant 0.000000e+00 : f32
    %max3A_1383 = vector.broadcast %max3A_1382 : f32 to vector<16xf32>
    %max3A_1384 = arith.maximumf %gather3A_1381, %max3A_1383 : vector<16xf32>
    %mul3A_1385 = arith.mulf %gather3A_1314, %max3A_1384 : vector<16xf32>
    %add3A_1386 = arith.addf %add3A_1308, %mul3A_1385 : vector<16xf32>
    %mul3A_1387 = arith.mulf %gather3A_1318, %max3A_1384 : vector<16xf32>
    %add3A_1388 = arith.addf %add3A_1310, %mul3A_1387 : vector<16xf32>
    %broadcast_in_dim3A_1389 = vector.broadcast %arg1 : i32 to vector<16xi32>
    %broadcast_in_dim3A_1390 = arith.constant 17 : i32
    %broadcast_in_dim3A_1391 = vector.broadcast %broadcast_in_dim3A_1390 : i32 to vector<16xi32>
    %gather3A_1392 = tpu.vector_load_idx %arg11[%broadcast_in_dim3A_1389, %broadcast_in_dim3A_1391] : memref<32x32xf32, #tpu.memory_space<vmem>>[vector<16xi32>, vector<16xi32>], vector<16xf32>,
    %broadcast_in_dim3A_1393 = vector.broadcast %add3A_61 : i32 to vector<16xi32>
    %broadcast_in_dim3A_1394 = arith.constant 17 : i32
    %broadcast_in_dim3A_1395 = vector.broadcast %broadcast_in_dim3A_1394 : i32 to vector<16xi32>
    %gather3A_1396 = tpu.vector_load_idx %arg11[%broadcast_in_dim3A_1393, %broadcast_in_dim3A_1395] : memref<32x32xf32, #tpu.memory_space<vmem>>[vector<16xi32>, vector<16xi32>], vector<16xf32>,
    %broadcast_in_dim3A_1397 = arith.constant 17 : i32
    %broadcast_in_dim3A_1398 = vector.broadcast %broadcast_in_dim3A_1397 : i32 to vector<16xi32>
    %gather3A_1399 = tpu.vector_load_idx %arg9[%min3A_23, %broadcast_in_dim3A_1398] : memref<101x32xf32, #tpu.memory_space<vmem>>[vector<16xi32>, vector<16xi32>], vector<16xf32>,
    %max3A_1400 = arith.constant 0.000000e+00 : f32
    %max3A_1401 = vector.broadcast %max3A_1400 : f32 to vector<16xf32>
    %max3A_1402 = arith.maximumf %gather3A_1399, %max3A_1401 : vector<16xf32>
    %mul3A_1403 = arith.mulf %gather3A_1392, %max3A_1402 : vector<16xf32>
    %add3A_1404 = arith.addf %add3A_1326, %mul3A_1403 : vector<16xf32>
    %mul3A_1405 = arith.mulf %gather3A_1396, %max3A_1402 : vector<16xf32>
    %add3A_1406 = arith.addf %add3A_1328, %mul3A_1405 : vector<16xf32>
    %broadcast_in_dim3A_1407 = arith.constant 17 : i32
    %broadcast_in_dim3A_1408 = vector.broadcast %broadcast_in_dim3A_1407 : i32 to vector<16xi32>
    %gather3A_1409 = tpu.vector_load_idx %arg9[%min3A_29, %broadcast_in_dim3A_1408] : memref<101x32xf32, #tpu.memory_space<vmem>>[vector<16xi32>, vector<16xi32>], vector<16xf32>,
    %max3A_1410 = arith.constant 0.000000e+00 : f32
    %max3A_1411 = vector.broadcast %max3A_1410 : f32 to vector<16xf32>
    %max3A_1412 = arith.maximumf %gather3A_1409, %max3A_1411 : vector<16xf32>
    %mul3A_1413 = arith.mulf %gather3A_1392, %max3A_1412 : vector<16xf32>
    %add3A_1414 = arith.addf %add3A_1336, %mul3A_1413 : vector<16xf32>
    %mul3A_1415 = arith.mulf %gather3A_1396, %max3A_1412 : vector<16xf32>
    %add3A_1416 = arith.addf %add3A_1338, %mul3A_1415 : vector<16xf32>
    %broadcast_in_dim3A_1417 = arith.constant 17 : i32
    %broadcast_in_dim3A_1418 = vector.broadcast %broadcast_in_dim3A_1417 : i32 to vector<16xi32>
    %gather3A_1419 = tpu.vector_load_idx %arg9[%min3A_35, %broadcast_in_dim3A_1418] : memref<101x32xf32, #tpu.memory_space<vmem>>[vector<16xi32>, vector<16xi32>], vector<16xf32>,
    %max3A_1420 = arith.constant 0.000000e+00 : f32
    %max3A_1421 = vector.broadcast %max3A_1420 : f32 to vector<16xf32>
    %max3A_1422 = arith.maximumf %gather3A_1419, %max3A_1421 : vector<16xf32>
    %mul3A_1423 = arith.mulf %gather3A_1392, %max3A_1422 : vector<16xf32>
    %add3A_1424 = arith.addf %add3A_1346, %mul3A_1423 : vector<16xf32>
    %mul3A_1425 = arith.mulf %gather3A_1396, %max3A_1422 : vector<16xf32>
    %add3A_1426 = arith.addf %add3A_1348, %mul3A_1425 : vector<16xf32>
    %broadcast_in_dim3A_1427 = arith.constant 17 : i32
    %broadcast_in_dim3A_1428 = vector.broadcast %broadcast_in_dim3A_1427 : i32 to vector<16xi32>
    %gather3A_1429 = tpu.vector_load_idx %arg9[%min3A_41, %broadcast_in_dim3A_1428] : memref<101x32xf32, #tpu.memory_space<vmem>>[vector<16xi32>, vector<16xi32>], vector<16xf32>,
    %max3A_1430 = arith.constant 0.000000e+00 : f32
    %max3A_1431 = vector.broadcast %max3A_1430 : f32 to vector<16xf32>
    %max3A_1432 = arith.maximumf %gather3A_1429, %max3A_1431 : vector<16xf32>
    %mul3A_1433 = arith.mulf %gather3A_1392, %max3A_1432 : vector<16xf32>
    %add3A_1434 = arith.addf %add3A_1356, %mul3A_1433 : vector<16xf32>
    %mul3A_1435 = arith.mulf %gather3A_1396, %max3A_1432 : vector<16xf32>
    %add3A_1436 = arith.addf %add3A_1358, %mul3A_1435 : vector<16xf32>
    %broadcast_in_dim3A_1437 = arith.constant 17 : i32
    %broadcast_in_dim3A_1438 = vector.broadcast %broadcast_in_dim3A_1437 : i32 to vector<16xi32>
    %gather3A_1439 = tpu.vector_load_idx %arg9[%min3A_47, %broadcast_in_dim3A_1438] : memref<101x32xf32, #tpu.memory_space<vmem>>[vector<16xi32>, vector<16xi32>], vector<16xf32>,
    %max3A_1440 = arith.constant 0.000000e+00 : f32
    %max3A_1441 = vector.broadcast %max3A_1440 : f32 to vector<16xf32>
    %max3A_1442 = arith.maximumf %gather3A_1439, %max3A_1441 : vector<16xf32>
    %mul3A_1443 = arith.mulf %gather3A_1392, %max3A_1442 : vector<16xf32>
    %add3A_1444 = arith.addf %add3A_1366, %mul3A_1443 : vector<16xf32>
    %mul3A_1445 = arith.mulf %gather3A_1396, %max3A_1442 : vector<16xf32>
    %add3A_1446 = arith.addf %add3A_1368, %mul3A_1445 : vector<16xf32>
    %broadcast_in_dim3A_1447 = arith.constant 17 : i32
    %broadcast_in_dim3A_1448 = vector.broadcast %broadcast_in_dim3A_1447 : i32 to vector<16xi32>
    %gather3A_1449 = tpu.vector_load_idx %arg9[%min3A_53, %broadcast_in_dim3A_1448] : memref<101x32xf32, #tpu.memory_space<vmem>>[vector<16xi32>, vector<16xi32>], vector<16xf32>,
    %max3A_1450 = arith.constant 0.000000e+00 : f32
    %max3A_1451 = vector.broadcast %max3A_1450 : f32 to vector<16xf32>
    %max3A_1452 = arith.maximumf %gather3A_1449, %max3A_1451 : vector<16xf32>
    %mul3A_1453 = arith.mulf %gather3A_1392, %max3A_1452 : vector<16xf32>
    %add3A_1454 = arith.addf %add3A_1376, %mul3A_1453 : vector<16xf32>
    %mul3A_1455 = arith.mulf %gather3A_1396, %max3A_1452 : vector<16xf32>
    %add3A_1456 = arith.addf %add3A_1378, %mul3A_1455 : vector<16xf32>
    %broadcast_in_dim3A_1457 = arith.constant 17 : i32
    %broadcast_in_dim3A_1458 = vector.broadcast %broadcast_in_dim3A_1457 : i32 to vector<16xi32>
    %gather3A_1459 = tpu.vector_load_idx %arg9[%min3A_59, %broadcast_in_dim3A_1458] : memref<101x32xf32, #tpu.memory_space<vmem>>[vector<16xi32>, vector<16xi32>], vector<16xf32>,
    %max3A_1460 = arith.constant 0.000000e+00 : f32
    %max3A_1461 = vector.broadcast %max3A_1460 : f32 to vector<16xf32>
    %max3A_1462 = arith.maximumf %gather3A_1459, %max3A_1461 : vector<16xf32>
    %mul3A_1463 = arith.mulf %gather3A_1392, %max3A_1462 : vector<16xf32>
    %add3A_1464 = arith.addf %add3A_1386, %mul3A_1463 : vector<16xf32>
    %mul3A_1465 = arith.mulf %gather3A_1396, %max3A_1462 : vector<16xf32>
    %add3A_1466 = arith.addf %add3A_1388, %mul3A_1465 : vector<16xf32>
    %broadcast_in_dim3A_1467 = vector.broadcast %arg1 : i32 to vector<16xi32>
    %broadcast_in_dim3A_1468 = arith.constant 18 : i32
    %broadcast_in_dim3A_1469 = vector.broadcast %broadcast_in_dim3A_1468 : i32 to vector<16xi32>
    %gather3A_1470 = tpu.vector_load_idx %arg11[%broadcast_in_dim3A_1467, %broadcast_in_dim3A_1469] : memref<32x32xf32, #tpu.memory_space<vmem>>[vector<16xi32>, vector<16xi32>], vector<16xf32>,
    %broadcast_in_dim3A_1471 = vector.broadcast %add3A_61 : i32 to vector<16xi32>
    %broadcast_in_dim3A_1472 = arith.constant 18 : i32
    %broadcast_in_dim3A_1473 = vector.broadcast %broadcast_in_dim3A_1472 : i32 to vector<16xi32>
    %gather3A_1474 = tpu.vector_load_idx %arg11[%broadcast_in_dim3A_1471, %broadcast_in_dim3A_1473] : memref<32x32xf32, #tpu.memory_space<vmem>>[vector<16xi32>, vector<16xi32>], vector<16xf32>,
    %broadcast_in_dim3A_1475 = arith.constant 18 : i32
    %broadcast_in_dim3A_1476 = vector.broadcast %broadcast_in_dim3A_1475 : i32 to vector<16xi32>
    %gather3A_1477 = tpu.vector_load_idx %arg9[%min3A_23, %broadcast_in_dim3A_1476] : memref<101x32xf32, #tpu.memory_space<vmem>>[vector<16xi32>, vector<16xi32>], vector<16xf32>,
    %max3A_1478 = arith.constant 0.000000e+00 : f32
    %max3A_1479 = vector.broadcast %max3A_1478 : f32 to vector<16xf32>
    %max3A_1480 = arith.maximumf %gather3A_1477, %max3A_1479 : vector<16xf32>
    %mul3A_1481 = arith.mulf %gather3A_1470, %max3A_1480 : vector<16xf32>
    %add3A_1482 = arith.addf %add3A_1404, %mul3A_1481 : vector<16xf32>
    %mul3A_1483 = arith.mulf %gather3A_1474, %max3A_1480 : vector<16xf32>
    %add3A_1484 = arith.addf %add3A_1406, %mul3A_1483 : vector<16xf32>
    %broadcast_in_dim3A_1485 = arith.constant 18 : i32
    %broadcast_in_dim3A_1486 = vector.broadcast %broadcast_in_dim3A_1485 : i32 to vector<16xi32>
    %gather3A_1487 = tpu.vector_load_idx %arg9[%min3A_29, %broadcast_in_dim3A_1486] : memref<101x32xf32, #tpu.memory_space<vmem>>[vector<16xi32>, vector<16xi32>], vector<16xf32>,
    %max3A_1488 = arith.constant 0.000000e+00 : f32
    %max3A_1489 = vector.broadcast %max3A_1488 : f32 to vector<16xf32>
    %max3A_1490 = arith.maximumf %gather3A_1487, %max3A_1489 : vector<16xf32>
    %mul3A_1491 = arith.mulf %gather3A_1470, %max3A_1490 : vector<16xf32>
    %add3A_1492 = arith.addf %add3A_1414, %mul3A_1491 : vector<16xf32>
    %mul3A_1493 = arith.mulf %gather3A_1474, %max3A_1490 : vector<16xf32>
    %add3A_1494 = arith.addf %add3A_1416, %mul3A_1493 : vector<16xf32>
    %broadcast_in_dim3A_1495 = arith.constant 18 : i32
    %broadcast_in_dim3A_1496 = vector.broadcast %broadcast_in_dim3A_1495 : i32 to vector<16xi32>
    %gather3A_1497 = tpu.vector_load_idx %arg9[%min3A_35, %broadcast_in_dim3A_1496] : memref<101x32xf32, #tpu.memory_space<vmem>>[vector<16xi32>, vector<16xi32>], vector<16xf32>,
    %max3A_1498 = arith.constant 0.000000e+00 : f32
    %max3A_1499 = vector.broadcast %max3A_1498 : f32 to vector<16xf32>
    %max3A_1500 = arith.maximumf %gather3A_1497, %max3A_1499 : vector<16xf32>
    %mul3A_1501 = arith.mulf %gather3A_1470, %max3A_1500 : vector<16xf32>
    %add3A_1502 = arith.addf %add3A_1424, %mul3A_1501 : vector<16xf32>
    %mul3A_1503 = arith.mulf %gather3A_1474, %max3A_1500 : vector<16xf32>
    %add3A_1504 = arith.addf %add3A_1426, %mul3A_1503 : vector<16xf32>
    %broadcast_in_dim3A_1505 = arith.constant 18 : i32
    %broadcast_in_dim3A_1506 = vector.broadcast %broadcast_in_dim3A_1505 : i32 to vector<16xi32>
    %gather3A_1507 = tpu.vector_load_idx %arg9[%min3A_41, %broadcast_in_dim3A_1506] : memref<101x32xf32, #tpu.memory_space<vmem>>[vector<16xi32>, vector<16xi32>], vector<16xf32>,
    %max3A_1508 = arith.constant 0.000000e+00 : f32
    %max3A_1509 = vector.broadcast %max3A_1508 : f32 to vector<16xf32>
    %max3A_1510 = arith.maximumf %gather3A_1507, %max3A_1509 : vector<16xf32>
    %mul3A_1511 = arith.mulf %gather3A_1470, %max3A_1510 : vector<16xf32>
    %add3A_1512 = arith.addf %add3A_1434, %mul3A_1511 : vector<16xf32>
    %mul3A_1513 = arith.mulf %gather3A_1474, %max3A_1510 : vector<16xf32>
    %add3A_1514 = arith.addf %add3A_1436, %mul3A_1513 : vector<16xf32>
    %broadcast_in_dim3A_1515 = arith.constant 18 : i32
    %broadcast_in_dim3A_1516 = vector.broadcast %broadcast_in_dim3A_1515 : i32 to vector<16xi32>
    %gather3A_1517 = tpu.vector_load_idx %arg9[%min3A_47, %broadcast_in_dim3A_1516] : memref<101x32xf32, #tpu.memory_space<vmem>>[vector<16xi32>, vector<16xi32>], vector<16xf32>,
    %max3A_1518 = arith.constant 0.000000e+00 : f32
    %max3A_1519 = vector.broadcast %max3A_1518 : f32 to vector<16xf32>
    %max3A_1520 = arith.maximumf %gather3A_1517, %max3A_1519 : vector<16xf32>
    %mul3A_1521 = arith.mulf %gather3A_1470, %max3A_1520 : vector<16xf32>
    %add3A_1522 = arith.addf %add3A_1444, %mul3A_1521 : vector<16xf32>
    %mul3A_1523 = arith.mulf %gather3A_1474, %max3A_1520 : vector<16xf32>
    %add3A_1524 = arith.addf %add3A_1446, %mul3A_1523 : vector<16xf32>
    %broadcast_in_dim3A_1525 = arith.constant 18 : i32
    %broadcast_in_dim3A_1526 = vector.broadcast %broadcast_in_dim3A_1525 : i32 to vector<16xi32>
    %gather3A_1527 = tpu.vector_load_idx %arg9[%min3A_53, %broadcast_in_dim3A_1526] : memref<101x32xf32, #tpu.memory_space<vmem>>[vector<16xi32>, vector<16xi32>], vector<16xf32>,
    %max3A_1528 = arith.constant 0.000000e+00 : f32
    %max3A_1529 = vector.broadcast %max3A_1528 : f32 to vector<16xf32>
    %max3A_1530 = arith.maximumf %gather3A_1527, %max3A_1529 : vector<16xf32>
    %mul3A_1531 = arith.mulf %gather3A_1470, %max3A_1530 : vector<16xf32>
    %add3A_1532 = arith.addf %add3A_1454, %mul3A_1531 : vector<16xf32>
    %mul3A_1533 = arith.mulf %gather3A_1474, %max3A_1530 : vector<16xf32>
    %add3A_1534 = arith.addf %add3A_1456, %mul3A_1533 : vector<16xf32>
    %broadcast_in_dim3A_1535 = arith.constant 18 : i32
    %broadcast_in_dim3A_1536 = vector.broadcast %broadcast_in_dim3A_1535 : i32 to vector<16xi32>
    %gather3A_1537 = tpu.vector_load_idx %arg9[%min3A_59, %broadcast_in_dim3A_1536] : memref<101x32xf32, #tpu.memory_space<vmem>>[vector<16xi32>, vector<16xi32>], vector<16xf32>,
    %max3A_1538 = arith.constant 0.000000e+00 : f32
    %max3A_1539 = vector.broadcast %max3A_1538 : f32 to vector<16xf32>
    %max3A_1540 = arith.maximumf %gather3A_1537, %max3A_1539 : vector<16xf32>
    %mul3A_1541 = arith.mulf %gather3A_1470, %max3A_1540 : vector<16xf32>
    %add3A_1542 = arith.addf %add3A_1464, %mul3A_1541 : vector<16xf32>
    %mul3A_1543 = arith.mulf %gather3A_1474, %max3A_1540 : vector<16xf32>
    %add3A_1544 = arith.addf %add3A_1466, %mul3A_1543 : vector<16xf32>
    %broadcast_in_dim3A_1545 = vector.broadcast %arg1 : i32 to vector<16xi32>
    %broadcast_in_dim3A_1546 = arith.constant 19 : i32
    %broadcast_in_dim3A_1547 = vector.broadcast %broadcast_in_dim3A_1546 : i32 to vector<16xi32>
    %gather3A_1548 = tpu.vector_load_idx %arg11[%broadcast_in_dim3A_1545, %broadcast_in_dim3A_1547] : memref<32x32xf32, #tpu.memory_space<vmem>>[vector<16xi32>, vector<16xi32>], vector<16xf32>,
    %broadcast_in_dim3A_1549 = vector.broadcast %add3A_61 : i32 to vector<16xi32>
    %broadcast_in_dim3A_1550 = arith.constant 19 : i32
    %broadcast_in_dim3A_1551 = vector.broadcast %broadcast_in_dim3A_1550 : i32 to vector<16xi32>
    %gather3A_1552 = tpu.vector_load_idx %arg11[%broadcast_in_dim3A_1549, %broadcast_in_dim3A_1551] : memref<32x32xf32, #tpu.memory_space<vmem>>[vector<16xi32>, vector<16xi32>], vector<16xf32>,
    %broadcast_in_dim3A_1553 = arith.constant 19 : i32
    %broadcast_in_dim3A_1554 = vector.broadcast %broadcast_in_dim3A_1553 : i32 to vector<16xi32>
    %gather3A_1555 = tpu.vector_load_idx %arg9[%min3A_23, %broadcast_in_dim3A_1554] : memref<101x32xf32, #tpu.memory_space<vmem>>[vector<16xi32>, vector<16xi32>], vector<16xf32>,
    %max3A_1556 = arith.constant 0.000000e+00 : f32
    %max3A_1557 = vector.broadcast %max3A_1556 : f32 to vector<16xf32>
    %max3A_1558 = arith.maximumf %gather3A_1555, %max3A_1557 : vector<16xf32>
    %mul3A_1559 = arith.mulf %gather3A_1548, %max3A_1558 : vector<16xf32>
    %add3A_1560 = arith.addf %add3A_1482, %mul3A_1559 : vector<16xf32>
    %mul3A_1561 = arith.mulf %gather3A_1552, %max3A_1558 : vector<16xf32>
    %add3A_1562 = arith.addf %add3A_1484, %mul3A_1561 : vector<16xf32>
    %broadcast_in_dim3A_1563 = arith.constant 19 : i32
    %broadcast_in_dim3A_1564 = vector.broadcast %broadcast_in_dim3A_1563 : i32 to vector<16xi32>
    %gather3A_1565 = tpu.vector_load_idx %arg9[%min3A_29, %broadcast_in_dim3A_1564] : memref<101x32xf32, #tpu.memory_space<vmem>>[vector<16xi32>, vector<16xi32>], vector<16xf32>,
    %max3A_1566 = arith.constant 0.000000e+00 : f32
    %max3A_1567 = vector.broadcast %max3A_1566 : f32 to vector<16xf32>
    %max3A_1568 = arith.maximumf %gather3A_1565, %max3A_1567 : vector<16xf32>
    %mul3A_1569 = arith.mulf %gather3A_1548, %max3A_1568 : vector<16xf32>
    %add3A_1570 = arith.addf %add3A_1492, %mul3A_1569 : vector<16xf32>
    %mul3A_1571 = arith.mulf %gather3A_1552, %max3A_1568 : vector<16xf32>
    %add3A_1572 = arith.addf %add3A_1494, %mul3A_1571 : vector<16xf32>
    %broadcast_in_dim3A_1573 = arith.constant 19 : i32
    %broadcast_in_dim3A_1574 = vector.broadcast %broadcast_in_dim3A_1573 : i32 to vector<16xi32>
    %gather3A_1575 = tpu.vector_load_idx %arg9[%min3A_35, %broadcast_in_dim3A_1574] : memref<101x32xf32, #tpu.memory_space<vmem>>[vector<16xi32>, vector<16xi32>], vector<16xf32>,
    %max3A_1576 = arith.constant 0.000000e+00 : f32
    %max3A_1577 = vector.broadcast %max3A_1576 : f32 to vector<16xf32>
    %max3A_1578 = arith.maximumf %gather3A_1575, %max3A_1577 : vector<16xf32>
    %mul3A_1579 = arith.mulf %gather3A_1548, %max3A_1578 : vector<16xf32>
    %add3A_1580 = arith.addf %add3A_1502, %mul3A_1579 : vector<16xf32>
    %mul3A_1581 = arith.mulf %gather3A_1552, %max3A_1578 : vector<16xf32>
    %add3A_1582 = arith.addf %add3A_1504, %mul3A_1581 : vector<16xf32>
    %broadcast_in_dim3A_1583 = arith.constant 19 : i32
    %broadcast_in_dim3A_1584 = vector.broadcast %broadcast_in_dim3A_1583 : i32 to vector<16xi32>
    %gather3A_1585 = tpu.vector_load_idx %arg9[%min3A_41, %broadcast_in_dim3A_1584] : memref<101x32xf32, #tpu.memory_space<vmem>>[vector<16xi32>, vector<16xi32>], vector<16xf32>,
    %max3A_1586 = arith.constant 0.000000e+00 : f32
    %max3A_1587 = vector.broadcast %max3A_1586 : f32 to vector<16xf32>
    %max3A_1588 = arith.maximumf %gather3A_1585, %max3A_1587 : vector<16xf32>
    %mul3A_1589 = arith.mulf %gather3A_1548, %max3A_1588 : vector<16xf32>
    %add3A_1590 = arith.addf %add3A_1512, %mul3A_1589 : vector<16xf32>
    %mul3A_1591 = arith.mulf %gather3A_1552, %max3A_1588 : vector<16xf32>
    %add3A_1592 = arith.addf %add3A_1514, %mul3A_1591 : vector<16xf32>
    %broadcast_in_dim3A_1593 = arith.constant 19 : i32
    %broadcast_in_dim3A_1594 = vector.broadcast %broadcast_in_dim3A_1593 : i32 to vector<16xi32>
    %gather3A_1595 = tpu.vector_load_idx %arg9[%min3A_47, %broadcast_in_dim3A_1594] : memref<101x32xf32, #tpu.memory_space<vmem>>[vector<16xi32>, vector<16xi32>], vector<16xf32>,
    %max3A_1596 = arith.constant 0.000000e+00 : f32
    %max3A_1597 = vector.broadcast %max3A_1596 : f32 to vector<16xf32>
    %max3A_1598 = arith.maximumf %gather3A_1595, %max3A_1597 : vector<16xf32>
    %mul3A_1599 = arith.mulf %gather3A_1548, %max3A_1598 : vector<16xf32>
    %add3A_1600 = arith.addf %add3A_1522, %mul3A_1599 : vector<16xf32>
    %mul3A_1601 = arith.mulf %gather3A_1552, %max3A_1598 : vector<16xf32>
    %add3A_1602 = arith.addf %add3A_1524, %mul3A_1601 : vector<16xf32>
    %broadcast_in_dim3A_1603 = arith.constant 19 : i32
    %broadcast_in_dim3A_1604 = vector.broadcast %broadcast_in_dim3A_1603 : i32 to vector<16xi32>
    %gather3A_1605 = tpu.vector_load_idx %arg9[%min3A_53, %broadcast_in_dim3A_1604] : memref<101x32xf32, #tpu.memory_space<vmem>>[vector<16xi32>, vector<16xi32>], vector<16xf32>,
    %max3A_1606 = arith.constant 0.000000e+00 : f32
    %max3A_1607 = vector.broadcast %max3A_1606 : f32 to vector<16xf32>
    %max3A_1608 = arith.maximumf %gather3A_1605, %max3A_1607 : vector<16xf32>
    %mul3A_1609 = arith.mulf %gather3A_1548, %max3A_1608 : vector<16xf32>
    %add3A_1610 = arith.addf %add3A_1532, %mul3A_1609 : vector<16xf32>
    %mul3A_1611 = arith.mulf %gather3A_1552, %max3A_1608 : vector<16xf32>
    %add3A_1612 = arith.addf %add3A_1534, %mul3A_1611 : vector<16xf32>
    %broadcast_in_dim3A_1613 = arith.constant 19 : i32
    %broadcast_in_dim3A_1614 = vector.broadcast %broadcast_in_dim3A_1613 : i32 to vector<16xi32>
    %gather3A_1615 = tpu.vector_load_idx %arg9[%min3A_59, %broadcast_in_dim3A_1614] : memref<101x32xf32, #tpu.memory_space<vmem>>[vector<16xi32>, vector<16xi32>], vector<16xf32>,
    %max3A_1616 = arith.constant 0.000000e+00 : f32
    %max3A_1617 = vector.broadcast %max3A_1616 : f32 to vector<16xf32>
    %max3A_1618 = arith.maximumf %gather3A_1615, %max3A_1617 : vector<16xf32>
    %mul3A_1619 = arith.mulf %gather3A_1548, %max3A_1618 : vector<16xf32>
    %add3A_1620 = arith.addf %add3A_1542, %mul3A_1619 : vector<16xf32>
    %mul3A_1621 = arith.mulf %gather3A_1552, %max3A_1618 : vector<16xf32>
    %add3A_1622 = arith.addf %add3A_1544, %mul3A_1621 : vector<16xf32>
    %broadcast_in_dim3A_1623 = vector.broadcast %arg1 : i32 to vector<16xi32>
    %broadcast_in_dim3A_1624 = arith.constant 20 : i32
    %broadcast_in_dim3A_1625 = vector.broadcast %broadcast_in_dim3A_1624 : i32 to vector<16xi32>
    %gather3A_1626 = tpu.vector_load_idx %arg11[%broadcast_in_dim3A_1623, %broadcast_in_dim3A_1625] : memref<32x32xf32, #tpu.memory_space<vmem>>[vector<16xi32>, vector<16xi32>], vector<16xf32>,
    %broadcast_in_dim3A_1627 = vector.broadcast %add3A_61 : i32 to vector<16xi32>
    %broadcast_in_dim3A_1628 = arith.constant 20 : i32
    %broadcast_in_dim3A_1629 = vector.broadcast %broadcast_in_dim3A_1628 : i32 to vector<16xi32>
    %gather3A_1630 = tpu.vector_load_idx %arg11[%broadcast_in_dim3A_1627, %broadcast_in_dim3A_1629] : memref<32x32xf32, #tpu.memory_space<vmem>>[vector<16xi32>, vector<16xi32>], vector<16xf32>,
    %broadcast_in_dim3A_1631 = arith.constant 20 : i32
    %broadcast_in_dim3A_1632 = vector.broadcast %broadcast_in_dim3A_1631 : i32 to vector<16xi32>
    %gather3A_1633 = tpu.vector_load_idx %arg9[%min3A_23, %broadcast_in_dim3A_1632] : memref<101x32xf32, #tpu.memory_space<vmem>>[vector<16xi32>, vector<16xi32>], vector<16xf32>,
    %max3A_1634 = arith.constant 0.000000e+00 : f32
    %max3A_1635 = vector.broadcast %max3A_1634 : f32 to vector<16xf32>
    %max3A_1636 = arith.maximumf %gather3A_1633, %max3A_1635 : vector<16xf32>
    %mul3A_1637 = arith.mulf %gather3A_1626, %max3A_1636 : vector<16xf32>
    %add3A_1638 = arith.addf %add3A_1560, %mul3A_1637 : vector<16xf32>
    %mul3A_1639 = arith.mulf %gather3A_1630, %max3A_1636 : vector<16xf32>
    %add3A_1640 = arith.addf %add3A_1562, %mul3A_1639 : vector<16xf32>
    %broadcast_in_dim3A_1641 = arith.constant 20 : i32
    %broadcast_in_dim3A_1642 = vector.broadcast %broadcast_in_dim3A_1641 : i32 to vector<16xi32>
    %gather3A_1643 = tpu.vector_load_idx %arg9[%min3A_29, %broadcast_in_dim3A_1642] : memref<101x32xf32, #tpu.memory_space<vmem>>[vector<16xi32>, vector<16xi32>], vector<16xf32>,
    %max3A_1644 = arith.constant 0.000000e+00 : f32
    %max3A_1645 = vector.broadcast %max3A_1644 : f32 to vector<16xf32>
    %max3A_1646 = arith.maximumf %gather3A_1643, %max3A_1645 : vector<16xf32>
    %mul3A_1647 = arith.mulf %gather3A_1626, %max3A_1646 : vector<16xf32>
    %add3A_1648 = arith.addf %add3A_1570, %mul3A_1647 : vector<16xf32>
    %mul3A_1649 = arith.mulf %gather3A_1630, %max3A_1646 : vector<16xf32>
    %add3A_1650 = arith.addf %add3A_1572, %mul3A_1649 : vector<16xf32>
    %broadcast_in_dim3A_1651 = arith.constant 20 : i32
    %broadcast_in_dim3A_1652 = vector.broadcast %broadcast_in_dim3A_1651 : i32 to vector<16xi32>
    %gather3A_1653 = tpu.vector_load_idx %arg9[%min3A_35, %broadcast_in_dim3A_1652] : memref<101x32xf32, #tpu.memory_space<vmem>>[vector<16xi32>, vector<16xi32>], vector<16xf32>,
    %max3A_1654 = arith.constant 0.000000e+00 : f32
    %max3A_1655 = vector.broadcast %max3A_1654 : f32 to vector<16xf32>
    %max3A_1656 = arith.maximumf %gather3A_1653, %max3A_1655 : vector<16xf32>
    %mul3A_1657 = arith.mulf %gather3A_1626, %max3A_1656 : vector<16xf32>
    %add3A_1658 = arith.addf %add3A_1580, %mul3A_1657 : vector<16xf32>
    %mul3A_1659 = arith.mulf %gather3A_1630, %max3A_1656 : vector<16xf32>
    %add3A_1660 = arith.addf %add3A_1582, %mul3A_1659 : vector<16xf32>
    %broadcast_in_dim3A_1661 = arith.constant 20 : i32
    %broadcast_in_dim3A_1662 = vector.broadcast %broadcast_in_dim3A_1661 : i32 to vector<16xi32>
    %gather3A_1663 = tpu.vector_load_idx %arg9[%min3A_41, %broadcast_in_dim3A_1662] : memref<101x32xf32, #tpu.memory_space<vmem>>[vector<16xi32>, vector<16xi32>], vector<16xf32>,
    %max3A_1664 = arith.constant 0.000000e+00 : f32
    %max3A_1665 = vector.broadcast %max3A_1664 : f32 to vector<16xf32>
    %max3A_1666 = arith.maximumf %gather3A_1663, %max3A_1665 : vector<16xf32>
    %mul3A_1667 = arith.mulf %gather3A_1626, %max3A_1666 : vector<16xf32>
    %add3A_1668 = arith.addf %add3A_1590, %mul3A_1667 : vector<16xf32>
    %mul3A_1669 = arith.mulf %gather3A_1630, %max3A_1666 : vector<16xf32>
    %add3A_1670 = arith.addf %add3A_1592, %mul3A_1669 : vector<16xf32>
    %broadcast_in_dim3A_1671 = arith.constant 20 : i32
    %broadcast_in_dim3A_1672 = vector.broadcast %broadcast_in_dim3A_1671 : i32 to vector<16xi32>
    %gather3A_1673 = tpu.vector_load_idx %arg9[%min3A_47, %broadcast_in_dim3A_1672] : memref<101x32xf32, #tpu.memory_space<vmem>>[vector<16xi32>, vector<16xi32>], vector<16xf32>,
    %max3A_1674 = arith.constant 0.000000e+00 : f32
    %max3A_1675 = vector.broadcast %max3A_1674 : f32 to vector<16xf32>
    %max3A_1676 = arith.maximumf %gather3A_1673, %max3A_1675 : vector<16xf32>
    %mul3A_1677 = arith.mulf %gather3A_1626, %max3A_1676 : vector<16xf32>
    %add3A_1678 = arith.addf %add3A_1600, %mul3A_1677 : vector<16xf32>
    %mul3A_1679 = arith.mulf %gather3A_1630, %max3A_1676 : vector<16xf32>
    %add3A_1680 = arith.addf %add3A_1602, %mul3A_1679 : vector<16xf32>
    %broadcast_in_dim3A_1681 = arith.constant 20 : i32
    %broadcast_in_dim3A_1682 = vector.broadcast %broadcast_in_dim3A_1681 : i32 to vector<16xi32>
    %gather3A_1683 = tpu.vector_load_idx %arg9[%min3A_53, %broadcast_in_dim3A_1682] : memref<101x32xf32, #tpu.memory_space<vmem>>[vector<16xi32>, vector<16xi32>], vector<16xf32>,
    %max3A_1684 = arith.constant 0.000000e+00 : f32
    %max3A_1685 = vector.broadcast %max3A_1684 : f32 to vector<16xf32>
    %max3A_1686 = arith.maximumf %gather3A_1683, %max3A_1685 : vector<16xf32>
    %mul3A_1687 = arith.mulf %gather3A_1626, %max3A_1686 : vector<16xf32>
    %add3A_1688 = arith.addf %add3A_1610, %mul3A_1687 : vector<16xf32>
    %mul3A_1689 = arith.mulf %gather3A_1630, %max3A_1686 : vector<16xf32>
    %add3A_1690 = arith.addf %add3A_1612, %mul3A_1689 : vector<16xf32>
    %broadcast_in_dim3A_1691 = arith.constant 20 : i32
    %broadcast_in_dim3A_1692 = vector.broadcast %broadcast_in_dim3A_1691 : i32 to vector<16xi32>
    %gather3A_1693 = tpu.vector_load_idx %arg9[%min3A_59, %broadcast_in_dim3A_1692] : memref<101x32xf32, #tpu.memory_space<vmem>>[vector<16xi32>, vector<16xi32>], vector<16xf32>,
    %max3A_1694 = arith.constant 0.000000e+00 : f32
    %max3A_1695 = vector.broadcast %max3A_1694 : f32 to vector<16xf32>
    %max3A_1696 = arith.maximumf %gather3A_1693, %max3A_1695 : vector<16xf32>
    %mul3A_1697 = arith.mulf %gather3A_1626, %max3A_1696 : vector<16xf32>
    %add3A_1698 = arith.addf %add3A_1620, %mul3A_1697 : vector<16xf32>
    %mul3A_1699 = arith.mulf %gather3A_1630, %max3A_1696 : vector<16xf32>
    %add3A_1700 = arith.addf %add3A_1622, %mul3A_1699 : vector<16xf32>
    %broadcast_in_dim3A_1701 = vector.broadcast %arg1 : i32 to vector<16xi32>
    %broadcast_in_dim3A_1702 = arith.constant 21 : i32
    %broadcast_in_dim3A_1703 = vector.broadcast %broadcast_in_dim3A_1702 : i32 to vector<16xi32>
    %gather3A_1704 = tpu.vector_load_idx %arg11[%broadcast_in_dim3A_1701, %broadcast_in_dim3A_1703] : memref<32x32xf32, #tpu.memory_space<vmem>>[vector<16xi32>, vector<16xi32>], vector<16xf32>,
    %broadcast_in_dim3A_1705 = vector.broadcast %add3A_61 : i32 to vector<16xi32>
    %broadcast_in_dim3A_1706 = arith.constant 21 : i32
    %broadcast_in_dim3A_1707 = vector.broadcast %broadcast_in_dim3A_1706 : i32 to vector<16xi32>
    %gather3A_1708 = tpu.vector_load_idx %arg11[%broadcast_in_dim3A_1705, %broadcast_in_dim3A_1707] : memref<32x32xf32, #tpu.memory_space<vmem>>[vector<16xi32>, vector<16xi32>], vector<16xf32>,
    %broadcast_in_dim3A_1709 = arith.constant 21 : i32
    %broadcast_in_dim3A_1710 = vector.broadcast %broadcast_in_dim3A_1709 : i32 to vector<16xi32>
    %gather3A_1711 = tpu.vector_load_idx %arg9[%min3A_23, %broadcast_in_dim3A_1710] : memref<101x32xf32, #tpu.memory_space<vmem>>[vector<16xi32>, vector<16xi32>], vector<16xf32>,
    %max3A_1712 = arith.constant 0.000000e+00 : f32
    %max3A_1713 = vector.broadcast %max3A_1712 : f32 to vector<16xf32>
    %max3A_1714 = arith.maximumf %gather3A_1711, %max3A_1713 : vector<16xf32>
    %mul3A_1715 = arith.mulf %gather3A_1704, %max3A_1714 : vector<16xf32>
    %add3A_1716 = arith.addf %add3A_1638, %mul3A_1715 : vector<16xf32>
    %mul3A_1717 = arith.mulf %gather3A_1708, %max3A_1714 : vector<16xf32>
    %add3A_1718 = arith.addf %add3A_1640, %mul3A_1717 : vector<16xf32>
    %broadcast_in_dim3A_1719 = arith.constant 21 : i32
    %broadcast_in_dim3A_1720 = vector.broadcast %broadcast_in_dim3A_1719 : i32 to vector<16xi32>
    %gather3A_1721 = tpu.vector_load_idx %arg9[%min3A_29, %broadcast_in_dim3A_1720] : memref<101x32xf32, #tpu.memory_space<vmem>>[vector<16xi32>, vector<16xi32>], vector<16xf32>,
    %max3A_1722 = arith.constant 0.000000e+00 : f32
    %max3A_1723 = vector.broadcast %max3A_1722 : f32 to vector<16xf32>
    %max3A_1724 = arith.maximumf %gather3A_1721, %max3A_1723 : vector<16xf32>
    %mul3A_1725 = arith.mulf %gather3A_1704, %max3A_1724 : vector<16xf32>
    %add3A_1726 = arith.addf %add3A_1648, %mul3A_1725 : vector<16xf32>
    %mul3A_1727 = arith.mulf %gather3A_1708, %max3A_1724 : vector<16xf32>
    %add3A_1728 = arith.addf %add3A_1650, %mul3A_1727 : vector<16xf32>
    %broadcast_in_dim3A_1729 = arith.constant 21 : i32
    %broadcast_in_dim3A_1730 = vector.broadcast %broadcast_in_dim3A_1729 : i32 to vector<16xi32>
    %gather3A_1731 = tpu.vector_load_idx %arg9[%min3A_35, %broadcast_in_dim3A_1730] : memref<101x32xf32, #tpu.memory_space<vmem>>[vector<16xi32>, vector<16xi32>], vector<16xf32>,
    %max3A_1732 = arith.constant 0.000000e+00 : f32
    %max3A_1733 = vector.broadcast %max3A_1732 : f32 to vector<16xf32>
    %max3A_1734 = arith.maximumf %gather3A_1731, %max3A_1733 : vector<16xf32>
    %mul3A_1735 = arith.mulf %gather3A_1704, %max3A_1734 : vector<16xf32>
    %add3A_1736 = arith.addf %add3A_1658, %mul3A_1735 : vector<16xf32>
    %mul3A_1737 = arith.mulf %gather3A_1708, %max3A_1734 : vector<16xf32>
    %add3A_1738 = arith.addf %add3A_1660, %mul3A_1737 : vector<16xf32>
    %broadcast_in_dim3A_1739 = arith.constant 21 : i32
    %broadcast_in_dim3A_1740 = vector.broadcast %broadcast_in_dim3A_1739 : i32 to vector<16xi32>
    %gather3A_1741 = tpu.vector_load_idx %arg9[%min3A_41, %broadcast_in_dim3A_1740] : memref<101x32xf32, #tpu.memory_space<vmem>>[vector<16xi32>, vector<16xi32>], vector<16xf32>,
    %max3A_1742 = arith.constant 0.000000e+00 : f32
    %max3A_1743 = vector.broadcast %max3A_1742 : f32 to vector<16xf32>
    %max3A_1744 = arith.maximumf %gather3A_1741, %max3A_1743 : vector<16xf32>
    %mul3A_1745 = arith.mulf %gather3A_1704, %max3A_1744 : vector<16xf32>
    %add3A_1746 = arith.addf %add3A_1668, %mul3A_1745 : vector<16xf32>
    %mul3A_1747 = arith.mulf %gather3A_1708, %max3A_1744 : vector<16xf32>
    %add3A_1748 = arith.addf %add3A_1670, %mul3A_1747 : vector<16xf32>
    %broadcast_in_dim3A_1749 = arith.constant 21 : i32
    %broadcast_in_dim3A_1750 = vector.broadcast %broadcast_in_dim3A_1749 : i32 to vector<16xi32>
    %gather3A_1751 = tpu.vector_load_idx %arg9[%min3A_47, %broadcast_in_dim3A_1750] : memref<101x32xf32, #tpu.memory_space<vmem>>[vector<16xi32>, vector<16xi32>], vector<16xf32>,
    %max3A_1752 = arith.constant 0.000000e+00 : f32
    %max3A_1753 = vector.broadcast %max3A_1752 : f32 to vector<16xf32>
    %max3A_1754 = arith.maximumf %gather3A_1751, %max3A_1753 : vector<16xf32>
    %mul3A_1755 = arith.mulf %gather3A_1704, %max3A_1754 : vector<16xf32>
    %add3A_1756 = arith.addf %add3A_1678, %mul3A_1755 : vector<16xf32>
    %mul3A_1757 = arith.mulf %gather3A_1708, %max3A_1754 : vector<16xf32>
    %add3A_1758 = arith.addf %add3A_1680, %mul3A_1757 : vector<16xf32>
    %broadcast_in_dim3A_1759 = arith.constant 21 : i32
    %broadcast_in_dim3A_1760 = vector.broadcast %broadcast_in_dim3A_1759 : i32 to vector<16xi32>
    %gather3A_1761 = tpu.vector_load_idx %arg9[%min3A_53, %broadcast_in_dim3A_1760] : memref<101x32xf32, #tpu.memory_space<vmem>>[vector<16xi32>, vector<16xi32>], vector<16xf32>,
    %max3A_1762 = arith.constant 0.000000e+00 : f32
    %max3A_1763 = vector.broadcast %max3A_1762 : f32 to vector<16xf32>
    %max3A_1764 = arith.maximumf %gather3A_1761, %max3A_1763 : vector<16xf32>
    %mul3A_1765 = arith.mulf %gather3A_1704, %max3A_1764 : vector<16xf32>
    %add3A_1766 = arith.addf %add3A_1688, %mul3A_1765 : vector<16xf32>
    %mul3A_1767 = arith.mulf %gather3A_1708, %max3A_1764 : vector<16xf32>
    %add3A_1768 = arith.addf %add3A_1690, %mul3A_1767 : vector<16xf32>
    %broadcast_in_dim3A_1769 = arith.constant 21 : i32
    %broadcast_in_dim3A_1770 = vector.broadcast %broadcast_in_dim3A_1769 : i32 to vector<16xi32>
    %gather3A_1771 = tpu.vector_load_idx %arg9[%min3A_59, %broadcast_in_dim3A_1770] : memref<101x32xf32, #tpu.memory_space<vmem>>[vector<16xi32>, vector<16xi32>], vector<16xf32>,
    %max3A_1772 = arith.constant 0.000000e+00 : f32
    %max3A_1773 = vector.broadcast %max3A_1772 : f32 to vector<16xf32>
    %max3A_1774 = arith.maximumf %gather3A_1771, %max3A_1773 : vector<16xf32>
    %mul3A_1775 = arith.mulf %gather3A_1704, %max3A_1774 : vector<16xf32>
    %add3A_1776 = arith.addf %add3A_1698, %mul3A_1775 : vector<16xf32>
    %mul3A_1777 = arith.mulf %gather3A_1708, %max3A_1774 : vector<16xf32>
    %add3A_1778 = arith.addf %add3A_1700, %mul3A_1777 : vector<16xf32>
    %broadcast_in_dim3A_1779 = vector.broadcast %arg1 : i32 to vector<16xi32>
    %broadcast_in_dim3A_1780 = arith.constant 22 : i32
    %broadcast_in_dim3A_1781 = vector.broadcast %broadcast_in_dim3A_1780 : i32 to vector<16xi32>
    %gather3A_1782 = tpu.vector_load_idx %arg11[%broadcast_in_dim3A_1779, %broadcast_in_dim3A_1781] : memref<32x32xf32, #tpu.memory_space<vmem>>[vector<16xi32>, vector<16xi32>], vector<16xf32>,
    %broadcast_in_dim3A_1783 = vector.broadcast %add3A_61 : i32 to vector<16xi32>
    %broadcast_in_dim3A_1784 = arith.constant 22 : i32
    %broadcast_in_dim3A_1785 = vector.broadcast %broadcast_in_dim3A_1784 : i32 to vector<16xi32>
    %gather3A_1786 = tpu.vector_load_idx %arg11[%broadcast_in_dim3A_1783, %broadcast_in_dim3A_1785] : memref<32x32xf32, #tpu.memory_space<vmem>>[vector<16xi32>, vector<16xi32>], vector<16xf32>,
    %broadcast_in_dim3A_1787 = arith.constant 22 : i32
    %broadcast_in_dim3A_1788 = vector.broadcast %broadcast_in_dim3A_1787 : i32 to vector<16xi32>
    %gather3A_1789 = tpu.vector_load_idx %arg9[%min3A_23, %broadcast_in_dim3A_1788] : memref<101x32xf32, #tpu.memory_space<vmem>>[vector<16xi32>, vector<16xi32>], vector<16xf32>,
    %max3A_1790 = arith.constant 0.000000e+00 : f32
    %max3A_1791 = vector.broadcast %max3A_1790 : f32 to vector<16xf32>
    %max3A_1792 = arith.maximumf %gather3A_1789, %max3A_1791 : vector<16xf32>
    %mul3A_1793 = arith.mulf %gather3A_1782, %max3A_1792 : vector<16xf32>
    %add3A_1794 = arith.addf %add3A_1716, %mul3A_1793 : vector<16xf32>
    %mul3A_1795 = arith.mulf %gather3A_1786, %max3A_1792 : vector<16xf32>
    %add3A_1796 = arith.addf %add3A_1718, %mul3A_1795 : vector<16xf32>
    %broadcast_in_dim3A_1797 = arith.constant 22 : i32
    %broadcast_in_dim3A_1798 = vector.broadcast %broadcast_in_dim3A_1797 : i32 to vector<16xi32>
    %gather3A_1799 = tpu.vector_load_idx %arg9[%min3A_29, %broadcast_in_dim3A_1798] : memref<101x32xf32, #tpu.memory_space<vmem>>[vector<16xi32>, vector<16xi32>], vector<16xf32>,
    %max3A_1800 = arith.constant 0.000000e+00 : f32
    %max3A_1801 = vector.broadcast %max3A_1800 : f32 to vector<16xf32>
    %max3A_1802 = arith.maximumf %gather3A_1799, %max3A_1801 : vector<16xf32>
    %mul3A_1803 = arith.mulf %gather3A_1782, %max3A_1802 : vector<16xf32>
    %add3A_1804 = arith.addf %add3A_1726, %mul3A_1803 : vector<16xf32>
    %mul3A_1805 = arith.mulf %gather3A_1786, %max3A_1802 : vector<16xf32>
    %add3A_1806 = arith.addf %add3A_1728, %mul3A_1805 : vector<16xf32>
    %broadcast_in_dim3A_1807 = arith.constant 22 : i32
    %broadcast_in_dim3A_1808 = vector.broadcast %broadcast_in_dim3A_1807 : i32 to vector<16xi32>
    %gather3A_1809 = tpu.vector_load_idx %arg9[%min3A_35, %broadcast_in_dim3A_1808] : memref<101x32xf32, #tpu.memory_space<vmem>>[vector<16xi32>, vector<16xi32>], vector<16xf32>,
    %max3A_1810 = arith.constant 0.000000e+00 : f32
    %max3A_1811 = vector.broadcast %max3A_1810 : f32 to vector<16xf32>
    %max3A_1812 = arith.maximumf %gather3A_1809, %max3A_1811 : vector<16xf32>
    %mul3A_1813 = arith.mulf %gather3A_1782, %max3A_1812 : vector<16xf32>
    %add3A_1814 = arith.addf %add3A_1736, %mul3A_1813 : vector<16xf32>
    %mul3A_1815 = arith.mulf %gather3A_1786, %max3A_1812 : vector<16xf32>
    %add3A_1816 = arith.addf %add3A_1738, %mul3A_1815 : vector<16xf32>
    %broadcast_in_dim3A_1817 = arith.constant 22 : i32
    %broadcast_in_dim3A_1818 = vector.broadcast %broadcast_in_dim3A_1817 : i32 to vector<16xi32>
    %gather3A_1819 = tpu.vector_load_idx %arg9[%min3A_41, %broadcast_in_dim3A_1818] : memref<101x32xf32, #tpu.memory_space<vmem>>[vector<16xi32>, vector<16xi32>], vector<16xf32>,
    %max3A_1820 = arith.constant 0.000000e+00 : f32
    %max3A_1821 = vector.broadcast %max3A_1820 : f32 to vector<16xf32>
    %max3A_1822 = arith.maximumf %gather3A_1819, %max3A_1821 : vector<16xf32>
    %mul3A_1823 = arith.mulf %gather3A_1782, %max3A_1822 : vector<16xf32>
    %add3A_1824 = arith.addf %add3A_1746, %mul3A_1823 : vector<16xf32>
    %mul3A_1825 = arith.mulf %gather3A_1786, %max3A_1822 : vector<16xf32>
    %add3A_1826 = arith.addf %add3A_1748, %mul3A_1825 : vector<16xf32>
    %broadcast_in_dim3A_1827 = arith.constant 22 : i32
    %broadcast_in_dim3A_1828 = vector.broadcast %broadcast_in_dim3A_1827 : i32 to vector<16xi32>
    %gather3A_1829 = tpu.vector_load_idx %arg9[%min3A_47, %broadcast_in_dim3A_1828] : memref<101x32xf32, #tpu.memory_space<vmem>>[vector<16xi32>, vector<16xi32>], vector<16xf32>,
    %max3A_1830 = arith.constant 0.000000e+00 : f32
    %max3A_1831 = vector.broadcast %max3A_1830 : f32 to vector<16xf32>
    %max3A_1832 = arith.maximumf %gather3A_1829, %max3A_1831 : vector<16xf32>
    %mul3A_1833 = arith.mulf %gather3A_1782, %max3A_1832 : vector<16xf32>
    %add3A_1834 = arith.addf %add3A_1756, %mul3A_1833 : vector<16xf32>
    %mul3A_1835 = arith.mulf %gather3A_1786, %max3A_1832 : vector<16xf32>
    %add3A_1836 = arith.addf %add3A_1758, %mul3A_1835 : vector<16xf32>
    %broadcast_in_dim3A_1837 = arith.constant 22 : i32
    %broadcast_in_dim3A_1838 = vector.broadcast %broadcast_in_dim3A_1837 : i32 to vector<16xi32>
    %gather3A_1839 = tpu.vector_load_idx %arg9[%min3A_53, %broadcast_in_dim3A_1838] : memref<101x32xf32, #tpu.memory_space<vmem>>[vector<16xi32>, vector<16xi32>], vector<16xf32>,
    %max3A_1840 = arith.constant 0.000000e+00 : f32
    %max3A_1841 = vector.broadcast %max3A_1840 : f32 to vector<16xf32>
    %max3A_1842 = arith.maximumf %gather3A_1839, %max3A_1841 : vector<16xf32>
    %mul3A_1843 = arith.mulf %gather3A_1782, %max3A_1842 : vector<16xf32>
    %add3A_1844 = arith.addf %add3A_1766, %mul3A_1843 : vector<16xf32>
    %mul3A_1845 = arith.mulf %gather3A_1786, %max3A_1842 : vector<16xf32>
    %add3A_1846 = arith.addf %add3A_1768, %mul3A_1845 : vector<16xf32>
    %broadcast_in_dim3A_1847 = arith.constant 22 : i32
    %broadcast_in_dim3A_1848 = vector.broadcast %broadcast_in_dim3A_1847 : i32 to vector<16xi32>
    %gather3A_1849 = tpu.vector_load_idx %arg9[%min3A_59, %broadcast_in_dim3A_1848] : memref<101x32xf32, #tpu.memory_space<vmem>>[vector<16xi32>, vector<16xi32>], vector<16xf32>,
    %max3A_1850 = arith.constant 0.000000e+00 : f32
    %max3A_1851 = vector.broadcast %max3A_1850 : f32 to vector<16xf32>
    %max3A_1852 = arith.maximumf %gather3A_1849, %max3A_1851 : vector<16xf32>
    %mul3A_1853 = arith.mulf %gather3A_1782, %max3A_1852 : vector<16xf32>
    %add3A_1854 = arith.addf %add3A_1776, %mul3A_1853 : vector<16xf32>
    %mul3A_1855 = arith.mulf %gather3A_1786, %max3A_1852 : vector<16xf32>
    %add3A_1856 = arith.addf %add3A_1778, %mul3A_1855 : vector<16xf32>
    %broadcast_in_dim3A_1857 = vector.broadcast %arg1 : i32 to vector<16xi32>
    %broadcast_in_dim3A_1858 = arith.constant 23 : i32
    %broadcast_in_dim3A_1859 = vector.broadcast %broadcast_in_dim3A_1858 : i32 to vector<16xi32>
    %gather3A_1860 = tpu.vector_load_idx %arg11[%broadcast_in_dim3A_1857, %broadcast_in_dim3A_1859] : memref<32x32xf32, #tpu.memory_space<vmem>>[vector<16xi32>, vector<16xi32>], vector<16xf32>,
    %broadcast_in_dim3A_1861 = vector.broadcast %add3A_61 : i32 to vector<16xi32>
    %broadcast_in_dim3A_1862 = arith.constant 23 : i32
    %broadcast_in_dim3A_1863 = vector.broadcast %broadcast_in_dim3A_1862 : i32 to vector<16xi32>
    %gather3A_1864 = tpu.vector_load_idx %arg11[%broadcast_in_dim3A_1861, %broadcast_in_dim3A_1863] : memref<32x32xf32, #tpu.memory_space<vmem>>[vector<16xi32>, vector<16xi32>], vector<16xf32>,
    %broadcast_in_dim3A_1865 = arith.constant 23 : i32
    %broadcast_in_dim3A_1866 = vector.broadcast %broadcast_in_dim3A_1865 : i32 to vector<16xi32>
    %gather3A_1867 = tpu.vector_load_idx %arg9[%min3A_23, %broadcast_in_dim3A_1866] : memref<101x32xf32, #tpu.memory_space<vmem>>[vector<16xi32>, vector<16xi32>], vector<16xf32>,
    %max3A_1868 = arith.constant 0.000000e+00 : f32
    %max3A_1869 = vector.broadcast %max3A_1868 : f32 to vector<16xf32>
    %max3A_1870 = arith.maximumf %gather3A_1867, %max3A_1869 : vector<16xf32>
    %mul3A_1871 = arith.mulf %gather3A_1860, %max3A_1870 : vector<16xf32>
    %add3A_1872 = arith.addf %add3A_1794, %mul3A_1871 : vector<16xf32>
    %mul3A_1873 = arith.mulf %gather3A_1864, %max3A_1870 : vector<16xf32>
    %add3A_1874 = arith.addf %add3A_1796, %mul3A_1873 : vector<16xf32>
    %broadcast_in_dim3A_1875 = arith.constant 23 : i32
    %broadcast_in_dim3A_1876 = vector.broadcast %broadcast_in_dim3A_1875 : i32 to vector<16xi32>
    %gather3A_1877 = tpu.vector_load_idx %arg9[%min3A_29, %broadcast_in_dim3A_1876] : memref<101x32xf32, #tpu.memory_space<vmem>>[vector<16xi32>, vector<16xi32>], vector<16xf32>,
    %max3A_1878 = arith.constant 0.000000e+00 : f32
    %max3A_1879 = vector.broadcast %max3A_1878 : f32 to vector<16xf32>
    %max3A_1880 = arith.maximumf %gather3A_1877, %max3A_1879 : vector<16xf32>
    %mul3A_1881 = arith.mulf %gather3A_1860, %max3A_1880 : vector<16xf32>
    %add3A_1882 = arith.addf %add3A_1804, %mul3A_1881 : vector<16xf32>
    %mul3A_1883 = arith.mulf %gather3A_1864, %max3A_1880 : vector<16xf32>
    %add3A_1884 = arith.addf %add3A_1806, %mul3A_1883 : vector<16xf32>
    %broadcast_in_dim3A_1885 = arith.constant 23 : i32
    %broadcast_in_dim3A_1886 = vector.broadcast %broadcast_in_dim3A_1885 : i32 to vector<16xi32>
    %gather3A_1887 = tpu.vector_load_idx %arg9[%min3A_35, %broadcast_in_dim3A_1886] : memref<101x32xf32, #tpu.memory_space<vmem>>[vector<16xi32>, vector<16xi32>], vector<16xf32>,
    %max3A_1888 = arith.constant 0.000000e+00 : f32
    %max3A_1889 = vector.broadcast %max3A_1888 : f32 to vector<16xf32>
    %max3A_1890 = arith.maximumf %gather3A_1887, %max3A_1889 : vector<16xf32>
    %mul3A_1891 = arith.mulf %gather3A_1860, %max3A_1890 : vector<16xf32>
    %add3A_1892 = arith.addf %add3A_1814, %mul3A_1891 : vector<16xf32>
    %mul3A_1893 = arith.mulf %gather3A_1864, %max3A_1890 : vector<16xf32>
    %add3A_1894 = arith.addf %add3A_1816, %mul3A_1893 : vector<16xf32>
    %broadcast_in_dim3A_1895 = arith.constant 23 : i32
    %broadcast_in_dim3A_1896 = vector.broadcast %broadcast_in_dim3A_1895 : i32 to vector<16xi32>
    %gather3A_1897 = tpu.vector_load_idx %arg9[%min3A_41, %broadcast_in_dim3A_1896] : memref<101x32xf32, #tpu.memory_space<vmem>>[vector<16xi32>, vector<16xi32>], vector<16xf32>,
    %max3A_1898 = arith.constant 0.000000e+00 : f32
    %max3A_1899 = vector.broadcast %max3A_1898 : f32 to vector<16xf32>
    %max3A_1900 = arith.maximumf %gather3A_1897, %max3A_1899 : vector<16xf32>
    %mul3A_1901 = arith.mulf %gather3A_1860, %max3A_1900 : vector<16xf32>
    %add3A_1902 = arith.addf %add3A_1824, %mul3A_1901 : vector<16xf32>
    %mul3A_1903 = arith.mulf %gather3A_1864, %max3A_1900 : vector<16xf32>
    %add3A_1904 = arith.addf %add3A_1826, %mul3A_1903 : vector<16xf32>
    %broadcast_in_dim3A_1905 = arith.constant 23 : i32
    %broadcast_in_dim3A_1906 = vector.broadcast %broadcast_in_dim3A_1905 : i32 to vector<16xi32>
    %gather3A_1907 = tpu.vector_load_idx %arg9[%min3A_47, %broadcast_in_dim3A_1906] : memref<101x32xf32, #tpu.memory_space<vmem>>[vector<16xi32>, vector<16xi32>], vector<16xf32>,
    %max3A_1908 = arith.constant 0.000000e+00 : f32
    %max3A_1909 = vector.broadcast %max3A_1908 : f32 to vector<16xf32>
    %max3A_1910 = arith.maximumf %gather3A_1907, %max3A_1909 : vector<16xf32>
    %mul3A_1911 = arith.mulf %gather3A_1860, %max3A_1910 : vector<16xf32>
    %add3A_1912 = arith.addf %add3A_1834, %mul3A_1911 : vector<16xf32>
    %mul3A_1913 = arith.mulf %gather3A_1864, %max3A_1910 : vector<16xf32>
    %add3A_1914 = arith.addf %add3A_1836, %mul3A_1913 : vector<16xf32>
    %broadcast_in_dim3A_1915 = arith.constant 23 : i32
    %broadcast_in_dim3A_1916 = vector.broadcast %broadcast_in_dim3A_1915 : i32 to vector<16xi32>
    %gather3A_1917 = tpu.vector_load_idx %arg9[%min3A_53, %broadcast_in_dim3A_1916] : memref<101x32xf32, #tpu.memory_space<vmem>>[vector<16xi32>, vector<16xi32>], vector<16xf32>,
    %max3A_1918 = arith.constant 0.000000e+00 : f32
    %max3A_1919 = vector.broadcast %max3A_1918 : f32 to vector<16xf32>
    %max3A_1920 = arith.maximumf %gather3A_1917, %max3A_1919 : vector<16xf32>
    %mul3A_1921 = arith.mulf %gather3A_1860, %max3A_1920 : vector<16xf32>
    %add3A_1922 = arith.addf %add3A_1844, %mul3A_1921 : vector<16xf32>
    %mul3A_1923 = arith.mulf %gather3A_1864, %max3A_1920 : vector<16xf32>
    %add3A_1924 = arith.addf %add3A_1846, %mul3A_1923 : vector<16xf32>
    %broadcast_in_dim3A_1925 = arith.constant 23 : i32
    %broadcast_in_dim3A_1926 = vector.broadcast %broadcast_in_dim3A_1925 : i32 to vector<16xi32>
    %gather3A_1927 = tpu.vector_load_idx %arg9[%min3A_59, %broadcast_in_dim3A_1926] : memref<101x32xf32, #tpu.memory_space<vmem>>[vector<16xi32>, vector<16xi32>], vector<16xf32>,
    %max3A_1928 = arith.constant 0.000000e+00 : f32
    %max3A_1929 = vector.broadcast %max3A_1928 : f32 to vector<16xf32>
    %max3A_1930 = arith.maximumf %gather3A_1927, %max3A_1929 : vector<16xf32>
    %mul3A_1931 = arith.mulf %gather3A_1860, %max3A_1930 : vector<16xf32>
    %add3A_1932 = arith.addf %add3A_1854, %mul3A_1931 : vector<16xf32>
    %mul3A_1933 = arith.mulf %gather3A_1864, %max3A_1930 : vector<16xf32>
    %add3A_1934 = arith.addf %add3A_1856, %mul3A_1933 : vector<16xf32>
    %broadcast_in_dim3A_1935 = vector.broadcast %arg1 : i32 to vector<16xi32>
    %broadcast_in_dim3A_1936 = arith.constant 24 : i32
    %broadcast_in_dim3A_1937 = vector.broadcast %broadcast_in_dim3A_1936 : i32 to vector<16xi32>
    %gather3A_1938 = tpu.vector_load_idx %arg11[%broadcast_in_dim3A_1935, %broadcast_in_dim3A_1937] : memref<32x32xf32, #tpu.memory_space<vmem>>[vector<16xi32>, vector<16xi32>], vector<16xf32>,
    %broadcast_in_dim3A_1939 = vector.broadcast %add3A_61 : i32 to vector<16xi32>
    %broadcast_in_dim3A_1940 = arith.constant 24 : i32
    %broadcast_in_dim3A_1941 = vector.broadcast %broadcast_in_dim3A_1940 : i32 to vector<16xi32>
    %gather3A_1942 = tpu.vector_load_idx %arg11[%broadcast_in_dim3A_1939, %broadcast_in_dim3A_1941] : memref<32x32xf32, #tpu.memory_space<vmem>>[vector<16xi32>, vector<16xi32>], vector<16xf32>,
    %broadcast_in_dim3A_1943 = arith.constant 24 : i32
    %broadcast_in_dim3A_1944 = vector.broadcast %broadcast_in_dim3A_1943 : i32 to vector<16xi32>
    %gather3A_1945 = tpu.vector_load_idx %arg9[%min3A_23, %broadcast_in_dim3A_1944] : memref<101x32xf32, #tpu.memory_space<vmem>>[vector<16xi32>, vector<16xi32>], vector<16xf32>,
    %max3A_1946 = arith.constant 0.000000e+00 : f32
    %max3A_1947 = vector.broadcast %max3A_1946 : f32 to vector<16xf32>
    %max3A_1948 = arith.maximumf %gather3A_1945, %max3A_1947 : vector<16xf32>
    %mul3A_1949 = arith.mulf %gather3A_1938, %max3A_1948 : vector<16xf32>
    %add3A_1950 = arith.addf %add3A_1872, %mul3A_1949 : vector<16xf32>
    %mul3A_1951 = arith.mulf %gather3A_1942, %max3A_1948 : vector<16xf32>
    %add3A_1952 = arith.addf %add3A_1874, %mul3A_1951 : vector<16xf32>
    %broadcast_in_dim3A_1953 = arith.constant 24 : i32
    %broadcast_in_dim3A_1954 = vector.broadcast %broadcast_in_dim3A_1953 : i32 to vector<16xi32>
    %gather3A_1955 = tpu.vector_load_idx %arg9[%min3A_29, %broadcast_in_dim3A_1954] : memref<101x32xf32, #tpu.memory_space<vmem>>[vector<16xi32>, vector<16xi32>], vector<16xf32>,
    %max3A_1956 = arith.constant 0.000000e+00 : f32
    %max3A_1957 = vector.broadcast %max3A_1956 : f32 to vector<16xf32>
    %max3A_1958 = arith.maximumf %gather3A_1955, %max3A_1957 : vector<16xf32>
    %mul3A_1959 = arith.mulf %gather3A_1938, %max3A_1958 : vector<16xf32>
    %add3A_1960 = arith.addf %add3A_1882, %mul3A_1959 : vector<16xf32>
    %mul3A_1961 = arith.mulf %gather3A_1942, %max3A_1958 : vector<16xf32>
    %add3A_1962 = arith.addf %add3A_1884, %mul3A_1961 : vector<16xf32>
    %broadcast_in_dim3A_1963 = arith.constant 24 : i32
    %broadcast_in_dim3A_1964 = vector.broadcast %broadcast_in_dim3A_1963 : i32 to vector<16xi32>
    %gather3A_1965 = tpu.vector_load_idx %arg9[%min3A_35, %broadcast_in_dim3A_1964] : memref<101x32xf32, #tpu.memory_space<vmem>>[vector<16xi32>, vector<16xi32>], vector<16xf32>,
    %max3A_1966 = arith.constant 0.000000e+00 : f32
    %max3A_1967 = vector.broadcast %max3A_1966 : f32 to vector<16xf32>
    %max3A_1968 = arith.maximumf %gather3A_1965, %max3A_1967 : vector<16xf32>
    %mul3A_1969 = arith.mulf %gather3A_1938, %max3A_1968 : vector<16xf32>
    %add3A_1970 = arith.addf %add3A_1892, %mul3A_1969 : vector<16xf32>
    %mul3A_1971 = arith.mulf %gather3A_1942, %max3A_1968 : vector<16xf32>
    %add3A_1972 = arith.addf %add3A_1894, %mul3A_1971 : vector<16xf32>
    %broadcast_in_dim3A_1973 = arith.constant 24 : i32
    %broadcast_in_dim3A_1974 = vector.broadcast %broadcast_in_dim3A_1973 : i32 to vector<16xi32>
    %gather3A_1975 = tpu.vector_load_idx %arg9[%min3A_41, %broadcast_in_dim3A_1974] : memref<101x32xf32, #tpu.memory_space<vmem>>[vector<16xi32>, vector<16xi32>], vector<16xf32>,
    %max3A_1976 = arith.constant 0.000000e+00 : f32
    %max3A_1977 = vector.broadcast %max3A_1976 : f32 to vector<16xf32>
    %max3A_1978 = arith.maximumf %gather3A_1975, %max3A_1977 : vector<16xf32>
    %mul3A_1979 = arith.mulf %gather3A_1938, %max3A_1978 : vector<16xf32>
    %add3A_1980 = arith.addf %add3A_1902, %mul3A_1979 : vector<16xf32>
    %mul3A_1981 = arith.mulf %gather3A_1942, %max3A_1978 : vector<16xf32>
    %add3A_1982 = arith.addf %add3A_1904, %mul3A_1981 : vector<16xf32>
    %broadcast_in_dim3A_1983 = arith.constant 24 : i32
    %broadcast_in_dim3A_1984 = vector.broadcast %broadcast_in_dim3A_1983 : i32 to vector<16xi32>
    %gather3A_1985 = tpu.vector_load_idx %arg9[%min3A_47, %broadcast_in_dim3A_1984] : memref<101x32xf32, #tpu.memory_space<vmem>>[vector<16xi32>, vector<16xi32>], vector<16xf32>,
    %max3A_1986 = arith.constant 0.000000e+00 : f32
    %max3A_1987 = vector.broadcast %max3A_1986 : f32 to vector<16xf32>
    %max3A_1988 = arith.maximumf %gather3A_1985, %max3A_1987 : vector<16xf32>
    %mul3A_1989 = arith.mulf %gather3A_1938, %max3A_1988 : vector<16xf32>
    %add3A_1990 = arith.addf %add3A_1912, %mul3A_1989 : vector<16xf32>
    %mul3A_1991 = arith.mulf %gather3A_1942, %max3A_1988 : vector<16xf32>
    %add3A_1992 = arith.addf %add3A_1914, %mul3A_1991 : vector<16xf32>
    %broadcast_in_dim3A_1993 = arith.constant 24 : i32
    %broadcast_in_dim3A_1994 = vector.broadcast %broadcast_in_dim3A_1993 : i32 to vector<16xi32>
    %gather3A_1995 = tpu.vector_load_idx %arg9[%min3A_53, %broadcast_in_dim3A_1994] : memref<101x32xf32, #tpu.memory_space<vmem>>[vector<16xi32>, vector<16xi32>], vector<16xf32>,
    %max3A_1996 = arith.constant 0.000000e+00 : f32
    %max3A_1997 = vector.broadcast %max3A_1996 : f32 to vector<16xf32>
    %max3A_1998 = arith.maximumf %gather3A_1995, %max3A_1997 : vector<16xf32>
    %mul3A_1999 = arith.mulf %gather3A_1938, %max3A_1998 : vector<16xf32>
    %add3A_2000 = arith.addf %add3A_1922, %mul3A_1999 : vector<16xf32>
    %mul3A_2001 = arith.mulf %gather3A_1942, %max3A_1998 : vector<16xf32>
    %add3A_2002 = arith.addf %add3A_1924, %mul3A_2001 : vector<16xf32>
    %broadcast_in_dim3A_2003 = arith.constant 24 : i32
    %broadcast_in_dim3A_2004 = vector.broadcast %broadcast_in_dim3A_2003 : i32 to vector<16xi32>
    %gather3A_2005 = tpu.vector_load_idx %arg9[%min3A_59, %broadcast_in_dim3A_2004] : memref<101x32xf32, #tpu.memory_space<vmem>>[vector<16xi32>, vector<16xi32>], vector<16xf32>,
    %max3A_2006 = arith.constant 0.000000e+00 : f32
    %max3A_2007 = vector.broadcast %max3A_2006 : f32 to vector<16xf32>
    %max3A_2008 = arith.maximumf %gather3A_2005, %max3A_2007 : vector<16xf32>
    %mul3A_2009 = arith.mulf %gather3A_1938, %max3A_2008 : vector<16xf32>
    %add3A_2010 = arith.addf %add3A_1932, %mul3A_2009 : vector<16xf32>
    %mul3A_2011 = arith.mulf %gather3A_1942, %max3A_2008 : vector<16xf32>
    %add3A_2012 = arith.addf %add3A_1934, %mul3A_2011 : vector<16xf32>
    %broadcast_in_dim3A_2013 = vector.broadcast %arg1 : i32 to vector<16xi32>
    %broadcast_in_dim3A_2014 = arith.constant 25 : i32
    %broadcast_in_dim3A_2015 = vector.broadcast %broadcast_in_dim3A_2014 : i32 to vector<16xi32>
    %gather3A_2016 = tpu.vector_load_idx %arg11[%broadcast_in_dim3A_2013, %broadcast_in_dim3A_2015] : memref<32x32xf32, #tpu.memory_space<vmem>>[vector<16xi32>, vector<16xi32>], vector<16xf32>,
    %broadcast_in_dim3A_2017 = vector.broadcast %add3A_61 : i32 to vector<16xi32>
    %broadcast_in_dim3A_2018 = arith.constant 25 : i32
    %broadcast_in_dim3A_2019 = vector.broadcast %broadcast_in_dim3A_2018 : i32 to vector<16xi32>
    %gather3A_2020 = tpu.vector_load_idx %arg11[%broadcast_in_dim3A_2017, %broadcast_in_dim3A_2019] : memref<32x32xf32, #tpu.memory_space<vmem>>[vector<16xi32>, vector<16xi32>], vector<16xf32>,
    %broadcast_in_dim3A_2021 = arith.constant 25 : i32
    %broadcast_in_dim3A_2022 = vector.broadcast %broadcast_in_dim3A_2021 : i32 to vector<16xi32>
    %gather3A_2023 = tpu.vector_load_idx %arg9[%min3A_23, %broadcast_in_dim3A_2022] : memref<101x32xf32, #tpu.memory_space<vmem>>[vector<16xi32>, vector<16xi32>], vector<16xf32>,
    %max3A_2024 = arith.constant 0.000000e+00 : f32
    %max3A_2025 = vector.broadcast %max3A_2024 : f32 to vector<16xf32>
    %max3A_2026 = arith.maximumf %gather3A_2023, %max3A_2025 : vector<16xf32>
    %mul3A_2027 = arith.mulf %gather3A_2016, %max3A_2026 : vector<16xf32>
    %add3A_2028 = arith.addf %add3A_1950, %mul3A_2027 : vector<16xf32>
    %mul3A_2029 = arith.mulf %gather3A_2020, %max3A_2026 : vector<16xf32>
    %add3A_2030 = arith.addf %add3A_1952, %mul3A_2029 : vector<16xf32>
    %broadcast_in_dim3A_2031 = arith.constant 25 : i32
    %broadcast_in_dim3A_2032 = vector.broadcast %broadcast_in_dim3A_2031 : i32 to vector<16xi32>
    %gather3A_2033 = tpu.vector_load_idx %arg9[%min3A_29, %broadcast_in_dim3A_2032] : memref<101x32xf32, #tpu.memory_space<vmem>>[vector<16xi32>, vector<16xi32>], vector<16xf32>,
    %max3A_2034 = arith.constant 0.000000e+00 : f32
    %max3A_2035 = vector.broadcast %max3A_2034 : f32 to vector<16xf32>
    %max3A_2036 = arith.maximumf %gather3A_2033, %max3A_2035 : vector<16xf32>
    %mul3A_2037 = arith.mulf %gather3A_2016, %max3A_2036 : vector<16xf32>
    %add3A_2038 = arith.addf %add3A_1960, %mul3A_2037 : vector<16xf32>
    %mul3A_2039 = arith.mulf %gather3A_2020, %max3A_2036 : vector<16xf32>
    %add3A_2040 = arith.addf %add3A_1962, %mul3A_2039 : vector<16xf32>
    %broadcast_in_dim3A_2041 = arith.constant 25 : i32
    %broadcast_in_dim3A_2042 = vector.broadcast %broadcast_in_dim3A_2041 : i32 to vector<16xi32>
    %gather3A_2043 = tpu.vector_load_idx %arg9[%min3A_35, %broadcast_in_dim3A_2042] : memref<101x32xf32, #tpu.memory_space<vmem>>[vector<16xi32>, vector<16xi32>], vector<16xf32>,
    %max3A_2044 = arith.constant 0.000000e+00 : f32
    %max3A_2045 = vector.broadcast %max3A_2044 : f32 to vector<16xf32>
    %max3A_2046 = arith.maximumf %gather3A_2043, %max3A_2045 : vector<16xf32>
    %mul3A_2047 = arith.mulf %gather3A_2016, %max3A_2046 : vector<16xf32>
    %add3A_2048 = arith.addf %add3A_1970, %mul3A_2047 : vector<16xf32>
    %mul3A_2049 = arith.mulf %gather3A_2020, %max3A_2046 : vector<16xf32>
    %add3A_2050 = arith.addf %add3A_1972, %mul3A_2049 : vector<16xf32>
    %broadcast_in_dim3A_2051 = arith.constant 25 : i32
    %broadcast_in_dim3A_2052 = vector.broadcast %broadcast_in_dim3A_2051 : i32 to vector<16xi32>
    %gather3A_2053 = tpu.vector_load_idx %arg9[%min3A_41, %broadcast_in_dim3A_2052] : memref<101x32xf32, #tpu.memory_space<vmem>>[vector<16xi32>, vector<16xi32>], vector<16xf32>,
    %max3A_2054 = arith.constant 0.000000e+00 : f32
    %max3A_2055 = vector.broadcast %max3A_2054 : f32 to vector<16xf32>
    %max3A_2056 = arith.maximumf %gather3A_2053, %max3A_2055 : vector<16xf32>
    %mul3A_2057 = arith.mulf %gather3A_2016, %max3A_2056 : vector<16xf32>
    %add3A_2058 = arith.addf %add3A_1980, %mul3A_2057 : vector<16xf32>
    %mul3A_2059 = arith.mulf %gather3A_2020, %max3A_2056 : vector<16xf32>
    %add3A_2060 = arith.addf %add3A_1982, %mul3A_2059 : vector<16xf32>
    %broadcast_in_dim3A_2061 = arith.constant 25 : i32
    %broadcast_in_dim3A_2062 = vector.broadcast %broadcast_in_dim3A_2061 : i32 to vector<16xi32>
    %gather3A_2063 = tpu.vector_load_idx %arg9[%min3A_47, %broadcast_in_dim3A_2062] : memref<101x32xf32, #tpu.memory_space<vmem>>[vector<16xi32>, vector<16xi32>], vector<16xf32>,
    %max3A_2064 = arith.constant 0.000000e+00 : f32
    %max3A_2065 = vector.broadcast %max3A_2064 : f32 to vector<16xf32>
    %max3A_2066 = arith.maximumf %gather3A_2063, %max3A_2065 : vector<16xf32>
    %mul3A_2067 = arith.mulf %gather3A_2016, %max3A_2066 : vector<16xf32>
    %add3A_2068 = arith.addf %add3A_1990, %mul3A_2067 : vector<16xf32>
    %mul3A_2069 = arith.mulf %gather3A_2020, %max3A_2066 : vector<16xf32>
    %add3A_2070 = arith.addf %add3A_1992, %mul3A_2069 : vector<16xf32>
    %broadcast_in_dim3A_2071 = arith.constant 25 : i32
    %broadcast_in_dim3A_2072 = vector.broadcast %broadcast_in_dim3A_2071 : i32 to vector<16xi32>
    %gather3A_2073 = tpu.vector_load_idx %arg9[%min3A_53, %broadcast_in_dim3A_2072] : memref<101x32xf32, #tpu.memory_space<vmem>>[vector<16xi32>, vector<16xi32>], vector<16xf32>,
    %max3A_2074 = arith.constant 0.000000e+00 : f32
    %max3A_2075 = vector.broadcast %max3A_2074 : f32 to vector<16xf32>
    %max3A_2076 = arith.maximumf %gather3A_2073, %max3A_2075 : vector<16xf32>
    %mul3A_2077 = arith.mulf %gather3A_2016, %max3A_2076 : vector<16xf32>
    %add3A_2078 = arith.addf %add3A_2000, %mul3A_2077 : vector<16xf32>
    %mul3A_2079 = arith.mulf %gather3A_2020, %max3A_2076 : vector<16xf32>
    %add3A_2080 = arith.addf %add3A_2002, %mul3A_2079 : vector<16xf32>
    %broadcast_in_dim3A_2081 = arith.constant 25 : i32
    %broadcast_in_dim3A_2082 = vector.broadcast %broadcast_in_dim3A_2081 : i32 to vector<16xi32>
    %gather3A_2083 = tpu.vector_load_idx %arg9[%min3A_59, %broadcast_in_dim3A_2082] : memref<101x32xf32, #tpu.memory_space<vmem>>[vector<16xi32>, vector<16xi32>], vector<16xf32>,
    %max3A_2084 = arith.constant 0.000000e+00 : f32
    %max3A_2085 = vector.broadcast %max3A_2084 : f32 to vector<16xf32>
    %max3A_2086 = arith.maximumf %gather3A_2083, %max3A_2085 : vector<16xf32>
    %mul3A_2087 = arith.mulf %gather3A_2016, %max3A_2086 : vector<16xf32>
    %add3A_2088 = arith.addf %add3A_2010, %mul3A_2087 : vector<16xf32>
    %mul3A_2089 = arith.mulf %gather3A_2020, %max3A_2086 : vector<16xf32>
    %add3A_2090 = arith.addf %add3A_2012, %mul3A_2089 : vector<16xf32>
    %broadcast_in_dim3A_2091 = vector.broadcast %arg1 : i32 to vector<16xi32>
    %broadcast_in_dim3A_2092 = arith.constant 26 : i32
    %broadcast_in_dim3A_2093 = vector.broadcast %broadcast_in_dim3A_2092 : i32 to vector<16xi32>
    %gather3A_2094 = tpu.vector_load_idx %arg11[%broadcast_in_dim3A_2091, %broadcast_in_dim3A_2093] : memref<32x32xf32, #tpu.memory_space<vmem>>[vector<16xi32>, vector<16xi32>], vector<16xf32>,
    %broadcast_in_dim3A_2095 = vector.broadcast %add3A_61 : i32 to vector<16xi32>
    %broadcast_in_dim3A_2096 = arith.constant 26 : i32
    %broadcast_in_dim3A_2097 = vector.broadcast %broadcast_in_dim3A_2096 : i32 to vector<16xi32>
    %gather3A_2098 = tpu.vector_load_idx %arg11[%broadcast_in_dim3A_2095, %broadcast_in_dim3A_2097] : memref<32x32xf32, #tpu.memory_space<vmem>>[vector<16xi32>, vector<16xi32>], vector<16xf32>,
    %broadcast_in_dim3A_2099 = arith.constant 26 : i32
    %broadcast_in_dim3A_2100 = vector.broadcast %broadcast_in_dim3A_2099 : i32 to vector<16xi32>
    %gather3A_2101 = tpu.vector_load_idx %arg9[%min3A_23, %broadcast_in_dim3A_2100] : memref<101x32xf32, #tpu.memory_space<vmem>>[vector<16xi32>, vector<16xi32>], vector<16xf32>,
    %max3A_2102 = arith.constant 0.000000e+00 : f32
    %max3A_2103 = vector.broadcast %max3A_2102 : f32 to vector<16xf32>
    %max3A_2104 = arith.maximumf %gather3A_2101, %max3A_2103 : vector<16xf32>
    %mul3A_2105 = arith.mulf %gather3A_2094, %max3A_2104 : vector<16xf32>
    %add3A_2106 = arith.addf %add3A_2028, %mul3A_2105 : vector<16xf32>
    %mul3A_2107 = arith.mulf %gather3A_2098, %max3A_2104 : vector<16xf32>
    %add3A_2108 = arith.addf %add3A_2030, %mul3A_2107 : vector<16xf32>
    %broadcast_in_dim3A_2109 = arith.constant 26 : i32
    %broadcast_in_dim3A_2110 = vector.broadcast %broadcast_in_dim3A_2109 : i32 to vector<16xi32>
    %gather3A_2111 = tpu.vector_load_idx %arg9[%min3A_29, %broadcast_in_dim3A_2110] : memref<101x32xf32, #tpu.memory_space<vmem>>[vector<16xi32>, vector<16xi32>], vector<16xf32>,
    %max3A_2112 = arith.constant 0.000000e+00 : f32
    %max3A_2113 = vector.broadcast %max3A_2112 : f32 to vector<16xf32>
    %max3A_2114 = arith.maximumf %gather3A_2111, %max3A_2113 : vector<16xf32>
    %mul3A_2115 = arith.mulf %gather3A_2094, %max3A_2114 : vector<16xf32>
    %add3A_2116 = arith.addf %add3A_2038, %mul3A_2115 : vector<16xf32>
    %mul3A_2117 = arith.mulf %gather3A_2098, %max3A_2114 : vector<16xf32>
    %add3A_2118 = arith.addf %add3A_2040, %mul3A_2117 : vector<16xf32>
    %broadcast_in_dim3A_2119 = arith.constant 26 : i32
    %broadcast_in_dim3A_2120 = vector.broadcast %broadcast_in_dim3A_2119 : i32 to vector<16xi32>
    %gather3A_2121 = tpu.vector_load_idx %arg9[%min3A_35, %broadcast_in_dim3A_2120] : memref<101x32xf32, #tpu.memory_space<vmem>>[vector<16xi32>, vector<16xi32>], vector<16xf32>,
    %max3A_2122 = arith.constant 0.000000e+00 : f32
    %max3A_2123 = vector.broadcast %max3A_2122 : f32 to vector<16xf32>
    %max3A_2124 = arith.maximumf %gather3A_2121, %max3A_2123 : vector<16xf32>
    %mul3A_2125 = arith.mulf %gather3A_2094, %max3A_2124 : vector<16xf32>
    %add3A_2126 = arith.addf %add3A_2048, %mul3A_2125 : vector<16xf32>
    %mul3A_2127 = arith.mulf %gather3A_2098, %max3A_2124 : vector<16xf32>
    %add3A_2128 = arith.addf %add3A_2050, %mul3A_2127 : vector<16xf32>
    %broadcast_in_dim3A_2129 = arith.constant 26 : i32
    %broadcast_in_dim3A_2130 = vector.broadcast %broadcast_in_dim3A_2129 : i32 to vector<16xi32>
    %gather3A_2131 = tpu.vector_load_idx %arg9[%min3A_41, %broadcast_in_dim3A_2130] : memref<101x32xf32, #tpu.memory_space<vmem>>[vector<16xi32>, vector<16xi32>], vector<16xf32>,
    %max3A_2132 = arith.constant 0.000000e+00 : f32
    %max3A_2133 = vector.broadcast %max3A_2132 : f32 to vector<16xf32>
    %max3A_2134 = arith.maximumf %gather3A_2131, %max3A_2133 : vector<16xf32>
    %mul3A_2135 = arith.mulf %gather3A_2094, %max3A_2134 : vector<16xf32>
    %add3A_2136 = arith.addf %add3A_2058, %mul3A_2135 : vector<16xf32>
    %mul3A_2137 = arith.mulf %gather3A_2098, %max3A_2134 : vector<16xf32>
    %add3A_2138 = arith.addf %add3A_2060, %mul3A_2137 : vector<16xf32>
    %broadcast_in_dim3A_2139 = arith.constant 26 : i32
    %broadcast_in_dim3A_2140 = vector.broadcast %broadcast_in_dim3A_2139 : i32 to vector<16xi32>
    %gather3A_2141 = tpu.vector_load_idx %arg9[%min3A_47, %broadcast_in_dim3A_2140] : memref<101x32xf32, #tpu.memory_space<vmem>>[vector<16xi32>, vector<16xi32>], vector<16xf32>,
    %max3A_2142 = arith.constant 0.000000e+00 : f32
    %max3A_2143 = vector.broadcast %max3A_2142 : f32 to vector<16xf32>
    %max3A_2144 = arith.maximumf %gather3A_2141, %max3A_2143 : vector<16xf32>
    %mul3A_2145 = arith.mulf %gather3A_2094, %max3A_2144 : vector<16xf32>
    %add3A_2146 = arith.addf %add3A_2068, %mul3A_2145 : vector<16xf32>
    %mul3A_2147 = arith.mulf %gather3A_2098, %max3A_2144 : vector<16xf32>
    %add3A_2148 = arith.addf %add3A_2070, %mul3A_2147 : vector<16xf32>
    %broadcast_in_dim3A_2149 = arith.constant 26 : i32
    %broadcast_in_dim3A_2150 = vector.broadcast %broadcast_in_dim3A_2149 : i32 to vector<16xi32>
    %gather3A_2151 = tpu.vector_load_idx %arg9[%min3A_53, %broadcast_in_dim3A_2150] : memref<101x32xf32, #tpu.memory_space<vmem>>[vector<16xi32>, vector<16xi32>], vector<16xf32>,
    %max3A_2152 = arith.constant 0.000000e+00 : f32
    %max3A_2153 = vector.broadcast %max3A_2152 : f32 to vector<16xf32>
    %max3A_2154 = arith.maximumf %gather3A_2151, %max3A_2153 : vector<16xf32>
    %mul3A_2155 = arith.mulf %gather3A_2094, %max3A_2154 : vector<16xf32>
    %add3A_2156 = arith.addf %add3A_2078, %mul3A_2155 : vector<16xf32>
    %mul3A_2157 = arith.mulf %gather3A_2098, %max3A_2154 : vector<16xf32>
    %add3A_2158 = arith.addf %add3A_2080, %mul3A_2157 : vector<16xf32>
    %broadcast_in_dim3A_2159 = arith.constant 26 : i32
    %broadcast_in_dim3A_2160 = vector.broadcast %broadcast_in_dim3A_2159 : i32 to vector<16xi32>
    %gather3A_2161 = tpu.vector_load_idx %arg9[%min3A_59, %broadcast_in_dim3A_2160] : memref<101x32xf32, #tpu.memory_space<vmem>>[vector<16xi32>, vector<16xi32>], vector<16xf32>,
    %max3A_2162 = arith.constant 0.000000e+00 : f32
    %max3A_2163 = vector.broadcast %max3A_2162 : f32 to vector<16xf32>
    %max3A_2164 = arith.maximumf %gather3A_2161, %max3A_2163 : vector<16xf32>
    %mul3A_2165 = arith.mulf %gather3A_2094, %max3A_2164 : vector<16xf32>
    %add3A_2166 = arith.addf %add3A_2088, %mul3A_2165 : vector<16xf32>
    %mul3A_2167 = arith.mulf %gather3A_2098, %max3A_2164 : vector<16xf32>
    %add3A_2168 = arith.addf %add3A_2090, %mul3A_2167 : vector<16xf32>
    %broadcast_in_dim3A_2169 = vector.broadcast %arg1 : i32 to vector<16xi32>
    %broadcast_in_dim3A_2170 = arith.constant 27 : i32
    %broadcast_in_dim3A_2171 = vector.broadcast %broadcast_in_dim3A_2170 : i32 to vector<16xi32>
    %gather3A_2172 = tpu.vector_load_idx %arg11[%broadcast_in_dim3A_2169, %broadcast_in_dim3A_2171] : memref<32x32xf32, #tpu.memory_space<vmem>>[vector<16xi32>, vector<16xi32>], vector<16xf32>,
    %broadcast_in_dim3A_2173 = vector.broadcast %add3A_61 : i32 to vector<16xi32>
    %broadcast_in_dim3A_2174 = arith.constant 27 : i32
    %broadcast_in_dim3A_2175 = vector.broadcast %broadcast_in_dim3A_2174 : i32 to vector<16xi32>
    %gather3A_2176 = tpu.vector_load_idx %arg11[%broadcast_in_dim3A_2173, %broadcast_in_dim3A_2175] : memref<32x32xf32, #tpu.memory_space<vmem>>[vector<16xi32>, vector<16xi32>], vector<16xf32>,
    %broadcast_in_dim3A_2177 = arith.constant 27 : i32
    %broadcast_in_dim3A_2178 = vector.broadcast %broadcast_in_dim3A_2177 : i32 to vector<16xi32>
    %gather3A_2179 = tpu.vector_load_idx %arg9[%min3A_23, %broadcast_in_dim3A_2178] : memref<101x32xf32, #tpu.memory_space<vmem>>[vector<16xi32>, vector<16xi32>], vector<16xf32>,
    %max3A_2180 = arith.constant 0.000000e+00 : f32
    %max3A_2181 = vector.broadcast %max3A_2180 : f32 to vector<16xf32>
    %max3A_2182 = arith.maximumf %gather3A_2179, %max3A_2181 : vector<16xf32>
    %mul3A_2183 = arith.mulf %gather3A_2172, %max3A_2182 : vector<16xf32>
    %add3A_2184 = arith.addf %add3A_2106, %mul3A_2183 : vector<16xf32>
    %mul3A_2185 = arith.mulf %gather3A_2176, %max3A_2182 : vector<16xf32>
    %add3A_2186 = arith.addf %add3A_2108, %mul3A_2185 : vector<16xf32>
    %broadcast_in_dim3A_2187 = arith.constant 27 : i32
    %broadcast_in_dim3A_2188 = vector.broadcast %broadcast_in_dim3A_2187 : i32 to vector<16xi32>
    %gather3A_2189 = tpu.vector_load_idx %arg9[%min3A_29, %broadcast_in_dim3A_2188] : memref<101x32xf32, #tpu.memory_space<vmem>>[vector<16xi32>, vector<16xi32>], vector<16xf32>,
    %max3A_2190 = arith.constant 0.000000e+00 : f32
    %max3A_2191 = vector.broadcast %max3A_2190 : f32 to vector<16xf32>
    %max3A_2192 = arith.maximumf %gather3A_2189, %max3A_2191 : vector<16xf32>
    %mul3A_2193 = arith.mulf %gather3A_2172, %max3A_2192 : vector<16xf32>
    %add3A_2194 = arith.addf %add3A_2116, %mul3A_2193 : vector<16xf32>
    %mul3A_2195 = arith.mulf %gather3A_2176, %max3A_2192 : vector<16xf32>
    %add3A_2196 = arith.addf %add3A_2118, %mul3A_2195 : vector<16xf32>
    %broadcast_in_dim3A_2197 = arith.constant 27 : i32
    %broadcast_in_dim3A_2198 = vector.broadcast %broadcast_in_dim3A_2197 : i32 to vector<16xi32>
    %gather3A_2199 = tpu.vector_load_idx %arg9[%min3A_35, %broadcast_in_dim3A_2198] : memref<101x32xf32, #tpu.memory_space<vmem>>[vector<16xi32>, vector<16xi32>], vector<16xf32>,
    %max3A_2200 = arith.constant 0.000000e+00 : f32
    %max3A_2201 = vector.broadcast %max3A_2200 : f32 to vector<16xf32>
    %max3A_2202 = arith.maximumf %gather3A_2199, %max3A_2201 : vector<16xf32>
    %mul3A_2203 = arith.mulf %gather3A_2172, %max3A_2202 : vector<16xf32>
    %add3A_2204 = arith.addf %add3A_2126, %mul3A_2203 : vector<16xf32>
    %mul3A_2205 = arith.mulf %gather3A_2176, %max3A_2202 : vector<16xf32>
    %add3A_2206 = arith.addf %add3A_2128, %mul3A_2205 : vector<16xf32>
    %broadcast_in_dim3A_2207 = arith.constant 27 : i32
    %broadcast_in_dim3A_2208 = vector.broadcast %broadcast_in_dim3A_2207 : i32 to vector<16xi32>
    %gather3A_2209 = tpu.vector_load_idx %arg9[%min3A_41, %broadcast_in_dim3A_2208] : memref<101x32xf32, #tpu.memory_space<vmem>>[vector<16xi32>, vector<16xi32>], vector<16xf32>,
    %max3A_2210 = arith.constant 0.000000e+00 : f32
    %max3A_2211 = vector.broadcast %max3A_2210 : f32 to vector<16xf32>
    %max3A_2212 = arith.maximumf %gather3A_2209, %max3A_2211 : vector<16xf32>
    %mul3A_2213 = arith.mulf %gather3A_2172, %max3A_2212 : vector<16xf32>
    %add3A_2214 = arith.addf %add3A_2136, %mul3A_2213 : vector<16xf32>
    %mul3A_2215 = arith.mulf %gather3A_2176, %max3A_2212 : vector<16xf32>
    %add3A_2216 = arith.addf %add3A_2138, %mul3A_2215 : vector<16xf32>
    %broadcast_in_dim3A_2217 = arith.constant 27 : i32
    %broadcast_in_dim3A_2218 = vector.broadcast %broadcast_in_dim3A_2217 : i32 to vector<16xi32>
    %gather3A_2219 = tpu.vector_load_idx %arg9[%min3A_47, %broadcast_in_dim3A_2218] : memref<101x32xf32, #tpu.memory_space<vmem>>[vector<16xi32>, vector<16xi32>], vector<16xf32>,
    %max3A_2220 = arith.constant 0.000000e+00 : f32
    %max3A_2221 = vector.broadcast %max3A_2220 : f32 to vector<16xf32>
    %max3A_2222 = arith.maximumf %gather3A_2219, %max3A_2221 : vector<16xf32>
    %mul3A_2223 = arith.mulf %gather3A_2172, %max3A_2222 : vector<16xf32>
    %add3A_2224 = arith.addf %add3A_2146, %mul3A_2223 : vector<16xf32>
    %mul3A_2225 = arith.mulf %gather3A_2176, %max3A_2222 : vector<16xf32>
    %add3A_2226 = arith.addf %add3A_2148, %mul3A_2225 : vector<16xf32>
    %broadcast_in_dim3A_2227 = arith.constant 27 : i32
    %broadcast_in_dim3A_2228 = vector.broadcast %broadcast_in_dim3A_2227 : i32 to vector<16xi32>
    %gather3A_2229 = tpu.vector_load_idx %arg9[%min3A_53, %broadcast_in_dim3A_2228] : memref<101x32xf32, #tpu.memory_space<vmem>>[vector<16xi32>, vector<16xi32>], vector<16xf32>,
    %max3A_2230 = arith.constant 0.000000e+00 : f32
    %max3A_2231 = vector.broadcast %max3A_2230 : f32 to vector<16xf32>
    %max3A_2232 = arith.maximumf %gather3A_2229, %max3A_2231 : vector<16xf32>
    %mul3A_2233 = arith.mulf %gather3A_2172, %max3A_2232 : vector<16xf32>
    %add3A_2234 = arith.addf %add3A_2156, %mul3A_2233 : vector<16xf32>
    %mul3A_2235 = arith.mulf %gather3A_2176, %max3A_2232 : vector<16xf32>
    %add3A_2236 = arith.addf %add3A_2158, %mul3A_2235 : vector<16xf32>
    %broadcast_in_dim3A_2237 = arith.constant 27 : i32
    %broadcast_in_dim3A_2238 = vector.broadcast %broadcast_in_dim3A_2237 : i32 to vector<16xi32>
    %gather3A_2239 = tpu.vector_load_idx %arg9[%min3A_59, %broadcast_in_dim3A_2238] : memref<101x32xf32, #tpu.memory_space<vmem>>[vector<16xi32>, vector<16xi32>], vector<16xf32>,
    %max3A_2240 = arith.constant 0.000000e+00 : f32
    %max3A_2241 = vector.broadcast %max3A_2240 : f32 to vector<16xf32>
    %max3A_2242 = arith.maximumf %gather3A_2239, %max3A_2241 : vector<16xf32>
    %mul3A_2243 = arith.mulf %gather3A_2172, %max3A_2242 : vector<16xf32>
    %add3A_2244 = arith.addf %add3A_2166, %mul3A_2243 : vector<16xf32>
    %mul3A_2245 = arith.mulf %gather3A_2176, %max3A_2242 : vector<16xf32>
    %add3A_2246 = arith.addf %add3A_2168, %mul3A_2245 : vector<16xf32>
    %broadcast_in_dim3A_2247 = vector.broadcast %arg1 : i32 to vector<16xi32>
    %broadcast_in_dim3A_2248 = arith.constant 28 : i32
    %broadcast_in_dim3A_2249 = vector.broadcast %broadcast_in_dim3A_2248 : i32 to vector<16xi32>
    %gather3A_2250 = tpu.vector_load_idx %arg11[%broadcast_in_dim3A_2247, %broadcast_in_dim3A_2249] : memref<32x32xf32, #tpu.memory_space<vmem>>[vector<16xi32>, vector<16xi32>], vector<16xf32>,
    %broadcast_in_dim3A_2251 = vector.broadcast %add3A_61 : i32 to vector<16xi32>
    %broadcast_in_dim3A_2252 = arith.constant 28 : i32
    %broadcast_in_dim3A_2253 = vector.broadcast %broadcast_in_dim3A_2252 : i32 to vector<16xi32>
    %gather3A_2254 = tpu.vector_load_idx %arg11[%broadcast_in_dim3A_2251, %broadcast_in_dim3A_2253] : memref<32x32xf32, #tpu.memory_space<vmem>>[vector<16xi32>, vector<16xi32>], vector<16xf32>,
    %broadcast_in_dim3A_2255 = arith.constant 28 : i32
    %broadcast_in_dim3A_2256 = vector.broadcast %broadcast_in_dim3A_2255 : i32 to vector<16xi32>
    %gather3A_2257 = tpu.vector_load_idx %arg9[%min3A_23, %broadcast_in_dim3A_2256] : memref<101x32xf32, #tpu.memory_space<vmem>>[vector<16xi32>, vector<16xi32>], vector<16xf32>,
    %max3A_2258 = arith.constant 0.000000e+00 : f32
    %max3A_2259 = vector.broadcast %max3A_2258 : f32 to vector<16xf32>
    %max3A_2260 = arith.maximumf %gather3A_2257, %max3A_2259 : vector<16xf32>
    %mul3A_2261 = arith.mulf %gather3A_2250, %max3A_2260 : vector<16xf32>
    %add3A_2262 = arith.addf %add3A_2184, %mul3A_2261 : vector<16xf32>
    %mul3A_2263 = arith.mulf %gather3A_2254, %max3A_2260 : vector<16xf32>
    %add3A_2264 = arith.addf %add3A_2186, %mul3A_2263 : vector<16xf32>
    %broadcast_in_dim3A_2265 = arith.constant 28 : i32
    %broadcast_in_dim3A_2266 = vector.broadcast %broadcast_in_dim3A_2265 : i32 to vector<16xi32>
    %gather3A_2267 = tpu.vector_load_idx %arg9[%min3A_29, %broadcast_in_dim3A_2266] : memref<101x32xf32, #tpu.memory_space<vmem>>[vector<16xi32>, vector<16xi32>], vector<16xf32>,
    %max3A_2268 = arith.constant 0.000000e+00 : f32
    %max3A_2269 = vector.broadcast %max3A_2268 : f32 to vector<16xf32>
    %max3A_2270 = arith.maximumf %gather3A_2267, %max3A_2269 : vector<16xf32>
    %mul3A_2271 = arith.mulf %gather3A_2250, %max3A_2270 : vector<16xf32>
    %add3A_2272 = arith.addf %add3A_2194, %mul3A_2271 : vector<16xf32>
    %mul3A_2273 = arith.mulf %gather3A_2254, %max3A_2270 : vector<16xf32>
    %add3A_2274 = arith.addf %add3A_2196, %mul3A_2273 : vector<16xf32>
    %broadcast_in_dim3A_2275 = arith.constant 28 : i32
    %broadcast_in_dim3A_2276 = vector.broadcast %broadcast_in_dim3A_2275 : i32 to vector<16xi32>
    %gather3A_2277 = tpu.vector_load_idx %arg9[%min3A_35, %broadcast_in_dim3A_2276] : memref<101x32xf32, #tpu.memory_space<vmem>>[vector<16xi32>, vector<16xi32>], vector<16xf32>,
    %max3A_2278 = arith.constant 0.000000e+00 : f32
    %max3A_2279 = vector.broadcast %max3A_2278 : f32 to vector<16xf32>
    %max3A_2280 = arith.maximumf %gather3A_2277, %max3A_2279 : vector<16xf32>
    %mul3A_2281 = arith.mulf %gather3A_2250, %max3A_2280 : vector<16xf32>
    %add3A_2282 = arith.addf %add3A_2204, %mul3A_2281 : vector<16xf32>
    %mul3A_2283 = arith.mulf %gather3A_2254, %max3A_2280 : vector<16xf32>
    %add3A_2284 = arith.addf %add3A_2206, %mul3A_2283 : vector<16xf32>
    %broadcast_in_dim3A_2285 = arith.constant 28 : i32
    %broadcast_in_dim3A_2286 = vector.broadcast %broadcast_in_dim3A_2285 : i32 to vector<16xi32>
    %gather3A_2287 = tpu.vector_load_idx %arg9[%min3A_41, %broadcast_in_dim3A_2286] : memref<101x32xf32, #tpu.memory_space<vmem>>[vector<16xi32>, vector<16xi32>], vector<16xf32>,
    %max3A_2288 = arith.constant 0.000000e+00 : f32
    %max3A_2289 = vector.broadcast %max3A_2288 : f32 to vector<16xf32>
    %max3A_2290 = arith.maximumf %gather3A_2287, %max3A_2289 : vector<16xf32>
    %mul3A_2291 = arith.mulf %gather3A_2250, %max3A_2290 : vector<16xf32>
    %add3A_2292 = arith.addf %add3A_2214, %mul3A_2291 : vector<16xf32>
    %mul3A_2293 = arith.mulf %gather3A_2254, %max3A_2290 : vector<16xf32>
    %add3A_2294 = arith.addf %add3A_2216, %mul3A_2293 : vector<16xf32>
    %broadcast_in_dim3A_2295 = arith.constant 28 : i32
    %broadcast_in_dim3A_2296 = vector.broadcast %broadcast_in_dim3A_2295 : i32 to vector<16xi32>
    %gather3A_2297 = tpu.vector_load_idx %arg9[%min3A_47, %broadcast_in_dim3A_2296] : memref<101x32xf32, #tpu.memory_space<vmem>>[vector<16xi32>, vector<16xi32>], vector<16xf32>,
    %max3A_2298 = arith.constant 0.000000e+00 : f32
    %max3A_2299 = vector.broadcast %max3A_2298 : f32 to vector<16xf32>
    %max3A_2300 = arith.maximumf %gather3A_2297, %max3A_2299 : vector<16xf32>
    %mul3A_2301 = arith.mulf %gather3A_2250, %max3A_2300 : vector<16xf32>
    %add3A_2302 = arith.addf %add3A_2224, %mul3A_2301 : vector<16xf32>
    %mul3A_2303 = arith.mulf %gather3A_2254, %max3A_2300 : vector<16xf32>
    %add3A_2304 = arith.addf %add3A_2226, %mul3A_2303 : vector<16xf32>
    %broadcast_in_dim3A_2305 = arith.constant 28 : i32
    %broadcast_in_dim3A_2306 = vector.broadcast %broadcast_in_dim3A_2305 : i32 to vector<16xi32>
    %gather3A_2307 = tpu.vector_load_idx %arg9[%min3A_53, %broadcast_in_dim3A_2306] : memref<101x32xf32, #tpu.memory_space<vmem>>[vector<16xi32>, vector<16xi32>], vector<16xf32>,
    %max3A_2308 = arith.constant 0.000000e+00 : f32
    %max3A_2309 = vector.broadcast %max3A_2308 : f32 to vector<16xf32>
    %max3A_2310 = arith.maximumf %gather3A_2307, %max3A_2309 : vector<16xf32>
    %mul3A_2311 = arith.mulf %gather3A_2250, %max3A_2310 : vector<16xf32>
    %add3A_2312 = arith.addf %add3A_2234, %mul3A_2311 : vector<16xf32>
    %mul3A_2313 = arith.mulf %gather3A_2254, %max3A_2310 : vector<16xf32>
    %add3A_2314 = arith.addf %add3A_2236, %mul3A_2313 : vector<16xf32>
    %broadcast_in_dim3A_2315 = arith.constant 28 : i32
    %broadcast_in_dim3A_2316 = vector.broadcast %broadcast_in_dim3A_2315 : i32 to vector<16xi32>
    %gather3A_2317 = tpu.vector_load_idx %arg9[%min3A_59, %broadcast_in_dim3A_2316] : memref<101x32xf32, #tpu.memory_space<vmem>>[vector<16xi32>, vector<16xi32>], vector<16xf32>,
    %max3A_2318 = arith.constant 0.000000e+00 : f32
    %max3A_2319 = vector.broadcast %max3A_2318 : f32 to vector<16xf32>
    %max3A_2320 = arith.maximumf %gather3A_2317, %max3A_2319 : vector<16xf32>
    %mul3A_2321 = arith.mulf %gather3A_2250, %max3A_2320 : vector<16xf32>
    %add3A_2322 = arith.addf %add3A_2244, %mul3A_2321 : vector<16xf32>
    %mul3A_2323 = arith.mulf %gather3A_2254, %max3A_2320 : vector<16xf32>
    %add3A_2324 = arith.addf %add3A_2246, %mul3A_2323 : vector<16xf32>
    %broadcast_in_dim3A_2325 = vector.broadcast %arg1 : i32 to vector<16xi32>
    %broadcast_in_dim3A_2326 = arith.constant 29 : i32
    %broadcast_in_dim3A_2327 = vector.broadcast %broadcast_in_dim3A_2326 : i32 to vector<16xi32>
    %gather3A_2328 = tpu.vector_load_idx %arg11[%broadcast_in_dim3A_2325, %broadcast_in_dim3A_2327] : memref<32x32xf32, #tpu.memory_space<vmem>>[vector<16xi32>, vector<16xi32>], vector<16xf32>,
    %broadcast_in_dim3A_2329 = vector.broadcast %add3A_61 : i32 to vector<16xi32>
    %broadcast_in_dim3A_2330 = arith.constant 29 : i32
    %broadcast_in_dim3A_2331 = vector.broadcast %broadcast_in_dim3A_2330 : i32 to vector<16xi32>
    %gather3A_2332 = tpu.vector_load_idx %arg11[%broadcast_in_dim3A_2329, %broadcast_in_dim3A_2331] : memref<32x32xf32, #tpu.memory_space<vmem>>[vector<16xi32>, vector<16xi32>], vector<16xf32>,
    %broadcast_in_dim3A_2333 = arith.constant 29 : i32
    %broadcast_in_dim3A_2334 = vector.broadcast %broadcast_in_dim3A_2333 : i32 to vector<16xi32>
    %gather3A_2335 = tpu.vector_load_idx %arg9[%min3A_23, %broadcast_in_dim3A_2334] : memref<101x32xf32, #tpu.memory_space<vmem>>[vector<16xi32>, vector<16xi32>], vector<16xf32>,
    %max3A_2336 = arith.constant 0.000000e+00 : f32
    %max3A_2337 = vector.broadcast %max3A_2336 : f32 to vector<16xf32>
    %max3A_2338 = arith.maximumf %gather3A_2335, %max3A_2337 : vector<16xf32>
    %mul3A_2339 = arith.mulf %gather3A_2328, %max3A_2338 : vector<16xf32>
    %add3A_2340 = arith.addf %add3A_2262, %mul3A_2339 : vector<16xf32>
    %mul3A_2341 = arith.mulf %gather3A_2332, %max3A_2338 : vector<16xf32>
    %add3A_2342 = arith.addf %add3A_2264, %mul3A_2341 : vector<16xf32>
    %broadcast_in_dim3A_2343 = arith.constant 29 : i32
    %broadcast_in_dim3A_2344 = vector.broadcast %broadcast_in_dim3A_2343 : i32 to vector<16xi32>
    %gather3A_2345 = tpu.vector_load_idx %arg9[%min3A_29, %broadcast_in_dim3A_2344] : memref<101x32xf32, #tpu.memory_space<vmem>>[vector<16xi32>, vector<16xi32>], vector<16xf32>,
    %max3A_2346 = arith.constant 0.000000e+00 : f32
    %max3A_2347 = vector.broadcast %max3A_2346 : f32 to vector<16xf32>
    %max3A_2348 = arith.maximumf %gather3A_2345, %max3A_2347 : vector<16xf32>
    %mul3A_2349 = arith.mulf %gather3A_2328, %max3A_2348 : vector<16xf32>
    %add3A_2350 = arith.addf %add3A_2272, %mul3A_2349 : vector<16xf32>
    %mul3A_2351 = arith.mulf %gather3A_2332, %max3A_2348 : vector<16xf32>
    %add3A_2352 = arith.addf %add3A_2274, %mul3A_2351 : vector<16xf32>
    %broadcast_in_dim3A_2353 = arith.constant 29 : i32
    %broadcast_in_dim3A_2354 = vector.broadcast %broadcast_in_dim3A_2353 : i32 to vector<16xi32>
    %gather3A_2355 = tpu.vector_load_idx %arg9[%min3A_35, %broadcast_in_dim3A_2354] : memref<101x32xf32, #tpu.memory_space<vmem>>[vector<16xi32>, vector<16xi32>], vector<16xf32>,
    %max3A_2356 = arith.constant 0.000000e+00 : f32
    %max3A_2357 = vector.broadcast %max3A_2356 : f32 to vector<16xf32>
    %max3A_2358 = arith.maximumf %gather3A_2355, %max3A_2357 : vector<16xf32>
    %mul3A_2359 = arith.mulf %gather3A_2328, %max3A_2358 : vector<16xf32>
    %add3A_2360 = arith.addf %add3A_2282, %mul3A_2359 : vector<16xf32>
    %mul3A_2361 = arith.mulf %gather3A_2332, %max3A_2358 : vector<16xf32>
    %add3A_2362 = arith.addf %add3A_2284, %mul3A_2361 : vector<16xf32>
    %broadcast_in_dim3A_2363 = arith.constant 29 : i32
    %broadcast_in_dim3A_2364 = vector.broadcast %broadcast_in_dim3A_2363 : i32 to vector<16xi32>
    %gather3A_2365 = tpu.vector_load_idx %arg9[%min3A_41, %broadcast_in_dim3A_2364] : memref<101x32xf32, #tpu.memory_space<vmem>>[vector<16xi32>, vector<16xi32>], vector<16xf32>,
    %max3A_2366 = arith.constant 0.000000e+00 : f32
    %max3A_2367 = vector.broadcast %max3A_2366 : f32 to vector<16xf32>
    %max3A_2368 = arith.maximumf %gather3A_2365, %max3A_2367 : vector<16xf32>
    %mul3A_2369 = arith.mulf %gather3A_2328, %max3A_2368 : vector<16xf32>
    %add3A_2370 = arith.addf %add3A_2292, %mul3A_2369 : vector<16xf32>
    %mul3A_2371 = arith.mulf %gather3A_2332, %max3A_2368 : vector<16xf32>
    %add3A_2372 = arith.addf %add3A_2294, %mul3A_2371 : vector<16xf32>
    %broadcast_in_dim3A_2373 = arith.constant 29 : i32
    %broadcast_in_dim3A_2374 = vector.broadcast %broadcast_in_dim3A_2373 : i32 to vector<16xi32>
    %gather3A_2375 = tpu.vector_load_idx %arg9[%min3A_47, %broadcast_in_dim3A_2374] : memref<101x32xf32, #tpu.memory_space<vmem>>[vector<16xi32>, vector<16xi32>], vector<16xf32>,
    %max3A_2376 = arith.constant 0.000000e+00 : f32
    %max3A_2377 = vector.broadcast %max3A_2376 : f32 to vector<16xf32>
    %max3A_2378 = arith.maximumf %gather3A_2375, %max3A_2377 : vector<16xf32>
    %mul3A_2379 = arith.mulf %gather3A_2328, %max3A_2378 : vector<16xf32>
    %add3A_2380 = arith.addf %add3A_2302, %mul3A_2379 : vector<16xf32>
    %mul3A_2381 = arith.mulf %gather3A_2332, %max3A_2378 : vector<16xf32>
    %add3A_2382 = arith.addf %add3A_2304, %mul3A_2381 : vector<16xf32>
    %broadcast_in_dim3A_2383 = arith.constant 29 : i32
    %broadcast_in_dim3A_2384 = vector.broadcast %broadcast_in_dim3A_2383 : i32 to vector<16xi32>
    %gather3A_2385 = tpu.vector_load_idx %arg9[%min3A_53, %broadcast_in_dim3A_2384] : memref<101x32xf32, #tpu.memory_space<vmem>>[vector<16xi32>, vector<16xi32>], vector<16xf32>,
    %max3A_2386 = arith.constant 0.000000e+00 : f32
    %max3A_2387 = vector.broadcast %max3A_2386 : f32 to vector<16xf32>
    %max3A_2388 = arith.maximumf %gather3A_2385, %max3A_2387 : vector<16xf32>
    %mul3A_2389 = arith.mulf %gather3A_2328, %max3A_2388 : vector<16xf32>
    %add3A_2390 = arith.addf %add3A_2312, %mul3A_2389 : vector<16xf32>
    %mul3A_2391 = arith.mulf %gather3A_2332, %max3A_2388 : vector<16xf32>
    %add3A_2392 = arith.addf %add3A_2314, %mul3A_2391 : vector<16xf32>
    %broadcast_in_dim3A_2393 = arith.constant 29 : i32
    %broadcast_in_dim3A_2394 = vector.broadcast %broadcast_in_dim3A_2393 : i32 to vector<16xi32>
    %gather3A_2395 = tpu.vector_load_idx %arg9[%min3A_59, %broadcast_in_dim3A_2394] : memref<101x32xf32, #tpu.memory_space<vmem>>[vector<16xi32>, vector<16xi32>], vector<16xf32>,
    %max3A_2396 = arith.constant 0.000000e+00 : f32
    %max3A_2397 = vector.broadcast %max3A_2396 : f32 to vector<16xf32>
    %max3A_2398 = arith.maximumf %gather3A_2395, %max3A_2397 : vector<16xf32>
    %mul3A_2399 = arith.mulf %gather3A_2328, %max3A_2398 : vector<16xf32>
    %add3A_2400 = arith.addf %add3A_2322, %mul3A_2399 : vector<16xf32>
    %mul3A_2401 = arith.mulf %gather3A_2332, %max3A_2398 : vector<16xf32>
    %add3A_2402 = arith.addf %add3A_2324, %mul3A_2401 : vector<16xf32>
    %broadcast_in_dim3A_2403 = vector.broadcast %arg1 : i32 to vector<16xi32>
    %broadcast_in_dim3A_2404 = arith.constant 30 : i32
    %broadcast_in_dim3A_2405 = vector.broadcast %broadcast_in_dim3A_2404 : i32 to vector<16xi32>
    %gather3A_2406 = tpu.vector_load_idx %arg11[%broadcast_in_dim3A_2403, %broadcast_in_dim3A_2405] : memref<32x32xf32, #tpu.memory_space<vmem>>[vector<16xi32>, vector<16xi32>], vector<16xf32>,
    %broadcast_in_dim3A_2407 = vector.broadcast %add3A_61 : i32 to vector<16xi32>
    %broadcast_in_dim3A_2408 = arith.constant 30 : i32
    %broadcast_in_dim3A_2409 = vector.broadcast %broadcast_in_dim3A_2408 : i32 to vector<16xi32>
    %gather3A_2410 = tpu.vector_load_idx %arg11[%broadcast_in_dim3A_2407, %broadcast_in_dim3A_2409] : memref<32x32xf32, #tpu.memory_space<vmem>>[vector<16xi32>, vector<16xi32>], vector<16xf32>,
    %broadcast_in_dim3A_2411 = arith.constant 30 : i32
    %broadcast_in_dim3A_2412 = vector.broadcast %broadcast_in_dim3A_2411 : i32 to vector<16xi32>
    %gather3A_2413 = tpu.vector_load_idx %arg9[%min3A_23, %broadcast_in_dim3A_2412] : memref<101x32xf32, #tpu.memory_space<vmem>>[vector<16xi32>, vector<16xi32>], vector<16xf32>,
    %max3A_2414 = arith.constant 0.000000e+00 : f32
    %max3A_2415 = vector.broadcast %max3A_2414 : f32 to vector<16xf32>
    %max3A_2416 = arith.maximumf %gather3A_2413, %max3A_2415 : vector<16xf32>
    %mul3A_2417 = arith.mulf %gather3A_2406, %max3A_2416 : vector<16xf32>
    %add3A_2418 = arith.addf %add3A_2340, %mul3A_2417 : vector<16xf32>
    %mul3A_2419 = arith.mulf %gather3A_2410, %max3A_2416 : vector<16xf32>
    %add3A_2420 = arith.addf %add3A_2342, %mul3A_2419 : vector<16xf32>
    %broadcast_in_dim3A_2421 = arith.constant 30 : i32
    %broadcast_in_dim3A_2422 = vector.broadcast %broadcast_in_dim3A_2421 : i32 to vector<16xi32>
    %gather3A_2423 = tpu.vector_load_idx %arg9[%min3A_29, %broadcast_in_dim3A_2422] : memref<101x32xf32, #tpu.memory_space<vmem>>[vector<16xi32>, vector<16xi32>], vector<16xf32>,
    %max3A_2424 = arith.constant 0.000000e+00 : f32
    %max3A_2425 = vector.broadcast %max3A_2424 : f32 to vector<16xf32>
    %max3A_2426 = arith.maximumf %gather3A_2423, %max3A_2425 : vector<16xf32>
    %mul3A_2427 = arith.mulf %gather3A_2406, %max3A_2426 : vector<16xf32>
    %add3A_2428 = arith.addf %add3A_2350, %mul3A_2427 : vector<16xf32>
    %mul3A_2429 = arith.mulf %gather3A_2410, %max3A_2426 : vector<16xf32>
    %add3A_2430 = arith.addf %add3A_2352, %mul3A_2429 : vector<16xf32>
    %broadcast_in_dim3A_2431 = arith.constant 30 : i32
    %broadcast_in_dim3A_2432 = vector.broadcast %broadcast_in_dim3A_2431 : i32 to vector<16xi32>
    %gather3A_2433 = tpu.vector_load_idx %arg9[%min3A_35, %broadcast_in_dim3A_2432] : memref<101x32xf32, #tpu.memory_space<vmem>>[vector<16xi32>, vector<16xi32>], vector<16xf32>,
    %max3A_2434 = arith.constant 0.000000e+00 : f32
    %max3A_2435 = vector.broadcast %max3A_2434 : f32 to vector<16xf32>
    %max3A_2436 = arith.maximumf %gather3A_2433, %max3A_2435 : vector<16xf32>
    %mul3A_2437 = arith.mulf %gather3A_2406, %max3A_2436 : vector<16xf32>
    %add3A_2438 = arith.addf %add3A_2360, %mul3A_2437 : vector<16xf32>
    %mul3A_2439 = arith.mulf %gather3A_2410, %max3A_2436 : vector<16xf32>
    %add3A_2440 = arith.addf %add3A_2362, %mul3A_2439 : vector<16xf32>
    %broadcast_in_dim3A_2441 = arith.constant 30 : i32
    %broadcast_in_dim3A_2442 = vector.broadcast %broadcast_in_dim3A_2441 : i32 to vector<16xi32>
    %gather3A_2443 = tpu.vector_load_idx %arg9[%min3A_41, %broadcast_in_dim3A_2442] : memref<101x32xf32, #tpu.memory_space<vmem>>[vector<16xi32>, vector<16xi32>], vector<16xf32>,
    %max3A_2444 = arith.constant 0.000000e+00 : f32
    %max3A_2445 = vector.broadcast %max3A_2444 : f32 to vector<16xf32>
    %max3A_2446 = arith.maximumf %gather3A_2443, %max3A_2445 : vector<16xf32>
    %mul3A_2447 = arith.mulf %gather3A_2406, %max3A_2446 : vector<16xf32>
    %add3A_2448 = arith.addf %add3A_2370, %mul3A_2447 : vector<16xf32>
    %mul3A_2449 = arith.mulf %gather3A_2410, %max3A_2446 : vector<16xf32>
    %add3A_2450 = arith.addf %add3A_2372, %mul3A_2449 : vector<16xf32>
    %broadcast_in_dim3A_2451 = arith.constant 30 : i32
    %broadcast_in_dim3A_2452 = vector.broadcast %broadcast_in_dim3A_2451 : i32 to vector<16xi32>
    %gather3A_2453 = tpu.vector_load_idx %arg9[%min3A_47, %broadcast_in_dim3A_2452] : memref<101x32xf32, #tpu.memory_space<vmem>>[vector<16xi32>, vector<16xi32>], vector<16xf32>,
    %max3A_2454 = arith.constant 0.000000e+00 : f32
    %max3A_2455 = vector.broadcast %max3A_2454 : f32 to vector<16xf32>
    %max3A_2456 = arith.maximumf %gather3A_2453, %max3A_2455 : vector<16xf32>
    %mul3A_2457 = arith.mulf %gather3A_2406, %max3A_2456 : vector<16xf32>
    %add3A_2458 = arith.addf %add3A_2380, %mul3A_2457 : vector<16xf32>
    %mul3A_2459 = arith.mulf %gather3A_2410, %max3A_2456 : vector<16xf32>
    %add3A_2460 = arith.addf %add3A_2382, %mul3A_2459 : vector<16xf32>
    %broadcast_in_dim3A_2461 = arith.constant 30 : i32
    %broadcast_in_dim3A_2462 = vector.broadcast %broadcast_in_dim3A_2461 : i32 to vector<16xi32>
    %gather3A_2463 = tpu.vector_load_idx %arg9[%min3A_53, %broadcast_in_dim3A_2462] : memref<101x32xf32, #tpu.memory_space<vmem>>[vector<16xi32>, vector<16xi32>], vector<16xf32>,
    %max3A_2464 = arith.constant 0.000000e+00 : f32
    %max3A_2465 = vector.broadcast %max3A_2464 : f32 to vector<16xf32>
    %max3A_2466 = arith.maximumf %gather3A_2463, %max3A_2465 : vector<16xf32>
    %mul3A_2467 = arith.mulf %gather3A_2406, %max3A_2466 : vector<16xf32>
    %add3A_2468 = arith.addf %add3A_2390, %mul3A_2467 : vector<16xf32>
    %mul3A_2469 = arith.mulf %gather3A_2410, %max3A_2466 : vector<16xf32>
    %add3A_2470 = arith.addf %add3A_2392, %mul3A_2469 : vector<16xf32>
    %broadcast_in_dim3A_2471 = arith.constant 30 : i32
    %broadcast_in_dim3A_2472 = vector.broadcast %broadcast_in_dim3A_2471 : i32 to vector<16xi32>
    %gather3A_2473 = tpu.vector_load_idx %arg9[%min3A_59, %broadcast_in_dim3A_2472] : memref<101x32xf32, #tpu.memory_space<vmem>>[vector<16xi32>, vector<16xi32>], vector<16xf32>,
    %max3A_2474 = arith.constant 0.000000e+00 : f32
    %max3A_2475 = vector.broadcast %max3A_2474 : f32 to vector<16xf32>
    %max3A_2476 = arith.maximumf %gather3A_2473, %max3A_2475 : vector<16xf32>
    %mul3A_2477 = arith.mulf %gather3A_2406, %max3A_2476 : vector<16xf32>
    %add3A_2478 = arith.addf %add3A_2400, %mul3A_2477 : vector<16xf32>
    %mul3A_2479 = arith.mulf %gather3A_2410, %max3A_2476 : vector<16xf32>
    %add3A_2480 = arith.addf %add3A_2402, %mul3A_2479 : vector<16xf32>
    %broadcast_in_dim3A_2481 = vector.broadcast %arg1 : i32 to vector<16xi32>
    %broadcast_in_dim3A_2482 = arith.constant 31 : i32
    %broadcast_in_dim3A_2483 = vector.broadcast %broadcast_in_dim3A_2482 : i32 to vector<16xi32>
    %gather3A_2484 = tpu.vector_load_idx %arg11[%broadcast_in_dim3A_2481, %broadcast_in_dim3A_2483] : memref<32x32xf32, #tpu.memory_space<vmem>>[vector<16xi32>, vector<16xi32>], vector<16xf32>,
    %broadcast_in_dim3A_2485 = vector.broadcast %add3A_61 : i32 to vector<16xi32>
    %broadcast_in_dim3A_2486 = arith.constant 31 : i32
    %broadcast_in_dim3A_2487 = vector.broadcast %broadcast_in_dim3A_2486 : i32 to vector<16xi32>
    %gather3A_2488 = tpu.vector_load_idx %arg11[%broadcast_in_dim3A_2485, %broadcast_in_dim3A_2487] : memref<32x32xf32, #tpu.memory_space<vmem>>[vector<16xi32>, vector<16xi32>], vector<16xf32>,
    %broadcast_in_dim3A_2489 = arith.constant 31 : i32
    %broadcast_in_dim3A_2490 = vector.broadcast %broadcast_in_dim3A_2489 : i32 to vector<16xi32>
    %gather3A_2491 = tpu.vector_load_idx %arg9[%min3A_23, %broadcast_in_dim3A_2490] : memref<101x32xf32, #tpu.memory_space<vmem>>[vector<16xi32>, vector<16xi32>], vector<16xf32>,
    %max3A_2492 = arith.constant 0.000000e+00 : f32
    %max3A_2493 = vector.broadcast %max3A_2492 : f32 to vector<16xf32>
    %max3A_2494 = arith.maximumf %gather3A_2491, %max3A_2493 : vector<16xf32>
    %mul3A_2495 = arith.mulf %gather3A_2484, %max3A_2494 : vector<16xf32>
    %add3A_2496 = arith.addf %add3A_2418, %mul3A_2495 : vector<16xf32>
    %mul3A_2497 = arith.mulf %gather3A_2488, %max3A_2494 : vector<16xf32>
    %add3A_2498 = arith.addf %add3A_2420, %mul3A_2497 : vector<16xf32>
    %broadcast_in_dim3A_2499 = arith.constant 31 : i32
    %broadcast_in_dim3A_2500 = vector.broadcast %broadcast_in_dim3A_2499 : i32 to vector<16xi32>
    %gather3A_2501 = tpu.vector_load_idx %arg9[%min3A_29, %broadcast_in_dim3A_2500] : memref<101x32xf32, #tpu.memory_space<vmem>>[vector<16xi32>, vector<16xi32>], vector<16xf32>,
    %max3A_2502 = arith.constant 0.000000e+00 : f32
    %max3A_2503 = vector.broadcast %max3A_2502 : f32 to vector<16xf32>
    %max3A_2504 = arith.maximumf %gather3A_2501, %max3A_2503 : vector<16xf32>
    %mul3A_2505 = arith.mulf %gather3A_2484, %max3A_2504 : vector<16xf32>
    %add3A_2506 = arith.addf %add3A_2428, %mul3A_2505 : vector<16xf32>
    %mul3A_2507 = arith.mulf %gather3A_2488, %max3A_2504 : vector<16xf32>
    %add3A_2508 = arith.addf %add3A_2430, %mul3A_2507 : vector<16xf32>
    %broadcast_in_dim3A_2509 = arith.constant 31 : i32
    %broadcast_in_dim3A_2510 = vector.broadcast %broadcast_in_dim3A_2509 : i32 to vector<16xi32>
    %gather3A_2511 = tpu.vector_load_idx %arg9[%min3A_35, %broadcast_in_dim3A_2510] : memref<101x32xf32, #tpu.memory_space<vmem>>[vector<16xi32>, vector<16xi32>], vector<16xf32>,
    %max3A_2512 = arith.constant 0.000000e+00 : f32
    %max3A_2513 = vector.broadcast %max3A_2512 : f32 to vector<16xf32>
    %max3A_2514 = arith.maximumf %gather3A_2511, %max3A_2513 : vector<16xf32>
    %mul3A_2515 = arith.mulf %gather3A_2484, %max3A_2514 : vector<16xf32>
    %add3A_2516 = arith.addf %add3A_2438, %mul3A_2515 : vector<16xf32>
    %mul3A_2517 = arith.mulf %gather3A_2488, %max3A_2514 : vector<16xf32>
    %add3A_2518 = arith.addf %add3A_2440, %mul3A_2517 : vector<16xf32>
    %broadcast_in_dim3A_2519 = arith.constant 31 : i32
    %broadcast_in_dim3A_2520 = vector.broadcast %broadcast_in_dim3A_2519 : i32 to vector<16xi32>
    %gather3A_2521 = tpu.vector_load_idx %arg9[%min3A_41, %broadcast_in_dim3A_2520] : memref<101x32xf32, #tpu.memory_space<vmem>>[vector<16xi32>, vector<16xi32>], vector<16xf32>,
    %max3A_2522 = arith.constant 0.000000e+00 : f32
    %max3A_2523 = vector.broadcast %max3A_2522 : f32 to vector<16xf32>
    %max3A_2524 = arith.maximumf %gather3A_2521, %max3A_2523 : vector<16xf32>
    %mul3A_2525 = arith.mulf %gather3A_2484, %max3A_2524 : vector<16xf32>
    %add3A_2526 = arith.addf %add3A_2448, %mul3A_2525 : vector<16xf32>
    %mul3A_2527 = arith.mulf %gather3A_2488, %max3A_2524 : vector<16xf32>
    %add3A_2528 = arith.addf %add3A_2450, %mul3A_2527 : vector<16xf32>
    %broadcast_in_dim3A_2529 = arith.constant 31 : i32
    %broadcast_in_dim3A_2530 = vector.broadcast %broadcast_in_dim3A_2529 : i32 to vector<16xi32>
    %gather3A_2531 = tpu.vector_load_idx %arg9[%min3A_47, %broadcast_in_dim3A_2530] : memref<101x32xf32, #tpu.memory_space<vmem>>[vector<16xi32>, vector<16xi32>], vector<16xf32>,
    %max3A_2532 = arith.constant 0.000000e+00 : f32
    %max3A_2533 = vector.broadcast %max3A_2532 : f32 to vector<16xf32>
    %max3A_2534 = arith.maximumf %gather3A_2531, %max3A_2533 : vector<16xf32>
    %mul3A_2535 = arith.mulf %gather3A_2484, %max3A_2534 : vector<16xf32>
    %add3A_2536 = arith.addf %add3A_2458, %mul3A_2535 : vector<16xf32>
    %mul3A_2537 = arith.mulf %gather3A_2488, %max3A_2534 : vector<16xf32>
    %add3A_2538 = arith.addf %add3A_2460, %mul3A_2537 : vector<16xf32>
    %broadcast_in_dim3A_2539 = arith.constant 31 : i32
    %broadcast_in_dim3A_2540 = vector.broadcast %broadcast_in_dim3A_2539 : i32 to vector<16xi32>
    %gather3A_2541 = tpu.vector_load_idx %arg9[%min3A_53, %broadcast_in_dim3A_2540] : memref<101x32xf32, #tpu.memory_space<vmem>>[vector<16xi32>, vector<16xi32>], vector<16xf32>,
    %max3A_2542 = arith.constant 0.000000e+00 : f32
    %max3A_2543 = vector.broadcast %max3A_2542 : f32 to vector<16xf32>
    %max3A_2544 = arith.maximumf %gather3A_2541, %max3A_2543 : vector<16xf32>
    %mul3A_2545 = arith.mulf %gather3A_2484, %max3A_2544 : vector<16xf32>
    %add3A_2546 = arith.addf %add3A_2468, %mul3A_2545 : vector<16xf32>
    %mul3A_2547 = arith.mulf %gather3A_2488, %max3A_2544 : vector<16xf32>
    %add3A_2548 = arith.addf %add3A_2470, %mul3A_2547 : vector<16xf32>
    %broadcast_in_dim3A_2549 = arith.constant 31 : i32
    %broadcast_in_dim3A_2550 = vector.broadcast %broadcast_in_dim3A_2549 : i32 to vector<16xi32>
    %gather3A_2551 = tpu.vector_load_idx %arg9[%min3A_59, %broadcast_in_dim3A_2550] : memref<101x32xf32, #tpu.memory_space<vmem>>[vector<16xi32>, vector<16xi32>], vector<16xf32>,
    %max3A_2552 = arith.constant 0.000000e+00 : f32
    %max3A_2553 = vector.broadcast %max3A_2552 : f32 to vector<16xf32>
    %max3A_2554 = arith.maximumf %gather3A_2551, %max3A_2553 : vector<16xf32>
    %mul3A_2555 = arith.mulf %gather3A_2484, %max3A_2554 : vector<16xf32>
    %add3A_2556 = arith.addf %add3A_2478, %mul3A_2555 : vector<16xf32>
    %mul3A_2557 = arith.mulf %gather3A_2488, %max3A_2554 : vector<16xf32>
    %add3A_2558 = arith.addf %add3A_2480, %mul3A_2557 : vector<16xf32>
    %swap3A = arith.constant 0 : index
    %swap3A_2559 = tpu.vector_load %arg13[%swap3A] {strides = array<i32>} : memref<112xf32, #tpu.memory_space<vmem>>, vector<16xf32>,
    tpu.vector_store %arg13[%swap3A], %add3A_2496 {strides = array<i32>} : memref<112xf32, #tpu.memory_space<vmem>>, vector<16xf32>,
    %swap3A_2560 = arith.constant 16 : index
    %swap3A_2561 = tpu.vector_load %arg13[%swap3A_2560] {strides = array<i32>} : memref<112xf32, #tpu.memory_space<vmem>>, vector<16xf32>,
    tpu.vector_store %arg13[%swap3A_2560], %add3A_2506 {strides = array<i32>} : memref<112xf32, #tpu.memory_space<vmem>>, vector<16xf32>,
    %swap3A_2562 = arith.constant 32 : index
    %swap3A_2563 = tpu.vector_load %arg13[%swap3A_2562] {strides = array<i32>} : memref<112xf32, #tpu.memory_space<vmem>>, vector<16xf32>,
    tpu.vector_store %arg13[%swap3A_2562], %add3A_2516 {strides = array<i32>} : memref<112xf32, #tpu.memory_space<vmem>>, vector<16xf32>,
    %swap3A_2564 = arith.constant 48 : index
    %swap3A_2565 = tpu.vector_load %arg13[%swap3A_2564] {strides = array<i32>} : memref<112xf32, #tpu.memory_space<vmem>>, vector<16xf32>,
    tpu.vector_store %arg13[%swap3A_2564], %add3A_2526 {strides = array<i32>} : memref<112xf32, #tpu.memory_space<vmem>>, vector<16xf32>,
    %swap3A_2566 = arith.constant 64 : index
    %swap3A_2567 = tpu.vector_load %arg13[%swap3A_2566] {strides = array<i32>} : memref<112xf32, #tpu.memory_space<vmem>>, vector<16xf32>,
    tpu.vector_store %arg13[%swap3A_2566], %add3A_2536 {strides = array<i32>} : memref<112xf32, #tpu.memory_space<vmem>>, vector<16xf32>,
    %swap3A_2568 = arith.constant 80 : index
    %swap3A_2569 = tpu.vector_load %arg13[%swap3A_2568] {strides = array<i32>} : memref<112xf32, #tpu.memory_space<vmem>>, vector<16xf32>,
    tpu.vector_store %arg13[%swap3A_2568], %add3A_2546 {strides = array<i32>} : memref<112xf32, #tpu.memory_space<vmem>>, vector<16xf32>,
    %swap3A_2570 = arith.constant 96 : index
    %swap3A_2571 = tpu.vector_load %arg13[%swap3A_2570] {strides = array<i32>} : memref<112xf32, #tpu.memory_space<vmem>>, vector<16xf32>,
    tpu.vector_store %arg13[%swap3A_2570], %add3A_2556 {strides = array<i32>} : memref<112xf32, #tpu.memory_space<vmem>>, vector<16xf32>,
    %gather3A_2572 = tpu.vector_load_idx %arg13[%get3A_6] : memref<112xf32, #tpu.memory_space<vmem>>[vector<16xi32>], vector<16xf32>,
    %swap3A_2573 = arith.constant 0 : index
    %swap3A_2574 = tpu.vector_load %arg14[%swap3A_2573] {strides = array<i32>} : memref<80xf32, #tpu.memory_space<vmem>>, vector<16xf32>,
    tpu.vector_store %arg14[%swap3A_2573], %gather3A_2572 {strides = array<i32>} : memref<80xf32, #tpu.memory_space<vmem>>, vector<16xf32>,
    %gather3A_2575 = tpu.vector_load_idx %arg13[%get3A_8] : memref<112xf32, #tpu.memory_space<vmem>>[vector<16xi32>], vector<16xf32>,
    %swap3A_2576 = arith.constant 16 : index
    %swap3A_2577 = tpu.vector_load %arg14[%swap3A_2576] {strides = array<i32>} : memref<80xf32, #tpu.memory_space<vmem>>, vector<16xf32>,
    tpu.vector_store %arg14[%swap3A_2576], %gather3A_2575 {strides = array<i32>} : memref<80xf32, #tpu.memory_space<vmem>>, vector<16xf32>,
    %gather3A_2578 = tpu.vector_load_idx %arg13[%get3A_10] : memref<112xf32, #tpu.memory_space<vmem>>[vector<16xi32>], vector<16xf32>,
    %swap3A_2579 = arith.constant 32 : index
    %swap3A_2580 = tpu.vector_load %arg14[%swap3A_2579] {strides = array<i32>} : memref<80xf32, #tpu.memory_space<vmem>>, vector<16xf32>,
    tpu.vector_store %arg14[%swap3A_2579], %gather3A_2578 {strides = array<i32>} : memref<80xf32, #tpu.memory_space<vmem>>, vector<16xf32>,
    %gather3A_2581 = tpu.vector_load_idx %arg13[%get3A_12] : memref<112xf32, #tpu.memory_space<vmem>>[vector<16xi32>], vector<16xf32>,
    %swap3A_2582 = arith.constant 48 : index
    %swap3A_2583 = tpu.vector_load %arg14[%swap3A_2582] {strides = array<i32>} : memref<80xf32, #tpu.memory_space<vmem>>, vector<16xf32>,
    tpu.vector_store %arg14[%swap3A_2582], %gather3A_2581 {strides = array<i32>} : memref<80xf32, #tpu.memory_space<vmem>>, vector<16xf32>,
    %gather3A_2584 = tpu.vector_load_idx %arg13[%select_n3A] : memref<112xf32, #tpu.memory_space<vmem>>[vector<16xi32>], vector<16xf32>,
    %swap3A_2585 = arith.constant 64 : index
    %swap3A_2586 = tpu.vector_load %arg14[%swap3A_2585] {strides = array<i32>} : memref<80xf32, #tpu.memory_space<vmem>>, vector<16xf32>,
    tpu.vector_store %arg14[%swap3A_2585], %gather3A_2584 {strides = array<i32>} : memref<80xf32, #tpu.memory_space<vmem>>, vector<16xf32>,
    %add3A_2587 = arith.constant 0 : i32
    %add3A_2588 = vector.broadcast %add3A_2587 : i32 to vector<16xi32>
    %add3A_2589 = arith.addi %iota3A, %add3A_2588 : vector<16xi32>
    %ge3A = arith.constant 0 : i32
    %ge3A_2590 = vector.broadcast %ge3A : i32 to vector<16xi32>
    %ge3A_2591 = arith.cmpi sge, %add3A_2589, %ge3A_2590 : vector<16xi32>
    %lt3A_2592 = arith.constant 10 : i32
    %lt3A_2593 = vector.broadcast %lt3A_2592 : i32 to vector<16xi32>
    %lt3A_2594 = arith.cmpi slt, %add3A_2589, %lt3A_2593 : vector<16xi32>
    %and3A = arith.andi %ge3A_2591, %lt3A_2594 : vector<16xi1>
    %jit3A_2595 = arith.constant 0.000000e+00 : f32
    %broadcast_in_dim3A_2596 = vector.broadcast %jit3A_2595 : f32 to vector<16xf32>
    %select_n3A_2597 = arith.select %and3A, %gather3A_2572, %broadcast_in_dim3A_2596 : vector<16xi1>, vector<16xf32>
    %broadcast_in_dim3A_2598 = arith.constant true
    %broadcast_in_dim3A_2599 = vector.broadcast %broadcast_in_dim3A_2598 : i1 to vector<16xi1>
    %masked_cumsum3A = tpu.scan <sum>, %select_n3A_2597 masked %broadcast_in_dim3A_2599 : vector<16xf32>, vector<16xi1> -> vector<16xf32>
    %swap3A_2600 = arith.constant 0 : index
    %swap3A_2601 = tpu.vector_load %arg15[%swap3A_2600] {strides = array<i32>} : memref<16xf32, #tpu.memory_space<vmem>>, vector<16xf32>,
    tpu.vector_store %arg15[%swap3A_2600], %masked_cumsum3A {strides = array<i32>} : memref<16xf32, #tpu.memory_space<vmem>>, vector<16xf32>,
    %broadcast_in_dim3A_2602 = arith.constant 15 : i32
    %broadcast_in_dim3A_2603 = vector.broadcast %broadcast_in_dim3A_2602 : i32 to vector<16xi32>
    %gather3A_2604 = tpu.vector_load_idx %arg15[%broadcast_in_dim3A_2603] : memref<16xf32, #tpu.memory_space<vmem>>[vector<16xi32>], vector<16xf32>,
    %mul3A_2605 = arith.constant 1.000000e-01 : f32
    %mul3A_2606 = vector.broadcast %mul3A_2605 : f32 to vector<16xf32>
    %mul3A_2607 = arith.mulf %gather3A_2604, %mul3A_2606 : vector<16xf32>
    %add3A_2608 = arith.constant 0 : i32
    %add3A_2609 = vector.broadcast %add3A_2608 : i32 to vector<16xi32>
    %add3A_2610 = arith.addi %iota3A, %add3A_2609 : vector<16xi32>
    %ge3A_2611 = arith.constant 10 : i32
    %ge3A_2612 = vector.broadcast %ge3A_2611 : i32 to vector<16xi32>
    %ge3A_2613 = arith.cmpi sge, %add3A_2610, %ge3A_2612 : vector<16xi32>
    %lt3A_2614 = arith.constant 36 : i32
    %lt3A_2615 = vector.broadcast %lt3A_2614 : i32 to vector<16xi32>
    %lt3A_2616 = arith.cmpi slt, %add3A_2610, %lt3A_2615 : vector<16xi32>
    %and3A_2617 = arith.andi %ge3A_2613, %lt3A_2616 : vector<16xi1>
    %jit3A_2618 = arith.constant 0.000000e+00 : f32
    %broadcast_in_dim3A_2619 = vector.broadcast %jit3A_2618 : f32 to vector<16xf32>
    %select_n3A_2620 = arith.select %and3A_2617, %gather3A_2572, %broadcast_in_dim3A_2619 : vector<16xi1>, vector<16xf32>
    %add3A_2621 = arith.addf %select_n3A_2620, %gather3A_2575 : vector<16xf32>
    %add3A_2622 = arith.constant 32 : i32
    %add3A_2623 = vector.broadcast %add3A_2622 : i32 to vector<16xi32>
    %add3A_2624 = arith.addi %iota3A, %add3A_2623 : vector<16xi32>
    %ge3A_2625 = arith.constant 10 : i32
    %ge3A_2626 = vector.broadcast %ge3A_2625 : i32 to vector<16xi32>
    %ge3A_2627 = arith.cmpi sge, %add3A_2624, %ge3A_2626 : vector<16xi32>
    %lt3A_2628 = arith.constant 36 : i32
    %lt3A_2629 = vector.broadcast %lt3A_2628 : i32 to vector<16xi32>
    %lt3A_2630 = arith.cmpi slt, %add3A_2624, %lt3A_2629 : vector<16xi32>
    %and3A_2631 = arith.andi %ge3A_2627, %lt3A_2630 : vector<16xi1>
    %jit3A_2632 = arith.constant 0.000000e+00 : f32
    %broadcast_in_dim3A_2633 = vector.broadcast %jit3A_2632 : f32 to vector<16xf32>
    %select_n3A_2634 = arith.select %and3A_2631, %gather3A_2578, %broadcast_in_dim3A_2633 : vector<16xi1>, vector<16xf32>
    %add3A_2635 = arith.addf %add3A_2621, %select_n3A_2634 : vector<16xf32>
    %broadcast_in_dim3A_2636 = arith.constant true
    %broadcast_in_dim3A_2637 = vector.broadcast %broadcast_in_dim3A_2636 : i1 to vector<16xi1>
    %masked_cumsum3A_2638 = tpu.scan <sum>, %add3A_2635 masked %broadcast_in_dim3A_2637 : vector<16xf32>, vector<16xi1> -> vector<16xf32>
    %swap3A_2639 = arith.constant 0 : index
    %swap3A_2640 = tpu.vector_load %arg15[%swap3A_2639] {strides = array<i32>} : memref<16xf32, #tpu.memory_space<vmem>>, vector<16xf32>,
    tpu.vector_store %arg15[%swap3A_2639], %masked_cumsum3A_2638 {strides = array<i32>} : memref<16xf32, #tpu.memory_space<vmem>>, vector<16xf32>,
    %broadcast_in_dim3A_2641 = arith.constant 15 : i32
    %broadcast_in_dim3A_2642 = vector.broadcast %broadcast_in_dim3A_2641 : i32 to vector<16xi32>
    %gather3A_2643 = tpu.vector_load_idx %arg15[%broadcast_in_dim3A_2642] : memref<16xf32, #tpu.memory_space<vmem>>[vector<16xi32>], vector<16xf32>,
    %mul3A_2644 = arith.constant 0.0384615399 : f32
    %mul3A_2645 = vector.broadcast %mul3A_2644 : f32 to vector<16xf32>
    %mul3A_2646 = arith.mulf %gather3A_2643, %mul3A_2645 : vector<16xf32>
    %add3A_2647 = arith.constant 32 : i32
    %add3A_2648 = vector.broadcast %add3A_2647 : i32 to vector<16xi32>
    %add3A_2649 = arith.addi %iota3A, %add3A_2648 : vector<16xi32>
    %ge3A_2650 = arith.constant 36 : i32
    %ge3A_2651 = vector.broadcast %ge3A_2650 : i32 to vector<16xi32>
    %ge3A_2652 = arith.cmpi sge, %add3A_2649, %ge3A_2651 : vector<16xi32>
    %lt3A_2653 = arith.constant 68 : i32
    %lt3A_2654 = vector.broadcast %lt3A_2653 : i32 to vector<16xi32>
    %lt3A_2655 = arith.cmpi slt, %add3A_2649, %lt3A_2654 : vector<16xi32>
    %and3A_2656 = arith.andi %ge3A_2652, %lt3A_2655 : vector<16xi1>
    %jit3A_2657 = arith.constant 0.000000e+00 : f32
    %broadcast_in_dim3A_2658 = vector.broadcast %jit3A_2657 : f32 to vector<16xf32>
    %select_n3A_2659 = arith.select %and3A_2656, %gather3A_2578, %broadcast_in_dim3A_2658 : vector<16xi1>, vector<16xf32>
    %add3A_2660 = arith.addf %select_n3A_2659, %gather3A_2581 : vector<16xf32>
    %add3A_2661 = arith.constant 64 : i32
    %add3A_2662 = vector.broadcast %add3A_2661 : i32 to vector<16xi32>
    %add3A_2663 = arith.addi %iota3A, %add3A_2662 : vector<16xi32>
    %ge3A_2664 = arith.constant 36 : i32
    %ge3A_2665 = vector.broadcast %ge3A_2664 : i32 to vector<16xi32>
    %ge3A_2666 = arith.cmpi sge, %add3A_2663, %ge3A_2665 : vector<16xi32>
    %lt3A_2667 = arith.constant 68 : i32
    %lt3A_2668 = vector.broadcast %lt3A_2667 : i32 to vector<16xi32>
    %lt3A_2669 = arith.cmpi slt, %add3A_2663, %lt3A_2668 : vector<16xi32>
    %and3A_2670 = arith.andi %ge3A_2666, %lt3A_2669 : vector<16xi1>
    %jit3A_2671 = arith.constant 0.000000e+00 : f32
    %broadcast_in_dim3A_2672 = vector.broadcast %jit3A_2671 : f32 to vector<16xf32>
    %select_n3A_2673 = arith.select %and3A_2670, %gather3A_2584, %broadcast_in_dim3A_2672 : vector<16xi1>, vector<16xf32>
    %add3A_2674 = arith.addf %add3A_2660, %select_n3A_2673 : vector<16xf32>
    %broadcast_in_dim3A_2675 = arith.constant true
    %broadcast_in_dim3A_2676 = vector.broadcast %broadcast_in_dim3A_2675 : i1 to vector<16xi1>
    %masked_cumsum3A_2677 = tpu.scan <sum>, %add3A_2674 masked %broadcast_in_dim3A_2676 : vector<16xf32>, vector<16xi1> -> vector<16xf32>
    %swap3A_2678 = arith.constant 0 : index
    %swap3A_2679 = tpu.vector_load %arg15[%swap3A_2678] {strides = array<i32>} : memref<16xf32, #tpu.memory_space<vmem>>, vector<16xf32>,
    tpu.vector_store %arg15[%swap3A_2678], %masked_cumsum3A_2677 {strides = array<i32>} : memref<16xf32, #tpu.memory_space<vmem>>, vector<16xf32>,
    %broadcast_in_dim3A_2680 = arith.constant 15 : i32
    %broadcast_in_dim3A_2681 = vector.broadcast %broadcast_in_dim3A_2680 : i32 to vector<16xi32>
    %gather3A_2682 = tpu.vector_load_idx %arg15[%broadcast_in_dim3A_2681] : memref<16xf32, #tpu.memory_space<vmem>>[vector<16xi32>], vector<16xf32>,
    %mul3A_2683 = arith.constant 3.125000e-02 : f32
    %mul3A_2684 = vector.broadcast %mul3A_2683 : f32 to vector<16xf32>
    %mul3A_2685 = arith.mulf %gather3A_2682, %mul3A_2684 : vector<16xf32>
    %sub3A = arith.subf %mul3A_2607, %mul3A_2646 : vector<16xf32>
    %sub3A_2686 = arith.subf %mul3A_2685, %mul3A_2646 : vector<16xf32>
    %sub3A_2687 = arith.subf %mul3A_2607, %mul3A_2685 : vector<16xf32>
    %mul3A_2688 = arith.mulf %sub3A, %sub3A : vector<16xf32>
    %mul3A_2689 = arith.mulf %sub3A_2686, %sub3A_2686 : vector<16xf32>
    %add3A_2690 = arith.addf %mul3A_2688, %mul3A_2689 : vector<16xf32>
    %mul3A_2691 = arith.mulf %sub3A_2687, %sub3A_2687 : vector<16xf32>
    %add3A_2692 = arith.addf %add3A_2690, %mul3A_2691 : vector<16xf32>
    %add3A_2693 = arith.constant 0 : i32
    %add3A_2694 = vector.broadcast %add3A_2693 : i32 to vector<16xi32>
    %add3A_2695 = arith.addi %iota3A, %add3A_2694 : vector<16xi32>
    %ge3A_2696 = arith.constant 10 : i32
    %ge3A_2697 = vector.broadcast %ge3A_2696 : i32 to vector<16xi32>
    %ge3A_2698 = arith.cmpi sge, %add3A_2695, %ge3A_2697 : vector<16xi32>
    %lt3A_2699 = arith.constant 26 : i32
    %lt3A_2700 = vector.broadcast %lt3A_2699 : i32 to vector<16xi32>
    %lt3A_2701 = arith.cmpi slt, %add3A_2695, %lt3A_2700 : vector<16xi32>
    %and3A_2702 = arith.andi %ge3A_2698, %lt3A_2701 : vector<16xi1>
    %jit3A_2703 = arith.constant 0.000000e+00 : f32
    %broadcast_in_dim3A_2704 = vector.broadcast %jit3A_2703 : f32 to vector<16xf32>
    %select_n3A_2705 = arith.select %and3A_2702, %gather3A_2572, %broadcast_in_dim3A_2704 : vector<16xi1>, vector<16xf32>
    %add3A_2706 = arith.constant 16 : i32
    %add3A_2707 = vector.broadcast %add3A_2706 : i32 to vector<16xi32>
    %add3A_2708 = arith.addi %iota3A, %add3A_2707 : vector<16xi32>
    %ge3A_2709 = arith.constant 10 : i32
    %ge3A_2710 = vector.broadcast %ge3A_2709 : i32 to vector<16xi32>
    %ge3A_2711 = arith.cmpi sge, %add3A_2708, %ge3A_2710 : vector<16xi32>
    %lt3A_2712 = arith.constant 26 : i32
    %lt3A_2713 = vector.broadcast %lt3A_2712 : i32 to vector<16xi32>
    %lt3A_2714 = arith.cmpi slt, %add3A_2708, %lt3A_2713 : vector<16xi32>
    %and3A_2715 = arith.andi %ge3A_2711, %lt3A_2714 : vector<16xi1>
    %jit3A_2716 = arith.constant 0.000000e+00 : f32
    %broadcast_in_dim3A_2717 = vector.broadcast %jit3A_2716 : f32 to vector<16xf32>
    %select_n3A_2718 = arith.select %and3A_2715, %gather3A_2575, %broadcast_in_dim3A_2717 : vector<16xi1>, vector<16xf32>
    %add3A_2719 = arith.addf %select_n3A_2705, %select_n3A_2718 : vector<16xf32>
    %broadcast_in_dim3A_2720 = arith.constant true
    %broadcast_in_dim3A_2721 = vector.broadcast %broadcast_in_dim3A_2720 : i1 to vector<16xi1>
    %masked_cumsum3A_2722 = tpu.scan <sum>, %add3A_2719 masked %broadcast_in_dim3A_2721 : vector<16xf32>, vector<16xi1> -> vector<16xf32>
    %swap3A_2723 = arith.constant 0 : index
    %swap3A_2724 = tpu.vector_load %arg15[%swap3A_2723] {strides = array<i32>} : memref<16xf32, #tpu.memory_space<vmem>>, vector<16xf32>,
    tpu.vector_store %arg15[%swap3A_2723], %masked_cumsum3A_2722 {strides = array<i32>} : memref<16xf32, #tpu.memory_space<vmem>>, vector<16xf32>,
    %broadcast_in_dim3A_2725 = arith.constant 15 : i32
    %broadcast_in_dim3A_2726 = vector.broadcast %broadcast_in_dim3A_2725 : i32 to vector<16xi32>
    %gather3A_2727 = tpu.vector_load_idx %arg15[%broadcast_in_dim3A_2726] : memref<16xf32, #tpu.memory_space<vmem>>[vector<16xi32>], vector<16xf32>,
    %mul3A_2728 = arith.constant 6.250000e-02 : f32
    %mul3A_2729 = vector.broadcast %mul3A_2728 : f32 to vector<16xf32>
    %mul3A_2730 = arith.mulf %gather3A_2727, %mul3A_2729 : vector<16xf32>
    %sub3A_2731 = arith.subf %gather3A_2572, %mul3A_2607 : vector<16xf32>
    %mul3A_2732 = arith.mulf %sub3A_2731, %sub3A_2731 : vector<16xf32>
    %add3A_2733 = arith.constant 0 : i32
    %add3A_2734 = vector.broadcast %add3A_2733 : i32 to vector<16xi32>
    %add3A_2735 = arith.addi %iota3A, %add3A_2734 : vector<16xi32>
    %ge3A_2736 = arith.constant 0 : i32
    %ge3A_2737 = vector.broadcast %ge3A_2736 : i32 to vector<16xi32>
    %ge3A_2738 = arith.cmpi sge, %add3A_2735, %ge3A_2737 : vector<16xi32>
    %lt3A_2739 = arith.constant 10 : i32
    %lt3A_2740 = vector.broadcast %lt3A_2739 : i32 to vector<16xi32>
    %lt3A_2741 = arith.cmpi slt, %add3A_2735, %lt3A_2740 : vector<16xi32>
    %and3A_2742 = arith.andi %ge3A_2738, %lt3A_2741 : vector<16xi1>
    %jit3A_2743 = arith.constant 0.000000e+00 : f32
    %broadcast_in_dim3A_2744 = vector.broadcast %jit3A_2743 : f32 to vector<16xf32>
    %select_n3A_2745 = arith.select %and3A_2742, %mul3A_2732, %broadcast_in_dim3A_2744 : vector<16xi1>, vector<16xf32>
    %broadcast_in_dim3A_2746 = arith.constant true
    %broadcast_in_dim3A_2747 = vector.broadcast %broadcast_in_dim3A_2746 : i1 to vector<16xi1>
    %masked_cumsum3A_2748 = tpu.scan <sum>, %select_n3A_2745 masked %broadcast_in_dim3A_2747 : vector<16xf32>, vector<16xi1> -> vector<16xf32>
    %swap3A_2749 = arith.constant 0 : index
    %swap3A_2750 = tpu.vector_load %arg15[%swap3A_2749] {strides = array<i32>} : memref<16xf32, #tpu.memory_space<vmem>>, vector<16xf32>,
    tpu.vector_store %arg15[%swap3A_2749], %masked_cumsum3A_2748 {strides = array<i32>} : memref<16xf32, #tpu.memory_space<vmem>>, vector<16xf32>,
    %broadcast_in_dim3A_2751 = arith.constant 15 : i32
    %broadcast_in_dim3A_2752 = vector.broadcast %broadcast_in_dim3A_2751 : i32 to vector<16xi32>
    %gather3A_2753 = tpu.vector_load_idx %arg15[%broadcast_in_dim3A_2752] : memref<16xf32, #tpu.memory_space<vmem>>[vector<16xi32>], vector<16xf32>,
    %mul3A_2754 = arith.constant 0.111111112 : f32
    %mul3A_2755 = vector.broadcast %mul3A_2754 : f32 to vector<16xf32>
    %mul3A_2756 = arith.mulf %gather3A_2753, %mul3A_2755 : vector<16xf32>
    %sub3A_2757 = arith.subf %gather3A_2572, %mul3A_2730 : vector<16xf32>
    %mul3A_2758 = arith.mulf %sub3A_2757, %sub3A_2757 : vector<16xf32>
    %add3A_2759 = arith.constant 0 : i32
    %add3A_2760 = vector.broadcast %add3A_2759 : i32 to vector<16xi32>
    %add3A_2761 = arith.addi %iota3A, %add3A_2760 : vector<16xi32>
    %ge3A_2762 = arith.constant 10 : i32
    %ge3A_2763 = vector.broadcast %ge3A_2762 : i32 to vector<16xi32>
    %ge3A_2764 = arith.cmpi sge, %add3A_2761, %ge3A_2763 : vector<16xi32>
    %lt3A_2765 = arith.constant 26 : i32
    %lt3A_2766 = vector.broadcast %lt3A_2765 : i32 to vector<16xi32>
    %lt3A_2767 = arith.cmpi slt, %add3A_2761, %lt3A_2766 : vector<16xi32>
    %and3A_2768 = arith.andi %ge3A_2764, %lt3A_2767 : vector<16xi1>
    %jit3A_2769 = arith.constant 0.000000e+00 : f32
    %broadcast_in_dim3A_2770 = vector.broadcast %jit3A_2769 : f32 to vector<16xf32>
    %select_n3A_2771 = arith.select %and3A_2768, %mul3A_2758, %broadcast_in_dim3A_2770 : vector<16xi1>, vector<16xf32>
    %sub3A_2772 = arith.subf %gather3A_2575, %mul3A_2730 : vector<16xf32>
    %mul3A_2773 = arith.mulf %sub3A_2772, %sub3A_2772 : vector<16xf32>
    %add3A_2774 = arith.constant 16 : i32
    %add3A_2775 = vector.broadcast %add3A_2774 : i32 to vector<16xi32>
    %add3A_2776 = arith.addi %iota3A, %add3A_2775 : vector<16xi32>
    %ge3A_2777 = arith.constant 10 : i32
    %ge3A_2778 = vector.broadcast %ge3A_2777 : i32 to vector<16xi32>
    %ge3A_2779 = arith.cmpi sge, %add3A_2776, %ge3A_2778 : vector<16xi32>
    %lt3A_2780 = arith.constant 26 : i32
    %lt3A_2781 = vector.broadcast %lt3A_2780 : i32 to vector<16xi32>
    %lt3A_2782 = arith.cmpi slt, %add3A_2776, %lt3A_2781 : vector<16xi32>
    %and3A_2783 = arith.andi %ge3A_2779, %lt3A_2782 : vector<16xi1>
    %jit3A_2784 = arith.constant 0.000000e+00 : f32
    %broadcast_in_dim3A_2785 = vector.broadcast %jit3A_2784 : f32 to vector<16xf32>
    %select_n3A_2786 = arith.select %and3A_2783, %mul3A_2773, %broadcast_in_dim3A_2785 : vector<16xi1>, vector<16xf32>
    %add3A_2787 = arith.addf %select_n3A_2771, %select_n3A_2786 : vector<16xf32>
    %broadcast_in_dim3A_2788 = arith.constant true
    %broadcast_in_dim3A_2789 = vector.broadcast %broadcast_in_dim3A_2788 : i1 to vector<16xi1>
    %masked_cumsum3A_2790 = tpu.scan <sum>, %add3A_2787 masked %broadcast_in_dim3A_2789 : vector<16xf32>, vector<16xi1> -> vector<16xf32>
    %swap3A_2791 = arith.constant 0 : index
    %swap3A_2792 = tpu.vector_load %arg15[%swap3A_2791] {strides = array<i32>} : memref<16xf32, #tpu.memory_space<vmem>>, vector<16xf32>,
    tpu.vector_store %arg15[%swap3A_2791], %masked_cumsum3A_2790 {strides = array<i32>} : memref<16xf32, #tpu.memory_space<vmem>>, vector<16xf32>,
    %broadcast_in_dim3A_2793 = arith.constant 15 : i32
    %broadcast_in_dim3A_2794 = vector.broadcast %broadcast_in_dim3A_2793 : i32 to vector<16xi32>
    %gather3A_2795 = tpu.vector_load_idx %arg15[%broadcast_in_dim3A_2794] : memref<16xf32, #tpu.memory_space<vmem>>[vector<16xi32>], vector<16xf32>,
    %mul3A_2796 = arith.constant 0.0666666701 : f32
    %mul3A_2797 = vector.broadcast %mul3A_2796 : f32 to vector<16xf32>
    %mul3A_2798 = arith.mulf %gather3A_2795, %mul3A_2797 : vector<16xf32>
    %sub3A_2799 = arith.subf %gather3A_2578, %mul3A_2685 : vector<16xf32>
    %mul3A_2800 = arith.mulf %sub3A_2799, %sub3A_2799 : vector<16xf32>
    %add3A_2801 = arith.constant 32 : i32
    %add3A_2802 = vector.broadcast %add3A_2801 : i32 to vector<16xi32>
    %add3A_2803 = arith.addi %iota3A, %add3A_2802 : vector<16xi32>
    %ge3A_2804 = arith.constant 36 : i32
    %ge3A_2805 = vector.broadcast %ge3A_2804 : i32 to vector<16xi32>
    %ge3A_2806 = arith.cmpi sge, %add3A_2803, %ge3A_2805 : vector<16xi32>
    %lt3A_2807 = arith.constant 68 : i32
    %lt3A_2808 = vector.broadcast %lt3A_2807 : i32 to vector<16xi32>
    %lt3A_2809 = arith.cmpi slt, %add3A_2803, %lt3A_2808 : vector<16xi32>
    %and3A_2810 = arith.andi %ge3A_2806, %lt3A_2809 : vector<16xi1>
    %jit3A_2811 = arith.constant 0.000000e+00 : f32
    %broadcast_in_dim3A_2812 = vector.broadcast %jit3A_2811 : f32 to vector<16xf32>
    %select_n3A_2813 = arith.select %and3A_2810, %mul3A_2800, %broadcast_in_dim3A_2812 : vector<16xi1>, vector<16xf32>
    %sub3A_2814 = arith.subf %gather3A_2581, %mul3A_2685 : vector<16xf32>
    %mul3A_2815 = arith.mulf %sub3A_2814, %sub3A_2814 : vector<16xf32>
    %add3A_2816 = arith.addf %select_n3A_2813, %mul3A_2815 : vector<16xf32>
    %sub3A_2817 = arith.subf %gather3A_2584, %mul3A_2685 : vector<16xf32>
    %mul3A_2818 = arith.mulf %sub3A_2817, %sub3A_2817 : vector<16xf32>
    %add3A_2819 = arith.constant 64 : i32
    %add3A_2820 = vector.broadcast %add3A_2819 : i32 to vector<16xi32>
    %add3A_2821 = arith.addi %iota3A, %add3A_2820 : vector<16xi32>
    %ge3A_2822 = arith.constant 36 : i32
    %ge3A_2823 = vector.broadcast %ge3A_2822 : i32 to vector<16xi32>
    %ge3A_2824 = arith.cmpi sge, %add3A_2821, %ge3A_2823 : vector<16xi32>
    %lt3A_2825 = arith.constant 68 : i32
    %lt3A_2826 = vector.broadcast %lt3A_2825 : i32 to vector<16xi32>
    %lt3A_2827 = arith.cmpi slt, %add3A_2821, %lt3A_2826 : vector<16xi32>
    %and3A_2828 = arith.andi %ge3A_2824, %lt3A_2827 : vector<16xi1>
    %jit3A_2829 = arith.constant 0.000000e+00 : f32
    %broadcast_in_dim3A_2830 = vector.broadcast %jit3A_2829 : f32 to vector<16xf32>
    %select_n3A_2831 = arith.select %and3A_2828, %mul3A_2818, %broadcast_in_dim3A_2830 : vector<16xi1>, vector<16xf32>
    %add3A_2832 = arith.addf %add3A_2816, %select_n3A_2831 : vector<16xf32>
    %broadcast_in_dim3A_2833 = arith.constant true
    %broadcast_in_dim3A_2834 = vector.broadcast %broadcast_in_dim3A_2833 : i1 to vector<16xi1>
    %masked_cumsum3A_2835 = tpu.scan <sum>, %add3A_2832 masked %broadcast_in_dim3A_2834 : vector<16xf32>, vector<16xi1> -> vector<16xf32>
    %swap3A_2836 = arith.constant 0 : index
    %swap3A_2837 = tpu.vector_load %arg15[%swap3A_2836] {strides = array<i32>} : memref<16xf32, #tpu.memory_space<vmem>>, vector<16xf32>,
    tpu.vector_store %arg15[%swap3A_2836], %masked_cumsum3A_2835 {strides = array<i32>} : memref<16xf32, #tpu.memory_space<vmem>>, vector<16xf32>,
    %broadcast_in_dim3A_2838 = arith.constant 15 : i32
    %broadcast_in_dim3A_2839 = vector.broadcast %broadcast_in_dim3A_2838 : i32 to vector<16xi32>
    %gather3A_2840 = tpu.vector_load_idx %arg15[%broadcast_in_dim3A_2839] : memref<16xf32, #tpu.memory_space<vmem>>[vector<16xi32>], vector<16xf32>,
    %mul3A_2841 = arith.constant 0.0322580636 : f32
    %mul3A_2842 = vector.broadcast %mul3A_2841 : f32 to vector<16xf32>
    %mul3A_2843 = arith.mulf %gather3A_2840, %mul3A_2842 : vector<16xf32>
    %eq3A = arith.constant 0 : i32
    %eq3A_2844 = vector.broadcast %eq3A : i32 to vector<16xi32>
    %eq3A_2845 = arith.cmpi eq, %iota3A, %eq3A_2844 : vector<16xi32>
    %eq3A_2846 = arith.constant 1 : i32
    %eq3A_2847 = vector.broadcast %eq3A_2846 : i32 to vector<16xi32>
    %eq3A_2848 = arith.cmpi eq, %iota3A, %eq3A_2847 : vector<16xi32>
    %select_n3A_2849 = arith.select %eq3A_2848, %mul3A_2798, %mul3A_2843 : vector<16xi1>, vector<16xf32>
    %select_n3A_2850 = arith.select %eq3A_2845, %mul3A_2756, %select_n3A_2849 : vector<16xi1>, vector<16xf32>
    %add3A_2851 = arith.constant 1.000000e+00 : f32
    %add3A_2852 = vector.broadcast %add3A_2851 : f32 to vector<16xf32>
    %add3A_2853 = arith.addf %select_n3A_2850, %add3A_2852 : vector<16xf32>
    %mul3A_2854 = arith.constant 5.000000e-01 : f32
    %mul3A_2855 = vector.broadcast %mul3A_2854 : f32 to vector<16xf32>
    %mul3A_2856 = arith.mulf %add3A_2853, %mul3A_2855 : vector<16xf32>
    %div3A = arith.divf %select_n3A_2850, %mul3A_2856 : vector<16xf32>
    %add3A_2857 = arith.addf %mul3A_2856, %div3A : vector<16xf32>
    %mul3A_2858 = arith.constant 5.000000e-01 : f32
    %mul3A_2859 = vector.broadcast %mul3A_2858 : f32 to vector<16xf32>
    %mul3A_2860 = arith.mulf %mul3A_2859, %add3A_2857 : vector<16xf32>
    %div3A_2861 = arith.divf %select_n3A_2850, %mul3A_2860 : vector<16xf32>
    %add3A_2862 = arith.addf %mul3A_2860, %div3A_2861 : vector<16xf32>
    %mul3A_2863 = arith.constant 5.000000e-01 : f32
    %mul3A_2864 = vector.broadcast %mul3A_2863 : f32 to vector<16xf32>
    %mul3A_2865 = arith.mulf %mul3A_2864, %add3A_2862 : vector<16xf32>
    %div3A_2866 = arith.divf %select_n3A_2850, %mul3A_2865 : vector<16xf32>
    %add3A_2867 = arith.addf %mul3A_2865, %div3A_2866 : vector<16xf32>
    %mul3A_2868 = arith.constant 5.000000e-01 : f32
    %mul3A_2869 = vector.broadcast %mul3A_2868 : f32 to vector<16xf32>
    %mul3A_2870 = arith.mulf %mul3A_2869, %add3A_2867 : vector<16xf32>
    %div3A_2871 = arith.divf %select_n3A_2850, %mul3A_2870 : vector<16xf32>
    %add3A_2872 = arith.addf %mul3A_2870, %div3A_2871 : vector<16xf32>
    %mul3A_2873 = arith.constant 5.000000e-01 : f32
    %mul3A_2874 = vector.broadcast %mul3A_2873 : f32 to vector<16xf32>
    %mul3A_2875 = arith.mulf %mul3A_2874, %add3A_2872 : vector<16xf32>
    %div3A_2876 = arith.divf %select_n3A_2850, %mul3A_2875 : vector<16xf32>
    %add3A_2877 = arith.addf %mul3A_2875, %div3A_2876 : vector<16xf32>
    %mul3A_2878 = arith.constant 5.000000e-01 : f32
    %mul3A_2879 = vector.broadcast %mul3A_2878 : f32 to vector<16xf32>
    %mul3A_2880 = arith.mulf %mul3A_2879, %add3A_2877 : vector<16xf32>
    %div3A_2881 = arith.divf %select_n3A_2850, %mul3A_2880 : vector<16xf32>
    %add3A_2882 = arith.addf %mul3A_2880, %div3A_2881 : vector<16xf32>
    %mul3A_2883 = arith.constant 5.000000e-01 : f32
    %mul3A_2884 = vector.broadcast %mul3A_2883 : f32 to vector<16xf32>
    %mul3A_2885 = arith.mulf %mul3A_2884, %add3A_2882 : vector<16xf32>
    %div3A_2886 = arith.divf %select_n3A_2850, %mul3A_2885 : vector<16xf32>
    %add3A_2887 = arith.addf %mul3A_2885, %div3A_2886 : vector<16xf32>
    %mul3A_2888 = arith.constant 5.000000e-01 : f32
    %mul3A_2889 = vector.broadcast %mul3A_2888 : f32 to vector<16xf32>
    %mul3A_2890 = arith.mulf %mul3A_2889, %add3A_2887 : vector<16xf32>
    %div3A_2891 = arith.divf %select_n3A_2850, %mul3A_2890 : vector<16xf32>
    %add3A_2892 = arith.addf %mul3A_2890, %div3A_2891 : vector<16xf32>
    %mul3A_2893 = arith.constant 5.000000e-01 : f32
    %mul3A_2894 = vector.broadcast %mul3A_2893 : f32 to vector<16xf32>
    %mul3A_2895 = arith.mulf %mul3A_2894, %add3A_2892 : vector<16xf32>
    %div3A_2896 = arith.divf %select_n3A_2850, %mul3A_2895 : vector<16xf32>
    %add3A_2897 = arith.addf %mul3A_2895, %div3A_2896 : vector<16xf32>
    %mul3A_2898 = arith.constant 5.000000e-01 : f32
    %mul3A_2899 = vector.broadcast %mul3A_2898 : f32 to vector<16xf32>
    %mul3A_2900 = arith.mulf %mul3A_2899, %add3A_2897 : vector<16xf32>
    %div3A_2901 = arith.divf %select_n3A_2850, %mul3A_2900 : vector<16xf32>
    %add3A_2902 = arith.addf %mul3A_2900, %div3A_2901 : vector<16xf32>
    %mul3A_2903 = arith.constant 5.000000e-01 : f32
    %mul3A_2904 = vector.broadcast %mul3A_2903 : f32 to vector<16xf32>
    %mul3A_2905 = arith.mulf %mul3A_2904, %add3A_2902 : vector<16xf32>
    %div3A_2906 = arith.divf %select_n3A_2850, %mul3A_2905 : vector<16xf32>
    %add3A_2907 = arith.addf %mul3A_2905, %div3A_2906 : vector<16xf32>
    %mul3A_2908 = arith.constant 5.000000e-01 : f32
    %mul3A_2909 = vector.broadcast %mul3A_2908 : f32 to vector<16xf32>
    %mul3A_2910 = arith.mulf %mul3A_2909, %add3A_2907 : vector<16xf32>
    %div3A_2911 = arith.divf %select_n3A_2850, %mul3A_2910 : vector<16xf32>
    %add3A_2912 = arith.addf %mul3A_2910, %div3A_2911 : vector<16xf32>
    %mul3A_2913 = arith.constant 5.000000e-01 : f32
    %mul3A_2914 = vector.broadcast %mul3A_2913 : f32 to vector<16xf32>
    %mul3A_2915 = arith.mulf %mul3A_2914, %add3A_2912 : vector<16xf32>
    %div3A_2916 = arith.divf %select_n3A_2850, %mul3A_2915 : vector<16xf32>
    %add3A_2917 = arith.addf %mul3A_2915, %div3A_2916 : vector<16xf32>
    %mul3A_2918 = arith.constant 5.000000e-01 : f32
    %mul3A_2919 = vector.broadcast %mul3A_2918 : f32 to vector<16xf32>
    %mul3A_2920 = arith.mulf %mul3A_2919, %add3A_2917 : vector<16xf32>
    %div3A_2921 = arith.divf %select_n3A_2850, %mul3A_2920 : vector<16xf32>
    %add3A_2922 = arith.addf %mul3A_2920, %div3A_2921 : vector<16xf32>
    %mul3A_2923 = arith.constant 5.000000e-01 : f32
    %mul3A_2924 = vector.broadcast %mul3A_2923 : f32 to vector<16xf32>
    %mul3A_2925 = arith.mulf %mul3A_2924, %add3A_2922 : vector<16xf32>
    %div3A_2926 = arith.divf %select_n3A_2850, %mul3A_2925 : vector<16xf32>
    %add3A_2927 = arith.addf %mul3A_2925, %div3A_2926 : vector<16xf32>
    %mul3A_2928 = arith.constant 5.000000e-01 : f32
    %mul3A_2929 = vector.broadcast %mul3A_2928 : f32 to vector<16xf32>
    %mul3A_2930 = arith.mulf %mul3A_2929, %add3A_2927 : vector<16xf32>
    %div3A_2931 = arith.divf %select_n3A_2850, %mul3A_2930 : vector<16xf32>
    %add3A_2932 = arith.addf %mul3A_2930, %div3A_2931 : vector<16xf32>
    %mul3A_2933 = arith.constant 5.000000e-01 : f32
    %mul3A_2934 = vector.broadcast %mul3A_2933 : f32 to vector<16xf32>
    %mul3A_2935 = arith.mulf %mul3A_2934, %add3A_2932 : vector<16xf32>
    %le3A = arith.constant 2 : i32
    %le3A_2936 = vector.broadcast %le3A : i32 to vector<16xi32>
    %le3A_2937 = arith.cmpi sle, %iota3A, %le3A_2936 : vector<16xi32>
    %jit3A_2938 = arith.constant 0.000000e+00 : f32
    %broadcast_in_dim3A_2939 = vector.broadcast %jit3A_2938 : f32 to vector<16xf32>
    %select_n3A_2940 = arith.select %le3A_2937, %mul3A_2935, %broadcast_in_dim3A_2939 : vector<16xi1>, vector<16xf32>
    %broadcast_in_dim3A_2941 = arith.constant true
    %broadcast_in_dim3A_2942 = vector.broadcast %broadcast_in_dim3A_2941 : i1 to vector<16xi1>
    %masked_cumsum3A_2943 = tpu.scan <sum>, %select_n3A_2940 masked %broadcast_in_dim3A_2942 : vector<16xf32>, vector<16xi1> -> vector<16xf32>
    %swap3A_2944 = arith.constant 0 : index
    %swap3A_2945 = tpu.vector_load %arg15[%swap3A_2944] {strides = array<i32>} : memref<16xf32, #tpu.memory_space<vmem>>, vector<16xf32>,
    tpu.vector_store %arg15[%swap3A_2944], %masked_cumsum3A_2943 {strides = array<i32>} : memref<16xf32, #tpu.memory_space<vmem>>, vector<16xf32>,
    %broadcast_in_dim3A_2946 = arith.constant 15 : i32
    %broadcast_in_dim3A_2947 = vector.broadcast %broadcast_in_dim3A_2946 : i32 to vector<16xi32>
    %gather3A_2948 = tpu.vector_load_idx %arg15[%broadcast_in_dim3A_2947] : memref<16xf32, #tpu.memory_space<vmem>>[vector<16xi32>], vector<16xf32>,
    %mul3A_2949 = arith.constant 80 : i32
    %mul3A_2950 = arith.muli %arg1, %mul3A_2949 : i32
    "tpu.region"() ({
      %run_scoped3A = tpu.sem_alloc : memref<!tpu.dma_semaphore, #tpu.memory_space<semaphore_mem>>
      %dma_start3A_3382 = tpu.memref_slice %arg6[%mul3A_2950] : memref<2560xf32, #tpu.memory_space<hbm>> -> memref<80xf32, #tpu.memory_space<hbm>>
      %dma_start3A_3383 = tpu.memref_slice %arg6[%mul3A_2950] : memref<2560xf32, #tpu.memory_space<hbm>> -> memref<80xf32, #tpu.memory_space<hbm>>
      tpu.enqueue_dma source(%arg14 : memref<80xf32, #tpu.memory_space<vmem>>) target(%dma_start3A_3383 : memref<80xf32, #tpu.memory_space<hbm>>) target_semaphore(%run_scoped3A : memref<!tpu.dma_semaphore, #tpu.memory_space<semaphore_mem>>)
      %dma_wait3A_3384 = tpu.memref_slice %arg6[%mul3A_2950] : memref<2560xf32, #tpu.memory_space<hbm>> -> memref<80xf32, #tpu.memory_space<hbm>>
      %dma_wait3A_3385 = tpu.memref_slice %arg6[%mul3A_2950] : memref<2560xf32, #tpu.memory_space<hbm>> -> memref<80xf32, #tpu.memory_space<hbm>>
      tpu.wait_dma2 semaphore(%run_scoped3A : memref<!tpu.dma_semaphore, #tpu.memory_space<semaphore_mem>>) src(%arg14 : memref<80xf32, #tpu.memory_space<vmem>>) dst(%dma_wait3A_3385 : memref<80xf32, #tpu.memory_space<hbm>>)
      tpu.yield
    }) : () -> ()
    %eq3A_2951 = arith.constant 0 : i32
    %eq3A_2952 = vector.broadcast %eq3A_2951 : i32 to vector<16xi32>
    %eq3A_2953 = arith.cmpi eq, %iota3A, %eq3A_2952 : vector<16xi32>
    %eq3A_2954 = arith.constant 1 : i32
    %eq3A_2955 = vector.broadcast %eq3A_2954 : i32 to vector<16xi32>
    %eq3A_2956 = arith.cmpi eq, %iota3A, %eq3A_2955 : vector<16xi32>
    %jit3A_2957 = arith.constant 0.000000e+00 : f32
    %broadcast_in_dim3A_2958 = vector.broadcast %jit3A_2957 : f32 to vector<16xf32>
    %select_n3A_2959 = arith.select %eq3A_2956, %add3A_2692, %broadcast_in_dim3A_2958 : vector<16xi1>, vector<16xf32>
    %select_n3A_2960 = arith.select %eq3A_2953, %gather3A_2948, %select_n3A_2959 : vector<16xi1>, vector<16xf32>
    %swap3A_2961 = arith.constant 0 : index
    %swap3A_2962 = tpu.vector_load %arg16[%swap3A_2961] {strides = array<i32>} : memref<16xf32, #tpu.memory_space<vmem>>, vector<16xf32>,
    tpu.vector_store %arg16[%swap3A_2961], %select_n3A_2960 {strides = array<i32>} : memref<16xf32, #tpu.memory_space<vmem>>, vector<16xf32>,
    %mul3A_2963 = arith.constant 16 : i32
    %mul3A_2964 = arith.muli %arg1, %mul3A_2963 : i32
    "tpu.region"() ({
      %run_scoped3A = tpu.sem_alloc : memref<!tpu.dma_semaphore, #tpu.memory_space<semaphore_mem>>
      %dma_start3A_3382 = tpu.memref_slice %arg7[%mul3A_2964] : memref<512xf32, #tpu.memory_space<hbm>> -> memref<16xf32, #tpu.memory_space<hbm>>
      %dma_start3A_3383 = tpu.memref_slice %arg7[%mul3A_2964] : memref<512xf32, #tpu.memory_space<hbm>> -> memref<16xf32, #tpu.memory_space<hbm>>
      tpu.enqueue_dma source(%arg16 : memref<16xf32, #tpu.memory_space<vmem>>) target(%dma_start3A_3383 : memref<16xf32, #tpu.memory_space<hbm>>) target_semaphore(%run_scoped3A : memref<!tpu.dma_semaphore, #tpu.memory_space<semaphore_mem>>)
      %dma_wait3A_3384 = tpu.memref_slice %arg7[%mul3A_2964] : memref<512xf32, #tpu.memory_space<hbm>> -> memref<16xf32, #tpu.memory_space<hbm>>
      %dma_wait3A_3385 = tpu.memref_slice %arg7[%mul3A_2964] : memref<512xf32, #tpu.memory_space<hbm>> -> memref<16xf32, #tpu.memory_space<hbm>>
      tpu.wait_dma2 semaphore(%run_scoped3A : memref<!tpu.dma_semaphore, #tpu.memory_space<semaphore_mem>>) src(%arg16 : memref<16xf32, #tpu.memory_space<vmem>>) dst(%dma_wait3A_3385 : memref<16xf32, #tpu.memory_space<hbm>>)
      tpu.yield
    }) : () -> ()
    %swap3A_2965 = arith.constant 0 : index
    %swap3A_2966 = tpu.vector_load %arg13[%swap3A_2965] {strides = array<i32>} : memref<112xf32, #tpu.memory_space<vmem>>, vector<16xf32>,
    tpu.vector_store %arg13[%swap3A_2965], %add3A_2498 {strides = array<i32>} : memref<112xf32, #tpu.memory_space<vmem>>, vector<16xf32>,
    %swap3A_2967 = arith.constant 16 : index
    %swap3A_2968 = tpu.vector_load %arg13[%swap3A_2967] {strides = array<i32>} : memref<112xf32, #tpu.memory_space<vmem>>, vector<16xf32>,
    tpu.vector_store %arg13[%swap3A_2967], %add3A_2508 {strides = array<i32>} : memref<112xf32, #tpu.memory_space<vmem>>, vector<16xf32>,
    %swap3A_2969 = arith.constant 32 : index
    %swap3A_2970 = tpu.vector_load %arg13[%swap3A_2969] {strides = array<i32>} : memref<112xf32, #tpu.memory_space<vmem>>, vector<16xf32>,
    tpu.vector_store %arg13[%swap3A_2969], %add3A_2518 {strides = array<i32>} : memref<112xf32, #tpu.memory_space<vmem>>, vector<16xf32>,
    %swap3A_2971 = arith.constant 48 : index
    %swap3A_2972 = tpu.vector_load %arg13[%swap3A_2971] {strides = array<i32>} : memref<112xf32, #tpu.memory_space<vmem>>, vector<16xf32>,
    tpu.vector_store %arg13[%swap3A_2971], %add3A_2528 {strides = array<i32>} : memref<112xf32, #tpu.memory_space<vmem>>, vector<16xf32>,
    %swap3A_2973 = arith.constant 64 : index
    %swap3A_2974 = tpu.vector_load %arg13[%swap3A_2973] {strides = array<i32>} : memref<112xf32, #tpu.memory_space<vmem>>, vector<16xf32>,
    tpu.vector_store %arg13[%swap3A_2973], %add3A_2538 {strides = array<i32>} : memref<112xf32, #tpu.memory_space<vmem>>, vector<16xf32>,
    %swap3A_2975 = arith.constant 80 : index
    %swap3A_2976 = tpu.vector_load %arg13[%swap3A_2975] {strides = array<i32>} : memref<112xf32, #tpu.memory_space<vmem>>, vector<16xf32>,
    tpu.vector_store %arg13[%swap3A_2975], %add3A_2548 {strides = array<i32>} : memref<112xf32, #tpu.memory_space<vmem>>, vector<16xf32>,
    %swap3A_2977 = arith.constant 96 : index
    %swap3A_2978 = tpu.vector_load %arg13[%swap3A_2977] {strides = array<i32>} : memref<112xf32, #tpu.memory_space<vmem>>, vector<16xf32>,
    tpu.vector_store %arg13[%swap3A_2977], %add3A_2558 {strides = array<i32>} : memref<112xf32, #tpu.memory_space<vmem>>, vector<16xf32>,
    %gather3A_2979 = tpu.vector_load_idx %arg13[%get3A_6] : memref<112xf32, #tpu.memory_space<vmem>>[vector<16xi32>], vector<16xf32>,
    %swap3A_2980 = arith.constant 0 : index
    %swap3A_2981 = tpu.vector_load %arg14[%swap3A_2980] {strides = array<i32>} : memref<80xf32, #tpu.memory_space<vmem>>, vector<16xf32>,
    tpu.vector_store %arg14[%swap3A_2980], %gather3A_2979 {strides = array<i32>} : memref<80xf32, #tpu.memory_space<vmem>>, vector<16xf32>,
    %gather3A_2982 = tpu.vector_load_idx %arg13[%get3A_8] : memref<112xf32, #tpu.memory_space<vmem>>[vector<16xi32>], vector<16xf32>,
    %swap3A_2983 = arith.constant 16 : index
    %swap3A_2984 = tpu.vector_load %arg14[%swap3A_2983] {strides = array<i32>} : memref<80xf32, #tpu.memory_space<vmem>>, vector<16xf32>,
    tpu.vector_store %arg14[%swap3A_2983], %gather3A_2982 {strides = array<i32>} : memref<80xf32, #tpu.memory_space<vmem>>, vector<16xf32>,
    %gather3A_2985 = tpu.vector_load_idx %arg13[%get3A_10] : memref<112xf32, #tpu.memory_space<vmem>>[vector<16xi32>], vector<16xf32>,
    %swap3A_2986 = arith.constant 32 : index
    %swap3A_2987 = tpu.vector_load %arg14[%swap3A_2986] {strides = array<i32>} : memref<80xf32, #tpu.memory_space<vmem>>, vector<16xf32>,
    tpu.vector_store %arg14[%swap3A_2986], %gather3A_2985 {strides = array<i32>} : memref<80xf32, #tpu.memory_space<vmem>>, vector<16xf32>,
    %gather3A_2988 = tpu.vector_load_idx %arg13[%get3A_12] : memref<112xf32, #tpu.memory_space<vmem>>[vector<16xi32>], vector<16xf32>,
    %swap3A_2989 = arith.constant 48 : index
    %swap3A_2990 = tpu.vector_load %arg14[%swap3A_2989] {strides = array<i32>} : memref<80xf32, #tpu.memory_space<vmem>>, vector<16xf32>,
    tpu.vector_store %arg14[%swap3A_2989], %gather3A_2988 {strides = array<i32>} : memref<80xf32, #tpu.memory_space<vmem>>, vector<16xf32>,
    %gather3A_2991 = tpu.vector_load_idx %arg13[%select_n3A] : memref<112xf32, #tpu.memory_space<vmem>>[vector<16xi32>], vector<16xf32>,
    %swap3A_2992 = arith.constant 64 : index
    %swap3A_2993 = tpu.vector_load %arg14[%swap3A_2992] {strides = array<i32>} : memref<80xf32, #tpu.memory_space<vmem>>, vector<16xf32>,
    tpu.vector_store %arg14[%swap3A_2992], %gather3A_2991 {strides = array<i32>} : memref<80xf32, #tpu.memory_space<vmem>>, vector<16xf32>,
    %add3A_2994 = arith.constant 0 : i32
    %add3A_2995 = vector.broadcast %add3A_2994 : i32 to vector<16xi32>
    %add3A_2996 = arith.addi %iota3A, %add3A_2995 : vector<16xi32>
    %ge3A_2997 = arith.constant 0 : i32
    %ge3A_2998 = vector.broadcast %ge3A_2997 : i32 to vector<16xi32>
    %ge3A_2999 = arith.cmpi sge, %add3A_2996, %ge3A_2998 : vector<16xi32>
    %lt3A_3000 = arith.constant 10 : i32
    %lt3A_3001 = vector.broadcast %lt3A_3000 : i32 to vector<16xi32>
    %lt3A_3002 = arith.cmpi slt, %add3A_2996, %lt3A_3001 : vector<16xi32>
    %and3A_3003 = arith.andi %ge3A_2999, %lt3A_3002 : vector<16xi1>
    %jit3A_3004 = arith.constant 0.000000e+00 : f32
    %broadcast_in_dim3A_3005 = vector.broadcast %jit3A_3004 : f32 to vector<16xf32>
    %select_n3A_3006 = arith.select %and3A_3003, %gather3A_2979, %broadcast_in_dim3A_3005 : vector<16xi1>, vector<16xf32>
    %broadcast_in_dim3A_3007 = arith.constant true
    %broadcast_in_dim3A_3008 = vector.broadcast %broadcast_in_dim3A_3007 : i1 to vector<16xi1>
    %masked_cumsum3A_3009 = tpu.scan <sum>, %select_n3A_3006 masked %broadcast_in_dim3A_3008 : vector<16xf32>, vector<16xi1> -> vector<16xf32>
    %swap3A_3010 = arith.constant 0 : index
    %swap3A_3011 = tpu.vector_load %arg15[%swap3A_3010] {strides = array<i32>} : memref<16xf32, #tpu.memory_space<vmem>>, vector<16xf32>,
    tpu.vector_store %arg15[%swap3A_3010], %masked_cumsum3A_3009 {strides = array<i32>} : memref<16xf32, #tpu.memory_space<vmem>>, vector<16xf32>,
    %broadcast_in_dim3A_3012 = arith.constant 15 : i32
    %broadcast_in_dim3A_3013 = vector.broadcast %broadcast_in_dim3A_3012 : i32 to vector<16xi32>
    %gather3A_3014 = tpu.vector_load_idx %arg15[%broadcast_in_dim3A_3013] : memref<16xf32, #tpu.memory_space<vmem>>[vector<16xi32>], vector<16xf32>,
    %mul3A_3015 = arith.constant 1.000000e-01 : f32
    %mul3A_3016 = vector.broadcast %mul3A_3015 : f32 to vector<16xf32>
    %mul3A_3017 = arith.mulf %gather3A_3014, %mul3A_3016 : vector<16xf32>
    %add3A_3018 = arith.constant 0 : i32
    %add3A_3019 = vector.broadcast %add3A_3018 : i32 to vector<16xi32>
    %add3A_3020 = arith.addi %iota3A, %add3A_3019 : vector<16xi32>
    %ge3A_3021 = arith.constant 10 : i32
    %ge3A_3022 = vector.broadcast %ge3A_3021 : i32 to vector<16xi32>
    %ge3A_3023 = arith.cmpi sge, %add3A_3020, %ge3A_3022 : vector<16xi32>
    %lt3A_3024 = arith.constant 36 : i32
    %lt3A_3025 = vector.broadcast %lt3A_3024 : i32 to vector<16xi32>
    %lt3A_3026 = arith.cmpi slt, %add3A_3020, %lt3A_3025 : vector<16xi32>
    %and3A_3027 = arith.andi %ge3A_3023, %lt3A_3026 : vector<16xi1>
    %jit3A_3028 = arith.constant 0.000000e+00 : f32
    %broadcast_in_dim3A_3029 = vector.broadcast %jit3A_3028 : f32 to vector<16xf32>
    %select_n3A_3030 = arith.select %and3A_3027, %gather3A_2979, %broadcast_in_dim3A_3029 : vector<16xi1>, vector<16xf32>
    %add3A_3031 = arith.addf %select_n3A_3030, %gather3A_2982 : vector<16xf32>
    %add3A_3032 = arith.constant 32 : i32
    %add3A_3033 = vector.broadcast %add3A_3032 : i32 to vector<16xi32>
    %add3A_3034 = arith.addi %iota3A, %add3A_3033 : vector<16xi32>
    %ge3A_3035 = arith.constant 10 : i32
    %ge3A_3036 = vector.broadcast %ge3A_3035 : i32 to vector<16xi32>
    %ge3A_3037 = arith.cmpi sge, %add3A_3034, %ge3A_3036 : vector<16xi32>
    %lt3A_3038 = arith.constant 36 : i32
    %lt3A_3039 = vector.broadcast %lt3A_3038 : i32 to vector<16xi32>
    %lt3A_3040 = arith.cmpi slt, %add3A_3034, %lt3A_3039 : vector<16xi32>
    %and3A_3041 = arith.andi %ge3A_3037, %lt3A_3040 : vector<16xi1>
    %jit3A_3042 = arith.constant 0.000000e+00 : f32
    %broadcast_in_dim3A_3043 = vector.broadcast %jit3A_3042 : f32 to vector<16xf32>
    %select_n3A_3044 = arith.select %and3A_3041, %gather3A_2985, %broadcast_in_dim3A_3043 : vector<16xi1>, vector<16xf32>
    %add3A_3045 = arith.addf %add3A_3031, %select_n3A_3044 : vector<16xf32>
    %broadcast_in_dim3A_3046 = arith.constant true
    %broadcast_in_dim3A_3047 = vector.broadcast %broadcast_in_dim3A_3046 : i1 to vector<16xi1>
    %masked_cumsum3A_3048 = tpu.scan <sum>, %add3A_3045 masked %broadcast_in_dim3A_3047 : vector<16xf32>, vector<16xi1> -> vector<16xf32>
    %swap3A_3049 = arith.constant 0 : index
    %swap3A_3050 = tpu.vector_load %arg15[%swap3A_3049] {strides = array<i32>} : memref<16xf32, #tpu.memory_space<vmem>>, vector<16xf32>,
    tpu.vector_store %arg15[%swap3A_3049], %masked_cumsum3A_3048 {strides = array<i32>} : memref<16xf32, #tpu.memory_space<vmem>>, vector<16xf32>,
    %broadcast_in_dim3A_3051 = arith.constant 15 : i32
    %broadcast_in_dim3A_3052 = vector.broadcast %broadcast_in_dim3A_3051 : i32 to vector<16xi32>
    %gather3A_3053 = tpu.vector_load_idx %arg15[%broadcast_in_dim3A_3052] : memref<16xf32, #tpu.memory_space<vmem>>[vector<16xi32>], vector<16xf32>,
    %mul3A_3054 = arith.constant 0.0384615399 : f32
    %mul3A_3055 = vector.broadcast %mul3A_3054 : f32 to vector<16xf32>
    %mul3A_3056 = arith.mulf %gather3A_3053, %mul3A_3055 : vector<16xf32>
    %add3A_3057 = arith.constant 32 : i32
    %add3A_3058 = vector.broadcast %add3A_3057 : i32 to vector<16xi32>
    %add3A_3059 = arith.addi %iota3A, %add3A_3058 : vector<16xi32>
    %ge3A_3060 = arith.constant 36 : i32
    %ge3A_3061 = vector.broadcast %ge3A_3060 : i32 to vector<16xi32>
    %ge3A_3062 = arith.cmpi sge, %add3A_3059, %ge3A_3061 : vector<16xi32>
    %lt3A_3063 = arith.constant 68 : i32
    %lt3A_3064 = vector.broadcast %lt3A_3063 : i32 to vector<16xi32>
    %lt3A_3065 = arith.cmpi slt, %add3A_3059, %lt3A_3064 : vector<16xi32>
    %and3A_3066 = arith.andi %ge3A_3062, %lt3A_3065 : vector<16xi1>
    %jit3A_3067 = arith.constant 0.000000e+00 : f32
    %broadcast_in_dim3A_3068 = vector.broadcast %jit3A_3067 : f32 to vector<16xf32>
    %select_n3A_3069 = arith.select %and3A_3066, %gather3A_2985, %broadcast_in_dim3A_3068 : vector<16xi1>, vector<16xf32>
    %add3A_3070 = arith.addf %select_n3A_3069, %gather3A_2988 : vector<16xf32>
    %add3A_3071 = arith.constant 64 : i32
    %add3A_3072 = vector.broadcast %add3A_3071 : i32 to vector<16xi32>
    %add3A_3073 = arith.addi %iota3A, %add3A_3072 : vector<16xi32>
    %ge3A_3074 = arith.constant 36 : i32
    %ge3A_3075 = vector.broadcast %ge3A_3074 : i32 to vector<16xi32>
    %ge3A_3076 = arith.cmpi sge, %add3A_3073, %ge3A_3075 : vector<16xi32>
    %lt3A_3077 = arith.constant 68 : i32
    %lt3A_3078 = vector.broadcast %lt3A_3077 : i32 to vector<16xi32>
    %lt3A_3079 = arith.cmpi slt, %add3A_3073, %lt3A_3078 : vector<16xi32>
    %and3A_3080 = arith.andi %ge3A_3076, %lt3A_3079 : vector<16xi1>
    %jit3A_3081 = arith.constant 0.000000e+00 : f32
    %broadcast_in_dim3A_3082 = vector.broadcast %jit3A_3081 : f32 to vector<16xf32>
    %select_n3A_3083 = arith.select %and3A_3080, %gather3A_2991, %broadcast_in_dim3A_3082 : vector<16xi1>, vector<16xf32>
    %add3A_3084 = arith.addf %add3A_3070, %select_n3A_3083 : vector<16xf32>
    %broadcast_in_dim3A_3085 = arith.constant true
    %broadcast_in_dim3A_3086 = vector.broadcast %broadcast_in_dim3A_3085 : i1 to vector<16xi1>
    %masked_cumsum3A_3087 = tpu.scan <sum>, %add3A_3084 masked %broadcast_in_dim3A_3086 : vector<16xf32>, vector<16xi1> -> vector<16xf32>
    %swap3A_3088 = arith.constant 0 : index
    %swap3A_3089 = tpu.vector_load %arg15[%swap3A_3088] {strides = array<i32>} : memref<16xf32, #tpu.memory_space<vmem>>, vector<16xf32>,
    tpu.vector_store %arg15[%swap3A_3088], %masked_cumsum3A_3087 {strides = array<i32>} : memref<16xf32, #tpu.memory_space<vmem>>, vector<16xf32>,
    %broadcast_in_dim3A_3090 = arith.constant 15 : i32
    %broadcast_in_dim3A_3091 = vector.broadcast %broadcast_in_dim3A_3090 : i32 to vector<16xi32>
    %gather3A_3092 = tpu.vector_load_idx %arg15[%broadcast_in_dim3A_3091] : memref<16xf32, #tpu.memory_space<vmem>>[vector<16xi32>], vector<16xf32>,
    %mul3A_3093 = arith.constant 3.125000e-02 : f32
    %mul3A_3094 = vector.broadcast %mul3A_3093 : f32 to vector<16xf32>
    %mul3A_3095 = arith.mulf %gather3A_3092, %mul3A_3094 : vector<16xf32>
    %sub3A_3096 = arith.subf %mul3A_3017, %mul3A_3056 : vector<16xf32>
    %sub3A_3097 = arith.subf %mul3A_3095, %mul3A_3056 : vector<16xf32>
    %sub3A_3098 = arith.subf %mul3A_3017, %mul3A_3095 : vector<16xf32>
    %mul3A_3099 = arith.mulf %sub3A_3096, %sub3A_3096 : vector<16xf32>
    %mul3A_3100 = arith.mulf %sub3A_3097, %sub3A_3097 : vector<16xf32>
    %add3A_3101 = arith.addf %mul3A_3099, %mul3A_3100 : vector<16xf32>
    %mul3A_3102 = arith.mulf %sub3A_3098, %sub3A_3098 : vector<16xf32>
    %add3A_3103 = arith.addf %add3A_3101, %mul3A_3102 : vector<16xf32>
    %add3A_3104 = arith.constant 0 : i32
    %add3A_3105 = vector.broadcast %add3A_3104 : i32 to vector<16xi32>
    %add3A_3106 = arith.addi %iota3A, %add3A_3105 : vector<16xi32>
    %ge3A_3107 = arith.constant 10 : i32
    %ge3A_3108 = vector.broadcast %ge3A_3107 : i32 to vector<16xi32>
    %ge3A_3109 = arith.cmpi sge, %add3A_3106, %ge3A_3108 : vector<16xi32>
    %lt3A_3110 = arith.constant 26 : i32
    %lt3A_3111 = vector.broadcast %lt3A_3110 : i32 to vector<16xi32>
    %lt3A_3112 = arith.cmpi slt, %add3A_3106, %lt3A_3111 : vector<16xi32>
    %and3A_3113 = arith.andi %ge3A_3109, %lt3A_3112 : vector<16xi1>
    %jit3A_3114 = arith.constant 0.000000e+00 : f32
    %broadcast_in_dim3A_3115 = vector.broadcast %jit3A_3114 : f32 to vector<16xf32>
    %select_n3A_3116 = arith.select %and3A_3113, %gather3A_2979, %broadcast_in_dim3A_3115 : vector<16xi1>, vector<16xf32>
    %add3A_3117 = arith.constant 16 : i32
    %add3A_3118 = vector.broadcast %add3A_3117 : i32 to vector<16xi32>
    %add3A_3119 = arith.addi %iota3A, %add3A_3118 : vector<16xi32>
    %ge3A_3120 = arith.constant 10 : i32
    %ge3A_3121 = vector.broadcast %ge3A_3120 : i32 to vector<16xi32>
    %ge3A_3122 = arith.cmpi sge, %add3A_3119, %ge3A_3121 : vector<16xi32>
    %lt3A_3123 = arith.constant 26 : i32
    %lt3A_3124 = vector.broadcast %lt3A_3123 : i32 to vector<16xi32>
    %lt3A_3125 = arith.cmpi slt, %add3A_3119, %lt3A_3124 : vector<16xi32>
    %and3A_3126 = arith.andi %ge3A_3122, %lt3A_3125 : vector<16xi1>
    %jit3A_3127 = arith.constant 0.000000e+00 : f32
    %broadcast_in_dim3A_3128 = vector.broadcast %jit3A_3127 : f32 to vector<16xf32>
    %select_n3A_3129 = arith.select %and3A_3126, %gather3A_2982, %broadcast_in_dim3A_3128 : vector<16xi1>, vector<16xf32>
    %add3A_3130 = arith.addf %select_n3A_3116, %select_n3A_3129 : vector<16xf32>
    %broadcast_in_dim3A_3131 = arith.constant true
    %broadcast_in_dim3A_3132 = vector.broadcast %broadcast_in_dim3A_3131 : i1 to vector<16xi1>
    %masked_cumsum3A_3133 = tpu.scan <sum>, %add3A_3130 masked %broadcast_in_dim3A_3132 : vector<16xf32>, vector<16xi1> -> vector<16xf32>
    %swap3A_3134 = arith.constant 0 : index
    %swap3A_3135 = tpu.vector_load %arg15[%swap3A_3134] {strides = array<i32>} : memref<16xf32, #tpu.memory_space<vmem>>, vector<16xf32>,
    tpu.vector_store %arg15[%swap3A_3134], %masked_cumsum3A_3133 {strides = array<i32>} : memref<16xf32, #tpu.memory_space<vmem>>, vector<16xf32>,
    %broadcast_in_dim3A_3136 = arith.constant 15 : i32
    %broadcast_in_dim3A_3137 = vector.broadcast %broadcast_in_dim3A_3136 : i32 to vector<16xi32>
    %gather3A_3138 = tpu.vector_load_idx %arg15[%broadcast_in_dim3A_3137] : memref<16xf32, #tpu.memory_space<vmem>>[vector<16xi32>], vector<16xf32>,
    %mul3A_3139 = arith.constant 6.250000e-02 : f32
    %mul3A_3140 = vector.broadcast %mul3A_3139 : f32 to vector<16xf32>
    %mul3A_3141 = arith.mulf %gather3A_3138, %mul3A_3140 : vector<16xf32>
    %sub3A_3142 = arith.subf %gather3A_2979, %mul3A_3017 : vector<16xf32>
    %mul3A_3143 = arith.mulf %sub3A_3142, %sub3A_3142 : vector<16xf32>
    %add3A_3144 = arith.constant 0 : i32
    %add3A_3145 = vector.broadcast %add3A_3144 : i32 to vector<16xi32>
    %add3A_3146 = arith.addi %iota3A, %add3A_3145 : vector<16xi32>
    %ge3A_3147 = arith.constant 0 : i32
    %ge3A_3148 = vector.broadcast %ge3A_3147 : i32 to vector<16xi32>
    %ge3A_3149 = arith.cmpi sge, %add3A_3146, %ge3A_3148 : vector<16xi32>
    %lt3A_3150 = arith.constant 10 : i32
    %lt3A_3151 = vector.broadcast %lt3A_3150 : i32 to vector<16xi32>
    %lt3A_3152 = arith.cmpi slt, %add3A_3146, %lt3A_3151 : vector<16xi32>
    %and3A_3153 = arith.andi %ge3A_3149, %lt3A_3152 : vector<16xi1>
    %jit3A_3154 = arith.constant 0.000000e+00 : f32
    %broadcast_in_dim3A_3155 = vector.broadcast %jit3A_3154 : f32 to vector<16xf32>
    %select_n3A_3156 = arith.select %and3A_3153, %mul3A_3143, %broadcast_in_dim3A_3155 : vector<16xi1>, vector<16xf32>
    %broadcast_in_dim3A_3157 = arith.constant true
    %broadcast_in_dim3A_3158 = vector.broadcast %broadcast_in_dim3A_3157 : i1 to vector<16xi1>
    %masked_cumsum3A_3159 = tpu.scan <sum>, %select_n3A_3156 masked %broadcast_in_dim3A_3158 : vector<16xf32>, vector<16xi1> -> vector<16xf32>
    %swap3A_3160 = arith.constant 0 : index
    %swap3A_3161 = tpu.vector_load %arg15[%swap3A_3160] {strides = array<i32>} : memref<16xf32, #tpu.memory_space<vmem>>, vector<16xf32>,
    tpu.vector_store %arg15[%swap3A_3160], %masked_cumsum3A_3159 {strides = array<i32>} : memref<16xf32, #tpu.memory_space<vmem>>, vector<16xf32>,
    %broadcast_in_dim3A_3162 = arith.constant 15 : i32
    %broadcast_in_dim3A_3163 = vector.broadcast %broadcast_in_dim3A_3162 : i32 to vector<16xi32>
    %gather3A_3164 = tpu.vector_load_idx %arg15[%broadcast_in_dim3A_3163] : memref<16xf32, #tpu.memory_space<vmem>>[vector<16xi32>], vector<16xf32>,
    %mul3A_3165 = arith.constant 0.111111112 : f32
    %mul3A_3166 = vector.broadcast %mul3A_3165 : f32 to vector<16xf32>
    %mul3A_3167 = arith.mulf %gather3A_3164, %mul3A_3166 : vector<16xf32>
    %sub3A_3168 = arith.subf %gather3A_2979, %mul3A_3141 : vector<16xf32>
    %mul3A_3169 = arith.mulf %sub3A_3168, %sub3A_3168 : vector<16xf32>
    %add3A_3170 = arith.constant 0 : i32
    %add3A_3171 = vector.broadcast %add3A_3170 : i32 to vector<16xi32>
    %add3A_3172 = arith.addi %iota3A, %add3A_3171 : vector<16xi32>
    %ge3A_3173 = arith.constant 10 : i32
    %ge3A_3174 = vector.broadcast %ge3A_3173 : i32 to vector<16xi32>
    %ge3A_3175 = arith.cmpi sge, %add3A_3172, %ge3A_3174 : vector<16xi32>
    %lt3A_3176 = arith.constant 26 : i32
    %lt3A_3177 = vector.broadcast %lt3A_3176 : i32 to vector<16xi32>
    %lt3A_3178 = arith.cmpi slt, %add3A_3172, %lt3A_3177 : vector<16xi32>
    %and3A_3179 = arith.andi %ge3A_3175, %lt3A_3178 : vector<16xi1>
    %jit3A_3180 = arith.constant 0.000000e+00 : f32
    %broadcast_in_dim3A_3181 = vector.broadcast %jit3A_3180 : f32 to vector<16xf32>
    %select_n3A_3182 = arith.select %and3A_3179, %mul3A_3169, %broadcast_in_dim3A_3181 : vector<16xi1>, vector<16xf32>
    %sub3A_3183 = arith.subf %gather3A_2982, %mul3A_3141 : vector<16xf32>
    %mul3A_3184 = arith.mulf %sub3A_3183, %sub3A_3183 : vector<16xf32>
    %add3A_3185 = arith.constant 16 : i32
    %add3A_3186 = vector.broadcast %add3A_3185 : i32 to vector<16xi32>
    %add3A_3187 = arith.addi %iota3A, %add3A_3186 : vector<16xi32>
    %ge3A_3188 = arith.constant 10 : i32
    %ge3A_3189 = vector.broadcast %ge3A_3188 : i32 to vector<16xi32>
    %ge3A_3190 = arith.cmpi sge, %add3A_3187, %ge3A_3189 : vector<16xi32>
    %lt3A_3191 = arith.constant 26 : i32
    %lt3A_3192 = vector.broadcast %lt3A_3191 : i32 to vector<16xi32>
    %lt3A_3193 = arith.cmpi slt, %add3A_3187, %lt3A_3192 : vector<16xi32>
    %and3A_3194 = arith.andi %ge3A_3190, %lt3A_3193 : vector<16xi1>
    %jit3A_3195 = arith.constant 0.000000e+00 : f32
    %broadcast_in_dim3A_3196 = vector.broadcast %jit3A_3195 : f32 to vector<16xf32>
    %select_n3A_3197 = arith.select %and3A_3194, %mul3A_3184, %broadcast_in_dim3A_3196 : vector<16xi1>, vector<16xf32>
    %add3A_3198 = arith.addf %select_n3A_3182, %select_n3A_3197 : vector<16xf32>
    %broadcast_in_dim3A_3199 = arith.constant true
    %broadcast_in_dim3A_3200 = vector.broadcast %broadcast_in_dim3A_3199 : i1 to vector<16xi1>
    %masked_cumsum3A_3201 = tpu.scan <sum>, %add3A_3198 masked %broadcast_in_dim3A_3200 : vector<16xf32>, vector<16xi1> -> vector<16xf32>
    %swap3A_3202 = arith.constant 0 : index
    %swap3A_3203 = tpu.vector_load %arg15[%swap3A_3202] {strides = array<i32>} : memref<16xf32, #tpu.memory_space<vmem>>, vector<16xf32>,
    tpu.vector_store %arg15[%swap3A_3202], %masked_cumsum3A_3201 {strides = array<i32>} : memref<16xf32, #tpu.memory_space<vmem>>, vector<16xf32>,
    %broadcast_in_dim3A_3204 = arith.constant 15 : i32
    %broadcast_in_dim3A_3205 = vector.broadcast %broadcast_in_dim3A_3204 : i32 to vector<16xi32>
    %gather3A_3206 = tpu.vector_load_idx %arg15[%broadcast_in_dim3A_3205] : memref<16xf32, #tpu.memory_space<vmem>>[vector<16xi32>], vector<16xf32>,
    %mul3A_3207 = arith.constant 0.0666666701 : f32
    %mul3A_3208 = vector.broadcast %mul3A_3207 : f32 to vector<16xf32>
    %mul3A_3209 = arith.mulf %gather3A_3206, %mul3A_3208 : vector<16xf32>
    %sub3A_3210 = arith.subf %gather3A_2985, %mul3A_3095 : vector<16xf32>
    %mul3A_3211 = arith.mulf %sub3A_3210, %sub3A_3210 : vector<16xf32>
    %add3A_3212 = arith.constant 32 : i32
    %add3A_3213 = vector.broadcast %add3A_3212 : i32 to vector<16xi32>
    %add3A_3214 = arith.addi %iota3A, %add3A_3213 : vector<16xi32>
    %ge3A_3215 = arith.constant 36 : i32
    %ge3A_3216 = vector.broadcast %ge3A_3215 : i32 to vector<16xi32>
    %ge3A_3217 = arith.cmpi sge, %add3A_3214, %ge3A_3216 : vector<16xi32>
    %lt3A_3218 = arith.constant 68 : i32
    %lt3A_3219 = vector.broadcast %lt3A_3218 : i32 to vector<16xi32>
    %lt3A_3220 = arith.cmpi slt, %add3A_3214, %lt3A_3219 : vector<16xi32>
    %and3A_3221 = arith.andi %ge3A_3217, %lt3A_3220 : vector<16xi1>
    %jit3A_3222 = arith.constant 0.000000e+00 : f32
    %broadcast_in_dim3A_3223 = vector.broadcast %jit3A_3222 : f32 to vector<16xf32>
    %select_n3A_3224 = arith.select %and3A_3221, %mul3A_3211, %broadcast_in_dim3A_3223 : vector<16xi1>, vector<16xf32>
    %sub3A_3225 = arith.subf %gather3A_2988, %mul3A_3095 : vector<16xf32>
    %mul3A_3226 = arith.mulf %sub3A_3225, %sub3A_3225 : vector<16xf32>
    %add3A_3227 = arith.addf %select_n3A_3224, %mul3A_3226 : vector<16xf32>
    %sub3A_3228 = arith.subf %gather3A_2991, %mul3A_3095 : vector<16xf32>
    %mul3A_3229 = arith.mulf %sub3A_3228, %sub3A_3228 : vector<16xf32>
    %add3A_3230 = arith.constant 64 : i32
    %add3A_3231 = vector.broadcast %add3A_3230 : i32 to vector<16xi32>
    %add3A_3232 = arith.addi %iota3A, %add3A_3231 : vector<16xi32>
    %ge3A_3233 = arith.constant 36 : i32
    %ge3A_3234 = vector.broadcast %ge3A_3233 : i32 to vector<16xi32>
    %ge3A_3235 = arith.cmpi sge, %add3A_3232, %ge3A_3234 : vector<16xi32>
    %lt3A_3236 = arith.constant 68 : i32
    %lt3A_3237 = vector.broadcast %lt3A_3236 : i32 to vector<16xi32>
    %lt3A_3238 = arith.cmpi slt, %add3A_3232, %lt3A_3237 : vector<16xi32>
    %and3A_3239 = arith.andi %ge3A_3235, %lt3A_3238 : vector<16xi1>
    %jit3A_3240 = arith.constant 0.000000e+00 : f32
    %broadcast_in_dim3A_3241 = vector.broadcast %jit3A_3240 : f32 to vector<16xf32>
    %select_n3A_3242 = arith.select %and3A_3239, %mul3A_3229, %broadcast_in_dim3A_3241 : vector<16xi1>, vector<16xf32>
    %add3A_3243 = arith.addf %add3A_3227, %select_n3A_3242 : vector<16xf32>
    %broadcast_in_dim3A_3244 = arith.constant true
    %broadcast_in_dim3A_3245 = vector.broadcast %broadcast_in_dim3A_3244 : i1 to vector<16xi1>
    %masked_cumsum3A_3246 = tpu.scan <sum>, %add3A_3243 masked %broadcast_in_dim3A_3245 : vector<16xf32>, vector<16xi1> -> vector<16xf32>
    %swap3A_3247 = arith.constant 0 : index
    %swap3A_3248 = tpu.vector_load %arg15[%swap3A_3247] {strides = array<i32>} : memref<16xf32, #tpu.memory_space<vmem>>, vector<16xf32>,
    tpu.vector_store %arg15[%swap3A_3247], %masked_cumsum3A_3246 {strides = array<i32>} : memref<16xf32, #tpu.memory_space<vmem>>, vector<16xf32>,
    %broadcast_in_dim3A_3249 = arith.constant 15 : i32
    %broadcast_in_dim3A_3250 = vector.broadcast %broadcast_in_dim3A_3249 : i32 to vector<16xi32>
    %gather3A_3251 = tpu.vector_load_idx %arg15[%broadcast_in_dim3A_3250] : memref<16xf32, #tpu.memory_space<vmem>>[vector<16xi32>], vector<16xf32>,
    %mul3A_3252 = arith.constant 0.0322580636 : f32
    %mul3A_3253 = vector.broadcast %mul3A_3252 : f32 to vector<16xf32>
    %mul3A_3254 = arith.mulf %gather3A_3251, %mul3A_3253 : vector<16xf32>
    %eq3A_3255 = arith.constant 0 : i32
    %eq3A_3256 = vector.broadcast %eq3A_3255 : i32 to vector<16xi32>
    %eq3A_3257 = arith.cmpi eq, %iota3A, %eq3A_3256 : vector<16xi32>
    %eq3A_3258 = arith.constant 1 : i32
    %eq3A_3259 = vector.broadcast %eq3A_3258 : i32 to vector<16xi32>
    %eq3A_3260 = arith.cmpi eq, %iota3A, %eq3A_3259 : vector<16xi32>
    %select_n3A_3261 = arith.select %eq3A_3260, %mul3A_3209, %mul3A_3254 : vector<16xi1>, vector<16xf32>
    %select_n3A_3262 = arith.select %eq3A_3257, %mul3A_3167, %select_n3A_3261 : vector<16xi1>, vector<16xf32>
    %add3A_3263 = arith.constant 1.000000e+00 : f32
    %add3A_3264 = vector.broadcast %add3A_3263 : f32 to vector<16xf32>
    %add3A_3265 = arith.addf %select_n3A_3262, %add3A_3264 : vector<16xf32>
    %mul3A_3266 = arith.constant 5.000000e-01 : f32
    %mul3A_3267 = vector.broadcast %mul3A_3266 : f32 to vector<16xf32>
    %mul3A_3268 = arith.mulf %add3A_3265, %mul3A_3267 : vector<16xf32>
    %div3A_3269 = arith.divf %select_n3A_3262, %mul3A_3268 : vector<16xf32>
    %add3A_3270 = arith.addf %mul3A_3268, %div3A_3269 : vector<16xf32>
    %mul3A_3271 = arith.constant 5.000000e-01 : f32
    %mul3A_3272 = vector.broadcast %mul3A_3271 : f32 to vector<16xf32>
    %mul3A_3273 = arith.mulf %mul3A_3272, %add3A_3270 : vector<16xf32>
    %div3A_3274 = arith.divf %select_n3A_3262, %mul3A_3273 : vector<16xf32>
    %add3A_3275 = arith.addf %mul3A_3273, %div3A_3274 : vector<16xf32>
    %mul3A_3276 = arith.constant 5.000000e-01 : f32
    %mul3A_3277 = vector.broadcast %mul3A_3276 : f32 to vector<16xf32>
    %mul3A_3278 = arith.mulf %mul3A_3277, %add3A_3275 : vector<16xf32>
    %div3A_3279 = arith.divf %select_n3A_3262, %mul3A_3278 : vector<16xf32>
    %add3A_3280 = arith.addf %mul3A_3278, %div3A_3279 : vector<16xf32>
    %mul3A_3281 = arith.constant 5.000000e-01 : f32
    %mul3A_3282 = vector.broadcast %mul3A_3281 : f32 to vector<16xf32>
    %mul3A_3283 = arith.mulf %mul3A_3282, %add3A_3280 : vector<16xf32>
    %div3A_3284 = arith.divf %select_n3A_3262, %mul3A_3283 : vector<16xf32>
    %add3A_3285 = arith.addf %mul3A_3283, %div3A_3284 : vector<16xf32>
    %mul3A_3286 = arith.constant 5.000000e-01 : f32
    %mul3A_3287 = vector.broadcast %mul3A_3286 : f32 to vector<16xf32>
    %mul3A_3288 = arith.mulf %mul3A_3287, %add3A_3285 : vector<16xf32>
    %div3A_3289 = arith.divf %select_n3A_3262, %mul3A_3288 : vector<16xf32>
    %add3A_3290 = arith.addf %mul3A_3288, %div3A_3289 : vector<16xf32>
    %mul3A_3291 = arith.constant 5.000000e-01 : f32
    %mul3A_3292 = vector.broadcast %mul3A_3291 : f32 to vector<16xf32>
    %mul3A_3293 = arith.mulf %mul3A_3292, %add3A_3290 : vector<16xf32>
    %div3A_3294 = arith.divf %select_n3A_3262, %mul3A_3293 : vector<16xf32>
    %add3A_3295 = arith.addf %mul3A_3293, %div3A_3294 : vector<16xf32>
    %mul3A_3296 = arith.constant 5.000000e-01 : f32
    %mul3A_3297 = vector.broadcast %mul3A_3296 : f32 to vector<16xf32>
    %mul3A_3298 = arith.mulf %mul3A_3297, %add3A_3295 : vector<16xf32>
    %div3A_3299 = arith.divf %select_n3A_3262, %mul3A_3298 : vector<16xf32>
    %add3A_3300 = arith.addf %mul3A_3298, %div3A_3299 : vector<16xf32>
    %mul3A_3301 = arith.constant 5.000000e-01 : f32
    %mul3A_3302 = vector.broadcast %mul3A_3301 : f32 to vector<16xf32>
    %mul3A_3303 = arith.mulf %mul3A_3302, %add3A_3300 : vector<16xf32>
    %div3A_3304 = arith.divf %select_n3A_3262, %mul3A_3303 : vector<16xf32>
    %add3A_3305 = arith.addf %mul3A_3303, %div3A_3304 : vector<16xf32>
    %mul3A_3306 = arith.constant 5.000000e-01 : f32
    %mul3A_3307 = vector.broadcast %mul3A_3306 : f32 to vector<16xf32>
    %mul3A_3308 = arith.mulf %mul3A_3307, %add3A_3305 : vector<16xf32>
    %div3A_3309 = arith.divf %select_n3A_3262, %mul3A_3308 : vector<16xf32>
    %add3A_3310 = arith.addf %mul3A_3308, %div3A_3309 : vector<16xf32>
    %mul3A_3311 = arith.constant 5.000000e-01 : f32
    %mul3A_3312 = vector.broadcast %mul3A_3311 : f32 to vector<16xf32>
    %mul3A_3313 = arith.mulf %mul3A_3312, %add3A_3310 : vector<16xf32>
    %div3A_3314 = arith.divf %select_n3A_3262, %mul3A_3313 : vector<16xf32>
    %add3A_3315 = arith.addf %mul3A_3313, %div3A_3314 : vector<16xf32>
    %mul3A_3316 = arith.constant 5.000000e-01 : f32
    %mul3A_3317 = vector.broadcast %mul3A_3316 : f32 to vector<16xf32>
    %mul3A_3318 = arith.mulf %mul3A_3317, %add3A_3315 : vector<16xf32>
    %div3A_3319 = arith.divf %select_n3A_3262, %mul3A_3318 : vector<16xf32>
    %add3A_3320 = arith.addf %mul3A_3318, %div3A_3319 : vector<16xf32>
    %mul3A_3321 = arith.constant 5.000000e-01 : f32
    %mul3A_3322 = vector.broadcast %mul3A_3321 : f32 to vector<16xf32>
    %mul3A_3323 = arith.mulf %mul3A_3322, %add3A_3320 : vector<16xf32>
    %div3A_3324 = arith.divf %select_n3A_3262, %mul3A_3323 : vector<16xf32>
    %add3A_3325 = arith.addf %mul3A_3323, %div3A_3324 : vector<16xf32>
    %mul3A_3326 = arith.constant 5.000000e-01 : f32
    %mul3A_3327 = vector.broadcast %mul3A_3326 : f32 to vector<16xf32>
    %mul3A_3328 = arith.mulf %mul3A_3327, %add3A_3325 : vector<16xf32>
    %div3A_3329 = arith.divf %select_n3A_3262, %mul3A_3328 : vector<16xf32>
    %add3A_3330 = arith.addf %mul3A_3328, %div3A_3329 : vector<16xf32>
    %mul3A_3331 = arith.constant 5.000000e-01 : f32
    %mul3A_3332 = vector.broadcast %mul3A_3331 : f32 to vector<16xf32>
    %mul3A_3333 = arith.mulf %mul3A_3332, %add3A_3330 : vector<16xf32>
    %div3A_3334 = arith.divf %select_n3A_3262, %mul3A_3333 : vector<16xf32>
    %add3A_3335 = arith.addf %mul3A_3333, %div3A_3334 : vector<16xf32>
    %mul3A_3336 = arith.constant 5.000000e-01 : f32
    %mul3A_3337 = vector.broadcast %mul3A_3336 : f32 to vector<16xf32>
    %mul3A_3338 = arith.mulf %mul3A_3337, %add3A_3335 : vector<16xf32>
    %div3A_3339 = arith.divf %select_n3A_3262, %mul3A_3338 : vector<16xf32>
    %add3A_3340 = arith.addf %mul3A_3338, %div3A_3339 : vector<16xf32>
    %mul3A_3341 = arith.constant 5.000000e-01 : f32
    %mul3A_3342 = vector.broadcast %mul3A_3341 : f32 to vector<16xf32>
    %mul3A_3343 = arith.mulf %mul3A_3342, %add3A_3340 : vector<16xf32>
    %div3A_3344 = arith.divf %select_n3A_3262, %mul3A_3343 : vector<16xf32>
    %add3A_3345 = arith.addf %mul3A_3343, %div3A_3344 : vector<16xf32>
    %mul3A_3346 = arith.constant 5.000000e-01 : f32
    %mul3A_3347 = vector.broadcast %mul3A_3346 : f32 to vector<16xf32>
    %mul3A_3348 = arith.mulf %mul3A_3347, %add3A_3345 : vector<16xf32>
    %le3A_3349 = arith.constant 2 : i32
    %le3A_3350 = vector.broadcast %le3A_3349 : i32 to vector<16xi32>
    %le3A_3351 = arith.cmpi sle, %iota3A, %le3A_3350 : vector<16xi32>
    %jit3A_3352 = arith.constant 0.000000e+00 : f32
    %broadcast_in_dim3A_3353 = vector.broadcast %jit3A_3352 : f32 to vector<16xf32>
    %select_n3A_3354 = arith.select %le3A_3351, %mul3A_3348, %broadcast_in_dim3A_3353 : vector<16xi1>, vector<16xf32>
    %broadcast_in_dim3A_3355 = arith.constant true
    %broadcast_in_dim3A_3356 = vector.broadcast %broadcast_in_dim3A_3355 : i1 to vector<16xi1>
    %masked_cumsum3A_3357 = tpu.scan <sum>, %select_n3A_3354 masked %broadcast_in_dim3A_3356 : vector<16xf32>, vector<16xi1> -> vector<16xf32>
    %swap3A_3358 = arith.constant 0 : index
    %swap3A_3359 = tpu.vector_load %arg15[%swap3A_3358] {strides = array<i32>} : memref<16xf32, #tpu.memory_space<vmem>>, vector<16xf32>,
    tpu.vector_store %arg15[%swap3A_3358], %masked_cumsum3A_3357 {strides = array<i32>} : memref<16xf32, #tpu.memory_space<vmem>>, vector<16xf32>,
    %broadcast_in_dim3A_3360 = arith.constant 15 : i32
    %broadcast_in_dim3A_3361 = vector.broadcast %broadcast_in_dim3A_3360 : i32 to vector<16xi32>
    %gather3A_3362 = tpu.vector_load_idx %arg15[%broadcast_in_dim3A_3361] : memref<16xf32, #tpu.memory_space<vmem>>[vector<16xi32>], vector<16xf32>,
    %mul3A_3363 = arith.constant 80 : i32
    %mul3A_3364 = arith.muli %add3A_61, %mul3A_3363 : i32
    "tpu.region"() ({
      %run_scoped3A = tpu.sem_alloc : memref<!tpu.dma_semaphore, #tpu.memory_space<semaphore_mem>>
      %dma_start3A_3382 = tpu.memref_slice %arg6[%mul3A_3364] : memref<2560xf32, #tpu.memory_space<hbm>> -> memref<80xf32, #tpu.memory_space<hbm>>
      %dma_start3A_3383 = tpu.memref_slice %arg6[%mul3A_3364] : memref<2560xf32, #tpu.memory_space<hbm>> -> memref<80xf32, #tpu.memory_space<hbm>>
      tpu.enqueue_dma source(%arg14 : memref<80xf32, #tpu.memory_space<vmem>>) target(%dma_start3A_3383 : memref<80xf32, #tpu.memory_space<hbm>>) target_semaphore(%run_scoped3A : memref<!tpu.dma_semaphore, #tpu.memory_space<semaphore_mem>>)
      %dma_wait3A_3384 = tpu.memref_slice %arg6[%mul3A_3364] : memref<2560xf32, #tpu.memory_space<hbm>> -> memref<80xf32, #tpu.memory_space<hbm>>
      %dma_wait3A_3385 = tpu.memref_slice %arg6[%mul3A_3364] : memref<2560xf32, #tpu.memory_space<hbm>> -> memref<80xf32, #tpu.memory_space<hbm>>
      tpu.wait_dma2 semaphore(%run_scoped3A : memref<!tpu.dma_semaphore, #tpu.memory_space<semaphore_mem>>) src(%arg14 : memref<80xf32, #tpu.memory_space<vmem>>) dst(%dma_wait3A_3385 : memref<80xf32, #tpu.memory_space<hbm>>)
      tpu.yield
    }) : () -> ()
    %eq3A_3365 = arith.constant 0 : i32
    %eq3A_3366 = vector.broadcast %eq3A_3365 : i32 to vector<16xi32>
    %eq3A_3367 = arith.cmpi eq, %iota3A, %eq3A_3366 : vector<16xi32>
    %eq3A_3368 = arith.constant 1 : i32
    %eq3A_3369 = vector.broadcast %eq3A_3368 : i32 to vector<16xi32>
    %eq3A_3370 = arith.cmpi eq, %iota3A, %eq3A_3369 : vector<16xi32>
    %jit3A_3371 = arith.constant 0.000000e+00 : f32
    %broadcast_in_dim3A_3372 = vector.broadcast %jit3A_3371 : f32 to vector<16xf32>
    %select_n3A_3373 = arith.select %eq3A_3370, %add3A_3103, %broadcast_in_dim3A_3372 : vector<16xi1>, vector<16xf32>
    %select_n3A_3374 = arith.select %eq3A_3367, %gather3A_3362, %select_n3A_3373 : vector<16xi1>, vector<16xf32>
    %swap3A_3375 = arith.constant 0 : index
    %swap3A_3376 = tpu.vector_load %arg16[%swap3A_3375] {strides = array<i32>} : memref<16xf32, #tpu.memory_space<vmem>>, vector<16xf32>,
    tpu.vector_store %arg16[%swap3A_3375], %select_n3A_3374 {strides = array<i32>} : memref<16xf32, #tpu.memory_space<vmem>>, vector<16xf32>,
    %mul3A_3377 = arith.constant 16 : i32
    %mul3A_3378 = arith.muli %add3A_61, %mul3A_3377 : i32
    "tpu.region"() ({
      %run_scoped3A = tpu.sem_alloc : memref<!tpu.dma_semaphore, #tpu.memory_space<semaphore_mem>>
      %dma_start3A_3382 = tpu.memref_slice %arg7[%mul3A_3378] : memref<512xf32, #tpu.memory_space<hbm>> -> memref<16xf32, #tpu.memory_space<hbm>>
      %dma_start3A_3383 = tpu.memref_slice %arg7[%mul3A_3378] : memref<512xf32, #tpu.memory_space<hbm>> -> memref<16xf32, #tpu.memory_space<hbm>>
      tpu.enqueue_dma source(%arg16 : memref<16xf32, #tpu.memory_space<vmem>>) target(%dma_start3A_3383 : memref<16xf32, #tpu.memory_space<hbm>>) target_semaphore(%run_scoped3A : memref<!tpu.dma_semaphore, #tpu.memory_space<semaphore_mem>>)
      %dma_wait3A_3384 = tpu.memref_slice %arg7[%mul3A_3378] : memref<512xf32, #tpu.memory_space<hbm>> -> memref<16xf32, #tpu.memory_space<hbm>>
      %dma_wait3A_3385 = tpu.memref_slice %arg7[%mul3A_3378] : memref<512xf32, #tpu.memory_space<hbm>> -> memref<16xf32, #tpu.memory_space<hbm>>
      tpu.wait_dma2 semaphore(%run_scoped3A : memref<!tpu.dma_semaphore, #tpu.memory_space<semaphore_mem>>) src(%arg16 : memref<16xf32, #tpu.memory_space<vmem>>) dst(%dma_wait3A_3385 : memref<16xf32, #tpu.memory_space<hbm>>)
      tpu.yield
    }) : () -> ()
    %barrier3A = arith.constant 0 : index
    tpu.barrier barrier_id(%barrier3A)
    %eq3A_3379 = arith.constant 0 : i32
    %eq3A_3380 = arith.cmpi eq, %arg1, %eq3A_3379 : i32
    %convert_element_type3A = arith.extui %eq3A_3380 : i1 to i32
    %cond3A = arith.constant 0 : i32
    %cond3A_3381 = arith.cmpi ne, %convert_element_type3A, %cond3A : i32
    scf.if %cond3A_3381 {
      "tpu.region"() ({
        %run_scoped3A = tpu.sem_alloc : memref<!tpu.dma_semaphore, #tpu.memory_space<semaphore_mem>>
        tpu.enqueue_dma source(%arg7 : memref<512xf32, #tpu.memory_space<hbm>>) target(%arg17 : memref<512xf32, #tpu.memory_space<vmem>>) target_semaphore(%run_scoped3A : memref<!tpu.dma_semaphore, #tpu.memory_space<semaphore_mem>>)
        tpu.wait_dma2 semaphore(%run_scoped3A : memref<!tpu.dma_semaphore, #tpu.memory_space<semaphore_mem>>) src(%arg7 : memref<512xf32, #tpu.memory_space<hbm>>) dst(%arg17 : memref<512xf32, #tpu.memory_space<vmem>>)
        tpu.yield
      }) : () -> ()
      %mul3A_3382 = arith.constant 16 : i32
      %mul3A_3383 = vector.broadcast %mul3A_3382 : i32 to vector<16xi32>
      %mul3A_3384 = arith.muli %iota3A, %mul3A_3383 : vector<16xi32>
      %gather3A_3385 = tpu.vector_load_idx %arg17[%mul3A_3384] : memref<512xf32, #tpu.memory_space<vmem>>[vector<16xi32>], vector<16xf32>,
      %add3A_3386 = arith.constant 16 : i32
      %add3A_3387 = vector.broadcast %add3A_3386 : i32 to vector<16xi32>
      %add3A_3388 = arith.addi %iota3A, %add3A_3387 : vector<16xi32>
      %mul3A_3389 = arith.constant 16 : i32
      %mul3A_3390 = vector.broadcast %mul3A_3389 : i32 to vector<16xi32>
      %mul3A_3391 = arith.muli %add3A_3388, %mul3A_3390 : vector<16xi32>
      %gather3A_3392 = tpu.vector_load_idx %arg17[%mul3A_3391] : memref<512xf32, #tpu.memory_space<vmem>>[vector<16xi32>], vector<16xf32>,
      %mul3A_3393 = arith.constant 16 : i32
      %mul3A_3394 = vector.broadcast %mul3A_3393 : i32 to vector<16xi32>
      %mul3A_3395 = arith.muli %iota3A, %mul3A_3394 : vector<16xi32>
      %add3A_3396 = arith.constant 1 : i32
      %add3A_3397 = vector.broadcast %add3A_3396 : i32 to vector<16xi32>
      %add3A_3398 = arith.addi %mul3A_3395, %add3A_3397 : vector<16xi32>
      %gather3A_3399 = tpu.vector_load_idx %arg17[%add3A_3398] : memref<512xf32, #tpu.memory_space<vmem>>[vector<16xi32>], vector<16xf32>,
      %add3A_3400 = arith.constant 16 : i32
      %add3A_3401 = vector.broadcast %add3A_3400 : i32 to vector<16xi32>
      %add3A_3402 = arith.addi %iota3A, %add3A_3401 : vector<16xi32>
      %mul3A_3403 = arith.constant 16 : i32
      %mul3A_3404 = vector.broadcast %mul3A_3403 : i32 to vector<16xi32>
      %mul3A_3405 = arith.muli %add3A_3402, %mul3A_3404 : vector<16xi32>
      %add3A_3406 = arith.constant 1 : i32
      %add3A_3407 = vector.broadcast %add3A_3406 : i32 to vector<16xi32>
      %add3A_3408 = arith.addi %mul3A_3405, %add3A_3407 : vector<16xi32>
      %gather3A_3409 = tpu.vector_load_idx %arg17[%add3A_3408] : memref<512xf32, #tpu.memory_space<vmem>>[vector<16xi32>], vector<16xf32>,
      %add3A_3410 = arith.addf %gather3A_3385, %gather3A_3392 : vector<16xf32>
      %broadcast_in_dim3A_3411 = arith.constant true
      %broadcast_in_dim3A_3412 = vector.broadcast %broadcast_in_dim3A_3411 : i1 to vector<16xi1>
      %masked_cumsum3A_3413 = tpu.scan <sum>, %add3A_3410 masked %broadcast_in_dim3A_3412 : vector<16xf32>, vector<16xi1> -> vector<16xf32>
      %swap3A_3414 = arith.constant 0 : index
      %swap3A_3415 = tpu.vector_load %arg15[%swap3A_3414] {strides = array<i32>} : memref<16xf32, #tpu.memory_space<vmem>>, vector<16xf32>,
      tpu.vector_store %arg15[%swap3A_3414], %masked_cumsum3A_3413 {strides = array<i32>} : memref<16xf32, #tpu.memory_space<vmem>>, vector<16xf32>,
      %broadcast_in_dim3A_3416 = arith.constant 15 : i32
      %broadcast_in_dim3A_3417 = vector.broadcast %broadcast_in_dim3A_3416 : i32 to vector<16xi32>
      %gather3A_3418 = tpu.vector_load_idx %arg15[%broadcast_in_dim3A_3417] : memref<16xf32, #tpu.memory_space<vmem>>[vector<16xi32>], vector<16xf32>,
      %add3A_3419 = arith.addf %gather3A_3399, %gather3A_3409 : vector<16xf32>
      %broadcast_in_dim3A_3420 = arith.constant true
      %broadcast_in_dim3A_3421 = vector.broadcast %broadcast_in_dim3A_3420 : i1 to vector<16xi1>
      %masked_cumsum3A_3422 = tpu.scan <sum>, %add3A_3419 masked %broadcast_in_dim3A_3421 : vector<16xf32>, vector<16xi1> -> vector<16xf32>
      %swap3A_3423 = arith.constant 0 : index
      %swap3A_3424 = tpu.vector_load %arg15[%swap3A_3423] {strides = array<i32>} : memref<16xf32, #tpu.memory_space<vmem>>, vector<16xf32>,
      tpu.vector_store %arg15[%swap3A_3423], %masked_cumsum3A_3422 {strides = array<i32>} : memref<16xf32, #tpu.memory_space<vmem>>, vector<16xf32>,
      %broadcast_in_dim3A_3425 = arith.constant 15 : i32
      %broadcast_in_dim3A_3426 = vector.broadcast %broadcast_in_dim3A_3425 : i32 to vector<16xi32>
      %gather3A_3427 = tpu.vector_load_idx %arg15[%broadcast_in_dim3A_3426] : memref<16xf32, #tpu.memory_space<vmem>>[vector<16xi32>], vector<16xf32>,
      %div3A_3428 = arith.constant 1.000000e+00 : f32
      %div3A_3429 = vector.broadcast %div3A_3428 : f32 to vector<16xf32>
      %div3A_3430 = arith.divf %div3A_3429, %gather3A_3427 : vector<16xf32>
      %add3A_3431 = arith.addf %gather3A_3418, %div3A_3430 : vector<16xf32>
      %eq3A_3432 = arith.constant 0 : i32
      %eq3A_3433 = vector.broadcast %eq3A_3432 : i32 to vector<16xi32>
      %eq3A_3434 = arith.cmpi eq, %iota3A, %eq3A_3433 : vector<16xi32>
      %jit3A_3435 = arith.constant 0.000000e+00 : f32
      %broadcast_in_dim3A_3436 = vector.broadcast %jit3A_3435 : f32 to vector<16xf32>
      %select_n3A_3437 = arith.select %eq3A_3434, %add3A_3431, %broadcast_in_dim3A_3436 : vector<16xi1>, vector<16xf32>
      %swap3A_3438 = arith.constant 0 : index
      %swap3A_3439 = tpu.vector_load %arg16[%swap3A_3438] {strides = array<i32>} : memref<16xf32, #tpu.memory_space<vmem>>, vector<16xf32>,
      tpu.vector_store %arg16[%swap3A_3438], %select_n3A_3437 {strides = array<i32>} : memref<16xf32, #tpu.memory_space<vmem>>, vector<16xf32>,
      "tpu.region"() ({
        %run_scoped3A = tpu.sem_alloc : memref<!tpu.dma_semaphore, #tpu.memory_space<semaphore_mem>>
        tpu.enqueue_dma source(%arg16 : memref<16xf32, #tpu.memory_space<vmem>>) target(%arg8 : memref<16xf32, #tpu.memory_space<hbm>>) target_semaphore(%run_scoped3A : memref<!tpu.dma_semaphore, #tpu.memory_space<semaphore_mem>>)
        tpu.wait_dma2 semaphore(%run_scoped3A : memref<!tpu.dma_semaphore, #tpu.memory_space<semaphore_mem>>) src(%arg16 : memref<16xf32, #tpu.memory_space<vmem>>) dst(%arg8 : memref<16xf32, #tpu.memory_space<hbm>>)
        tpu.yield
      }) : () -> ()
    } else {
    }
    return
  }
}

</mosaic_0001>

<sc_bundles>
// kernel: kernel.3.cloned.1.call-start
scs
__scs_entry_jumppad:
0x0: {  	(pc) =	sbr.rel $0x88, $3  }
0x1: {  	(tag) =	ssettag $0x0;
	lr =	simm.s32 $0x1  }
0x2: {  	[smem:$0x3F9D] =	sst lr;
	_ =	strace $0xD0000000  }
0x3: {  	_ = 	snop  }
0x4: {  	_ = 	snop  }
0x5: {  	_ = 	snop  }
0x6: {  	_ = 	snop  }
0x7: {  	_ = 	snop  }
__scs_overlays_trampoline_lowered:
0x8: {  	[smem:$0x3FAC] =	sst s0  }
0x9: {  	[smem:$0x3FAD] =	sst s1  }
0xa: {  	[smem:$0x3FAE] =	sst s2  }
0xb: {  	[smem:$0x3FAF] =	sst s3  }
0xc: {  	[smem:$0x3FB0] =	sst s4  }
0xd: {  	[smem:$0x3FB1] =	sst s5  }
0xe: {  	[smem:$0x3FB2] =	sst s6  }
0xf: {  	[smem:$0x3FB3] =	sst s7  }
0x10: {  	[smem:$0x3FB4] =	sst s8  }
0x11: {  	[smem:$0x3FB5] =	sst s9;
	s0 =	simm.s32 @!p0 $0x0  }
0x12: {  	s1 =	sld [smem:$0x3F9B];
	s0 =	simm.s32 @p0 $0x1  }
0x13: {  	[smem:$0x3FB6] =	sst s0;
	s0 =	simm.s32 @!p1 $0x0  }
0x14: {  	s2 =	sld [smem:$0x3F9A];
	s0 =	simm.s32 @p1 $0x1  }
0x15: {  	[smem:$0x3FB7] =	sst s0;
	s0 =	simm.s32 @!p2 $0x0  }
0x16: {  	s3 =	sld [smem:$0x3FDB];
	s0 =	simm.s32 @p2 $0x1  }
0x17: {  	s4 =	simm.s32 $0x1BF5;
	[smem:$0x3FB9] =	sst s0  }
0x18: {  	s0 =	sld [smem:$0x3F9C];
	_ =	swait.ge [sflag:s4], $0x0  }
0x19: {  	s7 =	sld [smem:$0x3F9D]  }
0x1a: {  	s8 =	sadd.s32 $0xFFFFE003, lr  }
0x1b: {  	s9 =	sadd.s32 $0xFFFFFEF7, lr;
	s5 =	simm.s32 $0xFFFFFFFF;
	p2 =	slt.u32 s8, $0xFFFFF086  }
0x1c: {  	p1 =	slt.u32 s9, $0xF7A;
	s5 =	simm.s32 @!p2 $0x0  }
0x1d: {  	s5 =	simm.s32 @p1 $0x1;
	p0 =	seq.s32 s7, s2  }
0x1e: {  	s7 =	smul.u32 @!p0 $0xF7A, s2;
	p2 =	seq.s32 @!p0 s5, $0x0  }
0x1f: {  	s9 =	smul.u32 $0xF7A, s1;
	s8 =	simm.s32 @!p0 $0x1BF5;
	p2 =	por !p2, p0  }
0x20: {  	[sflag:s8] =	ssyncset.s32 @!p0 $0xFFFFF086;
	s6 =	sadd.s32 @!p0 s3, s7;
	s7 =	simm.s32 @!p0 $0x108  }
0x21: {  	s3 =	sadd.s32 s3, s9;
	s6 =	sadd.s32 @!p0 $0x88, s6;
	s7 =	simm.s32 @p2 $0x1082  }
0x22: {  	[simem:s7], [sflag:s8] =	dma.local @!p0 [hbm:s6], $0xF7A  }
0x23: {  	s9 =	sor.u32 $0xD0000000, s2;
	s6 =	simm.s32 $0x108;
	_ =	swait.ge @!p0 [sflag:s8], $0x0  }
0x24: {  	s3 =	sadd.s32 $0x88, s3;
	s6 =	simm.s32 @!p1 $0x1082;
	[sflag:s4] =	ssyncset.s32 $0xFFFFF086  }
0x25: {  	[simem:s6], [sflag:s4] =	dma.local [hbm:s3], $0xF7A  }
0x26: {  	[smem:$0x3F9D] =	sst s1;
	(tag) =	ssettag s2;
	_ =	strace s9  }
0x27: {  	s1 =	sld [smem:$0x3FAD]  }
0x28: {  	s2 =	sld [smem:$0x3FAE]  }
0x29: {  	s4 =	sld [smem:$0x3FB0]  }
0x2a: {  	p0 =	seq.s32 s5, $0x0;
	s5 =	sld [smem:$0x3FB1]  }
0x2b: {  	s6 =	sld [smem:$0x3FB2]  }
0x2c: {  	s7 =	sld [smem:$0x3FB3]  }
0x2d: {  	s3 =	simm.s32 $0x108;
	s8 =	sld [smem:$0x3FB4]  }
0x2e: {  	s3 =	simm.s32 @!p0 $0x1082;
	s9 =	sld [smem:$0x3FB5]  }
0x2f: {  	lr =	sadd.s32 s0, s3;
	s0 =	sld [smem:$0x3FAC]  }
0x30: {  	s3 =	sld [smem:$0x3FAF]  }
0x31: {  	[smem:$0x3FB8] =	sst s10  }
0x32: {  	s10 =	sld [smem:$0x3FB6];
	_ =	sdelay $0x3  }
0x33: {  	p0 =	seq.s32 s10, $0x1;
	s10 =	sld [smem:$0x3FB8];
	_ =	sdelay $0x3  }
0x34: {  	[smem:$0x3FB8] =	sst s10  }
0x35: {  	s10 =	sld [smem:$0x3FB7];
	_ =	sdelay $0x3  }
0x36: {  	p1 =	seq.s32 s10, $0x1;
	s10 =	sld [smem:$0x3FB8];
	_ =	sdelay $0x3  }
0x37: {  	[smem:$0x3FB8] =	sst s10  }
0x38: {  	s10 =	sld [smem:$0x3FB9]  }
0x39: {  	_ = 	snop;
	(pc) =	sbr.ind lr, $3  }
0x3a: {  	_ = 	snop  }
0x3b: {  	_ = 	snop  }
0x3c: {  	p2 =	seq.s32 s10, $0x1;
	s10 =	sld [smem:$0x3FB8]  }
0x3d: {  	_ =	shalt  }
0x3e: {  	_ =	shalt  }
0x3f: {  	_ =	shalt  }
0x40: {  	_ =	shalt  }
0x41: {  	_ =	shalt  }
0x42: {  	_ =	shalt  }
0x43: {  	_ =	shalt  }
0x44: {  	_ =	shalt  }
0x45: {  	_ =	shalt  }
0x46: {  	_ =	shalt  }
0x47: {  	_ =	shalt  }
0x48: {  	_ =	shalt  }
0x49: {  	_ =	shalt  }
0x4a: {  	_ =	shalt  }
0x4b: {  	_ =	shalt  }
0x4c: {  	_ =	shalt  }
0x4d: {  	_ =	shalt  }
0x4e: {  	_ =	shalt  }
0x4f: {  	_ =	shalt  }
0x50: {  	_ =	shalt  }
0x51: {  	_ =	shalt  }
0x52: {  	_ =	shalt  }
0x53: {  	_ =	shalt  }
0x54: {  	_ =	shalt  }
0x55: {  	_ =	shalt  }
0x56: {  	_ =	shalt  }
0x57: {  	_ =	shalt  }
0x58: {  	_ =	shalt  }
0x59: {  	_ =	shalt  }
0x5a: {  	_ =	shalt  }
0x5b: {  	_ =	shalt  }
0x5c: {  	_ =	shalt  }
0x5d: {  	_ =	shalt  }
0x5e: {  	_ =	shalt  }
0x5f: {  	_ =	shalt  }
0x60: {  	_ =	shalt  }
0x61: {  	_ =	shalt  }
0x62: {  	_ =	shalt  }
0x63: {  	_ =	shalt  }
0x64: {  	_ =	shalt  }
0x65: {  	_ =	shalt  }
0x66: {  	_ =	shalt  }
0x67: {  	_ =	shalt  }
0x68: {  	_ =	shalt  }
0x69: {  	_ =	shalt  }
0x6a: {  	_ =	shalt  }
0x6b: {  	_ =	shalt  }
0x6c: {  	_ =	shalt  }
0x6d: {  	_ =	shalt  }
0x6e: {  	_ =	shalt  }
0x6f: {  	_ =	shalt  }
0x70: {  	_ =	shalt  }
0x71: {  	_ =	shalt  }
0x72: {  	_ =	shalt  }
0x73: {  	_ =	shalt  }
0x74: {  	_ =	shalt  }
0x75: {  	_ =	shalt  }
0x76: {  	_ =	shalt  }
0x77: {  	_ =	shalt  }
0x78: {  	_ =	shalt  }
0x79: {  	_ =	shalt  }
0x7a: {  	_ =	shalt  }
0x7b: {  	_ =	shalt  }
0x7c: {  	_ =	shalt  }
0x7d: {  	_ =	shalt  }
0x7e: {  	_ =	shalt  }
0x7f: {  	_ =	shalt  }
0x80: {  	_ =	shalt  }
0x81: {  	_ =	shalt  }
0x82: {  	_ =	shalt  }
0x83: {  	_ =	shalt  }
0x84: {  	_ =	shalt  }
0x85: {  	_ =	shalt  }
0x86: {  	_ =	shalt  }
0x87: {  	_ =	shalt  }
.Lfunc_end0:
.L_simem_size_0:
called_computation_lowered:
.L_overlay_start_0:
0x88: {  	s0 =	sld [smem:$0x3FD9]  }
0x89: {  	s1 =	sld [smem:$0x3FFE];
	_ =	sdelay $0x3  }
0x8a: {  	s0 =	sadd.s32 s1, s0  }
0x8b: {  	[smem:$0x3FC4] =	sst s0  }
0x8c: {  	_ = 	snop  }
0x8d: {  	s0 =	sld [smem:$0x3FD0]  }
0x8e: {  	s13 =	sld [smem:$0x3FC9]  }
0x8f: {  	s2 =	sld [smem:$0x3FC7]  }
0x90: {  	s4 =	simm.s32 $0xA;
	s5 =	simm.s32 $0x10;
	s3 =	sld [smem:$0x3FC6]  }
0x91: {  	[smem:s5], [sflag:s4] =	dma.local [hbm:s0], $0x1  }
0x92: {  	_ =	swait.eq [sflag:s4], $0x1  }
0x93: {  	[sflag:s4] =	ssyncset.done $0x0  }
0x94: {  	s14 =	sld [smem:$0x10];
	[sflag:s4] =	ssyncadd.s32 $0xFFFFFFFF  }
0x95: {  	s15 =	sld [smem:$0x11];
	(tm) =	ssettm $0x1  }
0x96: {  	s16 =	sld [smem:$0x3FFB];
	_ =	sdelay $0x3  }
0x97: {  	_ =	strace s16  }
0x98: {  	s5 =	sld [smem:$0x3FFC];
	_ =	sdelay $0x3  }
0x99: {  	_ =	strace s5  }
0x9a: {  	s5 =	sld [smem:$0x3FFD];
	_ =	sdelay $0x3  }
0x9b: {  	_ =	strace s5  }
0x9c: {  	_ =	strace $0x8FFFFFFF  }
0x9d: {  	s17 =	sld [smem:$0x3FDB];
	_ =	sdelay $0x1  }
0x9e: {  	s6 =	simm.s32 $_scs_section_size  }
0x9f: {  	s7 =	simm.s32 $_size__tile_overlayer_lowered;
	s8 =	simm.s32 $_tile_overlayer_lowered  }
0xa0: {  	s20 =	simm.s32 $0x1BFF;
	s19 =	sshll.u32 s8, $0x1;
	s5 =	sadd.s32 s6, s17  }
0xa1: {  	s9 =	simm.s32 $0x0;
	s18 =	sshll.u32 s7, $0x1;
	s7 =	sadd.s32 s19, s5  }
0xa2: {  	[timem:s9], [sflag:s20] =	dma.local [hbm:s7], s18  }
0xa3: {  	_ =	swait.ge [sflag:s20], s18  }
0xa4: {  	s6 =	ssub.s32 $0x0, s18;
	[sflag:s20] =	ssyncset.done $0x0  }
0xa5: {  	[sflag:s20] =	ssyncadd.s32 s6;
	_ =	sdelay $0x1  }
0xa6: {  	s21 =	simm.s32 $0x1B8B  }
0xa7: {  	_ =	swait.ge [sflag:s21], $0x1  }
0xa8: {  	[sflag:s21] =	ssyncset.done $0x0  }
0xa9: {  	s23 =	simm.s32 $0x1B8E;
	s22 =	sld [smem:$0x3FFE];
	[sflag:s21] =	ssyncadd.s32 $0xFFFFFFFF  }
0xaa: {  	s24 =	simm.s32 $execute0_lowered;
	[smem:$0x3FD2] =	sst s23  }
0xab: {  	s7 =	sshll.u32 s24, $0x1;
	_ =	strace $0x80000046;
	[dreg:$0x1] =	wrdreg $0xFFFFFFFF  }
0xac: {  	s25 =	simm.s32 $_size_execute0_lowered;
	s5 =	sadd.s32 s5, s7;
	[dreg:$0x0] =	wrdreg $0x0  }
0xad: {  	s7 =	sshll.u32 s25, $0x1;
	[dreg:$0x2] =	wrdreg s5  }
0xae: {  	[dreg:$0x3] =	wrdreg s7  }
0xaf: {  	[dreg:$0x4] =	wrdreg $0xC0  }
0xb0: {  	_ =	task [dreg:s9], $0x5FFFF  }
0xb1: {  	[dreg:$0x1] =	wrdreg $0xFFFFFFFF  }
0xb2: {  	[dreg:$0x0] =	wrdreg $0x60  }
0xb3: {  	[dreg:$0x2] =	wrdreg s22  }
0xb4: {  	[dreg:$0x3] =	wrdreg s13  }
0xb5: {  	[dreg:$0x4] =	wrdreg s2  }
0xb6: {  	[dreg:$0x5] =	wrdreg s3  }
0xb7: {  	[dreg:$0x6] =	wrdreg s15  }
0xb8: {  	[dreg:$0x7] =	wrdreg s14  }
0xb9: {  	[dreg:$0x8] =	wrdreg $0x9  }
0xba: {  	_ =	task.clear_ibuf [dreg:s9], $0x9FFFF;
	_ =	strace $0x90000046  }
0xbb: {  	s26 =	simm.s32 $0x9;
	_ =	strace $0x80000048  }
0xbc: {  	_ =	swait.ge [sflag:s26], $0x1  }
0xbd: {  	[sflag:s26] =	ssyncadd.s32 $0xFFFFFFFF  }
0xbe: {  	_ =	strace $0x90000048  }
0xbf: {  	_ =	sfence  }
0xc0: {  	s28 =	sld [smem:$0x0];
	_ =	sdelay $0x1  }
0xc1: {  	s29 =	srdreg.scid  }
0xc2: {  	s30 =	sshll.u32 s29, $0xD;
	s31 =	sshrl.u32 s29, $0x2  }
0xc3: {  	s1 =	sand.u32 $0x1, s29;
	s2 =	sand.u32 $0x4000, s30;
	s0 =	sadd.s32 s31, s28  }
0xc4: {  	s1 =	sor.u32 s2, s1;
	s0 =	sshll.u32 s0, $0x11  }
0xc5: {  	s0 =	sor.u32 s0, s1  }
0xc6: {  	s0 =	sadd.s32 $0x8F2B, s0  }
0xc7: {  	[sflag:s0] =	ssyncadd.remote.s32 $0x1  }
0xc8: {  	_ =	sfence.sel $0xFFFF  }
0xc9: {  	[dreg:$0x0] =	wrdreg $0xFFFFFFFF;
	(pc) =	sbr.abs _section_cstart, $3  }
0xca: {  	[dreg:$0x1] =	wrdreg $0xFFFFFFFF  }
0xcb: {  	_ =	task.clear_ibuf [dreg:s9], $0x2FFFF;
	_ =	strace $0x9FFFFFFF  }
0xcc: {  	(tm) =	ssettm $0x7FFFFFFF  }
0xcd: {  	_ =	shalt  }
tec
execute0_lowered:
.L_overlay_start_1:
0x0: {  	(tag) =	ssettag $0x1  }
0x1: {  	s5 =	rddreg [dreg:$0x0]  }
0x2: {  	s4 =	rddreg [dreg:$0x1]  }
0x3: {  	s7 =	rddreg [dreg:$0x2]  }
0x4: {  	s9 =	rddreg [dreg:$0x3]  }
0x5: {  	s3 =	rddreg [dreg:$0x4]  }
0x6: {  	s1 =	rddreg [dreg:$0x5];
	s2 =	simm.s32 $0x0  }
0x7: {  	[smem:$0x7FF] =	sst s2  }
0x8: {  	s0 =	rddreg [dreg:$0x6];
	s6 =	sadd.s32 $0x800, s5;
	_ =	strace $0x80000047  }
0x9: {  	[tilespmem:s2], [sflag:$0x1] =	stream.linear.gather [hbm4b:s6+s2], $0x3280, $0x38;
	[tilespmem:$0x4900] =	vst v63  }
0xa: {  	s19 =	simm.s32 $0x3400  }
0xb: {  	[tilespmem:s19], [sflag:$0x1] =	stream.linear.gather [hbm4b:s4+s2], $0x44, $0x38;
	[tilespmem:$0x4900] =	vst v63  }
0xc: {  	s20 =	simm.s32 $0x3480  }
0xd: {  	[tilespmem:s20], [sflag:$0x1] =	stream.linear.gather [hbm4b:s7+s2], $0x1000, $0x38;
	[tilespmem:$0x4900] =	vst v63  }
0xe: {  	s8 =	simm.s32 $0x4480;
	s21 =	simm.s32 $0x1  }
0xf: {  	[tilespmem:s8], [sflag:$0x1] =	stream.linear.gather [hbm4b:s9+s2], $0x80, $0x38;
	[tilespmem:$0x4900] =	vst v63  }
0x10: {  	_ =	swait.ge [sflag:s21], $0x3280  }
0x11: {  	[sflag:s21] =	ssyncset.done $0x0  }
0x12: {  	[sflag:s21] =	ssyncadd.s32 $0xFFFFCD80  }
0x13: {  	_ =	swait.ge [sflag:s21], $0x44  }
0x14: {  	[sflag:s21] =	ssyncset.done $0x0  }
0x15: {  	s22 =	stileid.u32;
	[sflag:s21] =	ssyncadd.s32 $0xFFFFFFBC  }
0x16: {  	v1 =	vlaneseq.u32;
	v0 =	vmov s22;
	_ =	swait.ge [sflag:s21], $0x1000  }
0x17: {  	v45 =	vmul.u32 $0x80, v1;
	v56 =	vshll.u32 v0, $0x7;
	[sflag:s21] =	ssyncset.done $0x0  }
0x18: {  	[sflag:s21] =	ssyncadd.s32 $0xFFFFF000  }
0x19: {  	v1 =	vor.u32 $0x800, v45;
	_ =	swait.ge [sflag:s21], $0x80  }
0x1a: {  	v2 =	vor.u32 $0x1000, v45;
	[sflag:s21] =	ssyncset.done $0x0  }
0x1b: {  	[sflag:s21] =	ssyncadd.s32 $0xFFFFFF80  }
0x1c: {  	v6 =	vor.u32 $0x1800, v45;
	v4 =	vld.idx.msk [tilespmem:v56+s20+$0x0], $0xffff  }
0x1d: {  	v7 =	vor.u32 $0x2000, v45;
	v5 =	vld.idx.msk [tilespmem:v45+s2+$0x0], $0xffff  }
0x1e: {  	v3 =	vimm.s32 $0x3200;
	vm0 =	vcmask $0x300;
	v10 =	vor.u32 $0x2800, v45;
	v1 =	vld.idx.msk [tilespmem:v1+s2+$0x0], $0xffff  }
0x1f: {  	vm1 =	vcmask $0x704;
	vm3 =	vcmask $0xB08;
	v15 =	vor.u32 $0x1, v45;
	v9 =	vld.idx.msk [tilespmem:v2+s2+$0x0], $0xffff  }
0x20: {  	vm2 =	vcmask $0xF0C;
	v32 =	vimm.s32 $0x3201;
	v28 =	vor.u32 $0x801, v45;
	v13 =	vld.idx.msk [tilespmem:v0+s8+$0x0], $0xffff  }
0x21: {  	v51 =	vimm.s32 $0x3202;
	v3 =	vsel vm0, $0x3000, v3;
	v18 =	vor.u32 $0x1001, v45;
	v6 =	vld.idx.msk [tilespmem:v6+s2+$0x0], $0xffff  }
0x22: {  	v25 =	vsel vm1, $0x3080, v3;
	v8 =	vor.u32 $0x1, v56;
	v30 =	vor.u32 $0x1801, v45;
	v27 =	vld.idx.msk [tilespmem:v7+s2+$0x0], $0xffff  }
0x23: {  	v11 =	vor.u32 $0x2, v56;
	v12 =	vor.u32 $0x3, v56;
	v21 =	vor.u32 $0x2001, v45;
	v10 =	vld.idx.msk [tilespmem:v10+s2+$0x0], $0xffff  }
0x24: {  	v3 =	vor.u32 $0x4, v56;
	v22 =	vor.u32 $0x2801, v45;
	v41 =	vor.u32 $0x2, v45;
	v29 =	vld.idx.msk [tilespmem:v15+s2+$0x0], $0xffff  }
0x25: {  	v43 =	vor.u32 $0x802, v45;
	v44 =	vor.u32 $0x1002, v45;
	v48 =	vor.u32 $0x1802, v45;
	v31 =	vld.idx.msk [tilespmem:v28+s2+$0x0], $0xffff  }
0x26: {  	v53 =	vor.u32 $0x2002, v45;
	v58 =	vor.u32 $0x2802, v45;
	v7 =	vsel vm0, $0x3001, v32;
	v33 =	vld.idx.msk [tilespmem:v18+s2+$0x0], $0xffff  }
0x27: {  	v2 =	vsel vm3, $0x3100, v25;
	v0 =	vor.u32 $0x7, v56;
	v36 =	vld.idx.msk [tilespmem:v30+s2+$0x0], $0xffff;
	v7 =	vsel vm1, $0x3081, v7  }
0x28: {  	v40 =	vld.idx.msk [tilespmem:v21+s2+$0x0], $0xffff;
	v30 =	vor.u32 $0x1003, v45;
	v14 =	vsel vm2, $0x3180, v2;
	v7 =	vsel vm3, $0x3101, v7  }
0x29: {  	v42 =	vld.idx.msk [tilespmem:v22+s2+$0x0], $0xffff;
	v2 =	vor.u32 $0x5, v56;
	v7 =	vsel vm2, $0x3181, v7;
	v26 =	vmax.f32 v5, $0.0e+00  }
0x2a: {  	v52 =	vld.idx.msk [tilespmem:v41+s2+$0x0], $0xffff;
	v1 =	vmax.f32 v1, $0.0e+00;
	v9 =	vmax.f32 v9, $0.0e+00;
	v19 =	vmax.f32 v6, $0.0e+00  }
0x2b: {  	v8 =	vld.idx.msk [tilespmem:v8+s20+$0x0], $0xffff;
	v20 =	vmax.f32 v27, $0.0e+00;
	v23 =	vmax.f32 v10, $0.0e+00;
	v6 =	vmax.f32 v29, $0.0e+00  }
0x2c: {  	v37 =	vmax.f32 v31, $0.0e+00;
	v46 =	vmax.f32 v33, $0.0e+00;
	v47 =	vmax.f32 v36, $0.0e+00;
	[tilespmem:$0x1F2A0] =	vst v26  }
0x2d: {  	v24 =	vmax.f32 v40, $0.0e+00;
	v16 =	vmul.f32 v26, v4;
	v17 =	vmul.f32 v1, v4;
	[tilespmem:$0x1F2C0] =	vst v9  }
0x2e: {  	v54 =	vld.idx.msk [tilespmem:v43+s2+$0x0], $0xffff;
	v25 =	vmax.f32 v42, $0.0e+00;
	v9 =	vmul.f32 v9, v4;
	[tilespmem:$0x1F2D0] =	vst v19;
	v19 =	vmul.f32 v19, v4  }
0x2f: {  	v62 =	vmax.f32 v52, $0.0e+00;
	[tilespmem:$0x1F2E0] =	vst v20;
	v20 =	vmul.f32 v20, v4;
	v34 =	vmul.f32 v23, v4  }
0x30: {  	v27 =	vor.u32 $0x803, v45;
	[tilespmem:$0x1F2B0] =	vst v1;
	v38 =	vmul.f32 v6, v8;
	v39 =	vmul.f32 v37, v8  }
0x31: {  	v11 =	vld.idx.msk [tilespmem:v11+s20+$0x0], $0xffff;
	v1 =	vor.u32 $0x6, v56;
	[tilespmem:$0x1F2F0] =	vst v23;
	v49 =	vmul.f32 v46, v8;
	v50 =	vmul.f32 v47, v8  }
0x32: {  	[tilespmem:$0x1F350] =	vst v24;
	v23 =	vsel vm0, $0x3002, v51;
	v24 =	vmul.f32 v24, v8;
	v57 =	vmul.f32 v25, v8  }
0x33: {  	[tilespmem:$0x1F320] =	vst v37;
	v26 =	vmax.f32 v54, $0.0e+00;
	v37 =	vor.u32 $0x1803, v45;
	v16 =	vadd.f32 v16, v13  }
0x34: {  	v54 =	vor.u32 $0x804, v45;
	v17 =	vadd.f32 v17, v13;
	v9 =	vadd.f32 v9, v13  }
0x35: {  	v10 =	vld.idx.msk [tilespmem:v48+s2+$0x0], $0xffff;
	v55 =	vsel vm1, $0x3082, v23;
	v19 =	vadd.f32 v19, v13;
	v20 =	vadd.f32 v20, v13  }
0x36: {  	v29 =	vld.idx.msk [tilespmem:v58+s2+$0x0], $0xffff;
	v28 =	vmul.f32 v26, v11;
	v18 =	vadd.f32 v34, v13;
	v5 =	vadd.f32 v38, v16  }
0x37: {  	v41 =	vld.idx.msk [tilespmem:v30+s2+$0x0], $0xffff;
	[tilespmem:$0x1F310] =	vst v6;
	v22 =	vsel vm3, $0x3102, v55;
	v6 =	vadd.f32 v39, v17;
	v9 =	vadd.f32 v49, v9  }
0x38: {  	v14 =	vld.idx.msk [tilespmem:v14+s2+$0x0], $0xffff;
	v60 =	vsel vm2, $0x3182, v22;
	v59 =	vadd.f32 v50, v19;
	v61 =	vadd.f32 v24, v20  }
0x39: {  	v63 =	vld.idx.msk [tilespmem:v53+s2+$0x0], $0xffff;
	v18 =	vadd.f32 v57, v18;
	v24 =	vor.u32 $0x3, v45;
	v20 =	vmul.f32 v62, v11  }
0x3a: {  	v7 =	vld.idx.msk [tilespmem:v7+s2+$0x0], $0xffff;
	v31 =	vmax.f32 v10, $0.0e+00;
	v38 =	vimm.s32 $0x3203;
	v39 =	vor.u32 $0x2003, v45  }
0x3b: {  	[tilespmem:$0x1F330] =	vst v46;
	v16 =	vld.idx.msk [tilespmem:v44+s2+$0x0], $0xffff;
	v44 =	vor.u32 $0x2803, v45;
	v46 =	vmax.f32 v29, $0.0e+00;
	v50 =	vor.u32 $0x4, v45  }
0x3c: {  	v57 =	vmax.f32 v41, $0.0e+00;
	v29 =	vor.u32 $0x2804, v45;
	v41 =	vor.u32 $0x805, v45  }
0x3d: {  	v12 =	vld.idx.msk [tilespmem:v12+s20+$0x0], $0xffff;
	v35 =	vmax.f32 v14, $0.0e+00;
	v34 =	vmul.f32 v31, v11;
	v17 =	vsel vm0, $0x3003, v38  }
0x3e: {  	[tilespmem:$0x1F3D0] =	vst v46;
	v49 =	vmul.f32 v46, v11;
	v46 =	vor.u32 $0x1805, v45;
	v4 =	vmul.f32 v35, v4  }
0x3f: {  	v3 =	vld.idx.msk [tilespmem:v3+s20+$0x0], $0xffff;
	[tilespmem:$0x1F300] =	vst v35;
	v5 =	vadd.f32 v20, v5;
	v6 =	vadd.f32 v28, v6;
	v35 =	vmax.f32 v63, $0.0e+00  }
0x40: {  	[tilespmem:$0x1F390] =	vst v26;
	v15 =	vld.idx.msk [tilespmem:v37+s2+$0x0], $0xffff;
	v42 =	vsel vm1, $0x3083, v17;
	v28 =	vor.u32 $0x2004, v45;
	v7 =	vmax.f32 v7, $0.0e+00  }
0x41: {  	v26 =	vld.idx.msk [tilespmem:v54+s2+$0x0], $0xffff;
	v20 =	vmul.f32 v35, v11;
	v40 =	vadd.f32 v34, v59;
	v58 =	vadd.f32 v49, v18  }
0x42: {  	[tilespmem:$0x1F410] =	vst v57;
	v59 =	vmul.f32 v57, v12;
	v49 =	vimm.s32 $0x3205;
	v57 =	vor.u32 $0x2805, v45;
	v32 =	vld.idx.msk [tilespmem:v60+s2+$0x0], $0xffff  }
0x43: {  	v4 =	vadd.f32 v4, v13;
	[tilespmem:$0x1F370] =	vst v7;
	v7 =	vmul.f32 v7, v8;
	v13 =	vld.idx.msk [tilespmem:v27+s2+$0x0], $0xffff;
	v27 =	vimm.s32 $0x3204  }
0x44: {  	v16 =	vmax.f32 v16, $0.0e+00;
	v36 =	vld.idx.msk [tilespmem:v24+s2+$0x0], $0xffff;
	v43 =	vadd.f32 v20, v61;
	v61 =	vor.u32 $0x1004, v45  }
0x45: {  	[tilespmem:$0x1F380] =	vst v62;
	v53 =	vld.idx.msk [tilespmem:v39+s2+$0x0], $0xffff;
	v24 =	vor.u32 $0x1804, v45;
	v39 =	vor.u32 $0x5, v45;
	v4 =	vadd.f32 v7, v4  }
0x46: {  	[tilespmem:$0x1F3A0] =	vst v16;
	v33 =	vmul.f32 v16, v11;
	v16 =	vsel vm3, $0x3103, v42;
	v62 =	vmax.f32 v15, $0.0e+00  }
0x47: {  	[tilespmem:$0x1F3C0] =	vst v35;
	v35 =	vmax.f32 v26, $0.0e+00;
	v42 =	vor.u32 $0x1005, v45;
	v48 =	vsel vm2, $0x3183, v16  }
0x48: {  	v60 =	vld.idx.msk [tilespmem:v44+s2+$0x0], $0xffff;
	[tilespmem:$0x1F420] =	vst v62;
	v19 =	vmul.f32 v62, v12;
	v37 =	vmul.f32 v35, v3;
	v62 =	vor.u32 $0x6, v45  }
0x49: {  	[tilespmem:$0x1F340] =	vst v47;
	v7 =	vadd.f32 v33, v9;
	v47 =	vmax.f32 v32, $0.0e+00;
	v52 =	vmax.f32 v13, $0.0e+00  }
0x4a: {  	v63 =	vld.idx.msk [tilespmem:v50+s2+$0x0], $0xffff;
	v13 =	vsel vm0, $0x3004, v27;
	v9 =	vadd.f32 v19, v40;
	v19 =	vsel vm0, $0x3005, v49  }
0x4b: {  	v38 =	vld.idx.msk [tilespmem:v28+s2+$0x0], $0xffff;
	v11 =	vmul.f32 v47, v11;
	v51 =	vmax.f32 v36, $0.0e+00;
	v55 =	vmul.f32 v52, v12  }
0x4c: {  	[tilespmem:$0x1F360] =	vst v25;
	v7 =	vadd.f32 v59, v7;
	v25 =	vmax.f32 v53, $0.0e+00;
	v13 =	vsel vm1, $0x3084, v13;
	v34 =	vld.idx.msk [tilespmem:v24+s2+$0x0], $0xffff  }
0x4d: {  	v30 =	vmax.f32 v60, $0.0e+00;
	v54 =	vsel vm1, $0x3085, v19;
	v24 =	vld.idx.msk [tilespmem:v57+s2+$0x0], $0xffff;
	v57 =	vor.u32 $0x1807, v45  }
0x4e: {  	[tilespmem:$0x1F3B0] =	vst v31;
	v40 =	vld.idx.msk [tilespmem:v29+s2+$0x0], $0xffff;
	v21 =	vmul.f32 v51, v12;
	v20 =	vmul.f32 v25, v12;
	v13 =	vsel vm3, $0x3104, v13  }
0x4f: {  	v31 =	vld.idx.msk [tilespmem:v61+s2+$0x0], $0xffff;
	[tilespmem:$0x1F3F0] =	vst v51;
	v32 =	vmul.f32 v30, v12;
	v51 =	vor.u32 $0x2005, v45;
	v18 =	vsel vm3, $0x3105, v54  }
0x50: {  	v50 =	vld.idx.msk [tilespmem:v39+s2+$0x0], $0xffff;
	[tilespmem:$0x1F430] =	vst v25;
	v25 =	vor.u32 $0x1006, v45;
	v4 =	vadd.f32 v11, v4;
	v6 =	vadd.f32 v55, v6  }
0x51: {  	[tilespmem:$0x1F440] =	vst v30;
	v13 =	vsel vm2, $0x3184, v13;
	v11 =	vmax.f32 v63, $0.0e+00;
	v30 =	vld.idx.msk [tilespmem:v62+s2+$0x0], $0xffff;
	v62 =	vor.u32 $0x2807, v45  }
0x52: {  	v53 =	vld.idx.msk [tilespmem:v41+s2+$0x0], $0xffff;
	v5 =	vadd.f32 v21, v5;
	v17 =	vadd.f32 v20, v43;
	v36 =	vmul.f32 v11, v3  }
0x53: {  	v14 =	vadd.f32 v32, v58;
	v21 =	vmax.f32 v38, $0.0e+00;
	v58 =	vsel vm2, $0x3185, v18  }
0x54: {  	[tilespmem:$0x1F400] =	vst v52;
	v32 =	vimm.s32 $0x3206;
	v38 =	vor.u32 $0x2806, v45;
	v6 =	vadd.f32 v37, v6  }
0x55: {  	v2 =	vld.idx.msk [tilespmem:v2+s20+$0x0], $0xffff;
	[tilespmem:$0x1F4A0] =	vst v21;
	v21 =	vmul.f32 v21, v3;
	v52 =	vmax.f32 v40, $0.0e+00;
	v15 =	vsel vm0, $0x3006, v32  }
0x56: {  	v8 =	vld.idx.msk [tilespmem:v42+s2+$0x0], $0xffff;
	v5 =	vadd.f32 v36, v5;
	v16 =	vmax.f32 v31, $0.0e+00;
	v43 =	vmax.f32 v34, $0.0e+00  }
0x57: {  	v10 =	vld.idx.msk [tilespmem:v48+s2+$0x0], $0xffff;
	v55 =	vmul.f32 v52, v3;
	v60 =	vmax.f32 v50, $0.0e+00;
	v63 =	vmax.f32 v53, $0.0e+00  }
0x58: {  	[tilespmem:$0x1F3E0] =	vst v47;
	v31 =	vor.u32 $0x1806, v45;
	v36 =	vsel vm1, $0x3086, v15;
	v18 =	vmax.f32 v24, $0.0e+00  }
0x59: {  	[tilespmem:$0x1F460] =	vst v11;
	v11 =	vld.idx.msk [tilespmem:v46+s2+$0x0], $0xffff;
	v50 =	vor.u32 $0x807, v45;
	v53 =	vor.u32 $0x1007, v45;
	v47 =	vmul.f32 v16, v3  }
0x5a: {  	v48 =	vmul.f32 v43, v3;
	v59 =	vadd.f32 v21, v17;
	v17 =	vmul.f32 v60, v2  }
0x5b: {  	v1 =	vld.idx.msk [tilespmem:v1+s20+$0x0], $0xffff;
	v21 =	vor.u32 $0x806, v45;
	v23 =	vmul.f32 v63, v2;
	v26 =	vmax.f32 v8, $0.0e+00  }
0x5c: {  	[tilespmem:$0x1F4D0] =	vst v60;
	v61 =	vld.idx.msk [tilespmem:v51+s2+$0x0], $0xffff;
	v41 =	vmul.f32 v18, v2;
	v60 =	vimm.s32 $0x3207;
	v33 =	vmax.f32 v10, $0.0e+00  }
0x5d: {  	[tilespmem:$0x1F470] =	vst v35;
	v35 =	vld.idx.msk [tilespmem:v25+s2+$0x0], $0xffff;
	v14 =	vadd.f32 v55, v14;
	v28 =	vmul.f32 v26, v2;
	v42 =	vmax.f32 v30, $0.0e+00  }
0x5e: {  	v44 =	vld.idx.msk [tilespmem:v13+s2+$0x0], $0xffff;
	v12 =	vmul.f32 v33, v12;
	v7 =	vadd.f32 v47, v7;
	v11 =	vmax.f32 v11, $0.0e+00  }
0x5f: {  	v9 =	vadd.f32 v48, v9;
	v5 =	vadd.f32 v17, v5;
	[tilespmem:$0x1F500] =	vst v11;
	v11 =	vmul.f32 v11, v2  }
0x60: {  	[tilespmem:$0x1F450] =	vst v33;
	v27 =	vld.idx.msk [tilespmem:v58+s2+$0x0], $0xffff;
	v33 =	vor.u32 $0x2006, v45;
	v48 =	vor.u32 $0x7, v45;
	v4 =	vadd.f32 v12, v4  }
0x61: {  	[tilespmem:$0x1F490] =	vst v43;
	v43 =	vld.idx.msk [tilespmem:v31+s2+$0x0], $0xffff;
	v31 =	vor.u32 $0x808, v45;
	v29 =	vmax.f32 v61, $0.0e+00;
	v34 =	vadd.f32 v11, v9  }
0x62: {  	v51 =	vld.idx.msk [tilespmem:v38+s2+$0x0], $0xffff;
	v11 =	vsel vm3, $0x3106, v36;
	v19 =	vmax.f32 v35, $0.0e+00;
	v61 =	vsel vm0, $0x3007, v60  }
0x63: {  	v35 =	vimm.s32 $0x3208;
	v60 =	vor.u32 $0x9, v45;
	v10 =	vmax.f32 v44, $0.0e+00  }
0x64: {  	v0 =	vld.idx.msk [tilespmem:v0+s20+$0x0], $0xffff;
	[tilespmem:$0x1F4B0] =	vst v52;
	v17 =	vmul.f32 v29, v2;
	v40 =	vsel vm2, $0x3186, v11;
	v44 =	vmul.f32 v42, v1  }
0x65: {  	v58 =	vld.idx.msk [tilespmem:v50+s2+$0x0], $0xffff;
	[tilespmem:$0x1F560] =	vst v19;
	v11 =	vadd.f32 v41, v14;
	v52 =	vmul.f32 v19, v1;
	v19 =	vsel vm1, $0x3087, v61  }
0x66: {  	v12 =	vld.idx.msk [tilespmem:v21+s2+$0x0], $0xffff;
	v38 =	vsel vm0, $0x3008, v35;
	v41 =	vor.u32 $0x1808, v45;
	v3 =	vmul.f32 v10, v3  }
0x67: {  	[tilespmem:$0x1F4E0] =	vst v63;
	v39 =	vmax.f32 v27, $0.0e+00;
	v47 =	vld.idx.msk [tilespmem:v33+s2+$0x0], $0xffff;
	v63 =	vmax.f32 v51, $0.0e+00;
	v33 =	vor.u32 $0x1008, v45  }
0x68: {  	v55 =	vld.idx.msk [tilespmem:v48+s2+$0x0], $0xffff;
	v48 =	vor.u32 $0x2808, v45;
	v37 =	vadd.f32 v17, v59;
	v2 =	vmul.f32 v39, v2  }
0x69: {  	v21 =	vld.idx.msk [tilespmem:v53+s2+$0x0], $0xffff;
	[tilespmem:$0x1F510] =	vst v29;
	v5 =	vadd.f32 v44, v5;
	v59 =	vor.u32 $0x2007, v45;
	v22 =	vmul.f32 v63, v1  }
0x6a: {  	[tilespmem:$0x1F590] =	vst v63;
	v44 =	vor.u32 $0x2008, v45;
	v63 =	vor.u32 $0x809, v45;
	v3 =	vadd.f32 v3, v4  }
0x6b: {  	v29 =	vld.idx.msk [tilespmem:v62+s2+$0x0], $0xffff;
	[tilespmem:$0x1F4C0] =	vst v10;
	v4 =	vadd.f32 v23, v6;
	v6 =	vadd.f32 v28, v7;
	v10 =	vmax.f32 v43, $0.0e+00  }
0x6c: {  	[tilespmem:$0x1F540] =	vst v42;
	v25 =	vmax.f32 v58, $0.0e+00;
	v28 =	vor.u32 $0x8, v45;
	v46 =	vmax.f32 v12, $0.0e+00  }
0x6d: {  	[tilespmem:$0x1F570] =	vst v10;
	v10 =	vmul.f32 v10, v1;
	v9 =	vadd.f32 v22, v11;
	v30 =	vmul.f32 v25, v0  }
0x6e: {  	v24 =	vld.idx.msk [tilespmem:v57+s2+$0x0], $0xffff;
	[tilespmem:$0x1F5C0] =	vst v25;
	v36 =	vmax.f32 v21, $0.0e+00;
	v25 =	vor.u32 $0x1009, v45;
	v21 =	vor.u32 $0xC, v56  }
0x6f: {  	v43 =	vld.idx.msk [tilespmem:v31+s2+$0x0], $0xffff;
	v49 =	vmul.f32 v46, v1;
	v2 =	vadd.f32 v2, v3;
	v6 =	vadd.f32 v52, v6  }
0x70: {  	v31 =	vld.idx.msk [tilespmem:v60+s2+$0x0], $0xffff;
	[tilespmem:$0x1F550] =	vst v46;
	v3 =	vsel vm3, $0x3107, v19;
	v42 =	vmax.f32 v29, $0.0e+00;
	v46 =	vmul.f32 v36, v0  }
0x71: {  	[tilespmem:$0x1F480] =	vst v16;
	v52 =	vld.idx.msk [tilespmem:v41+s2+$0x0], $0xffff;
	v41 =	vor.u32 $0xA, v45;
	v54 =	vmax.f32 v47, $0.0e+00;
	v7 =	vadd.f32 v10, v34  }
0x72: {  	[tilespmem:$0x1F4F0] =	vst v26;
	v8 =	vld.idx.msk [tilespmem:v40+s2+$0x0], $0xffff;
	v23 =	vmax.f32 v55, $0.0e+00;
	v3 =	vsel vm2, $0x3187, v3;
	v34 =	vor.u32 $0x8, v56  }
0x73: {  	v50 =	vmul.f32 v42, v0;
	v55 =	vor.u32 $0x9, v56;
	v4 =	vadd.f32 v49, v4;
	[tilespmem:$0x1F580] =	vst v54;
	v26 =	vld.idx.msk [tilespmem:v59+s2+$0x0], $0xffff  }
0x74: {  	v16 =	vmul.f32 v54, v1;
	v27 =	vmul.f32 v23, v0;
	v6 =	vadd.f32 v46, v6;
	v54 =	vld.idx.msk [tilespmem:v44+s2+$0x0], $0xffff  }
0x75: {  	v59 =	vld.idx.msk [tilespmem:v48+s2+$0x0], $0xffff;
	v44 =	vor.u32 $0xA, v56;
	v9 =	vadd.f32 v50, v9;
	v57 =	vmax.f32 v43, $0.0e+00  }
0x76: {  	v40 =	vld.idx.msk [tilespmem:v28+s2+$0x0], $0xffff;
	v28 =	vimm.s32 $0x3209;
	v15 =	vadd.f32 v16, v37;
	v32 =	vadd.f32 v27, v5  }
0x77: {  	[tilespmem:$0x1F600] =	vst v42;
	v4 =	vadd.f32 v30, v4;
	v37 =	vmax.f32 v24, $0.0e+00;
	v5 =	vld.idx.msk [tilespmem:v33+s2+$0x0], $0xffff;
	v42 =	vmax.f32 v31, $0.0e+00  }
0x78: {  	v33 =	vld.idx.msk [tilespmem:v63+s2+$0x0], $0xffff;
	v31 =	vor.u32 $0xB, v45;
	v20 =	vmax.f32 v8, $0.0e+00;
	v8 =	vsel vm1, $0x3088, v38  }
0x79: {  	v35 =	vld.idx.msk [tilespmem:v25+s2+$0x0], $0xffff;
	[tilespmem:$0x1F5E0] =	vst v37;
	v47 =	vmul.f32 v37, v0;
	v27 =	vmax.f32 v52, $0.0e+00;
	v37 =	vor.u32 $0x2809, v45  }
0x7a: {  	v1 =	vmul.f32 v20, v1;
	v8 =	vsel vm3, $0x3108, v8;
	v13 =	vld.idx.msk [tilespmem:v34+s20+$0x0], $0xffff;
	v34 =	vor.u32 $0x2009, v45  }
0x7b: {  	[tilespmem:$0x1F530] =	vst v39;
	v39 =	vmax.f32 v26, $0.0e+00;
	v8 =	vsel vm2, $0x3188, v8;
	v7 =	vadd.f32 v47, v7  }
0x7c: {  	v3 =	vld.idx.msk [tilespmem:v3+s2+$0x0], $0xffff;
	v26 =	vor.u32 $0x1809, v45;
	v29 =	vmax.f32 v54, $0.0e+00;
	v30 =	vmax.f32 v59, $0.0e+00  }
0x7d: {  	v10 =	vld.idx.msk [tilespmem:v44+s20+$0x0], $0xffff;
	v44 =	vor.u32 $0x200B, v45;
	v1 =	vadd.f32 v1, v2;
	v49 =	vmul.f32 v39, v0  }
0x7e: {  	v53 =	vmax.f32 v40, $0.0e+00;
	v58 =	vmax.f32 v5, $0.0e+00;
	v46 =	vmax.f32 v33, $0.0e+00  }
0x7f: {  	[tilespmem:$0x1F5D0] =	vst v36;
	v47 =	vmax.f32 v35, $0.0e+00;
	v15 =	vadd.f32 v49, v15;
	v61 =	vmul.f32 v53, v13  }
0x80: {  	[tilespmem:$0x1F630] =	vst v57;
	v49 =	vor.u32 $0x80A, v45;
	v62 =	vmul.f32 v57, v13;
	v24 =	vmul.f32 v58, v13  }
0x81: {  	[tilespmem:$0x1F5F0] =	vst v39;
	v51 =	vmax.f32 v3, $0.0e+00;
	v36 =	vmul.f32 v27, v13;
	v38 =	vmul.f32 v29, v13  }
0x82: {  	[tilespmem:$0x1F620] =	vst v53;
	v3 =	vld.idx.msk [tilespmem:v55+s20+$0x0], $0xffff;
	v39 =	vmul.f32 v30, v13;
	v53 =	vor.u32 $0x180A, v45;
	v55 =	vor.u32 $0x200A, v45  }
0x83: {  	[tilespmem:$0x1F660] =	vst v29;
	v48 =	vld.idx.msk [tilespmem:v37+s2+$0x0], $0xffff;
	v57 =	vimm.s32 $0x320A;
	v29 =	vor.u32 $0xB, v56;
	v0 =	vmul.f32 v51, v0  }
0x84: {  	v43 =	vld.idx.msk [tilespmem:v34+s2+$0x0], $0xffff;
	[tilespmem:$0x1F610] =	vst v51;
	v51 =	vor.u32 $0x100A, v45;
	v60 =	vsel vm0, $0x300A, v57;
	v2 =	vadd.f32 v61, v32  }
0x85: {  	v14 =	vld.idx.msk [tilespmem:v26+s2+$0x0], $0xffff;
	v26 =	vor.u32 $0x280A, v45;
	v4 =	vadd.f32 v62, v4;
	v7 =	vadd.f32 v36, v7  }
0x86: {  	v8 =	vld.idx.msk [tilespmem:v8+s2+$0x0], $0xffff;
	v57 =	vor.u32 $0xC, v45;
	v15 =	vadd.f32 v38, v15;
	v9 =	vadd.f32 v39, v9  }
0x87: {  	v0 =	vadd.f32 v0, v1;
	v1 =	vadd.f32 v24, v6;
	v6 =	vsel vm0, $0x3009, v28  }
0x88: {  	v39 =	vor.u32 $0x100B, v45;
	v6 =	vsel vm1, $0x3089, v6;
	v61 =	vmax.f32 v48, $0.0e+00  }
0x89: {  	[tilespmem:$0x1F690] =	vst v42;
	v6 =	vsel vm3, $0x3109, v6;
	v12 =	vmul.f32 v42, v3;
	v52 =	vmul.f32 v46, v3  }
0x8a: {  	[tilespmem:$0x1F640] =	vst v58;
	v59 =	vld.idx.msk [tilespmem:v49+s2+$0x0], $0xffff;
	v17 =	vmul.f32 v47, v3;
	v58 =	vmax.f32 v43, $0.0e+00;
	v16 =	vmul.f32 v61, v3  }
0x8b: {  	[tilespmem:$0x1F6A0] =	vst v46;
	v25 =	vld.idx.msk [tilespmem:v53+s2+$0x0], $0xffff;
	v42 =	vor.u32 $0x180B, v45;
	v46 =	vimm.s32 $0x320B;
	v32 =	vmax.f32 v8, $0.0e+00  }
0x8c: {  	[tilespmem:$0x1F650] =	vst v27;
	v27 =	vld.idx.msk [tilespmem:v55+s2+$0x0], $0xffff;
	v6 =	vsel vm2, $0x3189, v6;
	v50 =	vmax.f32 v14, $0.0e+00;
	v14 =	vsel vm1, $0x308A, v60  }
0x8d: {  	[tilespmem:$0x1F6B0] =	vst v47;
	v63 =	vld.idx.msk [tilespmem:v51+s2+$0x0], $0xffff;
	v28 =	vmul.f32 v58, v3;
	v47 =	vsel vm0, $0x300B, v46;
	v51 =	vor.u32 $0x280B, v45  }
0x8e: {  	v55 =	vld.idx.msk [tilespmem:v44+s2+$0x0], $0xffff;
	v60 =	vor.u32 $0x80C, v45;
	v40 =	vmul.f32 v32, v13;
	v2 =	vadd.f32 v12, v2  }
0x8f: {  	v36 =	vld.idx.msk [tilespmem:v26+s2+$0x0], $0xffff;
	v54 =	vmul.f32 v50, v3;
	v4 =	vadd.f32 v52, v4;
	v1 =	vadd.f32 v17, v1  }
0x90: {  	[tilespmem:$0x1F680] =	vst v32;
	v13 =	vld.idx.msk [tilespmem:v41+s2+$0x0], $0xffff;
	v8 =	vsel vm3, $0x310A, v14;
	v9 =	vadd.f32 v16, v9;
	v32 =	vor.u32 $0x80B, v45  }
0x91: {  	v12 =	vld.idx.msk [tilespmem:v29+s20+$0x0], $0xffff;
	v29 =	vor.u32 $0x180C, v45;
	v8 =	vsel vm2, $0x318A, v8;
	v14 =	vadd.f32 v28, v15  }
0x92: {  	[tilespmem:$0x1F6C0] =	vst v50;
	v50 =	vld.idx.msk [tilespmem:v39+s2+$0x0], $0xffff;
	v0 =	vadd.f32 v40, v0;
	v7 =	vadd.f32 v54, v7;
	v33 =	vmax.f32 v59, $0.0e+00  }
0x93: {  	v15 =	vld.idx.msk [tilespmem:v31+s2+$0x0], $0xffff;
	v35 =	vmax.f32 v25, $0.0e+00;
	v19 =	vmax.f32 v27, $0.0e+00;
	v38 =	vmul.f32 v33, v10  }
0x94: {  	v53 =	vld.idx.msk [tilespmem:v42+s2+$0x0], $0xffff;
	v42 =	vor.u32 $0xD, v56;
	v34 =	vmax.f32 v63, $0.0e+00;
	v41 =	vmul.f32 v35, v10  }
0x95: {  	v43 =	vmul.f32 v19, v10;
	v49 =	vmax.f32 v36, $0.0e+00;
	v28 =	vld.idx.msk [tilespmem:v60+s2+$0x0], $0xffff;
	v60 =	vor.u32 $0x200D, v45  }
0x96: {  	v24 =	vmax.f32 v13, $0.0e+00;
	v40 =	vmul.f32 v34, v10;
	v4 =	vadd.f32 v38, v4  }
0x97: {  	[tilespmem:$0x1F670] =	vst v30;
	v25 =	vld.idx.msk [tilespmem:v57+s2+$0x0], $0xffff;
	v22 =	vmax.f32 v50, $0.0e+00;
	v50 =	vor.u32 $0x80D, v45;
	v30 =	vmul.f32 v24, v10  }
0x98: {  	v37 =	vld.idx.msk [tilespmem:v8+s2+$0x0], $0xffff;
	v7 =	vadd.f32 v41, v7;
	v48 =	vadd.f32 v43, v14;
	v8 =	vsel vm1, $0x308B, v47  }
0x99: {  	v6 =	vld.idx.msk [tilespmem:v6+s2+$0x0], $0xffff;
	v14 =	vmul.f32 v49, v10;
	v54 =	vmax.f32 v15, $0.0e+00;
	v15 =	vmax.f32 v55, $0.0e+00  }
0x9a: {  	v26 =	vmul.f32 v22, v12;
	v47 =	vor.u32 $0xD, v45;
	v1 =	vadd.f32 v40, v1  }
0x9b: {  	v63 =	vld.idx.msk [tilespmem:v51+s2+$0x0], $0xffff;
	v8 =	vsel vm3, $0x310B, v8;
	v59 =	vmul.f32 v54, v12;
	[tilespmem:$0x1F7B0] =	vst v15;
	v15 =	vmul.f32 v15, v12  }
0x9c: {  	[tilespmem:$0x1F770] =	vst v54;
	v54 =	vor.u32 $0x100D, v45;
	v2 =	vadd.f32 v30, v2;
	v8 =	vsel vm2, $0x318B, v8  }
0x9d: {  	[tilespmem:$0x1F5B0] =	vst v23;
	v9 =	vadd.f32 v14, v9;
	v23 =	vmax.f32 v53, $0.0e+00;
	v30 =	vimm.s32 $0x320C  }
0x9e: {  	[tilespmem:$0x1F710] =	vst v33;
	v40 =	vmax.f32 v25, $0.0e+00;
	v62 =	vmax.f32 v6, $0.0e+00;
	v27 =	vmul.f32 v23, v12  }
0x9f: {  	[tilespmem:$0x1F730] =	vst v35;
	v41 =	vld.idx.msk [tilespmem:v29+s2+$0x0], $0xffff;
	v1 =	vadd.f32 v26, v1;
	v17 =	vsel vm0, $0x300C, v30;
	v33 =	vadd.f32 v15, v48  }
0xa0: {  	[tilespmem:$0x1F720] =	vst v34;
	v35 =	vmax.f32 v63, $0.0e+00;
	v43 =	vmax.f32 v28, $0.0e+00;
	v63 =	vor.u32 $0x280D, v45;
	v29 =	vld.idx.msk [tilespmem:v60+s2+$0x0], $0xffff  }
0xa1: {  	[tilespmem:$0x1F6F0] =	vst v62;
	v3 =	vmul.f32 v62, v3;
	v62 =	vor.u32 $0x100C, v45;
	v2 =	vadd.f32 v59, v2;
	v59 =	vld.idx.msk [tilespmem:v50+s2+$0x0], $0xffff  }
0xa2: {  	v34 =	vsel vm1, $0x308C, v17;
	[tilespmem:$0x1F7C0] =	vst v35;
	v39 =	vmul.f32 v35, v12;
	v35 =	vor.u32 $0x100E, v45;
	v57 =	vld.idx.msk [tilespmem:v47+s2+$0x0], $0xffff  }
0xa3: {  	v52 =	vmax.f32 v37, $0.0e+00;
	v37 =	vor.u32 $0x280C, v45;
	v0 =	vadd.f32 v3, v0;
	v3 =	vld.idx.msk [tilespmem:v32+s2+$0x0], $0xffff  }
0xa4: {  	v6 =	vld.idx.msk [tilespmem:v42+s20+$0x0], $0xffff;
	v7 =	vadd.f32 v27, v7;
	v10 =	vmul.f32 v52, v10;
	v32 =	vor.u32 $0x200C, v45  }
0xa5: {  	[tilespmem:$0x1F700] =	vst v24;
	v36 =	vsel vm3, $0x310C, v34;
	v53 =	vmax.f32 v41, $0.0e+00;
	v34 =	vor.u32 $0x80E, v45;
	v24 =	vld.idx.msk [tilespmem:v8+s2+$0x0], $0xffff  }
0xa6: {  	v5 =	vadd.f32 v39, v9;
	v0 =	vadd.f32 v10, v0;
	v10 =	vld.idx.msk [tilespmem:v21+s20+$0x0], $0xffff;
	v42 =	vmax.f32 v29, $0.0e+00  }
0xa7: {  	v31 =	vld.idx.msk [tilespmem:v62+s2+$0x0], $0xffff;
	v28 =	vmax.f32 v59, $0.0e+00;
	v59 =	vor.u32 $0xF, v45;
	v26 =	vmax.f32 v57, $0.0e+00  }
0xa8: {  	[tilespmem:$0x1F6D0] =	vst v58;
	v51 =	vld.idx.msk [tilespmem:v37+s2+$0x0], $0xffff;
	v37 =	vimm.s32 $0x320E;
	v58 =	vmax.f32 v3, $0.0e+00;
	v3 =	vsel vm2, $0x318C, v36  }
0xa9: {  	[tilespmem:$0x1F6E0] =	vst v61;
	v46 =	vld.idx.msk [tilespmem:v32+s2+$0x0], $0xffff;
	v30 =	vmul.f32 v26, v6;
	v36 =	vor.u32 $0xE, v56;
	v41 =	vsel vm0, $0x300E, v37  }
0xaa: {  	[tilespmem:$0x1F850] =	vst v26;
	v32 =	vld.idx.msk [tilespmem:v63+s2+$0x0], $0xffff;
	v63 =	vor.u32 $0x80F, v45;
	v26 =	vor.u32 $0x180F, v45;
	v38 =	vmax.f32 v24, $0.0e+00  }
0xab: {  	[tilespmem:$0x1F780] =	vst v58;
	v61 =	vmul.f32 v58, v12;
	v58 =	vor.u32 $0x180D, v45;
	v12 =	vmul.f32 v38, v12  }
0xac: {  	[tilespmem:$0x1F750] =	vst v49;
	v8 =	vsel vm1, $0x308E, v41;
	v48 =	vmul.f32 v40, v10;
	v49 =	vmul.f32 v43, v10  }
0xad: {  	v47 =	vld.idx.msk [tilespmem:v34+s2+$0x0], $0xffff;
	v13 =	vmul.f32 v53, v10;
	v8 =	vsel vm3, $0x310E, v8;
	v4 =	vadd.f32 v61, v4  }
0xae: {  	v44 =	vmax.f32 v31, $0.0e+00;
	v61 =	vimm.s32 $0x320D;
	v31 =	vor.u32 $0xE, v45  }
0xaf: {  	[tilespmem:$0x1F760] =	vst v52;
	v8 =	vsel vm2, $0x318E, v8;
	v0 =	vadd.f32 v12, v0;
	v52 =	vmul.f32 v44, v10  }
0xb0: {  	v24 =	vld.idx.msk [tilespmem:v54+s2+$0x0], $0xffff;
	v2 =	vadd.f32 v48, v2;
	v7 =	vadd.f32 v13, v7;
	v62 =	vsel vm0, $0x300D, v61  }
0xb1: {  	[tilespmem:$0x1F800] =	vst v44;
	v21 =	vmax.f32 v51, $0.0e+00;
	v44 =	vor.u32 $0x180E, v45;
	v48 =	vor.u32 $0x200E, v45  }
0xb2: {  	[tilespmem:$0x1F790] =	vst v22;
	v51 =	vor.u32 $0x280E, v45;
	v60 =	vmax.f32 v47, $0.0e+00;
	v4 =	vadd.f32 v49, v4  }
0xb3: {  	[tilespmem:$0x1F7A0] =	vst v23;
	v29 =	vld.idx.msk [tilespmem:v59+s2+$0x0], $0xffff;
	v55 =	vmax.f32 v46, $0.0e+00;
	v22 =	vsel vm1, $0x308D, v62;
	v25 =	vmul.f32 v21, v10  }
0xb4: {  	[tilespmem:$0x1F7F0] =	vst v43;
	v3 =	vld.idx.msk [tilespmem:v3+s2+$0x0], $0xffff;
	v46 =	vmax.f32 v32, $0.0e+00;
	v1 =	vadd.f32 v52, v1;
	v16 =	vmul.f32 v55, v10  }
0xb5: {  	[tilespmem:$0x1F7D0] =	vst v38;
	v14 =	vld.idx.msk [tilespmem:v36+s20+$0x0], $0xffff;
	v9 =	vsel vm3, $0x310D, v22;
	v2 =	vadd.f32 v30, v2;
	v38 =	vmax.f32 v24, $0.0e+00  }
0xb6: {  	[tilespmem:$0x1F810] =	vst v53;
	v37 =	vld.idx.msk [tilespmem:v26+s2+$0x0], $0xffff;
	v52 =	vmul.f32 v42, v6;
	v53 =	vmul.f32 v46, v6;
	v24 =	vor.u32 $0x100F, v45  }
0xb7: {  	[tilespmem:$0x1F890] =	vst v42;
	v27 =	vld.idx.msk [tilespmem:v58+s2+$0x0], $0xffff;
	v30 =	vimm.s32 $0x320F;
	v42 =	vor.u32 $0x10, v45;
	v49 =	vmul.f32 v38, v6  }
0xb8: {  	v5 =	vadd.f32 v25, v5;
	v11 =	vadd.f32 v16, v33;
	v33 =	vmul.f32 v28, v6;
	v43 =	vld.idx.msk [tilespmem:v31+s2+$0x0], $0xffff  }
0xb9: {  	[tilespmem:$0x1F8A0] =	vst v46;
	v46 =	vor.u32 $0x10, v56;
	v9 =	vsel vm2, $0x318D, v9;
	v8 =	vld.idx.msk [tilespmem:v8+s2+$0x0], $0xffff;
	v1 =	vadd.f32 v49, v1  }
0xba: {  	[tilespmem:$0x1F820] =	vst v55;
	v5 =	vadd.f32 v53, v5;
	v55 =	vld.idx.msk [tilespmem:v44+s2+$0x0], $0xffff;
	v23 =	vmax.f32 v3, $0.0e+00;
	v4 =	vadd.f32 v33, v4  }
0xbb: {  	v58 =	vld.idx.msk [tilespmem:v48+s2+$0x0], $0xffff;
	v11 =	vadd.f32 v52, v11;
	v48 =	vmax.f32 v37, $0.0e+00;
	v52 =	vor.u32 $0x1010, v45  }
0xbc: {  	v62 =	vld.idx.msk [tilespmem:v51+s2+$0x0], $0xffff;
	[tilespmem:$0x1F840] =	vst v23;
	v10 =	vmul.f32 v23, v10;
	v39 =	vmax.f32 v27, $0.0e+00;
	v23 =	vmul.f32 v60, v14  }
0xbd: {  	v33 =	vld.idx.msk [tilespmem:v63+s2+$0x0], $0xffff;
	v27 =	vor.u32 $0xF, v56;
	[tilespmem:$0x1F880] =	vst v39;
	v50 =	vmul.f32 v39, v6;
	v39 =	vor.u32 $0x200F, v45  }
0xbe: {  	v0 =	vadd.f32 v10, v0;
	v10 =	vld.idx.msk [tilespmem:v35+s2+$0x0], $0xffff;
	v57 =	vmax.f32 v43, $0.0e+00;
	v4 =	vadd.f32 v23, v4  }
0xbf: {  	v34 =	vmax.f32 v8, $0.0e+00;
	v35 =	vld.idx.msk [tilespmem:v24+s2+$0x0], $0xffff;
	v43 =	vmax.f32 v29, $0.0e+00;
	v24 =	vor.u32 $0x2810, v45  }
0xc0: {  	[tilespmem:$0x1F7E0] =	vst v40;
	v40 =	vld.idx.msk [tilespmem:v9+s2+$0x0], $0xffff;
	v29 =	vor.u32 $0x11, v45;
	v23 =	vor.u32 $0x1812, v45;
	v7 =	vadd.f32 v50, v7  }
0xc1: {  	[tilespmem:$0x1F860] =	vst v28;
	v22 =	vmul.f32 v57, v14;
	v28 =	vmax.f32 v55, $0.0e+00;
	v31 =	vmax.f32 v58, $0.0e+00  }
0xc2: {  	v32 =	vmax.f32 v62, $0.0e+00;
	v50 =	vor.u32 $0x810, v45;
	v55 =	vor.u32 $0x1810, v45  }
0xc3: {  	[tilespmem:$0x1F8C0] =	vst v57;
	v57 =	vimm.s32 $0x3210;
	v36 =	vmul.f32 v28, v14;
	v13 =	vmul.f32 v31, v14  }
0xc4: {  	[tilespmem:$0x1F870] =	vst v38;
	v38 =	vmul.f32 v32, v14;
	v44 =	vmax.f32 v33, $0.0e+00;
	v33 =	vor.u32 $0x811, v45  }
0xc5: {  	v63 =	vld.idx.msk [tilespmem:v52+s2+$0x0], $0xffff;
	v2 =	vadd.f32 v22, v2;
	v22 =	vor.u32 $0x1012, v45;
	v54 =	vmax.f32 v40, $0.0e+00  }
0xc6: {  	v15 =	vld.idx.msk [tilespmem:v27+s20+$0x0], $0xffff;
	v40 =	vor.u32 $0x280F, v45;
	v7 =	vadd.f32 v36, v7;
	v41 =	vadd.f32 v13, v11  }
0xc7: {  	v5 =	vadd.f32 v38, v5;
	v49 =	vld.idx.msk [tilespmem:v39+s2+$0x0], $0xffff;
	v36 =	vor.u32 $0x1011, v45;
	v38 =	vor.u32 $0x1811, v45  }
0xc8: {  	v11 =	vld.idx.msk [tilespmem:v42+s2+$0x0], $0xffff;
	v6 =	vmul.f32 v54, v6;
	v61 =	vmax.f32 v10, $0.0e+00;
	v47 =	vmax.f32 v35, $0.0e+00  }
0xc9: {  	[tilespmem:$0x1F920] =	vst v34;
	v16 =	vld.idx.msk [tilespmem:v29+s2+$0x0], $0xffff;
	v29 =	vimm.s32 $0x3212;
	v25 =	vmul.f32 v61, v14;
	v14 =	vmul.f32 v34, v14  }
0xca: {  	v3 =	vld.idx.msk [tilespmem:v46+s20+$0x0], $0xffff;
	[tilespmem:$0x1F8E0] =	vst v61;
	v61 =	vor.u32 $0x2010, v45;
	v0 =	vadd.f32 v6, v0;
	v6 =	vsel vm0, $0x300F, v30  }
0xcb: {  	[tilespmem:$0x1F910] =	vst v32;
	v32 =	vld.idx.msk [tilespmem:v24+s2+$0x0], $0xffff;
	v30 =	vor.u32 $0x11, v56;
	v34 =	vmax.f32 v63, $0.0e+00;
	v1 =	vadd.f32 v25, v1  }
0xcc: {  	v59 =	vld.idx.msk [tilespmem:v50+s2+$0x0], $0xffff;
	v6 =	vsel vm1, $0x308F, v6;
	v13 =	vmul.f32 v43, v15;
	v53 =	vmul.f32 v47, v15  }
0xcd: {  	[tilespmem:$0x1F8B0] =	vst v54;
	v26 =	vld.idx.msk [tilespmem:v55+s2+$0x0], $0xffff;
	v54 =	vmul.f32 v48, v15;
	v6 =	vsel vm3, $0x310F, v6;
	v0 =	vadd.f32 v14, v0  }
0xce: {  	v51 =	vld.idx.msk [tilespmem:v40+s2+$0x0], $0xffff;
	v14 =	vmul.f32 v44, v15;
	v58 =	vmax.f32 v49, $0.0e+00;
	v11 =	vmax.f32 v11, $0.0e+00  }
0xcf: {  	[tilespmem:$0x1F740] =	vst v19;
	v40 =	vor.u32 $0x2011, v45;
	v49 =	vld.idx.msk [tilespmem:v36+s2+$0x0], $0xffff;
	v36 =	vor.u32 $0x2812, v45;
	v2 =	vadd.f32 v13, v2  }
0xd0: {  	[tilespmem:$0x1F8D0] =	vst v60;
	v6 =	vsel vm2, $0x318F, v6;
	v1 =	vadd.f32 v53, v1;
	v7 =	vadd.f32 v54, v7  }
0xd1: {  	v13 =	vsel vm0, $0x3010, v57;
	v27 =	vmul.f32 v58, v15;
	[tilespmem:$0x1F9A0] =	vst v11;
	v11 =	vmul.f32 v11, v3  }
0xd2: {  	[tilespmem:$0x1F950] =	vst v47;
	v47 =	vmax.f32 v32, $0.0e+00;
	v53 =	vor.u32 $0x2811, v45;
	v54 =	vmax.f32 v16, $0.0e+00  }
0xd3: {  	[tilespmem:$0x1F970] =	vst v58;
	v58 =	vor.u32 $0x12, v45;
	v4 =	vadd.f32 v14, v4;
	v60 =	vsel vm1, $0x3090, v13  }
0xd4: {  	[tilespmem:$0x1F900] =	vst v31;
	v31 =	vmax.f32 v59, $0.0e+00;
	v19 =	vmax.f32 v26, $0.0e+00;
	v14 =	vmul.f32 v34, v3  }
0xd5: {  	v13 =	vld.idx.msk [tilespmem:v61+s2+$0x0], $0xffff;
	v59 =	vor.u32 $0x812, v45;
	v61 =	vor.u32 $0x12, v56;
	v9 =	vsel vm3, $0x3110, v60  }
0xd6: {  	v10 =	vadd.f32 v27, v41;
	v2 =	vadd.f32 v11, v2;
	v37 =	vmul.f32 v31, v3  }
0xd7: {  	v39 =	vmul.f32 v19, v3;
	v41 =	vimm.s32 $0x3211;
	v27 =	vor.u32 $0x2012, v45  }
0xd8: {  	v42 =	vld.idx.msk [tilespmem:v30+s20+$0x0], $0xffff;
	v30 =	vsel vm0, $0x3012, v29;
	v29 =	vor.u32 $0x14, v45;
	v9 =	vsel vm2, $0x3190, v9  }
0xd9: {  	[tilespmem:$0x1F930] =	vst v43;
	v32 =	vld.idx.msk [tilespmem:v22+s2+$0x0], $0xffff;
	v1 =	vadd.f32 v14, v1;
	v43 =	vsel vm0, $0x3011, v41;
	v14 =	vmul.f32 v47, v3  }
0xda: {  	v11 =	vld.idx.msk [tilespmem:v33+s2+$0x0], $0xffff;
	v33 =	vsel vm1, $0x3092, v30;
	v30 =	vor.u32 $0x814, v45;
	v62 =	vmax.f32 v51, $0.0e+00  }
0xdb: {  	[tilespmem:$0x1F830] =	vst v21;
	v4 =	vadd.f32 v37, v4;
	v7 =	vadd.f32 v39, v7;
	v46 =	vsel vm1, $0x3091, v43;
	v51 =	vld.idx.msk [tilespmem:v38+s2+$0x0], $0xffff  }
0xdc: {  	[tilespmem:$0x1F8F0] =	vst v28;
	v55 =	vld.idx.msk [tilespmem:v40+s2+$0x0], $0xffff;
	v40 =	vor.u32 $0x13, v45;
	v43 =	vor.u32 $0x13, v56;
	v28 =	vmul.f32 v62, v15  }
0xdd: {  	[tilespmem:$0x1F980] =	vst v62;
	v50 =	vsel vm3, $0x3111, v46;
	v62 =	vmax.f32 v49, $0.0e+00;
	v21 =	vld.idx.msk [tilespmem:v53+s2+$0x0], $0xffff;
	v53 =	vor.u32 $0x1813, v45  }
0xde: {  	[tilespmem:$0x1F940] =	vst v44;
	v46 =	vld.idx.msk [tilespmem:v36+s2+$0x0], $0xffff;
	v36 =	vor.u32 $0x1814, v45;
	v44 =	vmax.f32 v13, $0.0e+00;
	v8 =	vsel vm2, $0x3191, v50  }
0xdf: {  	v6 =	vld.idx.msk [tilespmem:v6+s2+$0x0], $0xffff;
	v50 =	vor.u32 $0x1013, v45;
	v5 =	vadd.f32 v28, v5;
	v52 =	vmul.f32 v44, v3  }
0xe0: {  	[tilespmem:$0x1F9E0] =	vst v44;
	v57 =	vmul.f32 v54, v42;
	v60 =	vmax.f32 v11, $0.0e+00;
	v44 =	vmax.f32 v32, $0.0e+00  }
0xe1: {  	v35 =	vld.idx.msk [tilespmem:v9+s2+$0x0], $0xffff;
	v13 =	vmul.f32 v60, v42;
	v9 =	vsel vm3, $0x3112, v33;
	v10 =	vadd.f32 v52, v10  }
0xe2: {  	[tilespmem:$0x1F9B0] =	vst v31;
	v33 =	vor.u32 $0x1014, v45;
	v5 =	vadd.f32 v14, v5;
	v2 =	vadd.f32 v57, v2  }
0xe3: {  	[tilespmem:$0x1F9D0] =	vst v19;
	v24 =	vld.idx.msk [tilespmem:v58+s2+$0x0], $0xffff;
	v63 =	vmax.f32 v51, $0.0e+00;
	v19 =	vmax.f32 v55, $0.0e+00;
	v9 =	vsel vm2, $0x3192, v9  }
0xe4: {  	[tilespmem:$0x1FA30] =	vst v62;
	v11 =	vld.idx.msk [tilespmem:v61+s20+$0x0], $0xffff;
	v55 =	vor.u32 $0x2013, v45;
	v57 =	vimm.s32 $0x3213;
	v25 =	vmax.f32 v6, $0.0e+00  }
0xe5: {  	v38 =	vld.idx.msk [tilespmem:v27+s2+$0x0], $0xffff;
	v26 =	vmul.f32 v63, v42;
	v4 =	vadd.f32 v13, v4;
	v28 =	vmul.f32 v19, v42  }
0xe6: {  	[tilespmem:$0x1FA40] =	vst v63;
	v31 =	vmax.f32 v21, $0.0e+00;
	v58 =	vsel vm0, $0x3013, v57;
	v63 =	vor.u32 $0x2813, v45;
	v22 =	vld.idx.msk [tilespmem:v53+s2+$0x0], $0xffff  }
0xe7: {  	[tilespmem:$0x1FA20] =	vst v60;
	v53 =	vor.u32 $0x815, v45;
	v57 =	vor.u32 $0x15, v56;
	v15 =	vmul.f32 v25, v15;
	v8 =	vld.idx.msk [tilespmem:v8+s2+$0x0], $0xffff  }
0xe8: {  	[tilespmem:$0x1F990] =	vst v25;
	v25 =	vmul.f32 v62, v42;
	v37 =	vmul.f32 v31, v42;
	v60 =	vsel vm1, $0x3093, v58;
	v62 =	vld.idx.msk [tilespmem:v50+s2+$0x0], $0xffff  }
0xe9: {  	[tilespmem:$0x1F960] =	vst v48;
	v50 =	vor.u32 $0x15, v45;
	v7 =	vadd.f32 v26, v7;
	v48 =	vmax.f32 v35, $0.0e+00;
	v35 =	vld.idx.msk [tilespmem:v23+s2+$0x0], $0xffff  }
0xea: {  	v10 =	vadd.f32 v28, v10;
	v51 =	vmul.f32 v44, v11;
	v5 =	vadd.f32 v37, v5;
	v37 =	vld.idx.msk [tilespmem:v29+s2+$0x0], $0xffff  }
0xeb: {  	v6 =	vsel vm3, $0x3113, v60;
	v26 =	vor.u32 $0x14, v56;
	v0 =	vadd.f32 v15, v0;
	v49 =	vld.idx.msk [tilespmem:v9+s2+$0x0], $0xffff  }
0xec: {  	v1 =	vadd.f32 v25, v1;
	v15 =	vmax.f32 v24, $0.0e+00;
	v3 =	vmul.f32 v48, v3;
	v25 =	vld.idx.msk [tilespmem:v55+s2+$0x0], $0xffff  }
0xed: {  	v60 =	vimm.s32 $0x3215;
	v6 =	vsel vm2, $0x3193, v6;
	[tilespmem:$0x1FA80] =	vst v15;
	v15 =	vmul.f32 v15, v11;
	v9 =	vld.idx.msk [tilespmem:v63+s2+$0x0], $0xffff  }
0xee: {  	[tilespmem:$0x1FA00] =	vst v48;
	v48 =	vmax.f32 v38, $0.0e+00;
	v38 =	vor.u32 $0x2014, v45;
	v0 =	vadd.f32 v3, v0;
	v3 =	vld.idx.msk [tilespmem:v59+s2+$0x0], $0xffff  }
0xef: {  	[tilespmem:$0x1F9C0] =	vst v34;
	v55 =	vor.u32 $0x1015, v45;
	v17 =	vmul.f32 v48, v11;
	v34 =	vmax.f32 v8, $0.0e+00;
	v8 =	vld.idx.msk [tilespmem:v33+s2+$0x0], $0xffff  }
0xf0: {  	v1 =	vadd.f32 v51, v1;
	v32 =	vmax.f32 v22, $0.0e+00;
	v59 =	vmax.f32 v46, $0.0e+00;
	v46 =	vld.idx.msk [tilespmem:v36+s2+$0x0], $0xffff  }
0xf1: {  	[tilespmem:$0x1FA60] =	vst v31;
	v2 =	vadd.f32 v15, v2;
	v31 =	vmax.f32 v62, $0.0e+00;
	v63 =	vld.idx.msk [tilespmem:v50+s2+$0x0], $0xffff;
	v12 =	vmul.f32 v34, v42  }
0xf2: {  	[tilespmem:$0x1F9F0] =	vst v47;
	v42 =	vor.u32 $0x813, v45;
	v10 =	vadd.f32 v17, v10;
	v21 =	vmul.f32 v59, v11;
	v6 =	vld.idx.msk [tilespmem:v6+s2+$0x0], $0xffff  }
0xf3: {  	[tilespmem:$0x1FAC0] =	vst v48;
	v47 =	vmax.f32 v35, $0.0e+00;
	v35 =	vld.idx.msk [tilespmem:v26+s20+$0x0], $0xffff;
	v48 =	vmax.f32 v37, $0.0e+00;
	v37 =	vor.u32 $0x16, v45  }
0xf4: {  	[tilespmem:$0x1F520] =	vst v18;
	v0 =	vadd.f32 v12, v0;
	v52 =	vmul.f32 v47, v11;
	v12 =	vld.idx.msk [tilespmem:v43+s20+$0x0], $0xffff;
	v61 =	vmax.f32 v49, $0.0e+00  }
0xf5: {  	[tilespmem:$0x1FA70] =	vst v34;
	v5 =	vadd.f32 v21, v5;
	v34 =	vmax.f32 v25, $0.0e+00;
	v25 =	vld.idx.msk [tilespmem:v55+s2+$0x0], $0xffff;
	v55 =	vor.u32 $0x2016, v45  }
0xf6: {  	[tilespmem:$0x1FA10] =	vst v54;
	v39 =	vmax.f32 v3, $0.0e+00;
	v3 =	vld.idx.msk [tilespmem:v40+s2+$0x0], $0xffff;
	v7 =	vadd.f32 v52, v7;
	v40 =	vor.u32 $0x2814, v45  }
0xf7: {  	v49 =	vld.idx.msk [tilespmem:v38+s2+$0x0], $0xffff;
	[tilespmem:$0x1FAE0] =	vst v61;
	v58 =	vmax.f32 v8, $0.0e+00;
	v41 =	vmul.f32 v39, v11;
	v11 =	vmul.f32 v61, v11  }
0xf8: {  	[tilespmem:$0x1FA90] =	vst v39;
	v54 =	vld.idx.msk [tilespmem:v42+s2+$0x0], $0xffff;
	v39 =	vimm.s32 $0x3214;
	v42 =	vmax.f32 v9, $0.0e+00;
	v61 =	vmax.f32 v46, $0.0e+00  }
0xf9: {  	[tilespmem:$0x1FAA0] =	vst v44;
	v46 =	vor.u32 $0x1816, v45;
	v18 =	vsel vm0, $0x3014, v39;
	v44 =	vmax.f32 v6, $0.0e+00  }
0xfa: {  	v26 =	vmul.f32 v58, v35;
	v4 =	vadd.f32 v41, v4;
	v13 =	vmul.f32 v31, v12  }
0xfb: {  	[tilespmem:$0x1FA50] =	vst v19;
	v0 =	vadd.f32 v11, v0;
	v16 =	vmul.f32 v32, v12;
	v19 =	vmul.f32 v34, v12  }
0xfc: {  	[tilespmem:$0x1FAB0] =	vst v47;
	v41 =	vsel vm1, $0x3094, v18;
	v47 =	vmul.f32 v42, v12;
	v62 =	vmax.f32 v49, $0.0e+00  }
0xfd: {  	[tilespmem:$0x1FB20] =	vst v32;
	v11 =	vld.idx.msk [tilespmem:v30+s2+$0x0], $0xffff;
	v30 =	vor.u32 $0x2815, v45;
	v32 =	vmax.f32 v63, $0.0e+00;
	v63 =	vor.u32 $0x17, v45  }
0xfe: {  	v43 =	vsel vm3, $0x3114, v41;
	v29 =	vmul.f32 v62, v35;
	v41 =	vor.u32 $0x816, v45  }
0xff: {  	v23 =	vmax.f32 v3, $0.0e+00;
	v1 =	vadd.f32 v13, v1;
	v7 =	vadd.f32 v16, v7  }
0x100: {  	v10 =	vadd.f32 v19, v10;
	v9 =	vsel vm2, $0x3194, v43;
	v16 =	vmul.f32 v48, v35  }
0x101: {  	[tilespmem:$0x1FB60] =	vst v48;
	v5 =	vadd.f32 v47, v5;
	v47 =	vor.u32 $0x16, v56;
	v24 =	vmax.f32 v54, $0.0e+00  }
0x102: {  	v52 =	vld.idx.msk [tilespmem:v40+s2+$0x0], $0xffff;
	v48 =	vimm.s32 $0x3216;
	[tilespmem:$0x1FAF0] =	vst v23;
	v27 =	vmul.f32 v23, v12;
	v28 =	vmul.f32 v24, v12  }
0x103: {  	v23 =	vld.idx.msk [tilespmem:v53+s2+$0x0], $0xffff;
	[tilespmem:$0x1FB00] =	vst v24;
	v12 =	vmul.f32 v44, v12;
	v24 =	vor.u32 $0x1815, v45;
	v1 =	vadd.f32 v26, v1  }
0x104: {  	[tilespmem:$0x1FB50] =	vst v44;
	v14 =	vld.idx.msk [tilespmem:v46+s2+$0x0], $0xffff;
	v10 =	vadd.f32 v29, v10;
	v44 =	vor.u32 $0x1016, v45;
	v29 =	vor.u32 $0x817, v45  }
0x105: {  	[tilespmem:$0x1F5A0] =	vst v20;
	v2 =	vadd.f32 v27, v2;
	v51 =	vmax.f32 v11, $0.0e+00;
	v27 =	vor.u32 $0x2015, v45;
	v38 =	vld.idx.msk [tilespmem:v30+s2+$0x0], $0xffff  }
0x106: {  	v4 =	vadd.f32 v28, v4;
	v54 =	vmul.f32 v51, v35;
	v0 =	vadd.f32 v12, v0;
	v12 =	vld.idx.msk [tilespmem:v57+s20+$0x0], $0xffff  }
0x107: {  	[tilespmem:$0x1FB70] =	vst v51;
	v28 =	vmul.f32 v61, v35;
	v51 =	vld.idx.msk [tilespmem:v37+s2+$0x0], $0xffff;
	v37 =	vor.u32 $0x1817, v45;
	v2 =	vadd.f32 v16, v2  }
0x108: {  	[tilespmem:$0x1FAD0] =	vst v59;
	v59 =	vld.idx.msk [tilespmem:v9+s2+$0x0], $0xffff;
	v9 =	vsel vm0, $0x3015, v60;
	v20 =	vmax.f32 v52, $0.0e+00;
	v52 =	vsel vm0, $0x3016, v48  }
0x109: {  	[tilespmem:$0x1FB10] =	vst v31;
	v4 =	vadd.f32 v54, v4;
	v9 =	vsel vm1, $0x3095, v9;
	v31 =	vmul.f32 v20, v35  }
0x10a: {  	[tilespmem:$0x1FB30] =	vst v34;
	v7 =	vadd.f32 v28, v7;
	v34 =	vmax.f32 v23, $0.0e+00;
	v54 =	vld.idx.msk [tilespmem:v41+s2+$0x0], $0xffff;
	v9 =	vsel vm3, $0x3115, v9  }
0x10b: {  	v41 =	vimm.s32 $0x3217;
	v11 =	vld.idx.msk [tilespmem:v29+s2+$0x0], $0xffff;
	v29 =	vor.u32 $0x1818, v45;
	v9 =	vsel vm2, $0x3195, v9  }
0x10c: {  	[tilespmem:$0x1FB80] =	vst v58;
	v5 =	vadd.f32 v31, v5;
	v53 =	vmax.f32 v38, $0.0e+00;
	v39 =	vmul.f32 v32, v12  }
0x10d: {  	[tilespmem:$0x1FBA0] =	vst v62;
	v33 =	vld.idx.msk [tilespmem:v24+s2+$0x0], $0xffff;
	v31 =	vmax.f32 v14, $0.0e+00;
	v40 =	vmul.f32 v34, v12;
	v62 =	vmul.f32 v53, v12  }
0x10e: {  	v58 =	vld.idx.msk [tilespmem:v44+s2+$0x0], $0xffff;
	[tilespmem:$0x1FC20] =	vst v53;
	v26 =	vmax.f32 v51, $0.0e+00;
	v53 =	vor.u32 $0x18, v56;
	v8 =	vmax.f32 v59, $0.0e+00  }
0x10f: {  	[tilespmem:$0x1FBE0] =	vst v34;
	v34 =	vld.idx.msk [tilespmem:v63+s2+$0x0], $0xffff;
	v63 =	vor.u32 $0x818, v45;
	v59 =	vor.u32 $0x2816, v45;
	v3 =	vmul.f32 v8, v35  }
0x110: {  	v36 =	vld.idx.msk [tilespmem:v27+s2+$0x0], $0xffff;
	v35 =	vmax.f32 v25, $0.0e+00;
	v2 =	vadd.f32 v39, v2;
	v4 =	vadd.f32 v40, v4  }
0x111: {  	s23 =	sor.u32 $0x10, s22;
	[tilespmem:$0x1FBC0] =	vst v8;
	v8 =	vsel vm1, $0x3096, v52;
	v5 =	vadd.f32 v62, v5;
	v25 =	vor.u32 $0x17, v56  }
0x112: {  	v27 =	vmax.f32 v54, $0.0e+00;
	v39 =	vor.u32 $0x2017, v45;
	v52 =	vmov s23  }
0x113: {  	v43 =	vmul.f32 v35, v12;
	v49 =	vmax.f32 v33, $0.0e+00;
	v8 =	vsel vm3, $0x3116, v8;
	v19 =	vld.idx.msk [tilespmem:v29+s2+$0x0], $0xffff  }
0x114: {  	[tilespmem:$0x1FB40] =	vst v42;
	v30 =	vmax.f32 v58, $0.0e+00;
	v33 =	vor.u32 $0x1017, v45;
	v54 =	vmax.f32 v11, $0.0e+00;
	v42 =	vld.idx.msk [tilespmem:v9+s2+$0x0], $0xffff  }
0x115: {  	v29 =	vor.u32 $0x19, v56;
	v0 =	vadd.f32 v3, v0;
	v50 =	vmax.f32 v36, $0.0e+00;
	v9 =	vld.idx.msk [tilespmem:v47+s20+$0x0], $0xffff  }
0x116: {  	v8 =	vsel vm2, $0x3196, v8;
	v60 =	vmul.f32 v49, v12;
	v47 =	vld.idx.msk [tilespmem:v37+s2+$0x0], $0xffff;
	v37 =	vimm.s32 $0x3218  }
0x117: {  	[tilespmem:$0x1FB90] =	vst v61;
	v24 =	vld.idx.msk [tilespmem:v55+s2+$0x0], $0xffff;
	v1 =	vadd.f32 v43, v1;
	v61 =	vmul.f32 v50, v12;
	v46 =	vmax.f32 v34, $0.0e+00  }
0x118: {  	[tilespmem:$0x1FC10] =	vst v50;
	v50 =	vor.u32 $0x2817, v45;
	v3 =	vsel vm0, $0x3018, v37;
	v7 =	vadd.f32 v60, v7;
	v28 =	vld.idx.msk [tilespmem:v59+s2+$0x0], $0xffff  }
0x119: {  	v60 =	vor.u32 $0x18, v45;
	v59 =	vor.u32 $0x819, v45;
	v10 =	vadd.f32 v61, v10;
	v13 =	vld.idx.msk [tilespmem:v25+s20+$0x0], $0xffff  }
0x11a: {  	[tilespmem:$0x1FBF0] =	vst v35;
	v48 =	vld.idx.msk [tilespmem:v39+s2+$0x0], $0xffff;
	v39 =	vor.u32 $0x2818, v45;
	v35 =	vmul.f32 v26, v9;
	v36 =	vmul.f32 v27, v9  }
0x11b: {  	[tilespmem:$0x1FBD0] =	vst v32;
	v57 =	vmax.f32 v42, $0.0e+00;
	v32 =	vld.idx.msk [tilespmem:v8+s2+$0x0], $0xffff;
	v18 =	vmul.f32 v30, v9;
	v38 =	vmul.f32 v31, v9  }
0x11c: {  	[tilespmem:$0x1FC40] =	vst v26;
	v61 =	vmax.f32 v47, $0.0e+00;
	v26 =	vor.u32 $0x1018, v45;
	v8 =	vld.idx.msk [tilespmem:v63+s2+$0x0], $0xffff;
	v63 =	vor.u32 $0x1A, v56  }
0x11d: {  	v43 =	vld.idx.msk [tilespmem:v33+s2+$0x0], $0xffff;
	v12 =	vmul.f32 v57, v12;
	v2 =	vadd.f32 v35, v2;
	v40 =	vadd.f32 v36, v4  }
0x11e: {  	v62 =	vld.idx.msk [tilespmem:v50+s2+$0x0], $0xffff;
	v50 =	vor.u32 $0x19, v45;
	v1 =	vadd.f32 v18, v1;
	v7 =	vadd.f32 v38, v7  }
0x11f: {  	v4 =	vsel vm0, $0x3017, v41;
	v42 =	vmax.f32 v28, $0.0e+00;
	v36 =	vor.u32 $0x2018, v45  }
0x120: {  	[tilespmem:$0x1FBB0] =	vst v20;
	v0 =	vadd.f32 v12, v0;
	v12 =	vmax.f32 v24, $0.0e+00;
	v4 =	vsel vm1, $0x3097, v4  }
0x121: {  	[tilespmem:$0x1FC00] =	vst v49;
	v49 =	vmul.f32 v42, v9;
	v51 =	vmul.f32 v46, v13;
	v20 =	vmax.f32 v48, $0.0e+00  }
0x122: {  	v25 =	vmul.f32 v54, v13;
	v28 =	vmul.f32 v61, v13;
	[tilespmem:$0x1FC80] =	vst v12;
	v4 =	vsel vm3, $0x3117, v4  }
0x123: {  	v12 =	vmul.f32 v12, v9;
	v55 =	vmax.f32 v43, $0.0e+00;
	[tilespmem:$0x1FCF0] =	vst v20;
	v20 =	vmul.f32 v20, v13  }
0x124: {  	[tilespmem:$0x1FC50] =	vst v27;
	v16 =	vld.idx.msk [tilespmem:v53+s20+$0x0], $0xffff;
	v44 =	vmax.f32 v32, $0.0e+00;
	v4 =	vsel vm2, $0x3197, v4;
	v5 =	vadd.f32 v49, v5  }
0x125: {  	v22 =	vld.idx.msk [tilespmem:v29+s20+$0x0], $0xffff;
	v14 =	vadd.f32 v51, v2;
	v27 =	vmul.f32 v55, v13;
	v15 =	vadd.f32 v25, v40  }
0x126: {  	[tilespmem:$0x1FC70] =	vst v31;
	v6 =	vld.idx.msk [tilespmem:v60+s2+$0x0], $0xffff;
	v40 =	vsel vm1, $0x3098, v3;
	v47 =	vmax.f32 v8, $0.0e+00;
	v51 =	vmax.f32 v19, $0.0e+00  }
0x127: {  	[tilespmem:$0x1FC30] =	vst v57;
	v35 =	vld.idx.msk [tilespmem:v26+s2+$0x0], $0xffff;
	v26 =	vimm.s32 $0x3219;
	v9 =	vmul.f32 v44, v9;
	v10 =	vadd.f32 v12, v10  }
0x128: {  	v57 =	vld.idx.msk [tilespmem:v52+s8+$0x0], $0xffff;
	[tilespmem:$0x1FC90] =	vst v42;
	v12 =	vadd.f32 v28, v7;
	v32 =	vmax.f32 v62, $0.0e+00;
	v42 =	vsel vm3, $0x3118, v40  }
0x129: {  	[tilespmem:$0x1FC60] =	vst v30;
	v37 =	vld.idx.msk [tilespmem:v59+s2+$0x0], $0xffff;
	v28 =	vor.u32 $0x1019, v45;
	v9 =	vadd.f32 v9, v0;
	v0 =	vshll.u32 v52, $0x7  }
0x12a: {  	[tilespmem:$0x1FCB0] =	vst v46;
	v17 =	vld.idx.msk [tilespmem:v63+s20+$0x0], $0xffff;
	v1 =	vadd.f32 v27, v1;
	v38 =	vmul.f32 v32, v13;
	v30 =	vor.u32 $0x1, v0  }
0x12b: {  	[tilespmem:$0x1FCA0] =	vst v44;
	v44 =	vmax.f32 v6, $0.0e+00;
	v46 =	vsel vm2, $0x3198, v42;
	v49 =	vld.idx.msk [tilespmem:v36+s2+$0x0], $0xffff;
	v31 =	vor.u32 $0x2, v0  }
0x12c: {  	[tilespmem:$0x1FCC0] =	vst v54;
	v42 =	vsel vm0, $0x3019, v26;
	v10 =	vadd.f32 v20, v10;
	v52 =	vld.idx.msk [tilespmem:v39+s2+$0x0], $0xffff;
	v33 =	vor.u32 $0x3, v0  }
0x12d: {  	[tilespmem:$0x1FCD0] =	vst v55;
	v53 =	vmul.f32 v44, v16;
	v39 =	vor.u32 $0x1819, v45;
	v41 =	vor.u32 $0x4, v0;
	v24 =	vld.idx.msk [tilespmem:v4+s2+$0x0], $0xffff  }
0x12e: {  	[tilespmem:$0x1FD20] =	vst v44;
	v44 =	vsel vm1, $0x3099, v42;
	v20 =	vadd.f32 v38, v5;
	v43 =	vor.u32 $0x5, v0;
	v23 =	vld.idx.msk [tilespmem:v28+s2+$0x0], $0xffff  }
0x12f: {  	[tilespmem:$0x1FD00] =	vst v32;
	v5 =	vmul.f32 v47, v16;
	v32 =	vor.u32 $0x6, v0;
	v27 =	vor.u32 $0x8, v0;
	v54 =	vld.idx.msk [tilespmem:v30+s20+$0x0], $0xffff  }
0x130: {  	[tilespmem:$0x1FD30] =	vst v47;
	v47 =	vsel vm3, $0x3119, v44;
	v44 =	vor.u32 $0x181A, v45;
	v48 =	vmax.f32 v35, $0.0e+00;
	v55 =	vld.idx.msk [tilespmem:v31+s20+$0x0], $0xffff  }
0x131: {  	v8 =	vor.u32 $0xD, v0;
	v14 =	vadd.f32 v53, v14;
	v7 =	vmul.f32 v48, v16;
	v58 =	vld.idx.msk [tilespmem:v33+s20+$0x0], $0xffff  }
0x132: {  	v35 =	vor.u32 $0x7, v0;
	[tilespmem:$0x1FD40] =	vst v48;
	v15 =	vadd.f32 v5, v15;
	v48 =	vor.u32 $0x9, v0;
	v60 =	vld.idx.msk [tilespmem:v41+s20+$0x0], $0xffff  }
0x133: {  	[tilespmem:$0x1FCE0] =	vst v61;
	v28 =	vor.u32 $0x81A, v45;
	v1 =	vadd.f32 v7, v1;
	v36 =	vmax.f32 v52, $0.0e+00;
	v61 =	vld.idx.msk [tilespmem:v43+s20+$0x0], $0xffff  }
0x134: {  	v52 =	vmax.f32 v37, $0.0e+00;
	v30 =	vmul.f32 v51, v16;
	v31 =	vld.idx.msk [tilespmem:v46+s2+$0x0], $0xffff;
	v33 =	vmax.f32 v49, $0.0e+00  }
0x135: {  	v40 =	vmul.f32 v36, v16;
	v41 =	vor.u32 $0x2019, v45;
	v43 =	vor.u32 $0x2819, v45;
	v59 =	vld.idx.msk [tilespmem:v32+s20+$0x0], $0xffff  }
0x136: {  	[tilespmem:$0x1FD50] =	vst v51;
	v51 =	vsel vm2, $0x3199, v47;
	v32 =	vmul.f32 v52, v22;
	v63 =	vld.idx.msk [tilespmem:v44+s2+$0x0], $0xffff;
	v34 =	vmax.f32 v24, $0.0e+00  }
0x137: {  	v44 =	vor.u32 $0x101B, v45;
	v38 =	vmul.f32 v33, v16;
	[tilespmem:$0x1FD10] =	vst v34;
	v13 =	vmul.f32 v34, v13;
	v34 =	vld.idx.msk [tilespmem:v50+s2+$0x0], $0xffff  }
0x138: {  	[tilespmem:$0x1FD60] =	vst v33;
	v33 =	vor.u32 $0x1A, v45;
	v12 =	vadd.f32 v30, v12;
	v20 =	vadd.f32 v40, v20;
	v50 =	vld.idx.msk [tilespmem:v39+s2+$0x0], $0xffff  }
0x139: {  	v53 =	vmax.f32 v23, $0.0e+00;
	v15 =	vadd.f32 v32, v15;
	v18 =	vadd.f32 v38, v10;
	v10 =	vld.idx.msk [tilespmem:v35+s20+$0x0], $0xffff  }
0x13a: {  	v40 =	vor.u32 $0xB, v0;
	v35 =	vor.u32 $0x101A, v45;
	v9 =	vadd.f32 v13, v9;
	v13 =	vld.idx.msk [tilespmem:v48+s20+$0x0], $0xffff  }
0x13b: {  	[tilespmem:$0x1FD70] =	vst v36;
	v38 =	vor.u32 $0xA, v0;
	v48 =	vor.u32 $0x201A, v45;
	v62 =	vld.idx.msk [tilespmem:v41+s2+$0x0], $0xffff;
	v41 =	vimm.s32 $0x321A  }
0x13c: {  	[tilespmem:$0x1FDA0] =	vst v52;
	v46 =	vmax.f32 v31, $0.0e+00;
	v6 =	vld.idx.msk [tilespmem:v43+s2+$0x0], $0xffff;
	v31 =	vor.u32 $0x281A, v45;
	v23 =	vsel vm0, $0x301A, v41  }
0x13d: {  	[tilespmem:$0x1FDB0] =	vst v53;
	v37 =	vld.idx.msk [tilespmem:v51+s2+$0x0], $0xffff;
	v16 =	vmul.f32 v46, v16;
	v49 =	vmax.f32 v34, $0.0e+00;
	v23 =	vsel vm1, $0x309A, v23  }
0x13e: {  	v43 =	vld.idx.msk [tilespmem:v33+s2+$0x0], $0xffff;
	v41 =	vor.u32 $0x1B, v45;
	[tilespmem:$0x1FD90] =	vst v49;
	v7 =	vmul.f32 v49, v22;
	v49 =	vsel vm3, $0x311A, v23  }
0x13f: {  	[tilespmem:$0x1FD80] =	vst v46;
	v46 =	vld.idx.msk [tilespmem:v28+s2+$0x0], $0xffff;
	v34 =	vmul.f32 v53, v22;
	v36 =	vmax.f32 v50, $0.0e+00;
	v51 =	vsel vm2, $0x319A, v49  }
0x140: {  	v53 =	vor.u32 $0xC, v0;
	v16 =	vadd.f32 v16, v9;
	v9 =	vld.idx.msk [tilespmem:v27+s20+$0x0], $0xffff;
	[tilespmem:$0x1FDC0] =	vst v36;
	v39 =	vmax.f32 v62, $0.0e+00  }
0x141: {  	v47 =	vmul.f32 v36, v22;
	v30 =	vld.idx.msk [tilespmem:v35+s2+$0x0], $0xffff;
	v1 =	vadd.f32 v34, v1;
	v42 =	vmax.f32 v6, $0.0e+00;
	[tilespmem:$0x1FDD0] =	vst v39  }
0x142: {  	v36 =	vld.idx.msk [tilespmem:v48+s2+$0x0], $0xffff;
	v49 =	vor.u32 $0x1B, v56;
	v29 =	vadd.f32 v7, v14;
	v52 =	vmax.f32 v37, $0.0e+00;
	[tilespmem:$0x1FDE0] =	vst v42  }
0x143: {  	v27 =	vadd.f32 v47, v12;
	v47 =	vmax.f32 v63, $0.0e+00;
	v50 =	vmul.f32 v39, v22;
	[tilespmem:$0x1FDF0] =	vst v52;
	v39 =	vld.idx.msk [tilespmem:v31+s2+$0x0], $0xffff  }
0x144: {  	v37 =	vor.u32 $0xE, v0;
	v32 =	vmul.f32 v42, v22;
	v34 =	vmax.f32 v43, $0.0e+00;
	[tilespmem:$0x1FE30] =	vst v47;
	v42 =	vld.idx.msk [tilespmem:v51+s2+$0x0], $0xffff  }
0x145: {  	v14 =	vld.idx.msk [tilespmem:v40+s20+$0x0], $0xffff;
	v62 =	vmul.f32 v52, v22;
	v35 =	vmax.f32 v46, $0.0e+00;
	[tilespmem:$0x1FE00] =	vst v34;
	v40 =	vmul.f32 v34, v17  }
0x146: {  	v11 =	vld.idx.msk [tilespmem:v38+s20+$0x0], $0xffff;
	[tilespmem:$0x1FE10] =	vst v35;
	v43 =	vmul.f32 v35, v17;
	v34 =	vor.u32 $0x81B, v45;
	v38 =	vmax.f32 v30, $0.0e+00  }
0x147: {  	v46 =	vor.u32 $0x181B, v45;
	v12 =	vld.idx.msk [tilespmem:v53+s20+$0x0], $0xffff;
	v23 =	vadd.f32 v50, v18;
	[tilespmem:$0x1FE20] =	vst v38;
	v48 =	vmax.f32 v36, $0.0e+00  }
0x148: {  	v28 =	vadd.f32 v40, v29;
	v29 =	vadd.f32 v43, v15;
	v15 =	vld.idx.msk [tilespmem:v8+s20+$0x0], $0xffff;
	[tilespmem:$0x1FE40] =	vst v48;
	v50 =	vmax.f32 v39, $0.0e+00  }
0x149: {  	v19 =	vadd.f32 v32, v20;
	v20 =	vadd.f32 v62, v16;
	v51 =	vld.idx.msk [tilespmem:v41+s2+$0x0], $0xffff;
	[tilespmem:$0x1FE50] =	vst v50;
	v62 =	vmax.f32 v42, $0.0e+00  }
0x14a: {  	v52 =	vor.u32 $0xF, v0;
	v53 =	vimm.s32 $0x321B;
	v18 =	vld.idx.msk [tilespmem:v37+s20+$0x0], $0xffff;
	[tilespmem:$0x1FE60] =	vst v62  }
0x14b: {  	v7 =	vor.u32 $0x10, v0;
	v26 =	vsel vm0, $0x301B, v53;
	v36 =	vor.u32 $0x201B, v45;
	v63 =	vld.idx.msk [tilespmem:v34+s2+$0x0], $0xffff  }
0x14c: {  	v33 =	vmul.f32 v38, v17;
	v40 =	vsel vm1, $0x309B, v26;
	v41 =	vor.u32 $0x11, v0;
	v8 =	vld.idx.msk [tilespmem:v44+s2+$0x0], $0xffff  }
0x14d: {  	v38 =	vor.u32 $0x281B, v45;
	v37 =	vsel vm3, $0x311B, v40;
	v35 =	vmul.f32 v50, v17;
	v43 =	vld.idx.msk [tilespmem:v46+s2+$0x0], $0xffff  }
0x14e: {  	v1 =	vadd.f32 v33, v1;
	v42 =	vmul.f32 v47, v17;
	v47 =	vor.u32 $0x1C, v45;
	v21 =	vld.idx.msk [tilespmem:v49+s20+$0x0], $0xffff  }
0x14f: {  	v50 =	vor.u32 $0x12, v0;
	v33 =	vadd.f32 v35, v19;
	v44 =	vmul.f32 v48, v17;
	v16 =	vld.idx.msk [tilespmem:v52+s20+$0x0], $0xffff  }
0x150: {  	v17 =	vmul.f32 v62, v17;
	v27 =	vadd.f32 v42, v27;
	v46 =	vsel vm2, $0x319B, v37;
	v53 =	vld.idx.msk [tilespmem:v36+s2+$0x0], $0xffff  }
0x151: {  	v19 =	vld.idx.msk [tilespmem:v7+s20+$0x0], $0xffff;
	v48 =	vmax.f32 v51, $0.0e+00;
	v62 =	vor.u32 $0x1C, v56;
	v42 =	vor.u32 $0x101C, v45  }
0x152: {  	v22 =	vld.idx.msk [tilespmem:v41+s20+$0x0], $0xffff;
	v37 =	vor.u32 $0x1D, v45;
	v23 =	vadd.f32 v44, v23;
	v35 =	vadd.f32 v17, v20  }
0x153: {  	v44 =	vor.u32 $0x201C, v45;
	v17 =	vld.idx.msk [tilespmem:v47+s2+$0x0], $0xffff;
	v47 =	vor.u32 $0x13, v0;
	v49 =	vmax.f32 v63, $0.0e+00  }
0x154: {  	v20 =	vld.idx.msk [tilespmem:v50+s20+$0x0], $0xffff;
	v51 =	vmax.f32 v8, $0.0e+00;
	v52 =	vmax.f32 v43, $0.0e+00;
	v6 =	vmul.f32 v48, v21  }
0x155: {  	v8 =	vor.u32 $0x81C, v45;
	v25 =	vld.idx.msk [tilespmem:v46+s2+$0x0], $0xffff;
	v43 =	vor.u32 $0x181C, v45;
	v46 =	vmax.f32 v53, $0.0e+00  }
0x156: {  	[tilespmem:$0x1FE70] =	vst v48;
	v36 =	vld.idx.msk [tilespmem:v62+s20+$0x0], $0xffff;
	v48 =	vimm.s32 $0x321C;
	v62 =	vor.u32 $0x15, v0;
	v7 =	vmul.f32 v49, v21  }
0x157: {  	v63 =	vld.idx.msk [tilespmem:v38+s2+$0x0], $0xffff;
	v40 =	vmul.f32 v51, v21;
	v41 =	vmul.f32 v52, v21;
	v26 =	vsel vm0, $0x301C, v48  }
0x158: {  	v53 =	vld.idx.msk [tilespmem:v42+s2+$0x0], $0xffff;
	[tilespmem:$0x1FE90] =	vst v51;
	v51 =	vor.u32 $0x14, v0;
	v39 =	vmul.f32 v46, v21;
	v28 =	vadd.f32 v6, v28  }
0x159: {  	v26 =	vsel vm1, $0x309C, v26;
	v29 =	vadd.f32 v7, v29;
	v32 =	vadd.f32 v41, v27;
	v27 =	vld.idx.msk [tilespmem:v44+s2+$0x0], $0xffff  }
0x15a: {  	v1 =	vadd.f32 v40, v1;
	v26 =	vsel vm3, $0x311C, v26;
	v7 =	vor.u32 $0x16, v0;
	v50 =	vld.idx.msk [tilespmem:v8+s2+$0x0], $0xffff  }
0x15b: {  	[tilespmem:$0x1FE80] =	vst v49;
	v41 =	vor.u32 $0x281C, v45;
	v23 =	vadd.f32 v39, v23;
	v42 =	vsel vm2, $0x319C, v26;
	v31 =	vld.idx.msk [tilespmem:v43+s2+$0x0], $0xffff  }
0x15c: {  	[tilespmem:$0x1FEA0] =	vst v52;
	v49 =	vmax.f32 v63, $0.0e+00;
	v52 =	vmax.f32 v25, $0.0e+00;
	v63 =	vmax.f32 v17, $0.0e+00;
	v17 =	vld.idx.msk [tilespmem:v47+s20+$0x0], $0xffff  }
0x15d: {  	v47 =	vor.u32 $0x17, v0;
	v24 =	vld.idx.msk [tilespmem:v62+s20+$0x0], $0xffff;
	v40 =	vmul.f32 v49, v21;
	v8 =	vmul.f32 v52, v21  }
0x15e: {  	[tilespmem:$0x1FEB0] =	vst v46;
	v62 =	vor.u32 $0x1D, v56;
	v43 =	vor.u32 $0x181D, v45;
	v46 =	vmul.f32 v63, v36;
	v21 =	vld.idx.msk [tilespmem:v51+s20+$0x0], $0xffff  }
0x15f: {  	[tilespmem:$0x1FEC0] =	vst v49;
	v49 =	vmax.f32 v53, $0.0e+00;
	v33 =	vadd.f32 v40, v33;
	v35 =	vadd.f32 v8, v35;
	v26 =	vld.idx.msk [tilespmem:v7+s20+$0x0], $0xffff  }
0x160: {  	[tilespmem:$0x1FED0] =	vst v52;
	v28 =	vadd.f32 v46, v28;
	v52 =	vmax.f32 v27, $0.0e+00;
	v53 =	vld.idx.msk [tilespmem:v41+s2+$0x0], $0xffff;
	v7 =	vmul.f32 v49, v36  }
0x161: {  	[tilespmem:$0x1FEE0] =	vst v63;
	v8 =	vor.u32 $0x101D, v45;
	v63 =	vld.idx.msk [tilespmem:v42+s2+$0x0], $0xffff;
	v48 =	vmax.f32 v50, $0.0e+00;
	v50 =	vor.u32 $0x81D, v45  }
0x162: {  	v41 =	vor.u32 $0x1E, v45;
	v51 =	vmax.f32 v31, $0.0e+00;
	v27 =	vld.idx.msk [tilespmem:v47+s20+$0x0], $0xffff;
	v47 =	vmul.f32 v52, v36  }
0x163: {  	v37 =	vld.idx.msk [tilespmem:v37+s2+$0x0], $0xffff;
	[tilespmem:$0x1FF20] =	vst v52;
	v1 =	vadd.f32 v7, v1;
	v52 =	vor.u32 $0x18, v0;
	v6 =	vmul.f32 v48, v36  }
0x164: {  	v42 =	vld.idx.msk [tilespmem:v43+s2+$0x0], $0xffff;
	v43 =	vor.u32 $0x1A, v0;
	[tilespmem:$0x1FEF0] =	vst v48;
	v46 =	vmul.f32 v51, v36;
	v48 =	vor.u32 $0x201D, v45  }
0x165: {  	v31 =	vld.idx.msk [tilespmem:v62+s20+$0x0], $0xffff;
	[tilespmem:$0x1FF10] =	vst v51;
	v40 =	vadd.f32 v47, v23;
	v29 =	vadd.f32 v6, v29;
	v51 =	vmax.f32 v53, $0.0e+00  }
0x166: {  	[tilespmem:$0x1FF00] =	vst v49;
	v53 =	vimm.s32 $0x321D;
	v62 =	vmax.f32 v63, $0.0e+00;
	v63 =	vor.u32 $0x19, v0;
	v49 =	vld.idx.msk [tilespmem:v50+s2+$0x0], $0xffff  }
0x167: {  	v34 =	vadd.f32 v46, v32;
	v38 =	vld.idx.msk [tilespmem:v8+s2+$0x0], $0xffff;
	v32 =	vsel vm0, $0x301D, v53;
	v50 =	vor.u32 $0x281D, v45  }
0x168: {  	v46 =	vor.u32 $0x1B, v0;
	v32 =	vsel vm1, $0x309D, v32;
	v23 =	vld.idx.msk [tilespmem:v52+s20+$0x0], $0xffff;
	v52 =	vor.u32 $0x1E, v56  }
0x169: {  	v6 =	vmax.f32 v37, $0.0e+00;
	v44 =	vmul.f32 v51, v36;
	v39 =	vld.idx.msk [tilespmem:v48+s2+$0x0], $0xffff;
	v32 =	vsel vm3, $0x311D, v32  }
0x16a: {  	[tilespmem:$0x1FF50] =	vst v62;
	v36 =	vmul.f32 v62, v36;
	v62 =	vmul.f32 v6, v31;
	v32 =	vsel vm2, $0x319D, v32  }
0x16b: {  	v44 =	vadd.f32 v44, v33;
	v25 =	vld.idx.msk [tilespmem:v63+s20+$0x0], $0xffff;
	v63 =	vor.u32 $0x1D, v0;
	v7 =	vmax.f32 v49, $0.0e+00  }
0x16c: {  	v35 =	vadd.f32 v36, v35;
	v8 =	vld.idx.msk [tilespmem:v50+s2+$0x0], $0xffff;
	v49 =	vmax.f32 v42, $0.0e+00;
	v48 =	vmul.f32 v7, v31  }
0x16d: {  	v50 =	vadd.f32 v62, v28;
	v36 =	vld.idx.msk [tilespmem:v52+s20+$0x0], $0xffff;
	v52 =	vor.u32 $0x101F, v45;
	[tilespmem:$0x1FF70] =	vst v7;
	v7 =	vmul.f32 v49, v31  }
0x16e: {  	v41 =	vld.idx.msk [tilespmem:v41+s2+$0x0], $0xffff;
	[tilespmem:$0x1FF40] =	vst v51;
	v51 =	vmax.f32 v39, $0.0e+00;
	v53 =	vadd.f32 v48, v29;
	v48 =	vmax.f32 v38, $0.0e+00  }
0x16f: {  	v37 =	vld.idx.msk [tilespmem:v32+s2+$0x0], $0xffff;
	v38 =	vor.u32 $0x81E, v45;
	v29 =	vor.u32 $0x101E, v45;
	v34 =	vadd.f32 v7, v34  }
0x170: {  	[tilespmem:$0x1FF60] =	vst v6;
	v7 =	vimm.s32 $0x321E;
	v6 =	vmul.f32 v48, v31;
	v33 =	vld.idx.msk [tilespmem:v63+s20+$0x0], $0xffff;
	v63 =	vmul.f32 v51, v31  }
0x171: {  	v30 =	vld.idx.msk [tilespmem:v46+s20+$0x0], $0xffff;
	v39 =	vsel vm0, $0x301E, v7;
	v62 =	vmax.f32 v8, $0.0e+00;
	v8 =	vor.u32 $0x181E, v45  }
0x172: {  	v28 =	vld.idx.msk [tilespmem:v43+s20+$0x0], $0xffff;
	[tilespmem:$0x1FF90] =	vst v49;
	v39 =	vsel vm1, $0x309E, v39;
	v3 =	vadd.f32 v6, v1;
	v6 =	vor.u32 $0x201E, v45  }
0x173: {  	v52 =	vld.idx.msk [tilespmem:v52+s2+$0x0], $0xffff;
	[tilespmem:$0x1FFB0] =	vst v62;
	v49 =	vmul.f32 v62, v31;
	v62 =	vor.u32 $0x281E, v45;
	v39 =	vsel vm3, $0x311E, v39  }
0x174: {  	v40 =	vadd.f32 v63, v40;
	v39 =	vsel vm2, $0x319E, v39;
	v38 =	vld.idx.msk [tilespmem:v38+s2+$0x0], $0xffff  }
0x175: {  	v63 =	vmax.f32 v37, $0.0e+00;
	v43 =	vadd.f32 v49, v44;
	v2 =	vld.idx.msk [tilespmem:v29+s2+$0x0], $0xffff;
	v49 =	vor.u32 $0x1F, v45  }
0x176: {  	[tilespmem:$0x1FFA0] =	vst v51;
	v51 =	vimm.s32 $0x321F;
	v31 =	vmul.f32 v63, v31;
	v46 =	vld.idx.msk [tilespmem:v8+s2+$0x0], $0xffff;
	v8 =	vor.u32 $0x81F, v45  }
0x177: {  	[tilespmem:$0x1FF80] =	vst v48;
	v48 =	vor.u32 $0x1F, v56;
	v51 =	vsel vm0, $0x301F, v51;
	v42 =	vld.idx.msk [tilespmem:v6+s2+$0x0], $0xffff  }
0x178: {  	v56 =	vsel vm1, $0x309F, v51;
	v35 =	vadd.f32 v31, v35;
	v31 =	vld.idx.msk [tilespmem:v62+s2+$0x0], $0xffff  }
0x179: {  	v47 =	vor.u32 $0x1C, v0;
	v1 =	vor.u32 $0x1E, v0;
	v44 =	vsel vm3, $0x311F, v56;
	v39 =	vld.idx.msk [tilespmem:v39+s2+$0x0], $0xffff  }
0x17a: {  	v56 =	vmax.f32 v41, $0.0e+00;
	v41 =	vor.u32 $0x181F, v45;
	v44 =	vsel vm2, $0x319F, v44;
	v37 =	vld.idx.msk [tilespmem:v49+s2+$0x0], $0xffff  }
0x17b: {  	v6 =	vmul.f32 v56, v36;
	v5 =	vmax.f32 v46, $0.0e+00;
	v46 =	vld.idx.msk [tilespmem:v8+s2+$0x0], $0xffff;
	v8 =	vor.u32 $0x201F, v45  }
0x17c: {  	[tilespmem:$0x1FFC0] =	vst v63;
	v62 =	vmax.f32 v38, $0.0e+00;
	v38 =	vld.idx.msk [tilespmem:v48+s20+$0x0], $0xffff;
	v63 =	vmax.f32 v2, $0.0e+00;
	v45 =	vor.u32 $0x281F, v45  }
0x17d: {  	v52 =	vmax.f32 v52, $0.0e+00;
	[tilespmem:$0x1FFD0] =	vst v62;
	v7 =	vmul.f32 v62, v36;
	v62 =	vmul.f32 v63, v36  }
0x17e: {  	v32 =	vld.idx.msk [tilespmem:v47+s20+$0x0], $0xffff;
	v50 =	vadd.f32 v6, v50;
	v2 =	vor.u32 $0x1F, v0;
	[tilespmem:$0x1FFE0] =	vst v63;
	v63 =	vmul.f32 v5, v36  }
0x17f: {  	v41 =	vld.idx.msk [tilespmem:v41+s2+$0x0], $0xffff;
	v4 =	vadd.f32 v7, v53;
	v3 =	vadd.f32 v62, v3;
	v51 =	vmax.f32 v42, $0.0e+00  }
0x180: {  	v7 =	vmul.f32 v51, v36;
	v29 =	vmax.f32 v39, $0.0e+00;
	v49 =	vmax.f32 v37, $0.0e+00;
	v37 =	vld.idx.msk [tilespmem:v8+s2+$0x0], $0xffff  }
0x181: {  	v34 =	vadd.f32 v63, v34;
	v63 =	vmax.f32 v31, $0.0e+00;
	v6 =	vmul.f32 v52, v38;
	v8 =	vld.idx.msk [tilespmem:v45+s2+$0x0], $0xffff  }
0x182: {  	v44 =	vld.idx.msk [tilespmem:v44+s2+$0x0], $0xffff;
	[tilespmem:$0x1FFF0] =	vst v5;
	v31 =	vmul.f32 v63, v36;
	v62 =	vmul.f32 v49, v38;
	v53 =	vmax.f32 v46, $0.0e+00  }
0x183: {  	v5 =	vld.idx.msk [tilespmem:v0+s20+$0x0], $0xffff;
	v36 =	vmul.f32 v29, v36;
	v46 =	vadd.f32 v7, v40;
	v0 =	vmul.f32 v53, v38  }
0x184: {  	v40 =	vmax.f32 v41, $0.0e+00;
	v43 =	vadd.f32 v31, v43;
	v45 =	vadd.f32 v62, v50;
	v50 =	vld.idx.msk [tilespmem:v1+s20+$0x0], $0xffff  }
0x185: {  	v62 =	vld [tilespmem:$0x3400];
	v7 =	vmul.f32 v40, v38;
	v0 =	vadd.f32 v0, v4;
	v48 =	vmax.f32 v37, $0.0e+00  }
0x186: {  	v31 =	vld.idx.msk [tilespmem:v2+s20+$0x0], $0xffff;
	v4 =	vadd.f32 v6, v3;
	[tilespmem:$0x4500] =	vst v45;
	v47 =	vmax.f32 v8, $0.0e+00;
	v8 =	vmul.f32 v48, v38  }
0x187: {  	v42 =	vmax.f32 v44, $0.0e+00;
	v34 =	vadd.f32 v7, v34;
	[tilespmem:$0x4510] =	vst v0;
	v44 =	vmul.f32 v47, v38  }
0x188: {  	v35 =	vadd.f32 v36, v35;
	[tilespmem:$0x4520] =	vst v4;
	v45 =	vadd.f32 v8, v46;
	v46 =	vmul.f32 v42, v38  }
0x189: {  	[tilespmem:$0x4530] =	vst v34;
	v0 =	vadd.f32 v44, v43  }
0x18a: {  	v4 =	vadd.f32 v46, v35;
	[tilespmem:$0x4540] =	vst v45  }
0x18b: {  	v41 =	vld [tilespmem:$0x3410];
	[tilespmem:$0x4550] =	vst v0  }
0x18c: {  	s24 =	simm.s32 $0x4500;
	[tilespmem:$0x4560] =	vst v4  }
0x18d: {  	v0 =	vld.idx.msk [tilespmem:v62+s24+$0x0], $0xffff;
	_ =	sdelay $0x3  }
0x18e: {  	v39 =	vld [tilespmem:$0x3420]  }
0x18f: {  	[tilespmem:$0x4580] =	vst v0  }
0x190: {  	v4 =	vld.idx.msk [tilespmem:v41+s24+$0x0], $0xffff;
	_ =	sdelay $0x3  }
0x191: {  	v38 =	vld [tilespmem:$0x3430]  }
0x192: {  	[tilespmem:$0x4590] =	vst v4  }
0x193: {  	v36 =	vld.idx.msk [tilespmem:v39+s24+$0x0], $0xffff;
	_ =	sdelay $0x1  }
0x194: {  	v7 =	vld [tilespmem:$0x3440];
	_ =	sdelay $0x2  }
0x195: {  	[tilespmem:$0x45A0] =	vst v36  }
0x196: {  	vm12 =	vmmov $0xf;
	v43 =	vld.idx.msk [tilespmem:v38+s24+$0x0], $0xffff  }
0x197: {  	vm4 =	vmmov $0x3ff;
	v37 =	vnsel vm12, $0x0, v7  }
0x198: {  	v34 =	vsel vm4, $0x0, v0  }
0x199: {  	v1 =	vadd.f32 v4, v34  }
0x19a: {  	v8 =	vnsel vm4, $0x0, v0;
	v2 =	vnsel vm12, $0x0, v36  }
0x19b: {  	(xrf2) =	vadd.scan.msk.f32 $0xffff, v8;
	v35 =	vadd.f32 v2, v1;
	[tilespmem:$0x45B0] =	vst v43  }
0x19c: {  	v44 =	vld.idx.msk [tilespmem:v37+s24+$0x0], $0xffff  }
0x19d: {  	(xrf2) =	vadd.scan.msk.f32 $0xffff, v35;
	_ =	sdelay $0x1  }
0x19e: {  	v3 =	vsel vm12, $0x0, v36  }
0x19f: {  	v6 =	vadd.f32 v43, v3  }
0x1a0: {  	v7 =	vnsel vm12, $0x0, v44  }
0x1a1: {  	v1 =	vnsel vm4, $0x0, v4;
	v8 =	vadd.f32 v7, v6  }
0x1a2: {  	v45 =	vimm.s32 $0xF;
	v34 =	vadd.f32 v1, v34  }
0x1a3: {  	(xrf2) =	vadd.scan.msk.f32 $0xffff, v8  }
0x1a4: {  	v2, _, _ =	vpop (xrf2);
	(xrf2) =	vadd.scan.msk.f32 $0xffff, v34  }
0x1a5: {  	[tilespmem:$0x4600] =	vst v2  }
0x1a6: {  	s25 =	simm.s32 $0x4600;
	[tilespmem:$0x45C0] =	vst v44;
	v3, _, _ =	vpop (xrf2)  }
0x1a7: {  	v34 =	vld.idx.msk [tilespmem:v45+s25+$0x0], $0xffff;
	[tilespmem:$0x4600] =	vst v3  }
0x1a8: {  	v6 =	vld.idx.msk [tilespmem:v45+s25+$0x0], $0xffff;
	_ =	sdelay $0x4  }
0x1a9: {  	[tilespmem:$0x1FF30] =	vst v6;
	v7, _, _ =	vpop (xrf2)  }
0x1aa: {  	[tilespmem:$0x4600] =	vst v7;
	v6, _, _ =	vpop (xrf2)  }
0x1ab: {  	v8 =	vld.idx.msk [tilespmem:v45+s25+$0x0], $0xffff;
	[tilespmem:$0x4600] =	vst v6  }
0x1ac: {  	v7 =	vld.idx.msk [tilespmem:v45+s25+$0x0], $0xffff;
	_ =	sdelay $0x3  }
0x1ad: {  	v35 =	vmul.f32 $1.000000010e-01, v34  }
0x1ae: {  	v34 =	vmul.f32 $3.125000000e-02, v8;
	v1 =	vmul.f32 $6.250000000e-02, v7  }
0x1af: {  	v8 =	vsub.f32 v0, v35  }
0x1b0: {  	v43 =	vsub.f32 v43, v34;
	v0 =	vsub.f32 v0, v1  }
0x1b1: {  	v1 =	vsub.f32 v4, v1;
	v4 =	vsub.f32 v36, v34;
	_ =	sdelay $0x1  }
0x1b2: {  	v44 =	vsub.f32 v44, v34;
	v43 =	vmul.f32 v43, v43;
	v4 =	vmul.f32 v4, v4  }
0x1b3: {  	v0 =	vmul.f32 v0, v0;
	v1 =	vmul.f32 v1, v1  }
0x1b4: {  	v8 =	vmul.f32 v8, v8;
	v44 =	vmul.f32 v44, v44;
	v4 =	vsel vm12, $0x0, v4  }
0x1b5: {  	v0 =	vsel vm4, $0x0, v0;
	v1 =	vnsel vm4, $0x0, v1;
	v46 =	vadd.f32 v4, v43  }
0x1b6: {  	v36 =	vnsel vm4, $0x0, v8;
	v2 =	vnsel vm12, $0x0, v44;
	v0 =	vadd.f32 v1, v0  }
0x1b7: {  	(xrf2) =	vadd.scan.msk.f32 $0xffff, v36;
	v6 =	vadd.f32 v46, v2  }
0x1b8: {  	(xrf2) =	vadd.scan.msk.f32 $0xffff, v0  }
0x1b9: {  	(xrf2) =	vadd.scan.msk.f32 $0xffff, v6;
	_ =	sdelay $0x7  }
0x1ba: {  	v7, _, _ =	vpop (xrf2)  }
0x1bb: {  	[tilespmem:$0x4600] =	vst v7;
	v8, _, _ =	vpop (xrf2)  }
0x1bc: {  	v0 =	vld.idx.msk [tilespmem:v45+s25+$0x0], $0xffff;
	[tilespmem:$0x4600] =	vst v8;
	v36, _, _ =	vpop (xrf2)  }
0x1bd: {  	v1 =	vld.idx.msk [tilespmem:v45+s25+$0x0], $0xffff;
	[tilespmem:$0x4600] =	vst v36  }
0x1be: {  	v4 =	vld.idx.msk [tilespmem:v45+s25+$0x0], $0xffff;
	_ =	sdelay $0x3  }
0x1bf: {  	vm13 =	vcmask $0x3F08;
	v43 =	vimm.f32 $3.225806360e-02  }
0x1c0: {  	vm14 =	vmmov $0x1;
	v44 =	vsel vm0, $0x3DE38E39, v43;
	v1 =	vsel vm13, v4, v1  }
0x1c1: {  	v36 =	vsel vm1, $0x3D888889, v44;
	v0 =	vsel vm14, v0, v1  }
0x1c2: {  	v8 =	vmul.f32 v36, v0;
	_ =	sdelay $0x1  }
0x1c3: {  	v46 =	vadd.f32 $1.000000000e+00, v8;
	_ =	sdelay $0x1  }
0x1c4: {  	v1 =	vmul.f32 $5.000000000e-01, v46;
	_ =	sdelay $0x1  }
0x1c5: {  	(erf) = vrcp.f32 v1;
	_ =	sdelay $0x8  }
0x1c6: {  	v0 =	vpop (erf)  }
0x1c7: {  	v4 =	vmul.f32 v0, v8;
	_ =	sdelay $0x1  }
0x1c8: {  	v1 =	vadd.f32 v4, v1;
	_ =	sdelay $0x1  }
0x1c9: {  	v1 =	vmul.f32 $5.000000000e-01, v1;
	_ =	sdelay $0x1  }
0x1ca: {  	(erf) = vrcp.f32 v1;
	_ =	sdelay $0x8  }
0x1cb: {  	v2 =	vpop (erf)  }
0x1cc: {  	v4 =	vmul.f32 v2, v8;
	_ =	sdelay $0x1  }
0x1cd: {  	v1 =	vadd.f32 v4, v1;
	_ =	sdelay $0x1  }
0x1ce: {  	v1 =	vmul.f32 $5.000000000e-01, v1;
	_ =	sdelay $0x1  }
0x1cf: {  	(erf) = vrcp.f32 v1;
	_ =	sdelay $0x8  }
0x1d0: {  	v43 =	vpop (erf)  }
0x1d1: {  	v4 =	vmul.f32 v43, v8;
	_ =	sdelay $0x1  }
0x1d2: {  	v1 =	vadd.f32 v4, v1;
	_ =	sdelay $0x1  }
0x1d3: {  	v1 =	vmul.f32 $5.000000000e-01, v1;
	_ =	sdelay $0x1  }
0x1d4: {  	(erf) = vrcp.f32 v1;
	_ =	sdelay $0x8  }
0x1d5: {  	v44 =	vpop (erf)  }
0x1d6: {  	v4 =	vmul.f32 v44, v8;
	_ =	sdelay $0x1  }
0x1d7: {  	v1 =	vadd.f32 v4, v1;
	_ =	sdelay $0x1  }
0x1d8: {  	v1 =	vmul.f32 $5.000000000e-01, v1;
	_ =	sdelay $0x1  }
0x1d9: {  	(erf) = vrcp.f32 v1;
	_ =	sdelay $0x8  }
0x1da: {  	v46 =	vpop (erf)  }
0x1db: {  	v4 =	vmul.f32 v46, v8;
	_ =	sdelay $0x1  }
0x1dc: {  	v1 =	vadd.f32 v4, v1;
	_ =	sdelay $0x1  }
0x1dd: {  	v1 =	vmul.f32 $5.000000000e-01, v1;
	_ =	sdelay $0x1  }
0x1de: {  	(erf) = vrcp.f32 v1;
	_ =	sdelay $0x8  }
0x1df: {  	v0 =	vpop (erf)  }
0x1e0: {  	v4 =	vmul.f32 v0, v8;
	_ =	sdelay $0x1  }
0x1e1: {  	v1 =	vadd.f32 v4, v1;
	_ =	sdelay $0x1  }
0x1e2: {  	v1 =	vmul.f32 $5.000000000e-01, v1;
	_ =	sdelay $0x1  }
0x1e3: {  	(erf) = vrcp.f32 v1;
	_ =	sdelay $0x5  }
0x1e4: {  	v43 =	vld [tilespmem:$0x1F2A0]  }
0x1e5: {  	v44 =	vld [tilespmem:$0x1F2B0]  }
0x1e6: {  	v46 =	vld [tilespmem:$0x1F2C0]  }
0x1e7: {  	v6 =	vld [tilespmem:$0x1F2D0];
	v2 =	vpop (erf)  }
0x1e8: {  	v7 =	vld [tilespmem:$0x1F2E0];
	v4 =	vmul.f32 v2, v8;
	_ =	sdelay $0x1  }
0x1e9: {  	v1 =	vadd.f32 v4, v1;
	v4 =	vmul.f32 v43, v5  }
0x1ea: {  	v43 =	vmul.f32 v44, v5;
	v44 =	vmul.f32 v46, v5  }
0x1eb: {  	v46 =	vmul.f32 v6, v5;
	v6 =	vld [tilespmem:$0x1F2F0];
	v3 =	vmul.f32 $5.000000000e-01, v1  }
0x1ec: {  	v0 =	vmul.f32 v7, v5;
	v7 =	vld [tilespmem:$0x1F300]  }
0x1ed: {  	(erf) = vrcp.f32 v3;
	_ =	sdelay $0x2  }
0x1ee: {  	v4 =	vadd.f32 v4, v57;
	v1 =	vmul.f32 v6, v5  }
0x1ef: {  	v43 =	vadd.f32 v43, v57;
	v44 =	vadd.f32 v44, v57;
	v5 =	vmul.f32 v7, v5  }
0x1f0: {  	v46 =	vadd.f32 v46, v57;
	v7 =	vadd.f32 v1, v57;
	v1 =	vld [tilespmem:$0x1F310]  }
0x1f1: {  	v6 =	vadd.f32 v0, v57;
	v5 =	vadd.f32 v5, v57;
	v57 =	vld [tilespmem:$0x1F320];
	_ =	sdelay $0x2  }
0x1f2: {  	v0 =	vpop (erf)  }
0x1f3: {  	v0 =	vmul.f32 v0, v8  }
0x1f4: {  	v1 =	vmul.f32 v1, v54;
	v57 =	vmul.f32 v57, v54  }
0x1f5: {  	v0 =	vadd.f32 v0, v3;
	v3 =	vld [tilespmem:$0x1F340]  }
0x1f6: {  	v1 =	vadd.f32 v1, v4;
	v4 =	vadd.f32 v57, v43;
	v57 =	vld [tilespmem:$0x1F350];
	_ =	sdelay $0x2  }
0x1f7: {  	v2 =	vld [tilespmem:$0x1F330]  }
0x1f8: {  	v3 =	vmul.f32 v3, v54  }
0x1f9: {  	v43 =	vmul.f32 v57, v54;
	v57 =	vld [tilespmem:$0x1F360]  }
0x1fa: {  	v3 =	vadd.f32 v3, v46;
	v46 =	vld [tilespmem:$0x1F370];
	_ =	sdelay $0x1  }
0x1fb: {  	v2 =	vmul.f32 v2, v54;
	_ =	sdelay $0x1  }
0x1fc: {  	v2 =	vadd.f32 v2, v44;
	v44 =	vmul.f32 v57, v54;
	v57 =	vld [tilespmem:$0x1F390]  }
0x1fd: {  	v6 =	vadd.f32 v43, v6;
	v43 =	vmul.f32 v46, v54;
	v54 =	vld [tilespmem:$0x1F380];
	_ =	sdelay $0x4  }
0x1fe: {  	v7 =	vadd.f32 v44, v7;
	v44 =	vmul.f32 v57, v55;
	v57 =	vld [tilespmem:$0x1F3C0];
	v46 =	vmul.f32 v54, v55  }
0x1ff: {  	v54 =	vld [tilespmem:$0x1F3B0]  }
0x200: {  	v1 =	vadd.f32 v46, v1;
	v46 =	vld [tilespmem:$0x1F3A0];
	_ =	sdelay $0x3  }
0x201: {  	v4 =	vadd.f32 v44, v4;
	v44 =	vmul.f32 v54, v55;
	v54 =	vld [tilespmem:$0x1F3D0]  }
0x202: {  	v5 =	vadd.f32 v43, v5;
	v43 =	vmul.f32 v46, v55;
	v46 =	vmul.f32 v57, v55;
	v57 =	vld [tilespmem:$0x1F3E0];
	_ =	sdelay $0x4  }
0x203: {  	v2 =	vadd.f32 v43, v2;
	v43 =	vmul.f32 v54, v55;
	v54 =	vmul.f32 v57, v55;
	v57 =	vld [tilespmem:$0x1F3F0];
	_ =	sdelay $0x4  }
0x204: {  	v3 =	vadd.f32 v44, v3;
	v44 =	vmul.f32 v57, v58;
	v57 =	vld [tilespmem:$0x1F410]  }
0x205: {  	v55 =	vld [tilespmem:$0x1F400];
	_ =	sdelay $0x2  }
0x206: {  	v5 =	vadd.f32 v54, v5;
	v54 =	vld [tilespmem:$0x1F420]  }
0x207: {  	v1 =	vadd.f32 v44, v1;
	v44 =	vmul.f32 v57, v58;
	v57 =	vld [tilespmem:$0x1F440]  }
0x208: {  	v7 =	vadd.f32 v43, v7;
	v43 =	vmul.f32 v55, v58;
	v55 =	vld [tilespmem:$0x1F430]  }
0x209: {  	v0 =	vmul.f32 $5.000000000e-01, v0;
	_ =	sdelay $0x1  }
0x20a: {  	(erf) = vrcp.f32 v0  }
0x20b: {  	v6 =	vadd.f32 v46, v6;
	v46 =	vmul.f32 v54, v58;
	v54 =	vmul.f32 v57, v58;
	v57 =	vld [tilespmem:$0x1F460]  }
0x20c: {  	v4 =	vadd.f32 v43, v4;
	v43 =	vmul.f32 v55, v58;
	v55 =	vld [tilespmem:$0x1F450];
	_ =	sdelay $0x2  }
0x20d: {  	v7 =	vadd.f32 v54, v7;
	v54 =	vld [tilespmem:$0x1F470]  }
0x20e: {  	v6 =	vadd.f32 v43, v6;
	v43 =	vmul.f32 v57, v60;
	v57 =	vld [tilespmem:$0x1F490]  }
0x20f: {  	v2 =	vadd.f32 v44, v2;
	v44 =	vmul.f32 v55, v58;
	v55 =	vld [tilespmem:$0x1F480];
	_ =	sdelay $0x1  }
0x210: {  	v58 =	vpop (erf)  }
0x211: {  	v3 =	vadd.f32 v46, v3;
	v46 =	vmul.f32 v58, v8;
	v58 =	vld [tilespmem:$0x1F4A0]  }
0x212: {  	v5 =	vadd.f32 v44, v5;
	v44 =	vmul.f32 v54, v60;
	v54 =	vmul.f32 v57, v60  }
0x213: {  	v1 =	vadd.f32 v43, v1;
	v43 =	vmul.f32 v55, v60;
	v55 =	vld [tilespmem:$0x1F4C0]  }
0x214: {  	v3 =	vadd.f32 v54, v3;
	v54 =	vld [tilespmem:$0x1F4B0];
	_ =	sdelay $0x1  }
0x215: {  	v4 =	vadd.f32 v44, v4;
	v44 =	vmul.f32 v58, v60;
	v58 =	vld [tilespmem:$0x1F4E0]  }
0x216: {  	v57 =	vld [tilespmem:$0x1F4D0]  }
0x217: {  	v6 =	vadd.f32 v44, v6;
	v44 =	vmul.f32 v55, v60;
	v55 =	vld [tilespmem:$0x1F510]  }
0x218: {  	v2 =	vadd.f32 v43, v2;
	v43 =	vmul.f32 v54, v60;
	v60 =	vld [tilespmem:$0x1F4F0]  }
0x219: {  	v54 =	vld [tilespmem:$0x1F500]  }
0x21a: {  	v0 =	vadd.f32 v46, v0;
	v46 =	vmul.f32 v58, v61;
	v58 =	vld [tilespmem:$0x1F530]  }
0x21b: {  	v7 =	vadd.f32 v43, v7;
	v43 =	vmul.f32 v57, v61;
	v57 =	vld [tilespmem:$0x1F520]  }
0x21c: {  	v0 =	vmul.f32 $5.000000000e-01, v0  }
0x21d: {  	v5 =	vadd.f32 v44, v5;
	v44 =	vmul.f32 v60, v61;
	v60 =	vld [tilespmem:$0x1F540]  }
0x21e: {  	(erf) = vrcp.f32 v0;
	v1 =	vadd.f32 v43, v1;
	v43 =	vmul.f32 v54, v61  }
0x21f: {  	v4 =	vadd.f32 v46, v4;
	v2 =	vadd.f32 v44, v2;
	v44 =	vmul.f32 v55, v61  }
0x220: {  	v46 =	vmul.f32 v57, v61;
	v3 =	vadd.f32 v43, v3;
	v43 =	vmul.f32 v58, v61;
	v61 =	vld [tilespmem:$0x1F550]  }
0x221: {  	v57 =	vld [tilespmem:$0x1F580]  }
0x222: {  	v55 =	vld [tilespmem:$0x1F570];
	v54 =	vmul.f32 v60, v59  }
0x223: {  	v60 =	vld [tilespmem:$0x1F5A0]  }
0x224: {  	v1 =	vadd.f32 v54, v1;
	v54 =	vld [tilespmem:$0x1F560]  }
0x225: {  	v58 =	vld [tilespmem:$0x1F590];
	v6 =	vadd.f32 v44, v6;
	v44 =	vmul.f32 v61, v59  }
0x226: {  	v7 =	vadd.f32 v46, v7;
	v46 =	vmul.f32 v57, v59;
	v61 =	vld [tilespmem:$0x1F5B0]  }
0x227: {  	v57 =	vpop (erf);
	v4 =	vadd.f32 v44, v4;
	v44 =	vmul.f32 v55, v59;
	v55 =	vld [tilespmem:$0x1F5C0]  }
0x228: {  	v6 =	vadd.f32 v46, v6;
	v46 =	vmul.f32 v57, v8;
	v57 =	vld [tilespmem:$0x1F640]  }
0x229: {  	v5 =	vadd.f32 v43, v5;
	v43 =	vmul.f32 v54, v59;
	v54 =	vmul.f32 v60, v59;
	v60 =	vld [tilespmem:$0x1F5F0]  }
0x22a: {  	v0 =	vadd.f32 v46, v0;
	v46 =	vld [tilespmem:$0x1F610]  }
0x22b: {  	v3 =	vadd.f32 v44, v3;
	v44 =	vmul.f32 v61, v10;
	v61 =	vld [tilespmem:$0x1F600]  }
0x22c: {  	v2 =	vadd.f32 v43, v2;
	v43 =	vmul.f32 v58, v59;
	v58 =	vld [tilespmem:$0x1F5D0]  }
0x22d: {  	v5 =	vadd.f32 v54, v5;
	v59 =	vld [tilespmem:$0x1F5E0]  }
0x22e: {  	v7 =	vadd.f32 v43, v7;
	v43 =	vmul.f32 v55, v10;
	v55 =	vld [tilespmem:$0x1F630];
	v54 =	vmul.f32 v60, v10  }
0x22f: {  	v60 =	vld [tilespmem:$0x1F670]  }
0x230: {  	v6 =	vadd.f32 v54, v6;
	v54 =	vld [tilespmem:$0x1F620]  }
0x231: {  	v1 =	vadd.f32 v44, v1;
	v44 =	vmul.f32 v58, v10;
	v58 =	vld [tilespmem:$0x1F650]  }
0x232: {  	v4 =	vadd.f32 v43, v4;
	v43 =	vmul.f32 v59, v10;
	v59 =	vld [tilespmem:$0x1F660]  }
0x233: {  	v2 =	vadd.f32 v44, v2;
	v44 =	vmul.f32 v61, v10;
	v10 =	vmul.f32 v46, v10;
	v61 =	vld [tilespmem:$0x1F680]  }
0x234: {  	v46 =	vld [tilespmem:$0x1F690]  }
0x235: {  	v5 =	vadd.f32 v10, v5;
	v10 =	vmul.f32 v55, v9;
	v55 =	vld [tilespmem:$0x1F6B0]  }
0x236: {  	v7 =	vadd.f32 v44, v7;
	v44 =	vmul.f32 v57, v9;
	v57 =	vld [tilespmem:$0x1F6C0]  }
0x237: {  	v3 =	vadd.f32 v43, v3;
	v43 =	vmul.f32 v54, v9;
	v54 =	vld [tilespmem:$0x1F6A0]  }
0x238: {  	v4 =	vadd.f32 v10, v4;
	v10 =	vmul.f32 v59, v9;
	v59 =	vld [tilespmem:$0x1F6E0]  }
0x239: {  	v0 =	vmul.f32 $5.000000000e-01, v0;
	v1 =	vadd.f32 v43, v1;
	v43 =	vmul.f32 v58, v9;
	v58 =	vld [tilespmem:$0x1F6D0]  }
0x23a: {  	v6 =	vadd.f32 v10, v6;
	v10 =	vmul.f32 v46, v13;
	v46 =	vld [tilespmem:$0x1F720]  }
0x23b: {  	(erf) = vrcp.f32 v0;
	v3 =	vadd.f32 v43, v3;
	v43 =	vmul.f32 v60, v9;
	v60 =	vld [tilespmem:$0x1F6F0]  }
0x23c: {  	v9 =	vmul.f32 v61, v9;
	v61 =	vld [tilespmem:$0x1F700]  }
0x23d: {  	v2 =	vadd.f32 v44, v2;
	v1 =	vadd.f32 v10, v1;
	v10 =	vmul.f32 v57, v13;
	v57 =	vld [tilespmem:$0x1F740]  }
0x23e: {  	v44 =	vmul.f32 v54, v13;
	v5 =	vadd.f32 v9, v5;
	v9 =	vmul.f32 v55, v13;
	v55 =	vld [tilespmem:$0x1F730]  }
0x23f: {  	v7 =	vadd.f32 v43, v7;
	v43 =	vmul.f32 v59, v13;
	v59 =	vld [tilespmem:$0x1F760]  }
0x240: {  	v4 =	vadd.f32 v44, v4;
	v44 =	vld [tilespmem:$0x1F710]  }
0x241: {  	v2 =	vadd.f32 v9, v2;
	v9 =	vmul.f32 v58, v13;
	v58 =	vld [tilespmem:$0x1F750]  }
0x242: {  	v3 =	vadd.f32 v10, v3;
	v10 =	vmul.f32 v60, v13;
	v60 =	vld [tilespmem:$0x1F770]  }
0x243: {  	v13 =	vmul.f32 v61, v11;
	v61 =	vld [tilespmem:$0x1F780]  }
0x244: {  	v54 =	vpop (erf);
	v5 =	vadd.f32 v10, v5;
	v10 =	vmul.f32 v46, v11;
	v46 =	vld [tilespmem:$0x1F7C0]  }
0x245: {  	v1 =	vadd.f32 v13, v1;
	v13 =	vmul.f32 v54, v8;
	v54 =	vld [tilespmem:$0x1F7D0]  }
0x246: {  	v6 =	vadd.f32 v9, v6;
	v9 =	vmul.f32 v44, v11;
	v44 =	vld [tilespmem:$0x1F7B0]  }
0x247: {  	v0 =	vadd.f32 v13, v0;
	v13 =	vld [tilespmem:$0x1F790]  }
0x248: {  	v2 =	vadd.f32 v10, v2;
	v10 =	vmul.f32 v57, v11;
	v57 =	vld [tilespmem:$0x1F7F0]  }
0x249: {  	v7 =	vadd.f32 v43, v7;
	v43 =	vmul.f32 v58, v11;
	v58 =	vld [tilespmem:$0x1F800]  }
0x24a: {  	v4 =	vadd.f32 v9, v4;
	v9 =	vmul.f32 v55, v11;
	v55 =	vld [tilespmem:$0x1F7E0]  }
0x24b: {  	v6 =	vadd.f32 v10, v6;
	v7 =	vadd.f32 v43, v7;
	v43 =	vld [tilespmem:$0x1F7A0]  }
0x24c: {  	v10 =	vmul.f32 v60, v14;
	v60 =	vld [tilespmem:$0x1F820];
	v3 =	vadd.f32 v9, v3;
	v9 =	vmul.f32 v59, v11  }
0x24d: {  	v59 =	vld [tilespmem:$0x1F810]  }
0x24e: {  	v5 =	vadd.f32 v9, v5;
	v9 =	vmul.f32 v61, v14;
	v61 =	vld [tilespmem:$0x1F830]  }
0x24f: {  	v1 =	vadd.f32 v10, v1;
	v10 =	vmul.f32 v13, v14;
	v13 =	vmul.f32 v58, v12;
	v58 =	vld [tilespmem:$0x1F8B0]  }
0x250: {  	v11 =	vmul.f32 v43, v14;
	v43 =	vld [tilespmem:$0x1F860]  }
0x251: {  	v4 =	vadd.f32 v9, v4;
	v9 =	vmul.f32 v44, v14;
	v2 =	vadd.f32 v10, v2;
	v44 =	vld [tilespmem:$0x1F870]  }
0x252: {  	v10 =	vmul.f32 v46, v14;
	v46 =	vld [tilespmem:$0x1F880]  }
0x253: {  	v0 =	vmul.f32 $5.000000000e-01, v0;
	v2 =	vadd.f32 v13, v2;
	v13 =	vld [tilespmem:$0x1F840]  }
0x254: {  	v6 =	vadd.f32 v9, v6;
	v9 =	vmul.f32 v54, v14;
	v14 =	vld [tilespmem:$0x1F850]  }
0x255: {  	(erf) = vrcp.f32 v0;
	v3 =	vadd.f32 v11, v3;
	v11 =	vmul.f32 v55, v12;
	v55 =	vld [tilespmem:$0x1F890]  }
0x256: {  	v7 =	vadd.f32 v10, v7;
	v10 =	vmul.f32 v57, v12;
	v57 =	vld [tilespmem:$0x1F8A0]  }
0x257: {  	v5 =	vadd.f32 v9, v5;
	v9 =	vmul.f32 v59, v12;
	v59 =	vld [tilespmem:$0x1F8C0]  }
0x258: {  	v4 =	vadd.f32 v10, v4;
	v10 =	vmul.f32 v60, v12;
	v60 =	vld [tilespmem:$0x1F8D0]  }
0x259: {  	v3 =	vadd.f32 v9, v3;
	v9 =	vmul.f32 v61, v12;
	v61 =	vld [tilespmem:$0x1F8E0]  }
0x25a: {  	v1 =	vadd.f32 v11, v1;
	v11 =	vmul.f32 v13, v12;
	v13 =	vld [tilespmem:$0x1F900]  }
0x25b: {  	v6 =	vadd.f32 v10, v6;
	v10 =	vmul.f32 v14, v15;
	v14 =	vld [tilespmem:$0x1F910]  }
0x25c: {  	v12 =	vmul.f32 v43, v15;
	v43 =	vld [tilespmem:$0x1F940]  }
0x25d: {  	v7 =	vadd.f32 v9, v7;
	v9 =	vmul.f32 v44, v15;
	v44 =	vld [tilespmem:$0x1F950]  }
0x25e: {  	v54 =	vpop (erf);
	v1 =	vadd.f32 v10, v1;
	v10 =	vmul.f32 v46, v15;
	v46 =	vld [tilespmem:$0x1F960]  }
0x25f: {  	v5 =	vadd.f32 v11, v5;
	v11 =	vmul.f32 v54, v8;
	v54 =	vld [tilespmem:$0x1F970]  }
0x260: {  	v4 =	vadd.f32 v12, v4;
	v12 =	vmul.f32 v58, v15;
	v58 =	vld [tilespmem:$0x1F9A0]  }
0x261: {  	v2 =	vadd.f32 v9, v2;
	v9 =	vmul.f32 v55, v15;
	v55 =	vld [tilespmem:$0x1F980]  }
0x262: {  	v5 =	vadd.f32 v12, v5;
	v12 =	vld [tilespmem:$0x1F8F0]  }
0x263: {  	v3 =	vadd.f32 v10, v3;
	v10 =	vmul.f32 v57, v15;
	v15 =	vld [tilespmem:$0x1F920]  }
0x264: {  	v57 =	vld [tilespmem:$0x1F990]  }
0x265: {  	v6 =	vadd.f32 v9, v6;
	v9 =	vmul.f32 v59, v18;
	v59 =	vld [tilespmem:$0x1F9B0]  }
0x266: {  	v0 =	vadd.f32 v11, v0;
	v11 =	vmul.f32 v13, v18;
	v13 =	vld [tilespmem:$0x1F9E0]  }
0x267: {  	v7 =	vadd.f32 v10, v7;
	v10 =	vmul.f32 v60, v18;
	v60 =	vld [tilespmem:$0x1F9C0]  }
0x268: {  	v0 =	vmul.f32 $5.000000000e-01, v0;
	v1 =	vadd.f32 v9, v1;
	v9 =	vmul.f32 v61, v18;
	v61 =	vld [tilespmem:$0x1F9D0]  }
0x269: {  	v6 =	vadd.f32 v11, v6;
	v11 =	vmul.f32 v43, v16;
	v43 =	vld [tilespmem:$0x1FA30];
	v4 =	vadd.f32 v10, v4  }
0x26a: {  	v10 =	vmul.f32 v12, v18;
	v12 =	vmul.f32 v46, v16;
	v46 =	vld [tilespmem:$0x1FA50]  }
0x26b: {  	v2 =	vadd.f32 v9, v2;
	v4 =	vadd.f32 v11, v4;
	v11 =	vmul.f32 v58, v19;
	v58 =	vld [tilespmem:$0x1FA90]  }
0x26c: {  	v9 =	vmul.f32 v14, v18;
	v3 =	vadd.f32 v10, v3;
	v10 =	vmul.f32 v15, v18;
	v18 =	vld [tilespmem:$0x1F930]  }
0x26d: {  	(erf) = vrcp.f32 v0;
	v15 =	vld [tilespmem:$0x1F9F0]  }
0x26e: {  	v5 =	vadd.f32 v10, v5;
	v10 =	vmul.f32 v44, v16;
	v44 =	vld [tilespmem:$0x1FA40]  }
0x26f: {  	v3 =	vadd.f32 v12, v3;
	v12 =	vmul.f32 v60, v19;
	v60 =	vld [tilespmem:$0x1FAB0]  }
0x270: {  	v7 =	vadd.f32 v9, v7;
	v2 =	vadd.f32 v10, v2;
	v10 =	vmul.f32 v55, v16;
	v55 =	vld [tilespmem:$0x1FA70]  }
0x271: {  	v9 =	vmul.f32 v18, v16;
	v18 =	vld [tilespmem:$0x1FA10]  }
0x272: {  	v7 =	vadd.f32 v10, v7;
	v10 =	vmul.f32 v59, v19;
	v59 =	vld [tilespmem:$0x1FAA0]  }
0x273: {  	v1 =	vadd.f32 v9, v1;
	v9 =	vmul.f32 v54, v16;
	v54 =	vld [tilespmem:$0x1FA60]  }
0x274: {  	v4 =	vadd.f32 v10, v4;
	v10 =	vmul.f32 v13, v19;
	v13 =	vld [tilespmem:$0x1FAD0]  }
0x275: {  	v6 =	vadd.f32 v9, v6;
	v9 =	vmul.f32 v57, v16;
	v16 =	vld [tilespmem:$0x1FA00]  }
0x276: {  	v14 =	vpop (erf);
	v57 =	vld [tilespmem:$0x1FA80]  }
0x277: {  	v1 =	vadd.f32 v11, v1;
	v11 =	vmul.f32 v14, v8;
	v14 =	vld [tilespmem:$0x1FAE0]  }
0x278: {  	v2 =	vadd.f32 v12, v2;
	v12 =	vmul.f32 v18, v22;
	v18 =	vld [tilespmem:$0x1FB10]  }
0x279: {  	v5 =	vadd.f32 v9, v5;
	v9 =	vmul.f32 v61, v19;
	v61 =	vld [tilespmem:$0x1FAC0]  }
0x27a: {  	v0 =	vadd.f32 v11, v0;
	v11 =	vmul.f32 v54, v22;
	v54 =	vld [tilespmem:$0x1FB70]  }
0x27b: {  	v3 =	vadd.f32 v9, v3;
	v9 =	vmul.f32 v15, v19;
	v15 =	vld [tilespmem:$0x1FAF0]  }
0x27c: {  	v6 =	vadd.f32 v10, v6;
	v10 =	vmul.f32 v16, v19;
	v19 =	vld [tilespmem:$0x1FA20]  }
0x27d: {  	v1 =	vadd.f32 v12, v1;
	v16 =	vld [tilespmem:$0x1FB00];
	v7 =	vadd.f32 v9, v7  }
0x27e: {  	v5 =	vadd.f32 v10, v5;
	v10 =	vmul.f32 v43, v22;
	v12 =	vmul.f32 v61, v20;
	v61 =	vld [tilespmem:$0x1FBD0]  }
0x27f: {  	v7 =	vadd.f32 v11, v7;
	v11 =	vmul.f32 v59, v20;
	v59 =	vld [tilespmem:$0x1FBB0]  }
0x280: {  	v2 =	vadd.f32 v10, v2;
	v10 =	vmul.f32 v46, v22;
	v46 =	vld [tilespmem:$0x1FB60]  }
0x281: {  	v9 =	vmul.f32 v19, v22;
	v19 =	vld [tilespmem:$0x1FB20]  }
0x282: {  	v6 =	vadd.f32 v10, v6;
	v10 =	vmul.f32 v57, v20;
	v57 =	vld [tilespmem:$0x1FB90]  }
0x283: {  	v2 =	vadd.f32 v11, v2;
	v11 =	vmul.f32 v16, v17;
	v16 =	vld [tilespmem:$0x1FC20]  }
0x284: {  	v4 =	vadd.f32 v9, v4;
	v9 =	vmul.f32 v44, v22;
	v44 =	vld [tilespmem:$0x1FB50]  }
0x285: {  	v0 =	vmul.f32 $5.000000000e-01, v0;
	v1 =	vadd.f32 v10, v1;
	v10 =	vmul.f32 v60, v20;
	v60 =	vld [tilespmem:$0x1FBC0]  }
0x286: {  	v3 =	vadd.f32 v9, v3;
	v9 =	vmul.f32 v55, v22;
	v22 =	vld [tilespmem:$0x1FB40]  }
0x287: {  	(erf) = vrcp.f32 v0;
	v55 =	vld [tilespmem:$0x1FB80]  }
0x288: {  	v6 =	vadd.f32 v12, v6;
	v12 =	vmul.f32 v19, v17;
	v19 =	vld [tilespmem:$0x1FC50]  }
0x289: {  	v5 =	vadd.f32 v9, v5;
	v9 =	vmul.f32 v58, v20;
	v58 =	vld [tilespmem:$0x1FBA0]  }
0x28a: {  	v3 =	vadd.f32 v10, v3;
	v10 =	vmul.f32 v14, v20;
	v14 =	vld [tilespmem:$0x1FC00]  }
0x28b: {  	v4 =	vadd.f32 v9, v4;
	v9 =	vmul.f32 v13, v20;
	v20 =	vld [tilespmem:$0x1FB30]  }
0x28c: {  	v13 =	vld [tilespmem:$0x1FBF0]  }
0x28d: {  	v5 =	vadd.f32 v10, v5;
	v10 =	vmul.f32 v18, v17;
	v18 =	vld [tilespmem:$0x1FC40]  }
0x28e: {  	v3 =	vadd.f32 v12, v3;
	v12 =	vmul.f32 v54, v21;
	v54 =	vld [tilespmem:$0x1FCC0]  }
0x28f: {  	v7 =	vadd.f32 v9, v7;
	v9 =	vmul.f32 v15, v17;
	v15 =	vld [tilespmem:$0x1FC10]  }
0x290: {  	v43 =	vpop (erf);
	v4 =	vadd.f32 v11, v4;
	v2 =	vadd.f32 v10, v2;
	v10 =	vmul.f32 v22, v17;
	v22 =	vld [tilespmem:$0x1FC80]  }
0x291: {  	v11 =	vmul.f32 v43, v8;
	v43 =	vld [tilespmem:$0x1FCA0]  }
0x292: {  	v1 =	vadd.f32 v9, v1;
	v4 =	vadd.f32 v12, v4;
	v12 =	vld [tilespmem:$0x1FBE0];
	v9 =	vmul.f32 v20, v17  }
0x293: {  	v7 =	vadd.f32 v10, v7;
	v10 =	vmul.f32 v46, v21;
	v0 =	vadd.f32 v11, v0;
	v46 =	vld [tilespmem:$0x1FCB0]  }
0x294: {  	v11 =	vmul.f32 v60, v21;
	v60 =	vld [tilespmem:$0x1FD10];
	v6 =	vadd.f32 v9, v6;
	v9 =	vmul.f32 v44, v17  }
0x295: {  	v20 =	vld [tilespmem:$0x1FC60];
	v1 =	vadd.f32 v10, v1;
	v10 =	vmul.f32 v57, v21  }
0x296: {  	v0 =	vmul.f32 $5.000000000e-01, v0;
	v57 =	vld [tilespmem:$0x1FCE0];
	v5 =	vadd.f32 v9, v5;
	v9 =	vmul.f32 v55, v21  }
0x297: {  	v17 =	vld [tilespmem:$0x1FC30];
	v3 =	vadd.f32 v10, v3;
	v10 =	vmul.f32 v59, v21  }
0x298: {  	(erf) = vrcp.f32 v0;
	v59 =	vld [tilespmem:$0x1FD00];
	v2 =	vadd.f32 v9, v2;
	v9 =	vmul.f32 v58, v21  }
0x299: {  	v55 =	vld [tilespmem:$0x1FCD0];
	v7 =	vadd.f32 v10, v7;
	v10 =	vmul.f32 v12, v24  }
0x29a: {  	v12 =	vmul.f32 v16, v24;
	v16 =	vld [tilespmem:$0x1FD70];
	v6 =	vadd.f32 v9, v6;
	v9 =	vmul.f32 v61, v24  }
0x29b: {  	v21 =	vld [tilespmem:$0x1FC70];
	v4 =	vadd.f32 v10, v4;
	v10 =	vmul.f32 v15, v24  }
0x29c: {  	v58 =	vld [tilespmem:$0x1FCF0];
	v1 =	vadd.f32 v9, v1;
	v9 =	vmul.f32 v13, v24  }
0x29d: {  	v5 =	vadd.f32 v11, v5;
	v11 =	vmul.f32 v14, v24;
	v14 =	vld [tilespmem:$0x1FD50];
	v6 =	vadd.f32 v10, v6  }
0x29e: {  	v10 =	vmul.f32 v18, v26;
	v2 =	vadd.f32 v9, v2;
	v9 =	vmul.f32 v17, v24;
	v24 =	vld [tilespmem:$0x1FC90]  }
0x29f: {  	v7 =	vadd.f32 v12, v7;
	v12 =	vmul.f32 v22, v26;
	v15 =	vld [tilespmem:$0x1FD60];
	v3 =	vadd.f32 v11, v3  }
0x2a0: {  	v22 =	vld [tilespmem:$0x1FDD0];
	v11 =	vmul.f32 v20, v26;
	v1 =	vadd.f32 v10, v1;
	v10 =	vmul.f32 v21, v26  }
0x2a1: {  	v61 =	vld [tilespmem:$0x1FD20];
	v44 =	vpop (erf);
	v5 =	vadd.f32 v9, v5;
	v9 =	vmul.f32 v19, v26  }
0x2a2: {  	v20 =	vld [tilespmem:$0x1FDB0];
	v2 =	vadd.f32 v11, v2;
	v3 =	vadd.f32 v10, v3;
	v11 =	vmul.f32 v44, v8  }
0x2a3: {  	v13 =	vld [tilespmem:$0x1FD40];
	v10 =	vmul.f32 v43, v26;
	v4 =	vadd.f32 v9, v4;
	v9 =	vmul.f32 v24, v26  }
0x2a4: {  	v18 =	vld [tilespmem:$0x1FD90];
	v6 =	vadd.f32 v12, v6;
	v12 =	vmul.f32 v55, v27;
	v0 =	vadd.f32 v11, v0  }
0x2a5: {  	v17 =	vld [tilespmem:$0x1FD80];
	v5 =	vadd.f32 v10, v5;
	v7 =	vadd.f32 v9, v7;
	v9 =	vmul.f32 v46, v27  }
0x2a6: {  	v10 =	vmul.f32 v54, v27;
	v2 =	vadd.f32 v12, v2;
	v12 =	vld [tilespmem:$0x1FD30];
	v0 =	vmul.f32 $5.000000000e-01, v0  }
0x2a7: {  	v21 =	vld [tilespmem:$0x1FDC0];
	v1 =	vadd.f32 v9, v1;
	v9 =	vmul.f32 v57, v27  }
0x2a8: {  	v55 =	vld [tilespmem:$0x1FE60];
	v4 =	vadd.f32 v10, v4;
	v10 =	vmul.f32 v58, v27;
	(erf) = vrcp.f32 v0  }
0x2a9: {  	v19 =	vld [tilespmem:$0x1FDA0];
	v3 =	vadd.f32 v9, v3;
	v9 =	vmul.f32 v59, v27  }
0x2aa: {  	v43 =	vld [tilespmem:$0x1FE20];
	v11 =	vmul.f32 v61, v23;
	v6 =	vadd.f32 v10, v6;
	v10 =	vmul.f32 v60, v27  }
0x2ab: {  	v44 =	vld [tilespmem:$0x1FE30];
	v7 =	vadd.f32 v9, v7;
	v9 =	vmul.f32 v12, v23  }
0x2ac: {  	v54 =	vld [tilespmem:$0x1FE50];
	v5 =	vadd.f32 v10, v5;
	v10 =	vmul.f32 v13, v23;
	v1 =	vadd.f32 v11, v1  }
0x2ad: {  	v24 =	vld [tilespmem:$0x1FDF0];
	v11 =	vmul.f32 v15, v23;
	v4 =	vadd.f32 v9, v4;
	v9 =	vmul.f32 v14, v23  }
0x2ae: {  	v2 =	vadd.f32 v10, v2;
	v10 =	vmul.f32 v16, v23;
	v12 =	vmul.f32 v17, v23;
	v23 =	vld [tilespmem:$0x1FDE0]  }
0x2af: {  	v61 =	vld [tilespmem:$0x1FEB0];
	v6 =	vadd.f32 v11, v6;
	v3 =	vadd.f32 v9, v3;
	v9 =	vmul.f32 v18, v25  }
0x2b0: {  	v58 =	vld [tilespmem:$0x1FE80];
	v11 =	vmul.f32 v21, v25;
	v7 =	vadd.f32 v10, v7;
	v10 =	vmul.f32 v19, v25  }
0x2b1: {  	v27 =	vld [tilespmem:$0x1FE10];
	v5 =	vadd.f32 v12, v5;
	v26 =	vpop (erf);
	v1 =	vadd.f32 v9, v1;
	v9 =	vmul.f32 v20, v25  }
0x2b2: {  	v46 =	vld [tilespmem:$0x1FE40];
	v4 =	vadd.f32 v10, v4;
	v10 =	vmul.f32 v22, v25;
	v8 =	vmul.f32 v26, v8  }
0x2b3: {  	v12 =	vmul.f32 v23, v25;
	v2 =	vadd.f32 v9, v2;
	v9 =	vmul.f32 v24, v25;
	v25 =	vld [tilespmem:$0x1FE00]  }
0x2b4: {  	vm15 =	vmmov $0x7;
	v60 =	vld [tilespmem:$0x1FEA0];
	v3 =	vadd.f32 v11, v3;
	v6 =	vadd.f32 v10, v6  }
0x2b5: {  	v57 =	vld [tilespmem:$0x1FE70];
	v11 =	vmul.f32 v44, v28;
	v44 =	vmul.f32 v56, v50;
	v0 =	vadd.f32 v8, v0  }
0x2b6: {  	v59 =	vld [tilespmem:$0x1FE90];
	v56 =	vmul.f32 v51, v50;
	v5 =	vadd.f32 v9, v5;
	v9 =	vmul.f32 v27, v28  }
0x2b7: {  	v15 =	vld [tilespmem:$0x1FEE0];
	v8 =	vmul.f32 v46, v28;
	v7 =	vadd.f32 v12, v7;
	v0 =	vmul.f32 $5.000000000e-01, v0  }
0x2b8: {  	v16 =	vld [tilespmem:$0x1FEF0];
	v4 =	vadd.f32 v9, v4;
	v9 =	vmul.f32 v54, v28;
	v10 =	vmul.f32 v25, v28  }
0x2b9: {  	v14 =	vld [tilespmem:$0x1FED0];
	v6 =	vadd.f32 v8, v6;
	v8 =	vmul.f32 v55, v28;
	v0 =	vnsel vm15, $0x0, v0  }
0x2ba: {  	v17 =	vld [tilespmem:$0x1FF00];
	(xrf2) =	vadd.scan.msk.f32 $0xffff, v0;
	v7 =	vadd.f32 v9, v7;
	v9 =	vmul.f32 v57, v30;
	v1 =	vadd.f32 v10, v1  }
0x2bb: {  	v18 =	vld [tilespmem:$0x1FF10];
	v3 =	vadd.f32 v11, v3;
	v5 =	vadd.f32 v8, v5;
	v8 =	vmul.f32 v58, v30  }
0x2bc: {  	v12 =	vld [tilespmem:$0x1FEC0];
	v0 =	vmul.f32 v59, v30;
	v1 =	vadd.f32 v9, v1;
	v9 =	vmul.f32 v60, v30  }
0x2bd: {  	v20 =	vld [tilespmem:$0x1FF30];
	v58 =	vmul.f32 v53, v31;
	v4 =	vadd.f32 v8, v4;
	v8 =	vmul.f32 v61, v30  }
0x2be: {  	v21 =	vld [tilespmem:$0x1FF40];
	v10 =	vmul.f32 v43, v28;
	v13 =	vadd.f32 v9, v3;
	v3 =	vmul.f32 v14, v30  }
0x2bf: {  	v19 =	vld [tilespmem:$0x1FF20];
	v25 =	vsub.f32 v35, v34;
	v6 =	vadd.f32 v8, v6;
	v8 =	vmul.f32 v15, v32  }
0x2c0: {  	v23 =	vld [tilespmem:$0x1FF50];
	v2 =	vadd.f32 v10, v2;
	v3 =	vadd.f32 v3, v5;
	v5 =	vmul.f32 v16, v32  }
0x2c1: {  	v24 =	vld [tilespmem:$0x1FF60];
	v10 =	vmul.f32 v12, v30;
	v1 =	vadd.f32 v8, v1;
	v8 =	vmul.f32 v18, v32  }
0x2c2: {  	v27 =	vld [tilespmem:$0x1FF70];
	v0 =	vadd.f32 v0, v2;
	v4 =	vadd.f32 v5, v4;
	v5 =	vmul.f32 $3.846153990e-02, v20  }
0x2c3: {  	v28 =	vld [tilespmem:$0x1FF80];
	v7 =	vadd.f32 v10, v7;
	v2 =	vadd.f32 v8, v13;
	v8 =	vmul.f32 v21, v32  }
0x2c4: {  	s26 =	smul.u32 $0xA, s22;
	v43 =	vld [tilespmem:$0x1FFC0];
	v9 =	vmul.f32 v17, v32;
	v26, _, _ =	vpop (xrf2);
	v22 =	vsub.f32 v35, v5;
	v5 =	vsub.f32 v34, v5  }
0x2c5: {  	v10 =	vmul.f32 v19, v32;
	v7 =	vadd.f32 v8, v7;
	v8 =	vmul.f32 v23, v32;
	[tilespmem:$0x4600] =	vst v26;
	v32 =	vld [tilespmem:$0x1FF90]  }
0x2c6: {  	s10 =	simm.s32 $0x4580;
	s28 =	simm.s32 $0x2;
	s9 =	sadd.s32 s3, s26;
	v0 =	vadd.f32 v9, v0;
	v30 =	vld.idx.msk [tilespmem:v45+s25+$0x0], $0xffff;
	v9 =	vmul.f32 v22, v22;
	v5 =	vmul.f32 v5, v5  }
0x2c7: {  	v57 =	vmul.f32 v49, v31;
	v11 =	vmul.f32 v25, v25;
	[hbm4b:s9+s2] =	stream.linear.scatter [tilespmem:s10], [sflag:$0x2], $0x50, $0x38;
	v34 =	vld [tilespmem:$0x1FFA0]  }
0x2c8: {  	v3 =	vadd.f32 v8, v3;
	v8 =	vmul.f32 v27, v33;
	v35 =	vld [tilespmem:$0x1FFB0];
	_ =	swait.ge [sflag:s28], $0x50;
	v5 =	vadd.f32 v5, v9  }
0x2c9: {  	v61 =	vmul.f32 v40, v31;
	v6 =	vadd.f32 v10, v6;
	v10 =	vmul.f32 v24, v33;
	v46 =	vld [tilespmem:$0x1FFD0]  }
0x2ca: {  	v55 =	vld [tilespmem:$0x1FFF0];
	v4 =	vadd.f32 v8, v4;
	v8 =	vmul.f32 v32, v33;
	v5 =	vadd.f32 v5, v11  }
0x2cb: {  	v60 =	vmul.f32 v63, v50;
	v1 =	vadd.f32 v10, v1;
	v10 =	vmul.f32 v28, v33  }
0x2cc: {  	[sflag:s28] =	ssyncset.done $0x0;
	v54 =	vld [tilespmem:$0x1FFE0];
	v2 =	vadd.f32 v8, v2;
	v8 =	vmul.f32 v43, v33;
	v5 =	vsel vm13, $0x0, v5  }
0x2cd: {  	s5 =	sadd.s32 $0x1000, s5;
	s11 =	sshll.u32 s22, $0x1;
	v0 =	vadd.f32 v10, v0;
	v1 =	vadd.f32 v44, v1;
	[sflag:s28] =	ssyncadd.s32 $0xFFFFFFB0;
	v5 =	vsel vm14, v30, v5  }
0x2ce: {  	s29 =	simm.s32 $0x4680;
	s12 =	sadd.s32 s5, s11;
	v12 =	vmul.f32 v34, v33;
	v3 =	vadd.f32 v8, v3;
	v8 =	vmul.f32 v46, v50;
	[tilespmem:$0x4680] =	vst v5  }
0x2cf: {  	v1 =	vadd.f32 v57, v1;
	v10 =	vmul.f32 v35, v33;
	v9 =	vmul.f32 v55, v50;
	[hbm4b:s12+s2] =	stream.linear.scatter [tilespmem:s29], [sflag:$0x2], $0x10, $0x38;
	[tilespmem:$0x4900] =	vst v63  }
0x2d0: {  	v63 =	vmul.f32 v29, v50;
	v6 =	vadd.f32 v12, v6;
	v4 =	vadd.f32 v8, v4;
	_ =	swait.ge [sflag:s28], $0x10  }
0x2d1: {  	v7 =	vadd.f32 v10, v7;
	v2 =	vadd.f32 v9, v2;
	v5 =	vmul.f32 v54, v50;
	[sflag:s28] =	ssyncset.done $0x0  }
0x2d2: {  	v13 =	vmul.f32 v42, v31;
	v3 =	vadd.f32 v63, v3;
	v4 =	vadd.f32 v58, v4;
	[sflag:s28] =	ssyncadd.s32 $0xFFFFFFF0  }
0x2d3: {  	v59 =	vmul.f32 v52, v31;
	v2 =	vadd.f32 v61, v2;
	v0 =	vadd.f32 v5, v0;
	[tilespmem:$0x4500] =	vst v1  }
0x2d4: {  	v12 =	vmul.f32 v47, v31;
	v15 =	vadd.f32 v13, v3;
	v5 =	vadd.f32 v60, v7;
	[tilespmem:$0x4510] =	vst v4  }
0x2d5: {  	v11 =	vmul.f32 v48, v31;
	v6 =	vadd.f32 v56, v6;
	v0 =	vadd.f32 v59, v0;
	[tilespmem:$0x4530] =	vst v2  }
0x2d6: {  	v14 =	vadd.f32 v12, v5;
	[tilespmem:$0x4560] =	vst v15  }
0x2d7: {  	v1 =	vadd.f32 v11, v6;
	[tilespmem:$0x4520] =	vst v0  }
0x2d8: {  	[tilespmem:$0x4550] =	vst v14  }
0x2d9: {  	[tilespmem:$0x4540] =	vst v1  }
0x2da: {  	v1 =	vld.idx.msk [tilespmem:v62+s24+$0x0], $0xffff;
	_ =	sdelay $0x4  }
0x2db: {  	[tilespmem:$0x4580] =	vst v1  }
0x2dc: {  	v2 =	vld.idx.msk [tilespmem:v41+s24+$0x0], $0xffff;
	_ =	sdelay $0x4  }
0x2dd: {  	[tilespmem:$0x4590] =	vst v2  }
0x2de: {  	v16 =	vld.idx.msk [tilespmem:v39+s24+$0x0], $0xffff;
	_ =	sdelay $0x4  }
0x2df: {  	[tilespmem:$0x45A0] =	vst v16  }
0x2e0: {  	v17 =	vld.idx.msk [tilespmem:v38+s24+$0x0], $0xffff;
	_ =	sdelay $0x4  }
0x2e1: {  	[tilespmem:$0x45B0] =	vst v17  }
0x2e2: {  	v18 =	vld.idx.msk [tilespmem:v37+s24+$0x0], $0xffff;
	_ =	sdelay $0x1  }
0x2e3: {  	v19 =	vsel vm4, $0x0, v1  }
0x2e4: {  	v20 =	vadd.f32 v2, v19;
	v23 =	vsel vm12, $0x0, v16  }
0x2e5: {  	v21 =	vnsel vm4, $0x0, v1;
	v22 =	vnsel vm12, $0x0, v16;
	v24 =	vadd.f32 v17, v23  }
0x2e6: {  	(xrf2) =	vadd.scan.msk.f32 $0xffff, v21;
	v6 =	vadd.f32 v22, v20;
	v25 =	vnsel vm12, $0x0, v18  }
0x2e7: {  	v27 =	vnsel vm4, $0x0, v2;
	v26 =	vadd.f32 v25, v24  }
0x2e8: {  	v0 =	vadd.f32 v27, v19;
	(xrf2) =	vadd.scan.msk.f32 $0xffff, v6  }
0x2e9: {  	(xrf2) =	vadd.scan.msk.f32 $0xffff, v26  }
0x2ea: {  	(xrf2) =	vadd.scan.msk.f32 $0xffff, v0;
	_ =	sdelay $0x5  }
0x2eb: {  	v28, _, _ =	vpop (xrf2)  }
0x2ec: {  	[tilespmem:$0x4600] =	vst v28  }
0x2ed: {  	[tilespmem:$0x45C0] =	vst v18;
	v30, _, _ =	vpop (xrf2)  }
0x2ee: {  	v29 =	vld.idx.msk [tilespmem:v45+s25+$0x0], $0xffff;
	[tilespmem:$0x4600] =	vst v30;
	v31, _, _ =	vpop (xrf2)  }
0x2ef: {  	v0 =	vld.idx.msk [tilespmem:v45+s25+$0x0], $0xffff;
	[tilespmem:$0x4600] =	vst v31;
	v32, _, _ =	vpop (xrf2)  }
0x2f0: {  	v7 =	vld.idx.msk [tilespmem:v45+s25+$0x0], $0xffff;
	[tilespmem:$0x4600] =	vst v32  }
0x2f1: {  	v8 =	vld.idx.msk [tilespmem:v45+s25+$0x0], $0xffff;
	_ =	sdelay $0x2  }
0x2f2: {  	v6 =	vmul.f32 $1.000000010e-01, v29  }
0x2f3: {  	v7 =	vmul.f32 $3.125000000e-02, v7  }
0x2f4: {  	v33 =	vsub.f32 v1, v6;
	v8 =	vmul.f32 $6.250000000e-02, v8  }
0x2f5: {  	v3 =	vsub.f32 v16, v7;
	v4 =	vsub.f32 v17, v7  }
0x2f6: {  	v1 =	vsub.f32 v1, v8;
	v2 =	vsub.f32 v2, v8  }
0x2f7: {  	v5 =	vsub.f32 v18, v7;
	v3 =	vmul.f32 v3, v3;
	v4 =	vmul.f32 v4, v4  }
0x2f8: {  	v1 =	vmul.f32 v1, v1;
	v2 =	vmul.f32 v2, v2  }
0x2f9: {  	v34 =	vmul.f32 v33, v33;
	v5 =	vmul.f32 v5, v5;
	v3 =	vsel vm12, $0x0, v3  }
0x2fa: {  	v1 =	vsel vm4, $0x0, v1;
	v2 =	vnsel vm4, $0x0, v2;
	v35 =	vadd.f32 v3, v4  }
0x2fb: {  	v8 =	vnsel vm4, $0x0, v34;
	v37 =	vnsel vm12, $0x0, v5;
	v1 =	vadd.f32 v2, v1  }
0x2fc: {  	(xrf2) =	vadd.scan.msk.f32 $0xffff, v8;
	v38 =	vadd.f32 v35, v37  }
0x2fd: {  	(xrf2) =	vadd.scan.msk.f32 $0xffff, v1  }
0x2fe: {  	(xrf2) =	vadd.scan.msk.f32 $0xffff, v38;
	_ =	sdelay $0x7  }
0x2ff: {  	v39, _, _ =	vpop (xrf2)  }
0x300: {  	[tilespmem:$0x4600] =	vst v39;
	v40, _, _ =	vpop (xrf2)  }
0x301: {  	v1 =	vld.idx.msk [tilespmem:v45+s25+$0x0], $0xffff;
	[tilespmem:$0x4600] =	vst v40;
	v41, _, _ =	vpop (xrf2)  }
0x302: {  	v2 =	vld.idx.msk [tilespmem:v45+s25+$0x0], $0xffff;
	[tilespmem:$0x4600] =	vst v41  }
0x303: {  	v3 =	vld.idx.msk [tilespmem:v45+s25+$0x0], $0xffff;
	_ =	sdelay $0x4  }
0x304: {  	v2 =	vsel vm13, v3, v2  }
0x305: {  	v1 =	vsel vm14, v1, v2  }
0x306: {  	v1 =	vmul.f32 v36, v1;
	_ =	sdelay $0x1  }
0x307: {  	v42 =	vadd.f32 $1.000000000e+00, v1;
	_ =	sdelay $0x1  }
0x308: {  	v2 =	vmul.f32 $5.000000000e-01, v42;
	_ =	sdelay $0x1  }
0x309: {  	(erf) = vrcp.f32 v2;
	_ =	sdelay $0x8  }
0x30a: {  	v43 =	vpop (erf)  }
0x30b: {  	v3 =	vmul.f32 v43, v1;
	_ =	sdelay $0x1  }
0x30c: {  	v2 =	vadd.f32 v3, v2;
	_ =	sdelay $0x1  }
0x30d: {  	v2 =	vmul.f32 $5.000000000e-01, v2;
	_ =	sdelay $0x1  }
0x30e: {  	(erf) = vrcp.f32 v2;
	_ =	sdelay $0x8  }
0x30f: {  	v44 =	vpop (erf)  }
0x310: {  	v3 =	vmul.f32 v44, v1;
	_ =	sdelay $0x1  }
0x311: {  	v2 =	vadd.f32 v3, v2;
	_ =	sdelay $0x1  }
0x312: {  	v2 =	vmul.f32 $5.000000000e-01, v2;
	_ =	sdelay $0x1  }
0x313: {  	(erf) = vrcp.f32 v2;
	_ =	sdelay $0x8  }
0x314: {  	v46 =	vpop (erf)  }
0x315: {  	v3 =	vmul.f32 v46, v1;
	_ =	sdelay $0x1  }
0x316: {  	v2 =	vadd.f32 v3, v2;
	_ =	sdelay $0x1  }
0x317: {  	v2 =	vmul.f32 $5.000000000e-01, v2;
	_ =	sdelay $0x1  }
0x318: {  	(erf) = vrcp.f32 v2;
	_ =	sdelay $0x8  }
0x319: {  	v47 =	vpop (erf)  }
0x31a: {  	v3 =	vmul.f32 v47, v1;
	_ =	sdelay $0x1  }
0x31b: {  	v2 =	vadd.f32 v3, v2;
	_ =	sdelay $0x1  }
0x31c: {  	v2 =	vmul.f32 $5.000000000e-01, v2;
	_ =	sdelay $0x1  }
0x31d: {  	(erf) = vrcp.f32 v2;
	_ =	sdelay $0x8  }
0x31e: {  	v48 =	vpop (erf)  }
0x31f: {  	v3 =	vmul.f32 v48, v1;
	_ =	sdelay $0x1  }
0x320: {  	v2 =	vadd.f32 v3, v2;
	_ =	sdelay $0x1  }
0x321: {  	v2 =	vmul.f32 $5.000000000e-01, v2;
	_ =	sdelay $0x1  }
0x322: {  	(erf) = vrcp.f32 v2;
	_ =	sdelay $0x8  }
0x323: {  	v49 =	vpop (erf)  }
0x324: {  	v3 =	vmul.f32 v49, v1;
	_ =	sdelay $0x1  }
0x325: {  	v2 =	vadd.f32 v3, v2;
	_ =	sdelay $0x1  }
0x326: {  	v2 =	vmul.f32 $5.000000000e-01, v2;
	_ =	sdelay $0x1  }
0x327: {  	(erf) = vrcp.f32 v2;
	_ =	sdelay $0x8  }
0x328: {  	v50 =	vpop (erf)  }
0x329: {  	v3 =	vmul.f32 v50, v1;
	_ =	sdelay $0x1  }
0x32a: {  	v2 =	vadd.f32 v3, v2;
	_ =	sdelay $0x1  }
0x32b: {  	v2 =	vmul.f32 $5.000000000e-01, v2;
	_ =	sdelay $0x1  }
0x32c: {  	(erf) = vrcp.f32 v2;
	_ =	sdelay $0x8  }
0x32d: {  	v51 =	vpop (erf)  }
0x32e: {  	v3 =	vmul.f32 v51, v1;
	_ =	sdelay $0x1  }
0x32f: {  	v2 =	vadd.f32 v3, v2;
	_ =	sdelay $0x1  }
0x330: {  	v2 =	vmul.f32 $5.000000000e-01, v2;
	_ =	sdelay $0x1  }
0x331: {  	(erf) = vrcp.f32 v2;
	_ =	sdelay $0x8  }
0x332: {  	v52 =	vpop (erf)  }
0x333: {  	v3 =	vmul.f32 v52, v1;
	_ =	sdelay $0x1  }
0x334: {  	v2 =	vadd.f32 v3, v2;
	_ =	sdelay $0x1  }
0x335: {  	v2 =	vmul.f32 $5.000000000e-01, v2;
	_ =	sdelay $0x1  }
0x336: {  	(erf) = vrcp.f32 v2;
	_ =	sdelay $0x8  }
0x337: {  	v53 =	vpop (erf)  }
0x338: {  	v3 =	vmul.f32 v53, v1;
	_ =	sdelay $0x1  }
0x339: {  	v2 =	vadd.f32 v3, v2;
	_ =	sdelay $0x1  }
0x33a: {  	v2 =	vmul.f32 $5.000000000e-01, v2;
	_ =	sdelay $0x1  }
0x33b: {  	(erf) = vrcp.f32 v2;
	_ =	sdelay $0x8  }
0x33c: {  	v54 =	vpop (erf)  }
0x33d: {  	v3 =	vmul.f32 v54, v1;
	_ =	sdelay $0x1  }
0x33e: {  	v2 =	vadd.f32 v3, v2;
	_ =	sdelay $0x1  }
0x33f: {  	v2 =	vmul.f32 $5.000000000e-01, v2;
	_ =	sdelay $0x1  }
0x340: {  	(erf) = vrcp.f32 v2;
	_ =	sdelay $0x8  }
0x341: {  	v55 =	vpop (erf)  }
0x342: {  	v3 =	vmul.f32 v55, v1;
	_ =	sdelay $0x1  }
0x343: {  	v2 =	vadd.f32 v3, v2;
	_ =	sdelay $0x1  }
0x344: {  	v2 =	vmul.f32 $5.000000000e-01, v2;
	_ =	sdelay $0x1  }
0x345: {  	(erf) = vrcp.f32 v2;
	_ =	sdelay $0x8  }
0x346: {  	v56 =	vpop (erf)  }
0x347: {  	v3 =	vmul.f32 v56, v1;
	_ =	sdelay $0x1  }
0x348: {  	v2 =	vadd.f32 v3, v2;
	_ =	sdelay $0x1  }
0x349: {  	v2 =	vmul.f32 $5.000000000e-01, v2;
	_ =	sdelay $0x1  }
0x34a: {  	(erf) = vrcp.f32 v2;
	_ =	sdelay $0x8  }
0x34b: {  	v57 =	vpop (erf)  }
0x34c: {  	v3 =	vmul.f32 v57, v1;
	_ =	sdelay $0x1  }
0x34d: {  	v2 =	vadd.f32 v3, v2;
	_ =	sdelay $0x1  }
0x34e: {  	v2 =	vmul.f32 $5.000000000e-01, v2;
	_ =	sdelay $0x1  }
0x34f: {  	(erf) = vrcp.f32 v2;
	_ =	sdelay $0x8  }
0x350: {  	v58 =	vpop (erf)  }
0x351: {  	v3 =	vmul.f32 v58, v1;
	_ =	sdelay $0x1  }
0x352: {  	v2 =	vadd.f32 v3, v2;
	_ =	sdelay $0x1  }
0x353: {  	v2 =	vmul.f32 $5.000000000e-01, v2;
	_ =	sdelay $0x1  }
0x354: {  	(erf) = vrcp.f32 v2;
	_ =	sdelay $0x8  }
0x355: {  	v59 =	vpop (erf)  }
0x356: {  	v1 =	vmul.f32 v59, v1;
	_ =	sdelay $0x1  }
0x357: {  	v1 =	vadd.f32 v1, v2;
	_ =	sdelay $0x1  }
0x358: {  	v1 =	vmul.f32 $5.000000000e-01, v1;
	_ =	sdelay $0x1  }
0x359: {  	v1 =	vnsel vm15, $0x0, v1  }
0x35a: {  	(xrf2) =	vadd.scan.msk.f32 $0xffff, v1;
	_ =	sdelay $0x5  }
0x35b: {  	v0 =	vmul.f32 $3.846153990e-02, v0;
	_ =	sdelay $0x1  }
0x35c: {  	v60 =	vsub.f32 v6, v0;
	v0 =	vsub.f32 v7, v0;
	_ =	sdelay $0x1  }
0x35d: {  	v61 =	vsub.f32 v6, v7;
	v0 =	vmul.f32 v0, v0;
	v1 =	vmul.f32 v60, v60;
	v62, _, _ =	vpop (xrf2)  }
0x35e: {  	s30 =	smul.u32 $0xA, s23;
	[tilespmem:$0x4600] =	vst v62  }
0x35f: {  	v63 =	vmul.f32 v61, v61;
	v0 =	vadd.f32 v0, v1;
	v3 =	vld.idx.msk [tilespmem:v45+s25+$0x0], $0xffff  }
0x360: {  	s3 =	sadd.s32 s3, s30  }
0x361: {  	v0 =	vadd.f32 v0, v63;
	[hbm4b:s3+s2] =	stream.linear.scatter [tilespmem:s10], [sflag:$0x2], $0x50, $0x38;
	[tilespmem:$0x4900] =	vst v63  }
0x362: {  	_ =	swait.ge [sflag:s28], $0x50  }
0x363: {  	v0 =	vsel vm13, $0x0, v0;
	[sflag:s28] =	ssyncset.done $0x0  }
0x364: {  	s31 =	sshll.u32 s23, $0x1;
	[sflag:s28] =	ssyncadd.s32 $0xFFFFFFB0;
	v0 =	vsel vm14, v3, v0  }
0x365: {  	s3 =	sadd.s32 s5, s31;
	[tilespmem:$0x4680] =	vst v0  }
0x366: {  	[hbm4b:s3+s2] =	stream.linear.scatter [tilespmem:s29], [sflag:$0x2], $0x10, $0x38;
	[tilespmem:$0x4900] =	vst v63  }
0x367: {  	_ =	swait.ge [sflag:s28], $0x10  }
0x368: {  	[sflag:s28] =	ssyncset.done $0x0  }
0x369: {  	[sflag:s28] =	ssyncadd.s32 $0xFFFFFFF0  }
0x36a: {  	p0 =	sne.s32 s22, $0x0;
	[bflag:$0x0] =	sbarrier.arrive $0xFFFF  }
0x36b: {  	_ =	sfence.sel @p0 $0x180000  }
0x36c: {  	v0 =	vlaneseq.u32 @!p0;
	[bflag:$0x0] =	sbarrier.arrive @p0 $0xFFFF  }
0x36d: {  	s4 =	simm.s32 @!p0 $0x2;
	v0 =	vmul.u32 @!p0 $0x10, v0;
	_ =	strace @p0 $0x90000047  }
0x36e: {  	s2 =	simm.s32 @!p0 $0x0;
	s3 =	simm.s32 @!p0 $0x4700;
	[bflag:$0x2] =	sbarrier.arrive @p0 $0xFFFF  }
0x36f: {  	v1 =	vor.u32 @!p0 $0x100, v0;
	[tilespmem:s3], [sflag:$0x2] =	stream.linear.gather @!p0 [hbm4b:s5+s2], $0x200, $0x38;
	[tilespmem:$0x4900] =	vst v63  }
0x370: {  	v2 =	vor.u32 @!p0 $0x1, v0;
	_ =	swait.ge @!p0 [sflag:s4], $0x200  }
0x371: {  	v3 =	vor.u32 @!p0 $0x101, v0;
	[sflag:s4] =	ssyncset.done @!p0 $0x0  }
0x372: {  	[sflag:s4] =	ssyncadd.s32 @!p0 $0xFFFFFE00  }
0x373: {  	v0 =	vld.idx.msk @!p0 [tilespmem:v0+s3+$0x0], $0xffff  }
0x374: {  	v1 =	vld.idx.msk @!p0 [tilespmem:v1+s3+$0x0], $0xffff  }
0x375: {  	v2 =	vld.idx.msk @!p0 [tilespmem:v2+s3+$0x0], $0xffff  }
0x376: {  	v3 =	vld.idx.msk @!p0 [tilespmem:v3+s3+$0x0], $0xffff;
	_ =	sdelay $0x2  }
0x377: {  	v0 =	vadd.f32 @!p0 v1, v0;
	_ =	sdelay $0x1  }
0x378: {  	(xrf2) =	vadd.scan.msk.f32 @!p0 $0xffff, v0;
	v0 =	vadd.f32 @!p0 v3, v2;
	_ =	sdelay $0x1  }
0x379: {  	(xrf2) =	vadd.scan.msk.f32 @!p0 $0xffff, v0;
	_ =	sdelay $0x5  }
0x37a: {  	v0 =	vimm.s32 @!p0 $0xF;
	_ =	sdelay $0x2  }
0x37b: {  	v1, _, _ =	vpop @!p0 (xrf2)  }
0x37c: {  	s3 =	simm.s32 @!p0 $0x4600;
	[tilespmem:$0x4600] =	vst @!p0 v1;
	v2, _, _ =	vpop @!p0 (xrf2)  }
0x37d: {  	v1 =	vld.idx.msk @!p0 [tilespmem:v0+s3+$0x0], $0xffff;
	[tilespmem:$0x4600] =	vst @!p0 v2  }
0x37e: {  	v0 =	vld.idx.msk @!p0 [tilespmem:v0+s3+$0x0], $0xffff;
	_ =	sdelay $0x4  }
0x37f: {  	(erf) = vrcp.f32 @!p0 v0;
	_ =	sdelay $0x8  }
0x380: {  	v0 =	vpop @!p0 (erf)  }
0x381: {  	v0 =	vadd.f32 @!p0 v0, v1  }
0x382: {  	vm0 =	vmmov @!p0 $0x1  }
0x383: {  	v0 =	vnsel @!p0 vm0, $0x0, v0  }
0x384: {  	s3 =	simm.s32 @!p0 $0x4680;
	[tilespmem:$0x4680] =	vst @!p0 v0  }
0x385: {  	[hbm4b:s1+s2] =	stream.linear.scatter @!p0 [tilespmem:s3], [sflag:$0x2], $0x80, $0x38;
	[tilespmem:$0x4900] =	vst v63  }
0x386: {  	_ =	swait.ge @!p0 [sflag:s4], $0x80  }
0x387: {  	[sflag:s4] =	ssyncset.done @!p0 $0x0  }
0x388: {  	[sflag:s4] =	ssyncadd.s32 @!p0 $0xFFFFFF80  }
0x389: {  	_ =	sfence.sel @!p0 $0x180000  }
0x38a: {  	[bflag:$0x0] =	sbarrier.arrive @!p0 $0xFFFF  }
0x38b: {  	_ =	strace @!p0 $0x90000047  }
0x38c: {  	s0 =	sadd.s32 @!p0 $0x100000, s0;
	[bflag:$0x2] =	sbarrier.arrive @!p0 $0xFFFF  }
0x38d: {  	[sflag:s0] =	ssyncadd.tile.s32 @!p0 $0x1;
	_ =	shalt  }
.Lfunc_end2:
_tile_overlayer_lowered:
.L_overlay_start_2:
0x38e: {  	(tag) =	ssettag $0x2  }
0x38f: {  	s0 =	rddreg [dreg:$0x0];
	s2 =	stileid.u32  }
0x390: {  	s1 =	rddreg [dreg:$0x1];
	p0 =	sne.s32 s2, $0x0  }
0x391: {  	s3 =	rddreg [dreg:$0x2];
	[bflag:$0x3] =	sbarrier.arrive $0xFFFF;
	s2 =	simm.s32 @!p0 $0x1C02  }
0x392: {  	[timem:s3], [sflag:s2] =	dma.local @!p0 [hbm:s0], s1  }
0x393: {  	s0 =	simm.s32 @!p0 $0x2  }
0x394: {  	_ =	swait.ge @!p0 [sflag:s0], s1  }
0x395: {  	s1 =	ssub.s32 @!p0 $0x0, s1;
	[sflag:s0] =	ssyncset.done @!p0 $0x0  }
0x396: {  	[sflag:s0] =	ssyncadd.s32 @!p0 s1  }
0x397: {  	[bflag:$0x3] =	sbarrier.arrive $0xFFFF  }
0x398: {  	_ =	shalt  }

</sc_bundles>
